<compile_context>
chip_gen: v7x
topology: tpu7x:2x2x1
jax: 0.10.2.dev20260603
libtpu: 0.0.44.dev20260713+nightly
codegen_flags: <defaults>
</compile_context>

<pallas_src>
import functools
import jax
import jax.numpy as jnp
from jax import lax
from jax.experimental import pallas as pl
from jax.experimental.pallas import tpu as pltpu
from jax.experimental.pallas import tpu_sc as plsc

REGIONS = 16
NUM_CABIN = 8
SP_RATIO = 4
L = 16
B, F, N = 8, 128, 8192
P = N // SP_RATIO
NV = N // L
CH = REGIONS + 3
IOFF = 8320



def _sorter_body(x_ref, w_ref, b_ref, va_ref, ida_ref):
    x = x_ref[0]
    w = w_ref[...]
    va = jnp.dot(w, x, preferred_element_type=jnp.float32) + b_ref[...][:, None]
    va_ref[0] = va
    ida_ref[0, 0] = jnp.argmax(va, axis=0).astype(jnp.int32)


def _sorter(x, w_sorter, b_sorter):
    R = REGIONS
    return pl.pallas_call(
        _sorter_body,
        grid=(B,),
        in_specs=[
            pl.BlockSpec((1, F, N), lambda b: (b, 0, 0)),
            pl.BlockSpec((R, F), lambda b: (0, 0)),
            pl.BlockSpec((R,), lambda b: (0,)),
        ],
        out_specs=[
            pl.BlockSpec((1, R, N), lambda b: (b, 0, 0)),
            pl.BlockSpec((1, 1, N), lambda b: (b, 0, 0)),
        ],
        out_shape=[
            jax.ShapeDtypeStruct((B, REGIONS, N), jnp.float32),
            jax.ShapeDtypeStruct((B, 1, N), jnp.int32),
        ],
    )(x, w_sorter, b_sorter)



def _i32(x):
    return lax.bitcast_convert_type(x, jnp.int32)


def _f32(x):
    return lax.bitcast_convert_type(x, jnp.float32)


def _make_sc_body():
    def body(x_hbm, va_hbm, cube_hbm, spidx_hbm, cab_hbm,
             fb0, fb1, ob0, ob1, cnt, msc, ib, cb0, cb1,
             si0, si1, so0, so1, idx_sp):
        _sc_impl(x_hbm, va_hbm, cube_hbm, spidx_hbm, cab_hbm,
                 fb0, fb1, ob0, ob1, cnt, msc, ib, cb0, cb1,
                 si0, si1, so0, so1, idx_sp)
    return body


def _sc_impl(x_hbm, va_hbm, cube_hbm, spidx_hbm, cab_hbm,
             fb0, fb1, ob0, ob1, cnt, msc, ib, cb0, cb1,
             si0, si1, so0, so1, idx_sp):
    cid = lax.axis_index("c")
    sid = lax.axis_index("s")
    lanes = lax.iota(jnp.int32, L)
    ones = jnp.ones((L,), jnp.int32)
    lane0 = lanes == 0

    def key_at(v):
        u = _i32(fb0[pl.ds(v * L, L)])
        s = lax.shift_right_arithmetic(u, 31)
        return u ^ (jnp.bitwise_not(s) & jnp.int32(0x7FFFFFFF))

    def sort_row(row_j, carry):
        row_local = sid * 4 + row_j
        b_local = row_local // REGIONS
        r = row_local % REGIONS
        b = cid * 4 + b_local
        pltpu.sync_copy(va_hbm.at[b, r], fb0)

        def z256(v, c):
            cnt[pl.ds(v * L, L)] = jnp.zeros((L,), jnp.int32)
            return c
        lax.fori_loop(0, 256, z256, 0)

        def h256(v, c):
            d0 = lax.shift_right_logical(key_at(2 * v), 24)
            plsc.addupdate_scatter(cnt, [lanes * 256 + d0], ones)
            d1 = lax.shift_right_logical(key_at(2 * v + 1), 24)
            plsc.addupdate_scatter(cnt, [lanes * 256 + d1], ones)
            return c
        lax.fori_loop(0, NV // 2, h256, 0)

        tot_prev = jnp.int32(0)
        nge = jnp.int32(0)
        for chunk in range(16):
            tv = jnp.zeros((L,), jnp.int32)
            for l in range(L):
                tv = tv + cnt[pl.ds(l * 256 + chunk * L, L)]
            incl = plsc.cumsum(tv) + tot_prev
            msc[pl.ds(chunk * L, L)] = incl
            nge = nge + jnp.max(plsc.all_reduce_population_count(incl >= P))
            tot_prev = jnp.max(incl)
        bc = jnp.int32(256) - nge
        nc = jnp.max(plsc.load_gather(msc, [jnp.full((L,), bc, jnp.int32)]))

        def cp_one(v, off):
            key = key_at(v)
            pay = jnp.full((L,), v * L, jnp.int32) + lanes
            m = lax.shift_right_logical(key, 24) <= bc
            msel = jnp.where(m, ones, jnp.zeros((L,), jnp.int32))
            excl = plsc.cumsum(msel) - msel
            addr = jnp.full((L,), off, jnp.int32) + excl
            plsc.store_scatter(ob1, [addr], _f32(key), mask=m)
            plsc.store_scatter(ob1, [addr + IOFF], _f32(pay), mask=m)
            return off + jnp.max(plsc.all_reduce_population_count(m))

        def cp(v, off):
            return cp_one(2 * v + 1, cp_one(2 * v, off))
        nc2 = lax.fori_loop(0, NV // 2, cp, jnp.int32(0))
        for pad in range(2):
            padd = jnp.full((L,), nc2 + pad * L, jnp.int32) + lanes
            plsc.store_scatter(ob1, [padd], _f32(jnp.full((L,), -1, jnp.int32)))
            plsc.store_scatter(ob1, [padd + IOFF], jnp.zeros((L,), jnp.float32))
        nvh = lax.shift_right_logical(nc + jnp.int32(31), 5)
        nv = nvh * 2

        def radix_pass(src, dst, sh):
            shv = jnp.full((L,), sh, jnp.int32)
            lnv = lanes * nv
            for l in range(L):
                cnt[pl.ds(l * L, L)] = jnp.zeros((L,), jnp.int32)

            def h_one(pos):
                key = _i32(plsc.load_gather(src, [pos]))
                d = jnp.bitwise_and(lax.shift_right_logical(key, shv), 15)
                plsc.addupdate_scatter(cnt, [lanes * L + d], ones)

            def h(v, c):
                pos = jnp.full((L,), 2 * v, jnp.int32) + lnv
                h_one(pos)
                h_one(pos + 1)
                return c
            lax.fori_loop(0, nvh, h, 0)

            cs = []
            tv = jnp.zeros((L,), jnp.int32)
            for l in range(L):
                cv = cnt[pl.ds(l * L, L)]
                cs.append(cv)
                tv = tv + cv
            run = plsc.cumsum(tv) - tv
            for l in range(L):
                cnt[pl.ds(l * L, L)] = run
                run = run + cs[l]

            def p_one(pos):
                keyf = plsc.load_gather(src, [pos])
                payf = plsc.load_gather(src, [pos + IOFF])
                d = jnp.bitwise_and(lax.shift_right_logical(_i32(keyf), shv), 15)
                addr = lanes * L + d
                cur = plsc.load_gather(cnt, [addr])
                plsc.store_scatter(dst, [cur], keyf)
                plsc.store_scatter(dst, [cur + IOFF], payf)
                plsc.addupdate_scatter(cnt, [addr], ones)

            def perm(v, c):
                pos = jnp.full((L,), 2 * v, jnp.int32) + lnv
                p_one(pos)
                p_one(pos + 1)
                return c
            lax.fori_loop(0, nvh, perm, 0)

        def dbl(it, c):
            radix_pass(ob1, ob0, it * 8)
            radix_pass(ob0, ob1, it * 8 + 4)
            return c
        lax.fori_loop(0, 4, dbl, 0)

        pltpu.sync_copy(ob1.at[pl.ds(IOFF, P)],
                        idx_sp.at[b_local, pl.ds(r * P, P)])
        return carry

    with jax.named_scope("sc_sort"):
        lax.fori_loop(0, 4, sort_row, 0)
    plsc.subcore_barrier()

    b_local = sid // 4
    fgrp = sid % 4
    b = cid * 4 + b_local
    pltpu.sync_copy(idx_sp.at[b_local], ib)

    def cvt(v, c):
        ob0[pl.ds(v * L, L)] = _i32(ib[pl.ds(v * L, L)]).astype(jnp.float32)
        return c
    lax.fori_loop(0, (REGIONS * P) // L, cvt, 0)
    for k in range(5):
        ch = fgrp + 4 * k

        @pl.when(ch < CH)
        def _():
            pltpu.sync_copy(ob0, spidx_hbm.at[b, ch])

    f_base = fgrp * 32

    def gather_f(ob, cb, fbuf):
        def per_rg(rg, c2):
            r = rg // NUM_CABIN
            g = rg % NUM_CABIN
            base = r * P + g * 256
            acc = jnp.full((L,), -jnp.inf, jnp.float32)
            for t in range(16):
                iv = _i32(ib[pl.ds(base + t * L, L)])
                gv = plsc.load_gather(fbuf, [iv])
                ob[pl.ds(base + t * L, L)] = gv
                acc = jnp.maximum(acc, gv)
            m = jnp.max(acc)
            plsc.store_scatter(cb, [jnp.full((L,), rg, jnp.int32)],
                               jnp.full((L,), m, jnp.float32), mask=lane0)
            return c2
        lax.fori_loop(0, REGIONS * NUM_CABIN, per_rg, 0)

    pltpu.async_copy(x_hbm.at[b, f_base], fb0, si0)

    def per_pair(i, c):
        fe = f_base + 2 * i
        fo = fe + 1
        pltpu.make_async_copy(x_hbm.at[b, fe], fb0, si0).wait()
        pltpu.async_copy(x_hbm.at[b, fo], fb1, si1)

        @pl.when(i > 0)
        def _():
            pltpu.make_async_copy(ob0, cube_hbm.at[b, fe - 2], so0).wait()
            pltpu.make_async_copy(cb0, cab_hbm.at[b, fe - 2], so0).wait()
        gather_f(ob0, cb0, fb0)
        pltpu.async_copy(ob0, cube_hbm.at[b, fe], so0)
        pltpu.async_copy(cb0, cab_hbm.at[b, fe], so0)

        pltpu.make_async_copy(x_hbm.at[b, fo], fb1, si1).wait()

        @pl.when(i < 15)
        def _():
            pltpu.async_copy(x_hbm.at[b, fe + 2], fb0, si0)

        @pl.when(i > 0)
        def _():
            pltpu.make_async_copy(ob1, cube_hbm.at[b, fo - 2], so1).wait()
            pltpu.make_async_copy(cb1, cab_hbm.at[b, fo - 2], so1).wait()
        gather_f(ob1, cb1, fb1)
        pltpu.async_copy(ob1, cube_hbm.at[b, fo], so1)
        pltpu.async_copy(cb1, cab_hbm.at[b, fo], so1)
        return c

    with jax.named_scope("sc_gather"):
        lax.fori_loop(0, 16, per_pair, 0)
    pltpu.make_async_copy(ob0, cube_hbm.at[b, f_base + 30], so0).wait()
    pltpu.make_async_copy(cb0, cab_hbm.at[b, f_base + 30], so0).wait()
    pltpu.make_async_copy(ob1, cube_hbm.at[b, f_base + 31], so1).wait()
    pltpu.make_async_copy(cb1, cab_hbm.at[b, f_base + 31], so1).wait()


def _sc_call(x, va):
    mesh = plsc.VectorSubcoreMesh(core_axis_name="c", subcore_axis_name="s")
    fn = pl.kernel(
        _make_sc_body(),
        out_type=[
            jax.ShapeDtypeStruct((B, F, REGIONS * P), jnp.float32),
            jax.ShapeDtypeStruct((B, CH, REGIONS * P), jnp.float32),
            jax.ShapeDtypeStruct((B, F, REGIONS * NUM_CABIN), jnp.float32),
        ],
        mesh=mesh,
        compiler_params=pltpu.CompilerParams(needs_layout_passes=False),
        scratch_types=[
            pltpu.VMEM((N,), jnp.float32),
            pltpu.VMEM((N,), jnp.float32),
            pltpu.VMEM((REGIONS * P,), jnp.float32),
            pltpu.VMEM((REGIONS * P,), jnp.float32),
            pltpu.VMEM((4096,), jnp.int32),
            pltpu.VMEM((256,), jnp.int32),
            pltpu.VMEM((REGIONS * P,), jnp.float32),
            pltpu.VMEM((REGIONS * NUM_CABIN,), jnp.float32),
            pltpu.VMEM((REGIONS * NUM_CABIN,), jnp.float32),
            pltpu.SemaphoreType.DMA,
            pltpu.SemaphoreType.DMA,
            pltpu.SemaphoreType.DMA,
            pltpu.SemaphoreType.DMA,
            pltpu.VMEM_SHARED((4, REGIONS * P), jnp.float32),
        ],
    )
    return fn(x, va)


def kernel(x, w_sorter, b_sorter, w1, b1, w2, b2, w3, b3, w5, b5):
    val_activa, id_activa = _sorter(x, w_sorter, b_sorter)
    id_activa = id_activa.reshape(B, N)
    cube, spidx, cab = _sc_call(x, val_activa)
    sp_cube = cube.reshape(B, F, REGIONS, P)
    sp_idx = spidx.reshape(B, CH, REGIONS, P)
    cabins = cab.reshape(B, F, REGIONS, NUM_CABIN)
    return (sp_cube, sp_idx, cabins, id_activa)

# --- scband reference (transcript-rebuilt; emitter-appended) ---
"""Pipeline reference for scband-soft-pool-43533788513062 (READ-ONLY COPY).

The authoritative reference and input builder live on the scoring server;
editing this copy changes nothing except your own understanding.
"""

import jax, jax.numpy as jnp
import numpy as np

REGIONS = 16
NUM_CABIN = 8
SP_RATIO = 4


def _conv2d(x, w, b):
    out = jax.lax.conv_general_dilated(
        x, w, window_strides=(1, 1), padding='VALID',
        dimension_numbers=('NCHW', 'OIHW', 'NCHW'))
    return out + b[None, :, None, None]


def setup_inputs(seed: int = 0) -> dict:
    key = jax.random.key(seed)
    ks = jax.random.split(key, 12)
    B, F, N = 8, 128, 8192
    x = jax.random.normal(ks[0], (B, F, N), dtype=jnp.float32)
    # Sorter: Conv1d(F -> REGIONS, kernel 1)
    w_sorter = jax.random.normal(ks[1], (REGIONS, F), dtype=jnp.float32) / np.sqrt(F)
    b_sorter = jax.random.normal(ks[2], (REGIONS,), dtype=jnp.float32) * 0.01
    # conv2d_1, conv2d_2: Conv2d(F, F, kernel (1,3))
    w1 = jax.random.normal(ks[3], (F, F, 1, 3), dtype=jnp.float32) / np.sqrt(F * 3)
    b1 = jax.random.normal(ks[4], (F,), dtype=jnp.float32) * 0.01
    w2 = jax.random.normal(ks[5], (F, F, 1, 3), dtype=jnp.float32) / np.sqrt(F * 3)
    b2 = jax.random.normal(ks[6], (F,), dtype=jnp.float32) * 0.01
    # conv2d_3: Conv2d(F, F, kernel (1, NUM_CABIN - 4))
    w3 = jax.random.normal(ks[7], (F, F, 1, NUM_CABIN - 4), dtype=jnp.float32) / np.sqrt(F * (NUM_CABIN - 4))
    b3 = jax.random.normal(ks[8], (F,), dtype=jnp.float32) * 0.01
    # conv2d_5: Conv2d(F, F, kernel (REGIONS, 1))
    w5 = jax.random.normal(ks[9], (F, F, REGIONS, 1), dtype=jnp.float32) / np.sqrt(F * REGIONS)
    b5 = jax.random.normal(ks[10], (F,), dtype=jnp.float32) * 0.01
    return {'x': x, 'w_sorter': w_sorter, 'b_sorter': b_sorter,
            'w1': w1, 'b1': b1, 'w2': w2, 'b2': b2,
            'w3': w3, 'b3': b3, 'w5': w5, 'b5': b5}


def reference(x, w_sorter, b_sorter, w1, b1, w2, b2, w3, b3, w5, b5):
    B, F, N = x.shape
    P = N // SP_RATIO
    # Sorter: conv1d (kernel 1) + argmax over channels
    val_activa = jnp.einsum('rf,bfn->brn', w_sorter, x) + b_sorter[None, :, None]
    id_activa = jnp.argmax(val_activa, axis=1)
    # per-region descending sort -> take first P indices == top_k indices
    _, idx = jax.lax.top_k(val_activa, P)  # [B, REGIONS, P]
    gather_idx = jnp.broadcast_to(idx[:, None, :, :], (B, F, REGIONS, P))
    sp_cube = jnp.take_along_axis(x[:, :, None, :], gather_idx, axis=3)  # [B, F, R, P]
    sp_idx = jnp.broadcast_to(idx[:, None, :, :].astype(jnp.float32),
                              (B, REGIONS + 3, REGIONS, P))
    points_cabin = P // NUM_CABIN
    cabins = jnp.max(sp_cube.reshape(B, F, REGIONS, NUM_CABIN, points_cabin), axis=4)
    # side computations (do not feed returned outputs when scope == 'local')
    sp_windows = jnp.repeat(cabins, points_cabin, axis=3)
    trains = _conv2d(_conv2d(_conv2d(cabins, w1, b1), w2, b2), w3, b3)
    sp_trains = jnp.tile(trains, (1, 1, 1, P))
    station = _conv2d(trains, w5, b5)
    sp_station = jnp.tile(station, (1, 1, REGIONS, P))
    return (sp_cube, sp_idx, cabins, id_activa)

if __name__ == "__main__":
    import jax
    _d = setup_inputs()
    print(jax.jit(kernel)(*tuple(_d.values())))

</pallas_src>

<mosaic_0001>
#map = affine_map<(d0, d1) -> (0, 0, 0)>
module attributes {stable_mosaic.version = 14 : i64} {
  func.func @body(%arg0: i32, %arg1: i32, %arg2: memref<8x128x8192xf32, #tpu.memory_space<hbm>>, %arg3: memref<8x16x8192xf32, #tpu.memory_space<hbm>>, %arg4: memref<8x128x32768xf32, #tpu.memory_space<hbm>>, %arg5: memref<8x19x32768xf32, #tpu.memory_space<hbm>>, %arg6: memref<8x128x128xf32, #tpu.memory_space<hbm>>, %arg7: memref<8192xf32, #tpu.memory_space<vmem>>, %arg8: memref<8192xf32, #tpu.memory_space<vmem>>, %arg9: memref<32768xf32, #tpu.memory_space<vmem>>, %arg10: memref<32768xf32, #tpu.memory_space<vmem>>, %arg11: memref<4096xi32, #tpu.memory_space<vmem>>, %arg12: memref<256xi32, #tpu.memory_space<vmem>>, %arg13: memref<32768xf32, #tpu.memory_space<vmem>>, %arg14: memref<128xf32, #tpu.memory_space<vmem>>, %arg15: memref<128xf32, #tpu.memory_space<vmem>>, %arg16: memref<!tpu.dma_semaphore, #tpu.memory_space<semaphore_mem>>, %arg17: memref<!tpu.dma_semaphore, #tpu.memory_space<semaphore_mem>>, %arg18: memref<!tpu.dma_semaphore, #tpu.memory_space<semaphore_mem>>, %arg19: memref<!tpu.dma_semaphore, #tpu.memory_space<semaphore_mem>>, %arg20: memref<4x32768xf32, #tpu.memory_space<vmem_shared>>) attributes {dimension_semantics = [#tpu.dimension_semantics<core_parallel>, #tpu.dimension_semantics<subcore_parallel>], iteration_bounds = array<i64: 2, 16>, scalar_prefetch = 0 : i64, scratch_operands = 14 : i64, tpu.core_type = #tpu.core_type<sc_vector_subcore>, window_params = [{transform_indices = #map}, {transform_indices = #map}, {transform_indices = #map}, {transform_indices = #map}, {transform_indices = #map}]} {
    %iota3A = tpu.iota {dimensions = array<i32: 0>} : vector<16xi32>
    %broadcast_in_dim3A = arith.constant 1 : i32
    %broadcast_in_dim3A_0 = vector.broadcast %broadcast_in_dim3A : i32 to vector<16xi32>
    %eq3A = arith.constant 0 : i32
    %eq3A_1 = vector.broadcast %eq3A : i32 to vector<16xi32>
    %eq3A_2 = arith.cmpi eq, %iota3A, %eq3A_1 : vector<16xi32>
    "tpu.trace_start"() <{level = 10 : i32, message = "sc_sort"}> : () -> ()
    %scan3A = arith.constant 0 : i32
    %scan3A_3 = arith.constant 0 : i32
    %scan3A_4 = arith.constant 4 : i32
    %scan3A_5 = arith.addi %scan3A_3, %scan3A_4 : i32
    %scan3A_6 = arith.constant 1 : i32
    scf.for %scan3A_123 = %scan3A_3 to %scan3A_5 step %scan3A_6  : i32 {
      %mul3A_124 = arith.constant 4 : i32
      %mul3A_125 = arith.muli %arg1, %mul3A_124 : i32
      %add3A_126 = arith.addi %mul3A_125, %scan3A_123 : i32
      %jit3A_127 = arith.constant 16 : i32
      %div3A_128 = arith.divsi %add3A_126, %jit3A_127 : i32
      %sign3A_129 = arith.constant 0 : i32
      %sign3A_130 = arith.cmpi sgt, %add3A_126, %sign3A_129 : i32
      %sign3A_131 = arith.extui %sign3A_130 : i1 to i32
      %sign3A_132 = arith.constant 0 : i32
      %sign3A_133 = arith.cmpi slt, %add3A_126, %sign3A_132 : i32
      %sign3A_134 = arith.extui %sign3A_133 : i1 to i32
      %sign3A_135 = arith.subi %sign3A_131, %sign3A_134 : i32
      %sign3A_136 = arith.constant 0 : i32
      %sign3A_137 = arith.cmpi sgt, %jit3A_127, %sign3A_136 : i32
      %sign3A_138 = arith.extui %sign3A_137 : i1 to i32
      %sign3A_139 = arith.constant 0 : i32
      %sign3A_140 = arith.cmpi slt, %jit3A_127, %sign3A_139 : i32
      %sign3A_141 = arith.extui %sign3A_140 : i1 to i32
      %sign3A_142 = arith.subi %sign3A_138, %sign3A_141 : i32
      %ne3A_143 = arith.cmpi ne, %sign3A_135, %sign3A_142 : i32
      %rem3A_144 = arith.remsi %add3A_126, %jit3A_127 : i32
      %ne3A_145 = arith.constant 0 : i32
      %ne3A_146 = arith.cmpi ne, %rem3A_144, %ne3A_145 : i32
      %and3A_147 = arith.andi %ne3A_143, %ne3A_146 : i1
      %sub3A_148 = arith.constant 1 : i32
      %sub3A_149 = arith.subi %div3A_128, %sub3A_148 : i32
      %select_n3A_150 = arith.select %and3A_147, %sub3A_149, %div3A_128 : i32
      %jit3A_151 = arith.constant 16 : i32
      %eq3A_152 = arith.constant 0 : i32
      %eq3A_153 = arith.cmpi eq, %jit3A_151, %eq3A_152 : i32
      %jit3A_154 = arith.constant 1 : i32
      %select_n3A_155 = arith.select %eq3A_153, %jit3A_154, %jit3A_151 : i32
      %rem3A_156 = arith.remsi %add3A_126, %select_n3A_155 : i32
      %ne3A_157 = arith.constant 0 : i32
      %ne3A_158 = arith.cmpi ne, %rem3A_156, %ne3A_157 : i32
      %lt3A_159 = arith.constant 0 : i32
      %lt3A_160 = arith.cmpi slt, %rem3A_156, %lt3A_159 : i32
      %lt3A_161 = arith.constant 0 : i32
      %lt3A_162 = arith.cmpi slt, %select_n3A_155, %lt3A_161 : i32
      %ne3A_163 = arith.xori %lt3A_160, %lt3A_162 : i1
      %and3A_164 = arith.andi %ne3A_163, %ne3A_158 : i1
      %add3A_165 = arith.addi %rem3A_156, %select_n3A_155 : i32
      %select_n3A_166 = arith.select %and3A_164, %add3A_165, %rem3A_156 : i32
      %mul3A_167 = arith.constant 4 : i32
      %mul3A_168 = arith.muli %arg0, %mul3A_167 : i32
      %add3A_169 = arith.addi %mul3A_168, %select_n3A_150 : i32
      "tpu.region"() ({
        %run_scoped3A = tpu.sem_alloc : memref<!tpu.dma_semaphore, #tpu.memory_space<semaphore_mem>>
        %dma_start3A_1480 = arith.constant 0 : i32
        %dma_start3A_1481 = tpu.memref_slice %arg3[%add3A_169, %select_n3A_166, %dma_start3A_1480] : memref<8x16x8192xf32, #tpu.memory_space<hbm>> -> memref<1x1x8192xf32, #tpu.memory_space<hbm>>
        %dma_start3A_1482 = tpu.memref_squeeze %dma_start3A_1481 : memref<1x1x8192xf32, #tpu.memory_space<hbm>> -> memref<8192xf32, #tpu.memory_space<hbm>>
        %dma_start3A_1483 = arith.constant 0 : i32
        %dma_start3A_1484 = tpu.memref_slice %arg3[%add3A_169, %select_n3A_166, %dma_start3A_1483] : memref<8x16x8192xf32, #tpu.memory_space<hbm>> -> memref<1x1x8192xf32, #tpu.memory_space<hbm>>
        %dma_start3A_1485 = tpu.memref_squeeze %dma_start3A_1484 : memref<1x1x8192xf32, #tpu.memory_space<hbm>> -> memref<8192xf32, #tpu.memory_space<hbm>>
        tpu.enqueue_dma source(%dma_start3A_1485 : memref<8192xf32, #tpu.memory_space<hbm>>) target(%arg7 : memref<8192xf32, #tpu.memory_space<vmem>>) target_semaphore(%run_scoped3A : memref<!tpu.dma_semaphore, #tpu.memory_space<semaphore_mem>>)
        %dma_wait3A_1486 = arith.constant 0 : i32
        %dma_wait3A_1487 = tpu.memref_slice %arg3[%add3A_169, %select_n3A_166, %dma_wait3A_1486] : memref<8x16x8192xf32, #tpu.memory_space<hbm>> -> memref<1x1x8192xf32, #tpu.memory_space<hbm>>
        %dma_wait3A_1488 = tpu.memref_squeeze %dma_wait3A_1487 : memref<1x1x8192xf32, #tpu.memory_space<hbm>> -> memref<8192xf32, #tpu.memory_space<hbm>>
        %dma_wait3A_1489 = arith.constant 0 : i32
        %dma_wait3A_1490 = tpu.memref_slice %arg3[%add3A_169, %select_n3A_166, %dma_wait3A_1489] : memref<8x16x8192xf32, #tpu.memory_space<hbm>> -> memref<1x1x8192xf32, #tpu.memory_space<hbm>>
        %dma_wait3A_1491 = tpu.memref_squeeze %dma_wait3A_1490 : memref<1x1x8192xf32, #tpu.memory_space<hbm>> -> memref<8192xf32, #tpu.memory_space<hbm>>
        tpu.wait_dma2 semaphore(%run_scoped3A : memref<!tpu.dma_semaphore, #tpu.memory_space<semaphore_mem>>) src(%dma_wait3A_1491 : memref<8192xf32, #tpu.memory_space<hbm>>) dst(%arg7 : memref<8192xf32, #tpu.memory_space<vmem>>)
        tpu.yield
      }) : () -> ()
      %scan3A_170 = arith.constant 0 : i32
      %scan3A_171 = arith.constant 0 : i32
      %scan3A_172 = arith.constant 256 : i32
      %scan3A_173 = arith.addi %scan3A_171, %scan3A_172 : i32
      %scan3A_174 = arith.constant 1 : i32
      scf.for %scan3A_1480 = %scan3A_171 to %scan3A_173 step %scan3A_174  : i32 {
        %broadcast_in_dim3A_1481 = arith.constant 0 : i32
        %broadcast_in_dim3A_1482 = vector.broadcast %broadcast_in_dim3A_1481 : i32 to vector<16xi32>
        %mul3A_1483 = arith.constant 16 : i32
        %mul3A_1484 = arith.muli %scan3A_1480, %mul3A_1483 : i32
        %swap3A_1485 = arith.index_cast %mul3A_1484 : i32 to index
        %swap3A_1486 = tpu.vector_load %arg11[%swap3A_1485] {strides = array<i32>} : memref<4096xi32, #tpu.memory_space<vmem>>, vector<16xi32>,
        tpu.vector_store %arg11[%swap3A_1485], %broadcast_in_dim3A_1482 {strides = array<i32>} : memref<4096xi32, #tpu.memory_space<vmem>>, vector<16xi32>,
      }
      %scan3A_175 = arith.constant 256 : i32
      %scan3A_176 = arith.constant 0 : i32
      %scan3A_177 = arith.constant 0 : i32
      %scan3A_178 = arith.constant 256 : i32
      %scan3A_179 = arith.addi %scan3A_177, %scan3A_178 : i32
      %scan3A_180 = arith.constant 1 : i32
      scf.for %scan3A_1480 = %scan3A_177 to %scan3A_179 step %scan3A_180  : i32 {
        %mul3A_1481 = arith.constant 2 : i32
        %mul3A_1482 = arith.muli %mul3A_1481, %scan3A_1480 : i32
        %mul3A_1483 = arith.constant 16 : i32
        %mul3A_1484 = arith.muli %mul3A_1482, %mul3A_1483 : i32
        %get3A_1485 = arith.index_cast %mul3A_1484 : i32 to index
        %get3A_1486 = tpu.vector_load %arg7[%get3A_1485] {strides = array<i32>} : memref<8192xf32, #tpu.memory_space<vmem>>, vector<16xf32>,
        %bitcast_convert_type3A_1487 = tpu.bitcast %get3A_1486 : vector<16xf32> -> vector<16xi32>
        %shift_right_arithmetic3A = arith.constant 31 : i32
        %shift_right_arithmetic3A_1488 = vector.broadcast %shift_right_arithmetic3A : i32 to vector<16xi32>
        %shift_right_arithmetic3A_1489 = arith.shrsi %bitcast_convert_type3A_1487, %shift_right_arithmetic3A_1488 : vector<16xi32>
        %not3A = arith.constant dense<-1> : vector<16xi32>
        %not3A_1490 = arith.xori %shift_right_arithmetic3A_1489, %not3A : vector<16xi32>
        %and3A_1491 = arith.constant 2147483647 : i32
        %and3A_1492 = vector.broadcast %and3A_1491 : i32 to vector<16xi32>
        %and3A_1493 = arith.andi %not3A_1490, %and3A_1492 : vector<16xi32>
        %xor3A = arith.xori %bitcast_convert_type3A_1487, %and3A_1493 : vector<16xi32>
        %shift_right_logical3A_1494 = arith.constant 24 : i32
        %shift_right_logical3A_1495 = vector.broadcast %shift_right_logical3A_1494 : i32 to vector<16xi32>
        %shift_right_logical3A_1496 = arith.shrui %xor3A, %shift_right_logical3A_1495 : vector<16xi32>
        %mul3A_1497 = arith.constant 256 : i32
        %mul3A_1498 = vector.broadcast %mul3A_1497 : i32 to vector<16xi32>
        %mul3A_1499 = arith.muli %iota3A, %mul3A_1498 : vector<16xi32>
        %add3A_1500 = arith.addi %mul3A_1499, %shift_right_logical3A_1496 : vector<16xi32>
        tpu.vector_store_idx %arg11[%add3A_1500], %broadcast_in_dim3A_0 {add = true} : memref<4096xi32, #tpu.memory_space<vmem>>[vector<16xi32>], vector<16xi32>,
        %mul3A_1501 = arith.constant 2 : i32
        %mul3A_1502 = arith.muli %mul3A_1501, %scan3A_1480 : i32
        %add3A_1503 = arith.constant 1 : i32
        %add3A_1504 = arith.addi %mul3A_1502, %add3A_1503 : i32
        %mul3A_1505 = arith.constant 16 : i32
        %mul3A_1506 = arith.muli %add3A_1504, %mul3A_1505 : i32
        %get3A_1507 = arith.index_cast %mul3A_1506 : i32 to index
        %get3A_1508 = tpu.vector_load %arg7[%get3A_1507] {strides = array<i32>} : memref<8192xf32, #tpu.memory_space<vmem>>, vector<16xf32>,
        %bitcast_convert_type3A_1509 = tpu.bitcast %get3A_1508 : vector<16xf32> -> vector<16xi32>
        %shift_right_arithmetic3A_1510 = arith.constant 31 : i32
        %shift_right_arithmetic3A_1511 = vector.broadcast %shift_right_arithmetic3A_1510 : i32 to vector<16xi32>
        %shift_right_arithmetic3A_1512 = arith.shrsi %bitcast_convert_type3A_1509, %shift_right_arithmetic3A_1511 : vector<16xi32>
        %not3A_1513 = arith.constant dense<-1> : vector<16xi32>
        %not3A_1514 = arith.xori %shift_right_arithmetic3A_1512, %not3A_1513 : vector<16xi32>
        %and3A_1515 = arith.constant 2147483647 : i32
        %and3A_1516 = vector.broadcast %and3A_1515 : i32 to vector<16xi32>
        %and3A_1517 = arith.andi %not3A_1514, %and3A_1516 : vector<16xi32>
        %xor3A_1518 = arith.xori %bitcast_convert_type3A_1509, %and3A_1517 : vector<16xi32>
        %shift_right_logical3A_1519 = arith.constant 24 : i32
        %shift_right_logical3A_1520 = vector.broadcast %shift_right_logical3A_1519 : i32 to vector<16xi32>
        %shift_right_logical3A_1521 = arith.shrui %xor3A_1518, %shift_right_logical3A_1520 : vector<16xi32>
        %mul3A_1522 = arith.constant 256 : i32
        %mul3A_1523 = vector.broadcast %mul3A_1522 : i32 to vector<16xi32>
        %mul3A_1524 = arith.muli %iota3A, %mul3A_1523 : vector<16xi32>
        %add3A_1525 = arith.addi %mul3A_1524, %shift_right_logical3A_1521 : vector<16xi32>
        tpu.vector_store_idx %arg11[%add3A_1525], %broadcast_in_dim3A_0 {add = true} : memref<4096xi32, #tpu.memory_space<vmem>>[vector<16xi32>], vector<16xi32>,
      }
      %scan3A_181 = arith.constant 256 : i32
      %broadcast_in_dim3A_182 = arith.constant 0 : i32
      %broadcast_in_dim3A_183 = vector.broadcast %broadcast_in_dim3A_182 : i32 to vector<16xi32>
      %get3A = arith.constant 0 : index
      %get3A_184 = tpu.vector_load %arg11[%get3A] {strides = array<i32>} : memref<4096xi32, #tpu.memory_space<vmem>>, vector<16xi32>,
      %add3A_185 = arith.addi %broadcast_in_dim3A_183, %get3A_184 : vector<16xi32>
      %get3A_186 = arith.constant 256 : index
      %get3A_187 = tpu.vector_load %arg11[%get3A_186] {strides = array<i32>} : memref<4096xi32, #tpu.memory_space<vmem>>, vector<16xi32>,
      %add3A_188 = arith.addi %add3A_185, %get3A_187 : vector<16xi32>
      %get3A_189 = arith.constant 512 : index
      %get3A_190 = tpu.vector_load %arg11[%get3A_189] {strides = array<i32>} : memref<4096xi32, #tpu.memory_space<vmem>>, vector<16xi32>,
      %add3A_191 = arith.addi %add3A_188, %get3A_190 : vector<16xi32>
      %get3A_192 = arith.constant 768 : index
      %get3A_193 = tpu.vector_load %arg11[%get3A_192] {strides = array<i32>} : memref<4096xi32, #tpu.memory_space<vmem>>, vector<16xi32>,
      %add3A_194 = arith.addi %add3A_191, %get3A_193 : vector<16xi32>
      %get3A_195 = arith.constant 1024 : index
      %get3A_196 = tpu.vector_load %arg11[%get3A_195] {strides = array<i32>} : memref<4096xi32, #tpu.memory_space<vmem>>, vector<16xi32>,
      %add3A_197 = arith.addi %add3A_194, %get3A_196 : vector<16xi32>
      %get3A_198 = arith.constant 1280 : index
      %get3A_199 = tpu.vector_load %arg11[%get3A_198] {strides = array<i32>} : memref<4096xi32, #tpu.memory_space<vmem>>, vector<16xi32>,
      %add3A_200 = arith.addi %add3A_197, %get3A_199 : vector<16xi32>
      %get3A_201 = arith.constant 1536 : index
      %get3A_202 = tpu.vector_load %arg11[%get3A_201] {strides = array<i32>} : memref<4096xi32, #tpu.memory_space<vmem>>, vector<16xi32>,
      %add3A_203 = arith.addi %add3A_200, %get3A_202 : vector<16xi32>
      %get3A_204 = arith.constant 1792 : index
      %get3A_205 = tpu.vector_load %arg11[%get3A_204] {strides = array<i32>} : memref<4096xi32, #tpu.memory_space<vmem>>, vector<16xi32>,
      %add3A_206 = arith.addi %add3A_203, %get3A_205 : vector<16xi32>
      %get3A_207 = arith.constant 2048 : index
      %get3A_208 = tpu.vector_load %arg11[%get3A_207] {strides = array<i32>} : memref<4096xi32, #tpu.memory_space<vmem>>, vector<16xi32>,
      %add3A_209 = arith.addi %add3A_206, %get3A_208 : vector<16xi32>
      %get3A_210 = arith.constant 2304 : index
      %get3A_211 = tpu.vector_load %arg11[%get3A_210] {strides = array<i32>} : memref<4096xi32, #tpu.memory_space<vmem>>, vector<16xi32>,
      %add3A_212 = arith.addi %add3A_209, %get3A_211 : vector<16xi32>
      %get3A_213 = arith.constant 2560 : index
      %get3A_214 = tpu.vector_load %arg11[%get3A_213] {strides = array<i32>} : memref<4096xi32, #tpu.memory_space<vmem>>, vector<16xi32>,
      %add3A_215 = arith.addi %add3A_212, %get3A_214 : vector<16xi32>
      %get3A_216 = arith.constant 2816 : index
      %get3A_217 = tpu.vector_load %arg11[%get3A_216] {strides = array<i32>} : memref<4096xi32, #tpu.memory_space<vmem>>, vector<16xi32>,
      %add3A_218 = arith.addi %add3A_215, %get3A_217 : vector<16xi32>
      %get3A_219 = arith.constant 3072 : index
      %get3A_220 = tpu.vector_load %arg11[%get3A_219] {strides = array<i32>} : memref<4096xi32, #tpu.memory_space<vmem>>, vector<16xi32>,
      %add3A_221 = arith.addi %add3A_218, %get3A_220 : vector<16xi32>
      %get3A_222 = arith.constant 3328 : index
      %get3A_223 = tpu.vector_load %arg11[%get3A_222] {strides = array<i32>} : memref<4096xi32, #tpu.memory_space<vmem>>, vector<16xi32>,
      %add3A_224 = arith.addi %add3A_221, %get3A_223 : vector<16xi32>
      %get3A_225 = arith.constant 3584 : index
      %get3A_226 = tpu.vector_load %arg11[%get3A_225] {strides = array<i32>} : memref<4096xi32, #tpu.memory_space<vmem>>, vector<16xi32>,
      %add3A_227 = arith.addi %add3A_224, %get3A_226 : vector<16xi32>
      %get3A_228 = arith.constant 3840 : index
      %get3A_229 = tpu.vector_load %arg11[%get3A_228] {strides = array<i32>} : memref<4096xi32, #tpu.memory_space<vmem>>, vector<16xi32>,
      %add3A_230 = arith.addi %add3A_227, %get3A_229 : vector<16xi32>
      %broadcast_in_dim3A_231 = arith.constant true
      %broadcast_in_dim3A_232 = vector.broadcast %broadcast_in_dim3A_231 : i1 to vector<16xi1>
      %masked_cumsum3A = tpu.scan <sum>, %add3A_230 masked %broadcast_in_dim3A_232 : vector<16xi32>, vector<16xi1> -> vector<16xi32>
      %add3A_233 = arith.constant 0 : i32
      %add3A_234 = vector.broadcast %add3A_233 : i32 to vector<16xi32>
      %add3A_235 = arith.addi %masked_cumsum3A, %add3A_234 : vector<16xi32>
      %swap3A = arith.constant 0 : index
      %swap3A_236 = tpu.vector_load %arg12[%swap3A] {strides = array<i32>} : memref<256xi32, #tpu.memory_space<vmem>>, vector<16xi32>,
      tpu.vector_store %arg12[%swap3A], %add3A_235 {strides = array<i32>} : memref<256xi32, #tpu.memory_space<vmem>>, vector<16xi32>,
      %ge3A = arith.constant 2048 : i32
      %ge3A_237 = vector.broadcast %ge3A : i32 to vector<16xi32>
      %ge3A_238 = arith.cmpi sge, %add3A_235, %ge3A_237 : vector<16xi32>
      %all_reduce_population_count3A = tpu.all_reduce %ge3A_238 {dim = 0 : i64, kind = #tpu.reduction_kind<sum>} : vector<16xi1> -> vector<16xi32>
      %reduce_max3A = arith.constant true
      %reduce_max3A_239 = vector.broadcast %reduce_max3A : i1 to vector<16xi1>
      %reduce_max3A_240 = arith.constant -2147483648 : i32
      %reduce_max3A_241 = vector.broadcast %reduce_max3A_240 : i32 to vector<16xi32>
      %reduce_max3A_242 = arith.xori %all_reduce_population_count3A, %reduce_max3A_241 : vector<16xi32>
      %reduce_max3A_243 = tpu.scan <max>, %reduce_max3A_242 masked %reduce_max3A_239 : vector<16xi32>, vector<16xi1> -> vector<16xi32>
      %reduce_max3A_244 = arith.xori %reduce_max3A_243, %reduce_max3A_241 : vector<16xi32>
      %reduce_max3A_245 = vector.extract %reduce_max3A_244[15] : i32 from vector<16xi32>
      %add3A_246 = arith.constant 0 : i32
      %add3A_247 = arith.addi %add3A_246, %reduce_max3A_245 : i32
      %reduce_max3A_248 = arith.constant true
      %reduce_max3A_249 = vector.broadcast %reduce_max3A_248 : i1 to vector<16xi1>
      %reduce_max3A_250 = arith.constant -2147483648 : i32
      %reduce_max3A_251 = vector.broadcast %reduce_max3A_250 : i32 to vector<16xi32>
      %reduce_max3A_252 = arith.xori %add3A_235, %reduce_max3A_251 : vector<16xi32>
      %reduce_max3A_253 = tpu.scan <max>, %reduce_max3A_252 masked %reduce_max3A_249 : vector<16xi32>, vector<16xi1> -> vector<16xi32>
      %reduce_max3A_254 = arith.xori %reduce_max3A_253, %reduce_max3A_251 : vector<16xi32>
      %reduce_max3A_255 = vector.extract %reduce_max3A_254[15] : i32 from vector<16xi32>
      %broadcast_in_dim3A_256 = arith.constant 0 : i32
      %broadcast_in_dim3A_257 = vector.broadcast %broadcast_in_dim3A_256 : i32 to vector<16xi32>
      %get3A_258 = arith.constant 16 : index
      %get3A_259 = tpu.vector_load %arg11[%get3A_258] {strides = array<i32>} : memref<4096xi32, #tpu.memory_space<vmem>>, vector<16xi32>,
      %add3A_260 = arith.addi %broadcast_in_dim3A_257, %get3A_259 : vector<16xi32>
      %get3A_261 = arith.constant 272 : index
      %get3A_262 = tpu.vector_load %arg11[%get3A_261] {strides = array<i32>} : memref<4096xi32, #tpu.memory_space<vmem>>, vector<16xi32>,
      %add3A_263 = arith.addi %add3A_260, %get3A_262 : vector<16xi32>
      %get3A_264 = arith.constant 528 : index
      %get3A_265 = tpu.vector_load %arg11[%get3A_264] {strides = array<i32>} : memref<4096xi32, #tpu.memory_space<vmem>>, vector<16xi32>,
      %add3A_266 = arith.addi %add3A_263, %get3A_265 : vector<16xi32>
      %get3A_267 = arith.constant 784 : index
      %get3A_268 = tpu.vector_load %arg11[%get3A_267] {strides = array<i32>} : memref<4096xi32, #tpu.memory_space<vmem>>, vector<16xi32>,
      %add3A_269 = arith.addi %add3A_266, %get3A_268 : vector<16xi32>
      %get3A_270 = arith.constant 1040 : index
      %get3A_271 = tpu.vector_load %arg11[%get3A_270] {strides = array<i32>} : memref<4096xi32, #tpu.memory_space<vmem>>, vector<16xi32>,
      %add3A_272 = arith.addi %add3A_269, %get3A_271 : vector<16xi32>
      %get3A_273 = arith.constant 1296 : index
      %get3A_274 = tpu.vector_load %arg11[%get3A_273] {strides = array<i32>} : memref<4096xi32, #tpu.memory_space<vmem>>, vector<16xi32>,
      %add3A_275 = arith.addi %add3A_272, %get3A_274 : vector<16xi32>
      %get3A_276 = arith.constant 1552 : index
      %get3A_277 = tpu.vector_load %arg11[%get3A_276] {strides = array<i32>} : memref<4096xi32, #tpu.memory_space<vmem>>, vector<16xi32>,
      %add3A_278 = arith.addi %add3A_275, %get3A_277 : vector<16xi32>
      %get3A_279 = arith.constant 1808 : index
      %get3A_280 = tpu.vector_load %arg11[%get3A_279] {strides = array<i32>} : memref<4096xi32, #tpu.memory_space<vmem>>, vector<16xi32>,
      %add3A_281 = arith.addi %add3A_278, %get3A_280 : vector<16xi32>
      %get3A_282 = arith.constant 2064 : index
      %get3A_283 = tpu.vector_load %arg11[%get3A_282] {strides = array<i32>} : memref<4096xi32, #tpu.memory_space<vmem>>, vector<16xi32>,
      %add3A_284 = arith.addi %add3A_281, %get3A_283 : vector<16xi32>
      %get3A_285 = arith.constant 2320 : index
      %get3A_286 = tpu.vector_load %arg11[%get3A_285] {strides = array<i32>} : memref<4096xi32, #tpu.memory_space<vmem>>, vector<16xi32>,
      %add3A_287 = arith.addi %add3A_284, %get3A_286 : vector<16xi32>
      %get3A_288 = arith.constant 2576 : index
      %get3A_289 = tpu.vector_load %arg11[%get3A_288] {strides = array<i32>} : memref<4096xi32, #tpu.memory_space<vmem>>, vector<16xi32>,
      %add3A_290 = arith.addi %add3A_287, %get3A_289 : vector<16xi32>
      %get3A_291 = arith.constant 2832 : index
      %get3A_292 = tpu.vector_load %arg11[%get3A_291] {strides = array<i32>} : memref<4096xi32, #tpu.memory_space<vmem>>, vector<16xi32>,
      %add3A_293 = arith.addi %add3A_290, %get3A_292 : vector<16xi32>
      %get3A_294 = arith.constant 3088 : index
      %get3A_295 = tpu.vector_load %arg11[%get3A_294] {strides = array<i32>} : memref<4096xi32, #tpu.memory_space<vmem>>, vector<16xi32>,
      %add3A_296 = arith.addi %add3A_293, %get3A_295 : vector<16xi32>
      %get3A_297 = arith.constant 3344 : index
      %get3A_298 = tpu.vector_load %arg11[%get3A_297] {strides = array<i32>} : memref<4096xi32, #tpu.memory_space<vmem>>, vector<16xi32>,
      %add3A_299 = arith.addi %add3A_296, %get3A_298 : vector<16xi32>
      %get3A_300 = arith.constant 3600 : index
      %get3A_301 = tpu.vector_load %arg11[%get3A_300] {strides = array<i32>} : memref<4096xi32, #tpu.memory_space<vmem>>, vector<16xi32>,
      %add3A_302 = arith.addi %add3A_299, %get3A_301 : vector<16xi32>
      %get3A_303 = arith.constant 3856 : index
      %get3A_304 = tpu.vector_load %arg11[%get3A_303] {strides = array<i32>} : memref<4096xi32, #tpu.memory_space<vmem>>, vector<16xi32>,
      %add3A_305 = arith.addi %add3A_302, %get3A_304 : vector<16xi32>
      %broadcast_in_dim3A_306 = arith.constant true
      %broadcast_in_dim3A_307 = vector.broadcast %broadcast_in_dim3A_306 : i1 to vector<16xi1>
      %masked_cumsum3A_308 = tpu.scan <sum>, %add3A_305 masked %broadcast_in_dim3A_307 : vector<16xi32>, vector<16xi1> -> vector<16xi32>
      %add3A_309 = vector.broadcast %reduce_max3A_255 : i32 to vector<16xi32>
      %add3A_310 = arith.addi %masked_cumsum3A_308, %add3A_309 : vector<16xi32>
      %swap3A_311 = arith.constant 16 : index
      %swap3A_312 = tpu.vector_load %arg12[%swap3A_311] {strides = array<i32>} : memref<256xi32, #tpu.memory_space<vmem>>, vector<16xi32>,
      tpu.vector_store %arg12[%swap3A_311], %add3A_310 {strides = array<i32>} : memref<256xi32, #tpu.memory_space<vmem>>, vector<16xi32>,
      %ge3A_313 = arith.constant 2048 : i32
      %ge3A_314 = vector.broadcast %ge3A_313 : i32 to vector<16xi32>
      %ge3A_315 = arith.cmpi sge, %add3A_310, %ge3A_314 : vector<16xi32>
      %all_reduce_population_count3A_316 = tpu.all_reduce %ge3A_315 {dim = 0 : i64, kind = #tpu.reduction_kind<sum>} : vector<16xi1> -> vector<16xi32>
      %reduce_max3A_317 = arith.constant true
      %reduce_max3A_318 = vector.broadcast %reduce_max3A_317 : i1 to vector<16xi1>
      %reduce_max3A_319 = arith.constant -2147483648 : i32
      %reduce_max3A_320 = vector.broadcast %reduce_max3A_319 : i32 to vector<16xi32>
      %reduce_max3A_321 = arith.xori %all_reduce_population_count3A_316, %reduce_max3A_320 : vector<16xi32>
      %reduce_max3A_322 = tpu.scan <max>, %reduce_max3A_321 masked %reduce_max3A_318 : vector<16xi32>, vector<16xi1> -> vector<16xi32>
      %reduce_max3A_323 = arith.xori %reduce_max3A_322, %reduce_max3A_320 : vector<16xi32>
      %reduce_max3A_324 = vector.extract %reduce_max3A_323[15] : i32 from vector<16xi32>
      %add3A_325 = arith.addi %add3A_247, %reduce_max3A_324 : i32
      %reduce_max3A_326 = arith.constant true
      %reduce_max3A_327 = vector.broadcast %reduce_max3A_326 : i1 to vector<16xi1>
      %reduce_max3A_328 = arith.constant -2147483648 : i32
      %reduce_max3A_329 = vector.broadcast %reduce_max3A_328 : i32 to vector<16xi32>
      %reduce_max3A_330 = arith.xori %add3A_310, %reduce_max3A_329 : vector<16xi32>
      %reduce_max3A_331 = tpu.scan <max>, %reduce_max3A_330 masked %reduce_max3A_327 : vector<16xi32>, vector<16xi1> -> vector<16xi32>
      %reduce_max3A_332 = arith.xori %reduce_max3A_331, %reduce_max3A_329 : vector<16xi32>
      %reduce_max3A_333 = vector.extract %reduce_max3A_332[15] : i32 from vector<16xi32>
      %broadcast_in_dim3A_334 = arith.constant 0 : i32
      %broadcast_in_dim3A_335 = vector.broadcast %broadcast_in_dim3A_334 : i32 to vector<16xi32>
      %get3A_336 = arith.constant 32 : index
      %get3A_337 = tpu.vector_load %arg11[%get3A_336] {strides = array<i32>} : memref<4096xi32, #tpu.memory_space<vmem>>, vector<16xi32>,
      %add3A_338 = arith.addi %broadcast_in_dim3A_335, %get3A_337 : vector<16xi32>
      %get3A_339 = arith.constant 288 : index
      %get3A_340 = tpu.vector_load %arg11[%get3A_339] {strides = array<i32>} : memref<4096xi32, #tpu.memory_space<vmem>>, vector<16xi32>,
      %add3A_341 = arith.addi %add3A_338, %get3A_340 : vector<16xi32>
      %get3A_342 = arith.constant 544 : index
      %get3A_343 = tpu.vector_load %arg11[%get3A_342] {strides = array<i32>} : memref<4096xi32, #tpu.memory_space<vmem>>, vector<16xi32>,
      %add3A_344 = arith.addi %add3A_341, %get3A_343 : vector<16xi32>
      %get3A_345 = arith.constant 800 : index
      %get3A_346 = tpu.vector_load %arg11[%get3A_345] {strides = array<i32>} : memref<4096xi32, #tpu.memory_space<vmem>>, vector<16xi32>,
      %add3A_347 = arith.addi %add3A_344, %get3A_346 : vector<16xi32>
      %get3A_348 = arith.constant 1056 : index
      %get3A_349 = tpu.vector_load %arg11[%get3A_348] {strides = array<i32>} : memref<4096xi32, #tpu.memory_space<vmem>>, vector<16xi32>,
      %add3A_350 = arith.addi %add3A_347, %get3A_349 : vector<16xi32>
      %get3A_351 = arith.constant 1312 : index
      %get3A_352 = tpu.vector_load %arg11[%get3A_351] {strides = array<i32>} : memref<4096xi32, #tpu.memory_space<vmem>>, vector<16xi32>,
      %add3A_353 = arith.addi %add3A_350, %get3A_352 : vector<16xi32>
      %get3A_354 = arith.constant 1568 : index
      %get3A_355 = tpu.vector_load %arg11[%get3A_354] {strides = array<i32>} : memref<4096xi32, #tpu.memory_space<vmem>>, vector<16xi32>,
      %add3A_356 = arith.addi %add3A_353, %get3A_355 : vector<16xi32>
      %get3A_357 = arith.constant 1824 : index
      %get3A_358 = tpu.vector_load %arg11[%get3A_357] {strides = array<i32>} : memref<4096xi32, #tpu.memory_space<vmem>>, vector<16xi32>,
      %add3A_359 = arith.addi %add3A_356, %get3A_358 : vector<16xi32>
      %get3A_360 = arith.constant 2080 : index
      %get3A_361 = tpu.vector_load %arg11[%get3A_360] {strides = array<i32>} : memref<4096xi32, #tpu.memory_space<vmem>>, vector<16xi32>,
      %add3A_362 = arith.addi %add3A_359, %get3A_361 : vector<16xi32>
      %get3A_363 = arith.constant 2336 : index
      %get3A_364 = tpu.vector_load %arg11[%get3A_363] {strides = array<i32>} : memref<4096xi32, #tpu.memory_space<vmem>>, vector<16xi32>,
      %add3A_365 = arith.addi %add3A_362, %get3A_364 : vector<16xi32>
      %get3A_366 = arith.constant 2592 : index
      %get3A_367 = tpu.vector_load %arg11[%get3A_366] {strides = array<i32>} : memref<4096xi32, #tpu.memory_space<vmem>>, vector<16xi32>,
      %add3A_368 = arith.addi %add3A_365, %get3A_367 : vector<16xi32>
      %get3A_369 = arith.constant 2848 : index
      %get3A_370 = tpu.vector_load %arg11[%get3A_369] {strides = array<i32>} : memref<4096xi32, #tpu.memory_space<vmem>>, vector<16xi32>,
      %add3A_371 = arith.addi %add3A_368, %get3A_370 : vector<16xi32>
      %get3A_372 = arith.constant 3104 : index
      %get3A_373 = tpu.vector_load %arg11[%get3A_372] {strides = array<i32>} : memref<4096xi32, #tpu.memory_space<vmem>>, vector<16xi32>,
      %add3A_374 = arith.addi %add3A_371, %get3A_373 : vector<16xi32>
      %get3A_375 = arith.constant 3360 : index
      %get3A_376 = tpu.vector_load %arg11[%get3A_375] {strides = array<i32>} : memref<4096xi32, #tpu.memory_space<vmem>>, vector<16xi32>,
      %add3A_377 = arith.addi %add3A_374, %get3A_376 : vector<16xi32>
      %get3A_378 = arith.constant 3616 : index
      %get3A_379 = tpu.vector_load %arg11[%get3A_378] {strides = array<i32>} : memref<4096xi32, #tpu.memory_space<vmem>>, vector<16xi32>,
      %add3A_380 = arith.addi %add3A_377, %get3A_379 : vector<16xi32>
      %get3A_381 = arith.constant 3872 : index
      %get3A_382 = tpu.vector_load %arg11[%get3A_381] {strides = array<i32>} : memref<4096xi32, #tpu.memory_space<vmem>>, vector<16xi32>,
      %add3A_383 = arith.addi %add3A_380, %get3A_382 : vector<16xi32>
      %broadcast_in_dim3A_384 = arith.constant true
      %broadcast_in_dim3A_385 = vector.broadcast %broadcast_in_dim3A_384 : i1 to vector<16xi1>
      %masked_cumsum3A_386 = tpu.scan <sum>, %add3A_383 masked %broadcast_in_dim3A_385 : vector<16xi32>, vector<16xi1> -> vector<16xi32>
      %add3A_387 = vector.broadcast %reduce_max3A_333 : i32 to vector<16xi32>
      %add3A_388 = arith.addi %masked_cumsum3A_386, %add3A_387 : vector<16xi32>
      %swap3A_389 = arith.constant 32 : index
      %swap3A_390 = tpu.vector_load %arg12[%swap3A_389] {strides = array<i32>} : memref<256xi32, #tpu.memory_space<vmem>>, vector<16xi32>,
      tpu.vector_store %arg12[%swap3A_389], %add3A_388 {strides = array<i32>} : memref<256xi32, #tpu.memory_space<vmem>>, vector<16xi32>,
      %ge3A_391 = arith.constant 2048 : i32
      %ge3A_392 = vector.broadcast %ge3A_391 : i32 to vector<16xi32>
      %ge3A_393 = arith.cmpi sge, %add3A_388, %ge3A_392 : vector<16xi32>
      %all_reduce_population_count3A_394 = tpu.all_reduce %ge3A_393 {dim = 0 : i64, kind = #tpu.reduction_kind<sum>} : vector<16xi1> -> vector<16xi32>
      %reduce_max3A_395 = arith.constant true
      %reduce_max3A_396 = vector.broadcast %reduce_max3A_395 : i1 to vector<16xi1>
      %reduce_max3A_397 = arith.constant -2147483648 : i32
      %reduce_max3A_398 = vector.broadcast %reduce_max3A_397 : i32 to vector<16xi32>
      %reduce_max3A_399 = arith.xori %all_reduce_population_count3A_394, %reduce_max3A_398 : vector<16xi32>
      %reduce_max3A_400 = tpu.scan <max>, %reduce_max3A_399 masked %reduce_max3A_396 : vector<16xi32>, vector<16xi1> -> vector<16xi32>
      %reduce_max3A_401 = arith.xori %reduce_max3A_400, %reduce_max3A_398 : vector<16xi32>
      %reduce_max3A_402 = vector.extract %reduce_max3A_401[15] : i32 from vector<16xi32>
      %add3A_403 = arith.addi %add3A_325, %reduce_max3A_402 : i32
      %reduce_max3A_404 = arith.constant true
      %reduce_max3A_405 = vector.broadcast %reduce_max3A_404 : i1 to vector<16xi1>
      %reduce_max3A_406 = arith.constant -2147483648 : i32
      %reduce_max3A_407 = vector.broadcast %reduce_max3A_406 : i32 to vector<16xi32>
      %reduce_max3A_408 = arith.xori %add3A_388, %reduce_max3A_407 : vector<16xi32>
      %reduce_max3A_409 = tpu.scan <max>, %reduce_max3A_408 masked %reduce_max3A_405 : vector<16xi32>, vector<16xi1> -> vector<16xi32>
      %reduce_max3A_410 = arith.xori %reduce_max3A_409, %reduce_max3A_407 : vector<16xi32>
      %reduce_max3A_411 = vector.extract %reduce_max3A_410[15] : i32 from vector<16xi32>
      %broadcast_in_dim3A_412 = arith.constant 0 : i32
      %broadcast_in_dim3A_413 = vector.broadcast %broadcast_in_dim3A_412 : i32 to vector<16xi32>
      %get3A_414 = arith.constant 48 : index
      %get3A_415 = tpu.vector_load %arg11[%get3A_414] {strides = array<i32>} : memref<4096xi32, #tpu.memory_space<vmem>>, vector<16xi32>,
      %add3A_416 = arith.addi %broadcast_in_dim3A_413, %get3A_415 : vector<16xi32>
      %get3A_417 = arith.constant 304 : index
      %get3A_418 = tpu.vector_load %arg11[%get3A_417] {strides = array<i32>} : memref<4096xi32, #tpu.memory_space<vmem>>, vector<16xi32>,
      %add3A_419 = arith.addi %add3A_416, %get3A_418 : vector<16xi32>
      %get3A_420 = arith.constant 560 : index
      %get3A_421 = tpu.vector_load %arg11[%get3A_420] {strides = array<i32>} : memref<4096xi32, #tpu.memory_space<vmem>>, vector<16xi32>,
      %add3A_422 = arith.addi %add3A_419, %get3A_421 : vector<16xi32>
      %get3A_423 = arith.constant 816 : index
      %get3A_424 = tpu.vector_load %arg11[%get3A_423] {strides = array<i32>} : memref<4096xi32, #tpu.memory_space<vmem>>, vector<16xi32>,
      %add3A_425 = arith.addi %add3A_422, %get3A_424 : vector<16xi32>
      %get3A_426 = arith.constant 1072 : index
      %get3A_427 = tpu.vector_load %arg11[%get3A_426] {strides = array<i32>} : memref<4096xi32, #tpu.memory_space<vmem>>, vector<16xi32>,
      %add3A_428 = arith.addi %add3A_425, %get3A_427 : vector<16xi32>
      %get3A_429 = arith.constant 1328 : index
      %get3A_430 = tpu.vector_load %arg11[%get3A_429] {strides = array<i32>} : memref<4096xi32, #tpu.memory_space<vmem>>, vector<16xi32>,
      %add3A_431 = arith.addi %add3A_428, %get3A_430 : vector<16xi32>
      %get3A_432 = arith.constant 1584 : index
      %get3A_433 = tpu.vector_load %arg11[%get3A_432] {strides = array<i32>} : memref<4096xi32, #tpu.memory_space<vmem>>, vector<16xi32>,
      %add3A_434 = arith.addi %add3A_431, %get3A_433 : vector<16xi32>
      %get3A_435 = arith.constant 1840 : index
      %get3A_436 = tpu.vector_load %arg11[%get3A_435] {strides = array<i32>} : memref<4096xi32, #tpu.memory_space<vmem>>, vector<16xi32>,
      %add3A_437 = arith.addi %add3A_434, %get3A_436 : vector<16xi32>
      %get3A_438 = arith.constant 2096 : index
      %get3A_439 = tpu.vector_load %arg11[%get3A_438] {strides = array<i32>} : memref<4096xi32, #tpu.memory_space<vmem>>, vector<16xi32>,
      %add3A_440 = arith.addi %add3A_437, %get3A_439 : vector<16xi32>
      %get3A_441 = arith.constant 2352 : index
      %get3A_442 = tpu.vector_load %arg11[%get3A_441] {strides = array<i32>} : memref<4096xi32, #tpu.memory_space<vmem>>, vector<16xi32>,
      %add3A_443 = arith.addi %add3A_440, %get3A_442 : vector<16xi32>
      %get3A_444 = arith.constant 2608 : index
      %get3A_445 = tpu.vector_load %arg11[%get3A_444] {strides = array<i32>} : memref<4096xi32, #tpu.memory_space<vmem>>, vector<16xi32>,
      %add3A_446 = arith.addi %add3A_443, %get3A_445 : vector<16xi32>
      %get3A_447 = arith.constant 2864 : index
      %get3A_448 = tpu.vector_load %arg11[%get3A_447] {strides = array<i32>} : memref<4096xi32, #tpu.memory_space<vmem>>, vector<16xi32>,
      %add3A_449 = arith.addi %add3A_446, %get3A_448 : vector<16xi32>
      %get3A_450 = arith.constant 3120 : index
      %get3A_451 = tpu.vector_load %arg11[%get3A_450] {strides = array<i32>} : memref<4096xi32, #tpu.memory_space<vmem>>, vector<16xi32>,
      %add3A_452 = arith.addi %add3A_449, %get3A_451 : vector<16xi32>
      %get3A_453 = arith.constant 3376 : index
      %get3A_454 = tpu.vector_load %arg11[%get3A_453] {strides = array<i32>} : memref<4096xi32, #tpu.memory_space<vmem>>, vector<16xi32>,
      %add3A_455 = arith.addi %add3A_452, %get3A_454 : vector<16xi32>
      %get3A_456 = arith.constant 3632 : index
      %get3A_457 = tpu.vector_load %arg11[%get3A_456] {strides = array<i32>} : memref<4096xi32, #tpu.memory_space<vmem>>, vector<16xi32>,
      %add3A_458 = arith.addi %add3A_455, %get3A_457 : vector<16xi32>
      %get3A_459 = arith.constant 3888 : index
      %get3A_460 = tpu.vector_load %arg11[%get3A_459] {strides = array<i32>} : memref<4096xi32, #tpu.memory_space<vmem>>, vector<16xi32>,
      %add3A_461 = arith.addi %add3A_458, %get3A_460 : vector<16xi32>
      %broadcast_in_dim3A_462 = arith.constant true
      %broadcast_in_dim3A_463 = vector.broadcast %broadcast_in_dim3A_462 : i1 to vector<16xi1>
      %masked_cumsum3A_464 = tpu.scan <sum>, %add3A_461 masked %broadcast_in_dim3A_463 : vector<16xi32>, vector<16xi1> -> vector<16xi32>
      %add3A_465 = vector.broadcast %reduce_max3A_411 : i32 to vector<16xi32>
      %add3A_466 = arith.addi %masked_cumsum3A_464, %add3A_465 : vector<16xi32>
      %swap3A_467 = arith.constant 48 : index
      %swap3A_468 = tpu.vector_load %arg12[%swap3A_467] {strides = array<i32>} : memref<256xi32, #tpu.memory_space<vmem>>, vector<16xi32>,
      tpu.vector_store %arg12[%swap3A_467], %add3A_466 {strides = array<i32>} : memref<256xi32, #tpu.memory_space<vmem>>, vector<16xi32>,
      %ge3A_469 = arith.constant 2048 : i32
      %ge3A_470 = vector.broadcast %ge3A_469 : i32 to vector<16xi32>
      %ge3A_471 = arith.cmpi sge, %add3A_466, %ge3A_470 : vector<16xi32>
      %all_reduce_population_count3A_472 = tpu.all_reduce %ge3A_471 {dim = 0 : i64, kind = #tpu.reduction_kind<sum>} : vector<16xi1> -> vector<16xi32>
      %reduce_max3A_473 = arith.constant true
      %reduce_max3A_474 = vector.broadcast %reduce_max3A_473 : i1 to vector<16xi1>
      %reduce_max3A_475 = arith.constant -2147483648 : i32
      %reduce_max3A_476 = vector.broadcast %reduce_max3A_475 : i32 to vector<16xi32>
      %reduce_max3A_477 = arith.xori %all_reduce_population_count3A_472, %reduce_max3A_476 : vector<16xi32>
      %reduce_max3A_478 = tpu.scan <max>, %reduce_max3A_477 masked %reduce_max3A_474 : vector<16xi32>, vector<16xi1> -> vector<16xi32>
      %reduce_max3A_479 = arith.xori %reduce_max3A_478, %reduce_max3A_476 : vector<16xi32>
      %reduce_max3A_480 = vector.extract %reduce_max3A_479[15] : i32 from vector<16xi32>
      %add3A_481 = arith.addi %add3A_403, %reduce_max3A_480 : i32
      %reduce_max3A_482 = arith.constant true
      %reduce_max3A_483 = vector.broadcast %reduce_max3A_482 : i1 to vector<16xi1>
      %reduce_max3A_484 = arith.constant -2147483648 : i32
      %reduce_max3A_485 = vector.broadcast %reduce_max3A_484 : i32 to vector<16xi32>
      %reduce_max3A_486 = arith.xori %add3A_466, %reduce_max3A_485 : vector<16xi32>
      %reduce_max3A_487 = tpu.scan <max>, %reduce_max3A_486 masked %reduce_max3A_483 : vector<16xi32>, vector<16xi1> -> vector<16xi32>
      %reduce_max3A_488 = arith.xori %reduce_max3A_487, %reduce_max3A_485 : vector<16xi32>
      %reduce_max3A_489 = vector.extract %reduce_max3A_488[15] : i32 from vector<16xi32>
      %broadcast_in_dim3A_490 = arith.constant 0 : i32
      %broadcast_in_dim3A_491 = vector.broadcast %broadcast_in_dim3A_490 : i32 to vector<16xi32>
      %get3A_492 = arith.constant 64 : index
      %get3A_493 = tpu.vector_load %arg11[%get3A_492] {strides = array<i32>} : memref<4096xi32, #tpu.memory_space<vmem>>, vector<16xi32>,
      %add3A_494 = arith.addi %broadcast_in_dim3A_491, %get3A_493 : vector<16xi32>
      %get3A_495 = arith.constant 320 : index
      %get3A_496 = tpu.vector_load %arg11[%get3A_495] {strides = array<i32>} : memref<4096xi32, #tpu.memory_space<vmem>>, vector<16xi32>,
      %add3A_497 = arith.addi %add3A_494, %get3A_496 : vector<16xi32>
      %get3A_498 = arith.constant 576 : index
      %get3A_499 = tpu.vector_load %arg11[%get3A_498] {strides = array<i32>} : memref<4096xi32, #tpu.memory_space<vmem>>, vector<16xi32>,
      %add3A_500 = arith.addi %add3A_497, %get3A_499 : vector<16xi32>
      %get3A_501 = arith.constant 832 : index
      %get3A_502 = tpu.vector_load %arg11[%get3A_501] {strides = array<i32>} : memref<4096xi32, #tpu.memory_space<vmem>>, vector<16xi32>,
      %add3A_503 = arith.addi %add3A_500, %get3A_502 : vector<16xi32>
      %get3A_504 = arith.constant 1088 : index
      %get3A_505 = tpu.vector_load %arg11[%get3A_504] {strides = array<i32>} : memref<4096xi32, #tpu.memory_space<vmem>>, vector<16xi32>,
      %add3A_506 = arith.addi %add3A_503, %get3A_505 : vector<16xi32>
      %get3A_507 = arith.constant 1344 : index
      %get3A_508 = tpu.vector_load %arg11[%get3A_507] {strides = array<i32>} : memref<4096xi32, #tpu.memory_space<vmem>>, vector<16xi32>,
      %add3A_509 = arith.addi %add3A_506, %get3A_508 : vector<16xi32>
      %get3A_510 = arith.constant 1600 : index
      %get3A_511 = tpu.vector_load %arg11[%get3A_510] {strides = array<i32>} : memref<4096xi32, #tpu.memory_space<vmem>>, vector<16xi32>,
      %add3A_512 = arith.addi %add3A_509, %get3A_511 : vector<16xi32>
      %get3A_513 = arith.constant 1856 : index
      %get3A_514 = tpu.vector_load %arg11[%get3A_513] {strides = array<i32>} : memref<4096xi32, #tpu.memory_space<vmem>>, vector<16xi32>,
      %add3A_515 = arith.addi %add3A_512, %get3A_514 : vector<16xi32>
      %get3A_516 = arith.constant 2112 : index
      %get3A_517 = tpu.vector_load %arg11[%get3A_516] {strides = array<i32>} : memref<4096xi32, #tpu.memory_space<vmem>>, vector<16xi32>,
      %add3A_518 = arith.addi %add3A_515, %get3A_517 : vector<16xi32>
      %get3A_519 = arith.constant 2368 : index
      %get3A_520 = tpu.vector_load %arg11[%get3A_519] {strides = array<i32>} : memref<4096xi32, #tpu.memory_space<vmem>>, vector<16xi32>,
      %add3A_521 = arith.addi %add3A_518, %get3A_520 : vector<16xi32>
      %get3A_522 = arith.constant 2624 : index
      %get3A_523 = tpu.vector_load %arg11[%get3A_522] {strides = array<i32>} : memref<4096xi32, #tpu.memory_space<vmem>>, vector<16xi32>,
      %add3A_524 = arith.addi %add3A_521, %get3A_523 : vector<16xi32>
      %get3A_525 = arith.constant 2880 : index
      %get3A_526 = tpu.vector_load %arg11[%get3A_525] {strides = array<i32>} : memref<4096xi32, #tpu.memory_space<vmem>>, vector<16xi32>,
      %add3A_527 = arith.addi %add3A_524, %get3A_526 : vector<16xi32>
      %get3A_528 = arith.constant 3136 : index
      %get3A_529 = tpu.vector_load %arg11[%get3A_528] {strides = array<i32>} : memref<4096xi32, #tpu.memory_space<vmem>>, vector<16xi32>,
      %add3A_530 = arith.addi %add3A_527, %get3A_529 : vector<16xi32>
      %get3A_531 = arith.constant 3392 : index
      %get3A_532 = tpu.vector_load %arg11[%get3A_531] {strides = array<i32>} : memref<4096xi32, #tpu.memory_space<vmem>>, vector<16xi32>,
      %add3A_533 = arith.addi %add3A_530, %get3A_532 : vector<16xi32>
      %get3A_534 = arith.constant 3648 : index
      %get3A_535 = tpu.vector_load %arg11[%get3A_534] {strides = array<i32>} : memref<4096xi32, #tpu.memory_space<vmem>>, vector<16xi32>,
      %add3A_536 = arith.addi %add3A_533, %get3A_535 : vector<16xi32>
      %get3A_537 = arith.constant 3904 : index
      %get3A_538 = tpu.vector_load %arg11[%get3A_537] {strides = array<i32>} : memref<4096xi32, #tpu.memory_space<vmem>>, vector<16xi32>,
      %add3A_539 = arith.addi %add3A_536, %get3A_538 : vector<16xi32>
      %broadcast_in_dim3A_540 = arith.constant true
      %broadcast_in_dim3A_541 = vector.broadcast %broadcast_in_dim3A_540 : i1 to vector<16xi1>
      %masked_cumsum3A_542 = tpu.scan <sum>, %add3A_539 masked %broadcast_in_dim3A_541 : vector<16xi32>, vector<16xi1> -> vector<16xi32>
      %add3A_543 = vector.broadcast %reduce_max3A_489 : i32 to vector<16xi32>
      %add3A_544 = arith.addi %masked_cumsum3A_542, %add3A_543 : vector<16xi32>
      %swap3A_545 = arith.constant 64 : index
      %swap3A_546 = tpu.vector_load %arg12[%swap3A_545] {strides = array<i32>} : memref<256xi32, #tpu.memory_space<vmem>>, vector<16xi32>,
      tpu.vector_store %arg12[%swap3A_545], %add3A_544 {strides = array<i32>} : memref<256xi32, #tpu.memory_space<vmem>>, vector<16xi32>,
      %ge3A_547 = arith.constant 2048 : i32
      %ge3A_548 = vector.broadcast %ge3A_547 : i32 to vector<16xi32>
      %ge3A_549 = arith.cmpi sge, %add3A_544, %ge3A_548 : vector<16xi32>
      %all_reduce_population_count3A_550 = tpu.all_reduce %ge3A_549 {dim = 0 : i64, kind = #tpu.reduction_kind<sum>} : vector<16xi1> -> vector<16xi32>
      %reduce_max3A_551 = arith.constant true
      %reduce_max3A_552 = vector.broadcast %reduce_max3A_551 : i1 to vector<16xi1>
      %reduce_max3A_553 = arith.constant -2147483648 : i32
      %reduce_max3A_554 = vector.broadcast %reduce_max3A_553 : i32 to vector<16xi32>
      %reduce_max3A_555 = arith.xori %all_reduce_population_count3A_550, %reduce_max3A_554 : vector<16xi32>
      %reduce_max3A_556 = tpu.scan <max>, %reduce_max3A_555 masked %reduce_max3A_552 : vector<16xi32>, vector<16xi1> -> vector<16xi32>
      %reduce_max3A_557 = arith.xori %reduce_max3A_556, %reduce_max3A_554 : vector<16xi32>
      %reduce_max3A_558 = vector.extract %reduce_max3A_557[15] : i32 from vector<16xi32>
      %add3A_559 = arith.addi %add3A_481, %reduce_max3A_558 : i32
      %reduce_max3A_560 = arith.constant true
      %reduce_max3A_561 = vector.broadcast %reduce_max3A_560 : i1 to vector<16xi1>
      %reduce_max3A_562 = arith.constant -2147483648 : i32
      %reduce_max3A_563 = vector.broadcast %reduce_max3A_562 : i32 to vector<16xi32>
      %reduce_max3A_564 = arith.xori %add3A_544, %reduce_max3A_563 : vector<16xi32>
      %reduce_max3A_565 = tpu.scan <max>, %reduce_max3A_564 masked %reduce_max3A_561 : vector<16xi32>, vector<16xi1> -> vector<16xi32>
      %reduce_max3A_566 = arith.xori %reduce_max3A_565, %reduce_max3A_563 : vector<16xi32>
      %reduce_max3A_567 = vector.extract %reduce_max3A_566[15] : i32 from vector<16xi32>
      %broadcast_in_dim3A_568 = arith.constant 0 : i32
      %broadcast_in_dim3A_569 = vector.broadcast %broadcast_in_dim3A_568 : i32 to vector<16xi32>
      %get3A_570 = arith.constant 80 : index
      %get3A_571 = tpu.vector_load %arg11[%get3A_570] {strides = array<i32>} : memref<4096xi32, #tpu.memory_space<vmem>>, vector<16xi32>,
      %add3A_572 = arith.addi %broadcast_in_dim3A_569, %get3A_571 : vector<16xi32>
      %get3A_573 = arith.constant 336 : index
      %get3A_574 = tpu.vector_load %arg11[%get3A_573] {strides = array<i32>} : memref<4096xi32, #tpu.memory_space<vmem>>, vector<16xi32>,
      %add3A_575 = arith.addi %add3A_572, %get3A_574 : vector<16xi32>
      %get3A_576 = arith.constant 592 : index
      %get3A_577 = tpu.vector_load %arg11[%get3A_576] {strides = array<i32>} : memref<4096xi32, #tpu.memory_space<vmem>>, vector<16xi32>,
      %add3A_578 = arith.addi %add3A_575, %get3A_577 : vector<16xi32>
      %get3A_579 = arith.constant 848 : index
      %get3A_580 = tpu.vector_load %arg11[%get3A_579] {strides = array<i32>} : memref<4096xi32, #tpu.memory_space<vmem>>, vector<16xi32>,
      %add3A_581 = arith.addi %add3A_578, %get3A_580 : vector<16xi32>
      %get3A_582 = arith.constant 1104 : index
      %get3A_583 = tpu.vector_load %arg11[%get3A_582] {strides = array<i32>} : memref<4096xi32, #tpu.memory_space<vmem>>, vector<16xi32>,
      %add3A_584 = arith.addi %add3A_581, %get3A_583 : vector<16xi32>
      %get3A_585 = arith.constant 1360 : index
      %get3A_586 = tpu.vector_load %arg11[%get3A_585] {strides = array<i32>} : memref<4096xi32, #tpu.memory_space<vmem>>, vector<16xi32>,
      %add3A_587 = arith.addi %add3A_584, %get3A_586 : vector<16xi32>
      %get3A_588 = arith.constant 1616 : index
      %get3A_589 = tpu.vector_load %arg11[%get3A_588] {strides = array<i32>} : memref<4096xi32, #tpu.memory_space<vmem>>, vector<16xi32>,
      %add3A_590 = arith.addi %add3A_587, %get3A_589 : vector<16xi32>
      %get3A_591 = arith.constant 1872 : index
      %get3A_592 = tpu.vector_load %arg11[%get3A_591] {strides = array<i32>} : memref<4096xi32, #tpu.memory_space<vmem>>, vector<16xi32>,
      %add3A_593 = arith.addi %add3A_590, %get3A_592 : vector<16xi32>
      %get3A_594 = arith.constant 2128 : index
      %get3A_595 = tpu.vector_load %arg11[%get3A_594] {strides = array<i32>} : memref<4096xi32, #tpu.memory_space<vmem>>, vector<16xi32>,
      %add3A_596 = arith.addi %add3A_593, %get3A_595 : vector<16xi32>
      %get3A_597 = arith.constant 2384 : index
      %get3A_598 = tpu.vector_load %arg11[%get3A_597] {strides = array<i32>} : memref<4096xi32, #tpu.memory_space<vmem>>, vector<16xi32>,
      %add3A_599 = arith.addi %add3A_596, %get3A_598 : vector<16xi32>
      %get3A_600 = arith.constant 2640 : index
      %get3A_601 = tpu.vector_load %arg11[%get3A_600] {strides = array<i32>} : memref<4096xi32, #tpu.memory_space<vmem>>, vector<16xi32>,
      %add3A_602 = arith.addi %add3A_599, %get3A_601 : vector<16xi32>
      %get3A_603 = arith.constant 2896 : index
      %get3A_604 = tpu.vector_load %arg11[%get3A_603] {strides = array<i32>} : memref<4096xi32, #tpu.memory_space<vmem>>, vector<16xi32>,
      %add3A_605 = arith.addi %add3A_602, %get3A_604 : vector<16xi32>
      %get3A_606 = arith.constant 3152 : index
      %get3A_607 = tpu.vector_load %arg11[%get3A_606] {strides = array<i32>} : memref<4096xi32, #tpu.memory_space<vmem>>, vector<16xi32>,
      %add3A_608 = arith.addi %add3A_605, %get3A_607 : vector<16xi32>
      %get3A_609 = arith.constant 3408 : index
      %get3A_610 = tpu.vector_load %arg11[%get3A_609] {strides = array<i32>} : memref<4096xi32, #tpu.memory_space<vmem>>, vector<16xi32>,
      %add3A_611 = arith.addi %add3A_608, %get3A_610 : vector<16xi32>
      %get3A_612 = arith.constant 3664 : index
      %get3A_613 = tpu.vector_load %arg11[%get3A_612] {strides = array<i32>} : memref<4096xi32, #tpu.memory_space<vmem>>, vector<16xi32>,
      %add3A_614 = arith.addi %add3A_611, %get3A_613 : vector<16xi32>
      %get3A_615 = arith.constant 3920 : index
      %get3A_616 = tpu.vector_load %arg11[%get3A_615] {strides = array<i32>} : memref<4096xi32, #tpu.memory_space<vmem>>, vector<16xi32>,
      %add3A_617 = arith.addi %add3A_614, %get3A_616 : vector<16xi32>
      %broadcast_in_dim3A_618 = arith.constant true
      %broadcast_in_dim3A_619 = vector.broadcast %broadcast_in_dim3A_618 : i1 to vector<16xi1>
      %masked_cumsum3A_620 = tpu.scan <sum>, %add3A_617 masked %broadcast_in_dim3A_619 : vector<16xi32>, vector<16xi1> -> vector<16xi32>
      %add3A_621 = vector.broadcast %reduce_max3A_567 : i32 to vector<16xi32>
      %add3A_622 = arith.addi %masked_cumsum3A_620, %add3A_621 : vector<16xi32>
      %swap3A_623 = arith.constant 80 : index
      %swap3A_624 = tpu.vector_load %arg12[%swap3A_623] {strides = array<i32>} : memref<256xi32, #tpu.memory_space<vmem>>, vector<16xi32>,
      tpu.vector_store %arg12[%swap3A_623], %add3A_622 {strides = array<i32>} : memref<256xi32, #tpu.memory_space<vmem>>, vector<16xi32>,
      %ge3A_625 = arith.constant 2048 : i32
      %ge3A_626 = vector.broadcast %ge3A_625 : i32 to vector<16xi32>
      %ge3A_627 = arith.cmpi sge, %add3A_622, %ge3A_626 : vector<16xi32>
      %all_reduce_population_count3A_628 = tpu.all_reduce %ge3A_627 {dim = 0 : i64, kind = #tpu.reduction_kind<sum>} : vector<16xi1> -> vector<16xi32>
      %reduce_max3A_629 = arith.constant true
      %reduce_max3A_630 = vector.broadcast %reduce_max3A_629 : i1 to vector<16xi1>
      %reduce_max3A_631 = arith.constant -2147483648 : i32
      %reduce_max3A_632 = vector.broadcast %reduce_max3A_631 : i32 to vector<16xi32>
      %reduce_max3A_633 = arith.xori %all_reduce_population_count3A_628, %reduce_max3A_632 : vector<16xi32>
      %reduce_max3A_634 = tpu.scan <max>, %reduce_max3A_633 masked %reduce_max3A_630 : vector<16xi32>, vector<16xi1> -> vector<16xi32>
      %reduce_max3A_635 = arith.xori %reduce_max3A_634, %reduce_max3A_632 : vector<16xi32>
      %reduce_max3A_636 = vector.extract %reduce_max3A_635[15] : i32 from vector<16xi32>
      %add3A_637 = arith.addi %add3A_559, %reduce_max3A_636 : i32
      %reduce_max3A_638 = arith.constant true
      %reduce_max3A_639 = vector.broadcast %reduce_max3A_638 : i1 to vector<16xi1>
      %reduce_max3A_640 = arith.constant -2147483648 : i32
      %reduce_max3A_641 = vector.broadcast %reduce_max3A_640 : i32 to vector<16xi32>
      %reduce_max3A_642 = arith.xori %add3A_622, %reduce_max3A_641 : vector<16xi32>
      %reduce_max3A_643 = tpu.scan <max>, %reduce_max3A_642 masked %reduce_max3A_639 : vector<16xi32>, vector<16xi1> -> vector<16xi32>
      %reduce_max3A_644 = arith.xori %reduce_max3A_643, %reduce_max3A_641 : vector<16xi32>
      %reduce_max3A_645 = vector.extract %reduce_max3A_644[15] : i32 from vector<16xi32>
      %broadcast_in_dim3A_646 = arith.constant 0 : i32
      %broadcast_in_dim3A_647 = vector.broadcast %broadcast_in_dim3A_646 : i32 to vector<16xi32>
      %get3A_648 = arith.constant 96 : index
      %get3A_649 = tpu.vector_load %arg11[%get3A_648] {strides = array<i32>} : memref<4096xi32, #tpu.memory_space<vmem>>, vector<16xi32>,
      %add3A_650 = arith.addi %broadcast_in_dim3A_647, %get3A_649 : vector<16xi32>
      %get3A_651 = arith.constant 352 : index
      %get3A_652 = tpu.vector_load %arg11[%get3A_651] {strides = array<i32>} : memref<4096xi32, #tpu.memory_space<vmem>>, vector<16xi32>,
      %add3A_653 = arith.addi %add3A_650, %get3A_652 : vector<16xi32>
      %get3A_654 = arith.constant 608 : index
      %get3A_655 = tpu.vector_load %arg11[%get3A_654] {strides = array<i32>} : memref<4096xi32, #tpu.memory_space<vmem>>, vector<16xi32>,
      %add3A_656 = arith.addi %add3A_653, %get3A_655 : vector<16xi32>
      %get3A_657 = arith.constant 864 : index
      %get3A_658 = tpu.vector_load %arg11[%get3A_657] {strides = array<i32>} : memref<4096xi32, #tpu.memory_space<vmem>>, vector<16xi32>,
      %add3A_659 = arith.addi %add3A_656, %get3A_658 : vector<16xi32>
      %get3A_660 = arith.constant 1120 : index
      %get3A_661 = tpu.vector_load %arg11[%get3A_660] {strides = array<i32>} : memref<4096xi32, #tpu.memory_space<vmem>>, vector<16xi32>,
      %add3A_662 = arith.addi %add3A_659, %get3A_661 : vector<16xi32>
      %get3A_663 = arith.constant 1376 : index
      %get3A_664 = tpu.vector_load %arg11[%get3A_663] {strides = array<i32>} : memref<4096xi32, #tpu.memory_space<vmem>>, vector<16xi32>,
      %add3A_665 = arith.addi %add3A_662, %get3A_664 : vector<16xi32>
      %get3A_666 = arith.constant 1632 : index
      %get3A_667 = tpu.vector_load %arg11[%get3A_666] {strides = array<i32>} : memref<4096xi32, #tpu.memory_space<vmem>>, vector<16xi32>,
      %add3A_668 = arith.addi %add3A_665, %get3A_667 : vector<16xi32>
      %get3A_669 = arith.constant 1888 : index
      %get3A_670 = tpu.vector_load %arg11[%get3A_669] {strides = array<i32>} : memref<4096xi32, #tpu.memory_space<vmem>>, vector<16xi32>,
      %add3A_671 = arith.addi %add3A_668, %get3A_670 : vector<16xi32>
      %get3A_672 = arith.constant 2144 : index
      %get3A_673 = tpu.vector_load %arg11[%get3A_672] {strides = array<i32>} : memref<4096xi32, #tpu.memory_space<vmem>>, vector<16xi32>,
      %add3A_674 = arith.addi %add3A_671, %get3A_673 : vector<16xi32>
      %get3A_675 = arith.constant 2400 : index
      %get3A_676 = tpu.vector_load %arg11[%get3A_675] {strides = array<i32>} : memref<4096xi32, #tpu.memory_space<vmem>>, vector<16xi32>,
      %add3A_677 = arith.addi %add3A_674, %get3A_676 : vector<16xi32>
      %get3A_678 = arith.constant 2656 : index
      %get3A_679 = tpu.vector_load %arg11[%get3A_678] {strides = array<i32>} : memref<4096xi32, #tpu.memory_space<vmem>>, vector<16xi32>,
      %add3A_680 = arith.addi %add3A_677, %get3A_679 : vector<16xi32>
      %get3A_681 = arith.constant 2912 : index
      %get3A_682 = tpu.vector_load %arg11[%get3A_681] {strides = array<i32>} : memref<4096xi32, #tpu.memory_space<vmem>>, vector<16xi32>,
      %add3A_683 = arith.addi %add3A_680, %get3A_682 : vector<16xi32>
      %get3A_684 = arith.constant 3168 : index
      %get3A_685 = tpu.vector_load %arg11[%get3A_684] {strides = array<i32>} : memref<4096xi32, #tpu.memory_space<vmem>>, vector<16xi32>,
      %add3A_686 = arith.addi %add3A_683, %get3A_685 : vector<16xi32>
      %get3A_687 = arith.constant 3424 : index
      %get3A_688 = tpu.vector_load %arg11[%get3A_687] {strides = array<i32>} : memref<4096xi32, #tpu.memory_space<vmem>>, vector<16xi32>,
      %add3A_689 = arith.addi %add3A_686, %get3A_688 : vector<16xi32>
      %get3A_690 = arith.constant 3680 : index
      %get3A_691 = tpu.vector_load %arg11[%get3A_690] {strides = array<i32>} : memref<4096xi32, #tpu.memory_space<vmem>>, vector<16xi32>,
      %add3A_692 = arith.addi %add3A_689, %get3A_691 : vector<16xi32>
      %get3A_693 = arith.constant 3936 : index
      %get3A_694 = tpu.vector_load %arg11[%get3A_693] {strides = array<i32>} : memref<4096xi32, #tpu.memory_space<vmem>>, vector<16xi32>,
      %add3A_695 = arith.addi %add3A_692, %get3A_694 : vector<16xi32>
      %broadcast_in_dim3A_696 = arith.constant true
      %broadcast_in_dim3A_697 = vector.broadcast %broadcast_in_dim3A_696 : i1 to vector<16xi1>
      %masked_cumsum3A_698 = tpu.scan <sum>, %add3A_695 masked %broadcast_in_dim3A_697 : vector<16xi32>, vector<16xi1> -> vector<16xi32>
      %add3A_699 = vector.broadcast %reduce_max3A_645 : i32 to vector<16xi32>
      %add3A_700 = arith.addi %masked_cumsum3A_698, %add3A_699 : vector<16xi32>
      %swap3A_701 = arith.constant 96 : index
      %swap3A_702 = tpu.vector_load %arg12[%swap3A_701] {strides = array<i32>} : memref<256xi32, #tpu.memory_space<vmem>>, vector<16xi32>,
      tpu.vector_store %arg12[%swap3A_701], %add3A_700 {strides = array<i32>} : memref<256xi32, #tpu.memory_space<vmem>>, vector<16xi32>,
      %ge3A_703 = arith.constant 2048 : i32
      %ge3A_704 = vector.broadcast %ge3A_703 : i32 to vector<16xi32>
      %ge3A_705 = arith.cmpi sge, %add3A_700, %ge3A_704 : vector<16xi32>
      %all_reduce_population_count3A_706 = tpu.all_reduce %ge3A_705 {dim = 0 : i64, kind = #tpu.reduction_kind<sum>} : vector<16xi1> -> vector<16xi32>
      %reduce_max3A_707 = arith.constant true
      %reduce_max3A_708 = vector.broadcast %reduce_max3A_707 : i1 to vector<16xi1>
      %reduce_max3A_709 = arith.constant -2147483648 : i32
      %reduce_max3A_710 = vector.broadcast %reduce_max3A_709 : i32 to vector<16xi32>
      %reduce_max3A_711 = arith.xori %all_reduce_population_count3A_706, %reduce_max3A_710 : vector<16xi32>
      %reduce_max3A_712 = tpu.scan <max>, %reduce_max3A_711 masked %reduce_max3A_708 : vector<16xi32>, vector<16xi1> -> vector<16xi32>
      %reduce_max3A_713 = arith.xori %reduce_max3A_712, %reduce_max3A_710 : vector<16xi32>
      %reduce_max3A_714 = vector.extract %reduce_max3A_713[15] : i32 from vector<16xi32>
      %add3A_715 = arith.addi %add3A_637, %reduce_max3A_714 : i32
      %reduce_max3A_716 = arith.constant true
      %reduce_max3A_717 = vector.broadcast %reduce_max3A_716 : i1 to vector<16xi1>
      %reduce_max3A_718 = arith.constant -2147483648 : i32
      %reduce_max3A_719 = vector.broadcast %reduce_max3A_718 : i32 to vector<16xi32>
      %reduce_max3A_720 = arith.xori %add3A_700, %reduce_max3A_719 : vector<16xi32>
      %reduce_max3A_721 = tpu.scan <max>, %reduce_max3A_720 masked %reduce_max3A_717 : vector<16xi32>, vector<16xi1> -> vector<16xi32>
      %reduce_max3A_722 = arith.xori %reduce_max3A_721, %reduce_max3A_719 : vector<16xi32>
      %reduce_max3A_723 = vector.extract %reduce_max3A_722[15] : i32 from vector<16xi32>
      %broadcast_in_dim3A_724 = arith.constant 0 : i32
      %broadcast_in_dim3A_725 = vector.broadcast %broadcast_in_dim3A_724 : i32 to vector<16xi32>
      %get3A_726 = arith.constant 112 : index
      %get3A_727 = tpu.vector_load %arg11[%get3A_726] {strides = array<i32>} : memref<4096xi32, #tpu.memory_space<vmem>>, vector<16xi32>,
      %add3A_728 = arith.addi %broadcast_in_dim3A_725, %get3A_727 : vector<16xi32>
      %get3A_729 = arith.constant 368 : index
      %get3A_730 = tpu.vector_load %arg11[%get3A_729] {strides = array<i32>} : memref<4096xi32, #tpu.memory_space<vmem>>, vector<16xi32>,
      %add3A_731 = arith.addi %add3A_728, %get3A_730 : vector<16xi32>
      %get3A_732 = arith.constant 624 : index
      %get3A_733 = tpu.vector_load %arg11[%get3A_732] {strides = array<i32>} : memref<4096xi32, #tpu.memory_space<vmem>>, vector<16xi32>,
      %add3A_734 = arith.addi %add3A_731, %get3A_733 : vector<16xi32>
      %get3A_735 = arith.constant 880 : index
      %get3A_736 = tpu.vector_load %arg11[%get3A_735] {strides = array<i32>} : memref<4096xi32, #tpu.memory_space<vmem>>, vector<16xi32>,
      %add3A_737 = arith.addi %add3A_734, %get3A_736 : vector<16xi32>
      %get3A_738 = arith.constant 1136 : index
      %get3A_739 = tpu.vector_load %arg11[%get3A_738] {strides = array<i32>} : memref<4096xi32, #tpu.memory_space<vmem>>, vector<16xi32>,
      %add3A_740 = arith.addi %add3A_737, %get3A_739 : vector<16xi32>
      %get3A_741 = arith.constant 1392 : index
      %get3A_742 = tpu.vector_load %arg11[%get3A_741] {strides = array<i32>} : memref<4096xi32, #tpu.memory_space<vmem>>, vector<16xi32>,
      %add3A_743 = arith.addi %add3A_740, %get3A_742 : vector<16xi32>
      %get3A_744 = arith.constant 1648 : index
      %get3A_745 = tpu.vector_load %arg11[%get3A_744] {strides = array<i32>} : memref<4096xi32, #tpu.memory_space<vmem>>, vector<16xi32>,
      %add3A_746 = arith.addi %add3A_743, %get3A_745 : vector<16xi32>
      %get3A_747 = arith.constant 1904 : index
      %get3A_748 = tpu.vector_load %arg11[%get3A_747] {strides = array<i32>} : memref<4096xi32, #tpu.memory_space<vmem>>, vector<16xi32>,
      %add3A_749 = arith.addi %add3A_746, %get3A_748 : vector<16xi32>
      %get3A_750 = arith.constant 2160 : index
      %get3A_751 = tpu.vector_load %arg11[%get3A_750] {strides = array<i32>} : memref<4096xi32, #tpu.memory_space<vmem>>, vector<16xi32>,
      %add3A_752 = arith.addi %add3A_749, %get3A_751 : vector<16xi32>
      %get3A_753 = arith.constant 2416 : index
      %get3A_754 = tpu.vector_load %arg11[%get3A_753] {strides = array<i32>} : memref<4096xi32, #tpu.memory_space<vmem>>, vector<16xi32>,
      %add3A_755 = arith.addi %add3A_752, %get3A_754 : vector<16xi32>
      %get3A_756 = arith.constant 2672 : index
      %get3A_757 = tpu.vector_load %arg11[%get3A_756] {strides = array<i32>} : memref<4096xi32, #tpu.memory_space<vmem>>, vector<16xi32>,
      %add3A_758 = arith.addi %add3A_755, %get3A_757 : vector<16xi32>
      %get3A_759 = arith.constant 2928 : index
      %get3A_760 = tpu.vector_load %arg11[%get3A_759] {strides = array<i32>} : memref<4096xi32, #tpu.memory_space<vmem>>, vector<16xi32>,
      %add3A_761 = arith.addi %add3A_758, %get3A_760 : vector<16xi32>
      %get3A_762 = arith.constant 3184 : index
      %get3A_763 = tpu.vector_load %arg11[%get3A_762] {strides = array<i32>} : memref<4096xi32, #tpu.memory_space<vmem>>, vector<16xi32>,
      %add3A_764 = arith.addi %add3A_761, %get3A_763 : vector<16xi32>
      %get3A_765 = arith.constant 3440 : index
      %get3A_766 = tpu.vector_load %arg11[%get3A_765] {strides = array<i32>} : memref<4096xi32, #tpu.memory_space<vmem>>, vector<16xi32>,
      %add3A_767 = arith.addi %add3A_764, %get3A_766 : vector<16xi32>
      %get3A_768 = arith.constant 3696 : index
      %get3A_769 = tpu.vector_load %arg11[%get3A_768] {strides = array<i32>} : memref<4096xi32, #tpu.memory_space<vmem>>, vector<16xi32>,
      %add3A_770 = arith.addi %add3A_767, %get3A_769 : vector<16xi32>
      %get3A_771 = arith.constant 3952 : index
      %get3A_772 = tpu.vector_load %arg11[%get3A_771] {strides = array<i32>} : memref<4096xi32, #tpu.memory_space<vmem>>, vector<16xi32>,
      %add3A_773 = arith.addi %add3A_770, %get3A_772 : vector<16xi32>
      %broadcast_in_dim3A_774 = arith.constant true
      %broadcast_in_dim3A_775 = vector.broadcast %broadcast_in_dim3A_774 : i1 to vector<16xi1>
      %masked_cumsum3A_776 = tpu.scan <sum>, %add3A_773 masked %broadcast_in_dim3A_775 : vector<16xi32>, vector<16xi1> -> vector<16xi32>
      %add3A_777 = vector.broadcast %reduce_max3A_723 : i32 to vector<16xi32>
      %add3A_778 = arith.addi %masked_cumsum3A_776, %add3A_777 : vector<16xi32>
      %swap3A_779 = arith.constant 112 : index
      %swap3A_780 = tpu.vector_load %arg12[%swap3A_779] {strides = array<i32>} : memref<256xi32, #tpu.memory_space<vmem>>, vector<16xi32>,
      tpu.vector_store %arg12[%swap3A_779], %add3A_778 {strides = array<i32>} : memref<256xi32, #tpu.memory_space<vmem>>, vector<16xi32>,
      %ge3A_781 = arith.constant 2048 : i32
      %ge3A_782 = vector.broadcast %ge3A_781 : i32 to vector<16xi32>
      %ge3A_783 = arith.cmpi sge, %add3A_778, %ge3A_782 : vector<16xi32>
      %all_reduce_population_count3A_784 = tpu.all_reduce %ge3A_783 {dim = 0 : i64, kind = #tpu.reduction_kind<sum>} : vector<16xi1> -> vector<16xi32>
      %reduce_max3A_785 = arith.constant true
      %reduce_max3A_786 = vector.broadcast %reduce_max3A_785 : i1 to vector<16xi1>
      %reduce_max3A_787 = arith.constant -2147483648 : i32
      %reduce_max3A_788 = vector.broadcast %reduce_max3A_787 : i32 to vector<16xi32>
      %reduce_max3A_789 = arith.xori %all_reduce_population_count3A_784, %reduce_max3A_788 : vector<16xi32>
      %reduce_max3A_790 = tpu.scan <max>, %reduce_max3A_789 masked %reduce_max3A_786 : vector<16xi32>, vector<16xi1> -> vector<16xi32>
      %reduce_max3A_791 = arith.xori %reduce_max3A_790, %reduce_max3A_788 : vector<16xi32>
      %reduce_max3A_792 = vector.extract %reduce_max3A_791[15] : i32 from vector<16xi32>
      %add3A_793 = arith.addi %add3A_715, %reduce_max3A_792 : i32
      %reduce_max3A_794 = arith.constant true
      %reduce_max3A_795 = vector.broadcast %reduce_max3A_794 : i1 to vector<16xi1>
      %reduce_max3A_796 = arith.constant -2147483648 : i32
      %reduce_max3A_797 = vector.broadcast %reduce_max3A_796 : i32 to vector<16xi32>
      %reduce_max3A_798 = arith.xori %add3A_778, %reduce_max3A_797 : vector<16xi32>
      %reduce_max3A_799 = tpu.scan <max>, %reduce_max3A_798 masked %reduce_max3A_795 : vector<16xi32>, vector<16xi1> -> vector<16xi32>
      %reduce_max3A_800 = arith.xori %reduce_max3A_799, %reduce_max3A_797 : vector<16xi32>
      %reduce_max3A_801 = vector.extract %reduce_max3A_800[15] : i32 from vector<16xi32>
      %broadcast_in_dim3A_802 = arith.constant 0 : i32
      %broadcast_in_dim3A_803 = vector.broadcast %broadcast_in_dim3A_802 : i32 to vector<16xi32>
      %get3A_804 = arith.constant 128 : index
      %get3A_805 = tpu.vector_load %arg11[%get3A_804] {strides = array<i32>} : memref<4096xi32, #tpu.memory_space<vmem>>, vector<16xi32>,
      %add3A_806 = arith.addi %broadcast_in_dim3A_803, %get3A_805 : vector<16xi32>
      %get3A_807 = arith.constant 384 : index
      %get3A_808 = tpu.vector_load %arg11[%get3A_807] {strides = array<i32>} : memref<4096xi32, #tpu.memory_space<vmem>>, vector<16xi32>,
      %add3A_809 = arith.addi %add3A_806, %get3A_808 : vector<16xi32>
      %get3A_810 = arith.constant 640 : index
      %get3A_811 = tpu.vector_load %arg11[%get3A_810] {strides = array<i32>} : memref<4096xi32, #tpu.memory_space<vmem>>, vector<16xi32>,
      %add3A_812 = arith.addi %add3A_809, %get3A_811 : vector<16xi32>
      %get3A_813 = arith.constant 896 : index
      %get3A_814 = tpu.vector_load %arg11[%get3A_813] {strides = array<i32>} : memref<4096xi32, #tpu.memory_space<vmem>>, vector<16xi32>,
      %add3A_815 = arith.addi %add3A_812, %get3A_814 : vector<16xi32>
      %get3A_816 = arith.constant 1152 : index
      %get3A_817 = tpu.vector_load %arg11[%get3A_816] {strides = array<i32>} : memref<4096xi32, #tpu.memory_space<vmem>>, vector<16xi32>,
      %add3A_818 = arith.addi %add3A_815, %get3A_817 : vector<16xi32>
      %get3A_819 = arith.constant 1408 : index
      %get3A_820 = tpu.vector_load %arg11[%get3A_819] {strides = array<i32>} : memref<4096xi32, #tpu.memory_space<vmem>>, vector<16xi32>,
      %add3A_821 = arith.addi %add3A_818, %get3A_820 : vector<16xi32>
      %get3A_822 = arith.constant 1664 : index
      %get3A_823 = tpu.vector_load %arg11[%get3A_822] {strides = array<i32>} : memref<4096xi32, #tpu.memory_space<vmem>>, vector<16xi32>,
      %add3A_824 = arith.addi %add3A_821, %get3A_823 : vector<16xi32>
      %get3A_825 = arith.constant 1920 : index
      %get3A_826 = tpu.vector_load %arg11[%get3A_825] {strides = array<i32>} : memref<4096xi32, #tpu.memory_space<vmem>>, vector<16xi32>,
      %add3A_827 = arith.addi %add3A_824, %get3A_826 : vector<16xi32>
      %get3A_828 = arith.constant 2176 : index
      %get3A_829 = tpu.vector_load %arg11[%get3A_828] {strides = array<i32>} : memref<4096xi32, #tpu.memory_space<vmem>>, vector<16xi32>,
      %add3A_830 = arith.addi %add3A_827, %get3A_829 : vector<16xi32>
      %get3A_831 = arith.constant 2432 : index
      %get3A_832 = tpu.vector_load %arg11[%get3A_831] {strides = array<i32>} : memref<4096xi32, #tpu.memory_space<vmem>>, vector<16xi32>,
      %add3A_833 = arith.addi %add3A_830, %get3A_832 : vector<16xi32>
      %get3A_834 = arith.constant 2688 : index
      %get3A_835 = tpu.vector_load %arg11[%get3A_834] {strides = array<i32>} : memref<4096xi32, #tpu.memory_space<vmem>>, vector<16xi32>,
      %add3A_836 = arith.addi %add3A_833, %get3A_835 : vector<16xi32>
      %get3A_837 = arith.constant 2944 : index
      %get3A_838 = tpu.vector_load %arg11[%get3A_837] {strides = array<i32>} : memref<4096xi32, #tpu.memory_space<vmem>>, vector<16xi32>,
      %add3A_839 = arith.addi %add3A_836, %get3A_838 : vector<16xi32>
      %get3A_840 = arith.constant 3200 : index
      %get3A_841 = tpu.vector_load %arg11[%get3A_840] {strides = array<i32>} : memref<4096xi32, #tpu.memory_space<vmem>>, vector<16xi32>,
      %add3A_842 = arith.addi %add3A_839, %get3A_841 : vector<16xi32>
      %get3A_843 = arith.constant 3456 : index
      %get3A_844 = tpu.vector_load %arg11[%get3A_843] {strides = array<i32>} : memref<4096xi32, #tpu.memory_space<vmem>>, vector<16xi32>,
      %add3A_845 = arith.addi %add3A_842, %get3A_844 : vector<16xi32>
      %get3A_846 = arith.constant 3712 : index
      %get3A_847 = tpu.vector_load %arg11[%get3A_846] {strides = array<i32>} : memref<4096xi32, #tpu.memory_space<vmem>>, vector<16xi32>,
      %add3A_848 = arith.addi %add3A_845, %get3A_847 : vector<16xi32>
      %get3A_849 = arith.constant 3968 : index
      %get3A_850 = tpu.vector_load %arg11[%get3A_849] {strides = array<i32>} : memref<4096xi32, #tpu.memory_space<vmem>>, vector<16xi32>,
      %add3A_851 = arith.addi %add3A_848, %get3A_850 : vector<16xi32>
      %broadcast_in_dim3A_852 = arith.constant true
      %broadcast_in_dim3A_853 = vector.broadcast %broadcast_in_dim3A_852 : i1 to vector<16xi1>
      %masked_cumsum3A_854 = tpu.scan <sum>, %add3A_851 masked %broadcast_in_dim3A_853 : vector<16xi32>, vector<16xi1> -> vector<16xi32>
      %add3A_855 = vector.broadcast %reduce_max3A_801 : i32 to vector<16xi32>
      %add3A_856 = arith.addi %masked_cumsum3A_854, %add3A_855 : vector<16xi32>
      %swap3A_857 = arith.constant 128 : index
      %swap3A_858 = tpu.vector_load %arg12[%swap3A_857] {strides = array<i32>} : memref<256xi32, #tpu.memory_space<vmem>>, vector<16xi32>,
      tpu.vector_store %arg12[%swap3A_857], %add3A_856 {strides = array<i32>} : memref<256xi32, #tpu.memory_space<vmem>>, vector<16xi32>,
      %ge3A_859 = arith.constant 2048 : i32
      %ge3A_860 = vector.broadcast %ge3A_859 : i32 to vector<16xi32>
      %ge3A_861 = arith.cmpi sge, %add3A_856, %ge3A_860 : vector<16xi32>
      %all_reduce_population_count3A_862 = tpu.all_reduce %ge3A_861 {dim = 0 : i64, kind = #tpu.reduction_kind<sum>} : vector<16xi1> -> vector<16xi32>
      %reduce_max3A_863 = arith.constant true
      %reduce_max3A_864 = vector.broadcast %reduce_max3A_863 : i1 to vector<16xi1>
      %reduce_max3A_865 = arith.constant -2147483648 : i32
      %reduce_max3A_866 = vector.broadcast %reduce_max3A_865 : i32 to vector<16xi32>
      %reduce_max3A_867 = arith.xori %all_reduce_population_count3A_862, %reduce_max3A_866 : vector<16xi32>
      %reduce_max3A_868 = tpu.scan <max>, %reduce_max3A_867 masked %reduce_max3A_864 : vector<16xi32>, vector<16xi1> -> vector<16xi32>
      %reduce_max3A_869 = arith.xori %reduce_max3A_868, %reduce_max3A_866 : vector<16xi32>
      %reduce_max3A_870 = vector.extract %reduce_max3A_869[15] : i32 from vector<16xi32>
      %add3A_871 = arith.addi %add3A_793, %reduce_max3A_870 : i32
      %reduce_max3A_872 = arith.constant true
      %reduce_max3A_873 = vector.broadcast %reduce_max3A_872 : i1 to vector<16xi1>
      %reduce_max3A_874 = arith.constant -2147483648 : i32
      %reduce_max3A_875 = vector.broadcast %reduce_max3A_874 : i32 to vector<16xi32>
      %reduce_max3A_876 = arith.xori %add3A_856, %reduce_max3A_875 : vector<16xi32>
      %reduce_max3A_877 = tpu.scan <max>, %reduce_max3A_876 masked %reduce_max3A_873 : vector<16xi32>, vector<16xi1> -> vector<16xi32>
      %reduce_max3A_878 = arith.xori %reduce_max3A_877, %reduce_max3A_875 : vector<16xi32>
      %reduce_max3A_879 = vector.extract %reduce_max3A_878[15] : i32 from vector<16xi32>
      %broadcast_in_dim3A_880 = arith.constant 0 : i32
      %broadcast_in_dim3A_881 = vector.broadcast %broadcast_in_dim3A_880 : i32 to vector<16xi32>
      %get3A_882 = arith.constant 144 : index
      %get3A_883 = tpu.vector_load %arg11[%get3A_882] {strides = array<i32>} : memref<4096xi32, #tpu.memory_space<vmem>>, vector<16xi32>,
      %add3A_884 = arith.addi %broadcast_in_dim3A_881, %get3A_883 : vector<16xi32>
      %get3A_885 = arith.constant 400 : index
      %get3A_886 = tpu.vector_load %arg11[%get3A_885] {strides = array<i32>} : memref<4096xi32, #tpu.memory_space<vmem>>, vector<16xi32>,
      %add3A_887 = arith.addi %add3A_884, %get3A_886 : vector<16xi32>
      %get3A_888 = arith.constant 656 : index
      %get3A_889 = tpu.vector_load %arg11[%get3A_888] {strides = array<i32>} : memref<4096xi32, #tpu.memory_space<vmem>>, vector<16xi32>,
      %add3A_890 = arith.addi %add3A_887, %get3A_889 : vector<16xi32>
      %get3A_891 = arith.constant 912 : index
      %get3A_892 = tpu.vector_load %arg11[%get3A_891] {strides = array<i32>} : memref<4096xi32, #tpu.memory_space<vmem>>, vector<16xi32>,
      %add3A_893 = arith.addi %add3A_890, %get3A_892 : vector<16xi32>
      %get3A_894 = arith.constant 1168 : index
      %get3A_895 = tpu.vector_load %arg11[%get3A_894] {strides = array<i32>} : memref<4096xi32, #tpu.memory_space<vmem>>, vector<16xi32>,
      %add3A_896 = arith.addi %add3A_893, %get3A_895 : vector<16xi32>
      %get3A_897 = arith.constant 1424 : index
      %get3A_898 = tpu.vector_load %arg11[%get3A_897] {strides = array<i32>} : memref<4096xi32, #tpu.memory_space<vmem>>, vector<16xi32>,
      %add3A_899 = arith.addi %add3A_896, %get3A_898 : vector<16xi32>
      %get3A_900 = arith.constant 1680 : index
      %get3A_901 = tpu.vector_load %arg11[%get3A_900] {strides = array<i32>} : memref<4096xi32, #tpu.memory_space<vmem>>, vector<16xi32>,
      %add3A_902 = arith.addi %add3A_899, %get3A_901 : vector<16xi32>
      %get3A_903 = arith.constant 1936 : index
      %get3A_904 = tpu.vector_load %arg11[%get3A_903] {strides = array<i32>} : memref<4096xi32, #tpu.memory_space<vmem>>, vector<16xi32>,
      %add3A_905 = arith.addi %add3A_902, %get3A_904 : vector<16xi32>
      %get3A_906 = arith.constant 2192 : index
      %get3A_907 = tpu.vector_load %arg11[%get3A_906] {strides = array<i32>} : memref<4096xi32, #tpu.memory_space<vmem>>, vector<16xi32>,
      %add3A_908 = arith.addi %add3A_905, %get3A_907 : vector<16xi32>
      %get3A_909 = arith.constant 2448 : index
      %get3A_910 = tpu.vector_load %arg11[%get3A_909] {strides = array<i32>} : memref<4096xi32, #tpu.memory_space<vmem>>, vector<16xi32>,
      %add3A_911 = arith.addi %add3A_908, %get3A_910 : vector<16xi32>
      %get3A_912 = arith.constant 2704 : index
      %get3A_913 = tpu.vector_load %arg11[%get3A_912] {strides = array<i32>} : memref<4096xi32, #tpu.memory_space<vmem>>, vector<16xi32>,
      %add3A_914 = arith.addi %add3A_911, %get3A_913 : vector<16xi32>
      %get3A_915 = arith.constant 2960 : index
      %get3A_916 = tpu.vector_load %arg11[%get3A_915] {strides = array<i32>} : memref<4096xi32, #tpu.memory_space<vmem>>, vector<16xi32>,
      %add3A_917 = arith.addi %add3A_914, %get3A_916 : vector<16xi32>
      %get3A_918 = arith.constant 3216 : index
      %get3A_919 = tpu.vector_load %arg11[%get3A_918] {strides = array<i32>} : memref<4096xi32, #tpu.memory_space<vmem>>, vector<16xi32>,
      %add3A_920 = arith.addi %add3A_917, %get3A_919 : vector<16xi32>
      %get3A_921 = arith.constant 3472 : index
      %get3A_922 = tpu.vector_load %arg11[%get3A_921] {strides = array<i32>} : memref<4096xi32, #tpu.memory_space<vmem>>, vector<16xi32>,
      %add3A_923 = arith.addi %add3A_920, %get3A_922 : vector<16xi32>
      %get3A_924 = arith.constant 3728 : index
      %get3A_925 = tpu.vector_load %arg11[%get3A_924] {strides = array<i32>} : memref<4096xi32, #tpu.memory_space<vmem>>, vector<16xi32>,
      %add3A_926 = arith.addi %add3A_923, %get3A_925 : vector<16xi32>
      %get3A_927 = arith.constant 3984 : index
      %get3A_928 = tpu.vector_load %arg11[%get3A_927] {strides = array<i32>} : memref<4096xi32, #tpu.memory_space<vmem>>, vector<16xi32>,
      %add3A_929 = arith.addi %add3A_926, %get3A_928 : vector<16xi32>
      %broadcast_in_dim3A_930 = arith.constant true
      %broadcast_in_dim3A_931 = vector.broadcast %broadcast_in_dim3A_930 : i1 to vector<16xi1>
      %masked_cumsum3A_932 = tpu.scan <sum>, %add3A_929 masked %broadcast_in_dim3A_931 : vector<16xi32>, vector<16xi1> -> vector<16xi32>
      %add3A_933 = vector.broadcast %reduce_max3A_879 : i32 to vector<16xi32>
      %add3A_934 = arith.addi %masked_cumsum3A_932, %add3A_933 : vector<16xi32>
      %swap3A_935 = arith.constant 144 : index
      %swap3A_936 = tpu.vector_load %arg12[%swap3A_935] {strides = array<i32>} : memref<256xi32, #tpu.memory_space<vmem>>, vector<16xi32>,
      tpu.vector_store %arg12[%swap3A_935], %add3A_934 {strides = array<i32>} : memref<256xi32, #tpu.memory_space<vmem>>, vector<16xi32>,
      %ge3A_937 = arith.constant 2048 : i32
      %ge3A_938 = vector.broadcast %ge3A_937 : i32 to vector<16xi32>
      %ge3A_939 = arith.cmpi sge, %add3A_934, %ge3A_938 : vector<16xi32>
      %all_reduce_population_count3A_940 = tpu.all_reduce %ge3A_939 {dim = 0 : i64, kind = #tpu.reduction_kind<sum>} : vector<16xi1> -> vector<16xi32>
      %reduce_max3A_941 = arith.constant true
      %reduce_max3A_942 = vector.broadcast %reduce_max3A_941 : i1 to vector<16xi1>
      %reduce_max3A_943 = arith.constant -2147483648 : i32
      %reduce_max3A_944 = vector.broadcast %reduce_max3A_943 : i32 to vector<16xi32>
      %reduce_max3A_945 = arith.xori %all_reduce_population_count3A_940, %reduce_max3A_944 : vector<16xi32>
      %reduce_max3A_946 = tpu.scan <max>, %reduce_max3A_945 masked %reduce_max3A_942 : vector<16xi32>, vector<16xi1> -> vector<16xi32>
      %reduce_max3A_947 = arith.xori %reduce_max3A_946, %reduce_max3A_944 : vector<16xi32>
      %reduce_max3A_948 = vector.extract %reduce_max3A_947[15] : i32 from vector<16xi32>
      %add3A_949 = arith.addi %add3A_871, %reduce_max3A_948 : i32
      %reduce_max3A_950 = arith.constant true
      %reduce_max3A_951 = vector.broadcast %reduce_max3A_950 : i1 to vector<16xi1>
      %reduce_max3A_952 = arith.constant -2147483648 : i32
      %reduce_max3A_953 = vector.broadcast %reduce_max3A_952 : i32 to vector<16xi32>
      %reduce_max3A_954 = arith.xori %add3A_934, %reduce_max3A_953 : vector<16xi32>
      %reduce_max3A_955 = tpu.scan <max>, %reduce_max3A_954 masked %reduce_max3A_951 : vector<16xi32>, vector<16xi1> -> vector<16xi32>
      %reduce_max3A_956 = arith.xori %reduce_max3A_955, %reduce_max3A_953 : vector<16xi32>
      %reduce_max3A_957 = vector.extract %reduce_max3A_956[15] : i32 from vector<16xi32>
      %broadcast_in_dim3A_958 = arith.constant 0 : i32
      %broadcast_in_dim3A_959 = vector.broadcast %broadcast_in_dim3A_958 : i32 to vector<16xi32>
      %get3A_960 = arith.constant 160 : index
      %get3A_961 = tpu.vector_load %arg11[%get3A_960] {strides = array<i32>} : memref<4096xi32, #tpu.memory_space<vmem>>, vector<16xi32>,
      %add3A_962 = arith.addi %broadcast_in_dim3A_959, %get3A_961 : vector<16xi32>
      %get3A_963 = arith.constant 416 : index
      %get3A_964 = tpu.vector_load %arg11[%get3A_963] {strides = array<i32>} : memref<4096xi32, #tpu.memory_space<vmem>>, vector<16xi32>,
      %add3A_965 = arith.addi %add3A_962, %get3A_964 : vector<16xi32>
      %get3A_966 = arith.constant 672 : index
      %get3A_967 = tpu.vector_load %arg11[%get3A_966] {strides = array<i32>} : memref<4096xi32, #tpu.memory_space<vmem>>, vector<16xi32>,
      %add3A_968 = arith.addi %add3A_965, %get3A_967 : vector<16xi32>
      %get3A_969 = arith.constant 928 : index
      %get3A_970 = tpu.vector_load %arg11[%get3A_969] {strides = array<i32>} : memref<4096xi32, #tpu.memory_space<vmem>>, vector<16xi32>,
      %add3A_971 = arith.addi %add3A_968, %get3A_970 : vector<16xi32>
      %get3A_972 = arith.constant 1184 : index
      %get3A_973 = tpu.vector_load %arg11[%get3A_972] {strides = array<i32>} : memref<4096xi32, #tpu.memory_space<vmem>>, vector<16xi32>,
      %add3A_974 = arith.addi %add3A_971, %get3A_973 : vector<16xi32>
      %get3A_975 = arith.constant 1440 : index
      %get3A_976 = tpu.vector_load %arg11[%get3A_975] {strides = array<i32>} : memref<4096xi32, #tpu.memory_space<vmem>>, vector<16xi32>,
      %add3A_977 = arith.addi %add3A_974, %get3A_976 : vector<16xi32>
      %get3A_978 = arith.constant 1696 : index
      %get3A_979 = tpu.vector_load %arg11[%get3A_978] {strides = array<i32>} : memref<4096xi32, #tpu.memory_space<vmem>>, vector<16xi32>,
      %add3A_980 = arith.addi %add3A_977, %get3A_979 : vector<16xi32>
      %get3A_981 = arith.constant 1952 : index
      %get3A_982 = tpu.vector_load %arg11[%get3A_981] {strides = array<i32>} : memref<4096xi32, #tpu.memory_space<vmem>>, vector<16xi32>,
      %add3A_983 = arith.addi %add3A_980, %get3A_982 : vector<16xi32>
      %get3A_984 = arith.constant 2208 : index
      %get3A_985 = tpu.vector_load %arg11[%get3A_984] {strides = array<i32>} : memref<4096xi32, #tpu.memory_space<vmem>>, vector<16xi32>,
      %add3A_986 = arith.addi %add3A_983, %get3A_985 : vector<16xi32>
      %get3A_987 = arith.constant 2464 : index
      %get3A_988 = tpu.vector_load %arg11[%get3A_987] {strides = array<i32>} : memref<4096xi32, #tpu.memory_space<vmem>>, vector<16xi32>,
      %add3A_989 = arith.addi %add3A_986, %get3A_988 : vector<16xi32>
      %get3A_990 = arith.constant 2720 : index
      %get3A_991 = tpu.vector_load %arg11[%get3A_990] {strides = array<i32>} : memref<4096xi32, #tpu.memory_space<vmem>>, vector<16xi32>,
      %add3A_992 = arith.addi %add3A_989, %get3A_991 : vector<16xi32>
      %get3A_993 = arith.constant 2976 : index
      %get3A_994 = tpu.vector_load %arg11[%get3A_993] {strides = array<i32>} : memref<4096xi32, #tpu.memory_space<vmem>>, vector<16xi32>,
      %add3A_995 = arith.addi %add3A_992, %get3A_994 : vector<16xi32>
      %get3A_996 = arith.constant 3232 : index
      %get3A_997 = tpu.vector_load %arg11[%get3A_996] {strides = array<i32>} : memref<4096xi32, #tpu.memory_space<vmem>>, vector<16xi32>,
      %add3A_998 = arith.addi %add3A_995, %get3A_997 : vector<16xi32>
      %get3A_999 = arith.constant 3488 : index
      %get3A_1000 = tpu.vector_load %arg11[%get3A_999] {strides = array<i32>} : memref<4096xi32, #tpu.memory_space<vmem>>, vector<16xi32>,
      %add3A_1001 = arith.addi %add3A_998, %get3A_1000 : vector<16xi32>
      %get3A_1002 = arith.constant 3744 : index
      %get3A_1003 = tpu.vector_load %arg11[%get3A_1002] {strides = array<i32>} : memref<4096xi32, #tpu.memory_space<vmem>>, vector<16xi32>,
      %add3A_1004 = arith.addi %add3A_1001, %get3A_1003 : vector<16xi32>
      %get3A_1005 = arith.constant 4000 : index
      %get3A_1006 = tpu.vector_load %arg11[%get3A_1005] {strides = array<i32>} : memref<4096xi32, #tpu.memory_space<vmem>>, vector<16xi32>,
      %add3A_1007 = arith.addi %add3A_1004, %get3A_1006 : vector<16xi32>
      %broadcast_in_dim3A_1008 = arith.constant true
      %broadcast_in_dim3A_1009 = vector.broadcast %broadcast_in_dim3A_1008 : i1 to vector<16xi1>
      %masked_cumsum3A_1010 = tpu.scan <sum>, %add3A_1007 masked %broadcast_in_dim3A_1009 : vector<16xi32>, vector<16xi1> -> vector<16xi32>
      %add3A_1011 = vector.broadcast %reduce_max3A_957 : i32 to vector<16xi32>
      %add3A_1012 = arith.addi %masked_cumsum3A_1010, %add3A_1011 : vector<16xi32>
      %swap3A_1013 = arith.constant 160 : index
      %swap3A_1014 = tpu.vector_load %arg12[%swap3A_1013] {strides = array<i32>} : memref<256xi32, #tpu.memory_space<vmem>>, vector<16xi32>,
      tpu.vector_store %arg12[%swap3A_1013], %add3A_1012 {strides = array<i32>} : memref<256xi32, #tpu.memory_space<vmem>>, vector<16xi32>,
      %ge3A_1015 = arith.constant 2048 : i32
      %ge3A_1016 = vector.broadcast %ge3A_1015 : i32 to vector<16xi32>
      %ge3A_1017 = arith.cmpi sge, %add3A_1012, %ge3A_1016 : vector<16xi32>
      %all_reduce_population_count3A_1018 = tpu.all_reduce %ge3A_1017 {dim = 0 : i64, kind = #tpu.reduction_kind<sum>} : vector<16xi1> -> vector<16xi32>
      %reduce_max3A_1019 = arith.constant true
      %reduce_max3A_1020 = vector.broadcast %reduce_max3A_1019 : i1 to vector<16xi1>
      %reduce_max3A_1021 = arith.constant -2147483648 : i32
      %reduce_max3A_1022 = vector.broadcast %reduce_max3A_1021 : i32 to vector<16xi32>
      %reduce_max3A_1023 = arith.xori %all_reduce_population_count3A_1018, %reduce_max3A_1022 : vector<16xi32>
      %reduce_max3A_1024 = tpu.scan <max>, %reduce_max3A_1023 masked %reduce_max3A_1020 : vector<16xi32>, vector<16xi1> -> vector<16xi32>
      %reduce_max3A_1025 = arith.xori %reduce_max3A_1024, %reduce_max3A_1022 : vector<16xi32>
      %reduce_max3A_1026 = vector.extract %reduce_max3A_1025[15] : i32 from vector<16xi32>
      %add3A_1027 = arith.addi %add3A_949, %reduce_max3A_1026 : i32
      %reduce_max3A_1028 = arith.constant true
      %reduce_max3A_1029 = vector.broadcast %reduce_max3A_1028 : i1 to vector<16xi1>
      %reduce_max3A_1030 = arith.constant -2147483648 : i32
      %reduce_max3A_1031 = vector.broadcast %reduce_max3A_1030 : i32 to vector<16xi32>
      %reduce_max3A_1032 = arith.xori %add3A_1012, %reduce_max3A_1031 : vector<16xi32>
      %reduce_max3A_1033 = tpu.scan <max>, %reduce_max3A_1032 masked %reduce_max3A_1029 : vector<16xi32>, vector<16xi1> -> vector<16xi32>
      %reduce_max3A_1034 = arith.xori %reduce_max3A_1033, %reduce_max3A_1031 : vector<16xi32>
      %reduce_max3A_1035 = vector.extract %reduce_max3A_1034[15] : i32 from vector<16xi32>
      %broadcast_in_dim3A_1036 = arith.constant 0 : i32
      %broadcast_in_dim3A_1037 = vector.broadcast %broadcast_in_dim3A_1036 : i32 to vector<16xi32>
      %get3A_1038 = arith.constant 176 : index
      %get3A_1039 = tpu.vector_load %arg11[%get3A_1038] {strides = array<i32>} : memref<4096xi32, #tpu.memory_space<vmem>>, vector<16xi32>,
      %add3A_1040 = arith.addi %broadcast_in_dim3A_1037, %get3A_1039 : vector<16xi32>
      %get3A_1041 = arith.constant 432 : index
      %get3A_1042 = tpu.vector_load %arg11[%get3A_1041] {strides = array<i32>} : memref<4096xi32, #tpu.memory_space<vmem>>, vector<16xi32>,
      %add3A_1043 = arith.addi %add3A_1040, %get3A_1042 : vector<16xi32>
      %get3A_1044 = arith.constant 688 : index
      %get3A_1045 = tpu.vector_load %arg11[%get3A_1044] {strides = array<i32>} : memref<4096xi32, #tpu.memory_space<vmem>>, vector<16xi32>,
      %add3A_1046 = arith.addi %add3A_1043, %get3A_1045 : vector<16xi32>
      %get3A_1047 = arith.constant 944 : index
      %get3A_1048 = tpu.vector_load %arg11[%get3A_1047] {strides = array<i32>} : memref<4096xi32, #tpu.memory_space<vmem>>, vector<16xi32>,
      %add3A_1049 = arith.addi %add3A_1046, %get3A_1048 : vector<16xi32>
      %get3A_1050 = arith.constant 1200 : index
      %get3A_1051 = tpu.vector_load %arg11[%get3A_1050] {strides = array<i32>} : memref<4096xi32, #tpu.memory_space<vmem>>, vector<16xi32>,
      %add3A_1052 = arith.addi %add3A_1049, %get3A_1051 : vector<16xi32>
      %get3A_1053 = arith.constant 1456 : index
      %get3A_1054 = tpu.vector_load %arg11[%get3A_1053] {strides = array<i32>} : memref<4096xi32, #tpu.memory_space<vmem>>, vector<16xi32>,
      %add3A_1055 = arith.addi %add3A_1052, %get3A_1054 : vector<16xi32>
      %get3A_1056 = arith.constant 1712 : index
      %get3A_1057 = tpu.vector_load %arg11[%get3A_1056] {strides = array<i32>} : memref<4096xi32, #tpu.memory_space<vmem>>, vector<16xi32>,
      %add3A_1058 = arith.addi %add3A_1055, %get3A_1057 : vector<16xi32>
      %get3A_1059 = arith.constant 1968 : index
      %get3A_1060 = tpu.vector_load %arg11[%get3A_1059] {strides = array<i32>} : memref<4096xi32, #tpu.memory_space<vmem>>, vector<16xi32>,
      %add3A_1061 = arith.addi %add3A_1058, %get3A_1060 : vector<16xi32>
      %get3A_1062 = arith.constant 2224 : index
      %get3A_1063 = tpu.vector_load %arg11[%get3A_1062] {strides = array<i32>} : memref<4096xi32, #tpu.memory_space<vmem>>, vector<16xi32>,
      %add3A_1064 = arith.addi %add3A_1061, %get3A_1063 : vector<16xi32>
      %get3A_1065 = arith.constant 2480 : index
      %get3A_1066 = tpu.vector_load %arg11[%get3A_1065] {strides = array<i32>} : memref<4096xi32, #tpu.memory_space<vmem>>, vector<16xi32>,
      %add3A_1067 = arith.addi %add3A_1064, %get3A_1066 : vector<16xi32>
      %get3A_1068 = arith.constant 2736 : index
      %get3A_1069 = tpu.vector_load %arg11[%get3A_1068] {strides = array<i32>} : memref<4096xi32, #tpu.memory_space<vmem>>, vector<16xi32>,
      %add3A_1070 = arith.addi %add3A_1067, %get3A_1069 : vector<16xi32>
      %get3A_1071 = arith.constant 2992 : index
      %get3A_1072 = tpu.vector_load %arg11[%get3A_1071] {strides = array<i32>} : memref<4096xi32, #tpu.memory_space<vmem>>, vector<16xi32>,
      %add3A_1073 = arith.addi %add3A_1070, %get3A_1072 : vector<16xi32>
      %get3A_1074 = arith.constant 3248 : index
      %get3A_1075 = tpu.vector_load %arg11[%get3A_1074] {strides = array<i32>} : memref<4096xi32, #tpu.memory_space<vmem>>, vector<16xi32>,
      %add3A_1076 = arith.addi %add3A_1073, %get3A_1075 : vector<16xi32>
      %get3A_1077 = arith.constant 3504 : index
      %get3A_1078 = tpu.vector_load %arg11[%get3A_1077] {strides = array<i32>} : memref<4096xi32, #tpu.memory_space<vmem>>, vector<16xi32>,
      %add3A_1079 = arith.addi %add3A_1076, %get3A_1078 : vector<16xi32>
      %get3A_1080 = arith.constant 3760 : index
      %get3A_1081 = tpu.vector_load %arg11[%get3A_1080] {strides = array<i32>} : memref<4096xi32, #tpu.memory_space<vmem>>, vector<16xi32>,
      %add3A_1082 = arith.addi %add3A_1079, %get3A_1081 : vector<16xi32>
      %get3A_1083 = arith.constant 4016 : index
      %get3A_1084 = tpu.vector_load %arg11[%get3A_1083] {strides = array<i32>} : memref<4096xi32, #tpu.memory_space<vmem>>, vector<16xi32>,
      %add3A_1085 = arith.addi %add3A_1082, %get3A_1084 : vector<16xi32>
      %broadcast_in_dim3A_1086 = arith.constant true
      %broadcast_in_dim3A_1087 = vector.broadcast %broadcast_in_dim3A_1086 : i1 to vector<16xi1>
      %masked_cumsum3A_1088 = tpu.scan <sum>, %add3A_1085 masked %broadcast_in_dim3A_1087 : vector<16xi32>, vector<16xi1> -> vector<16xi32>
      %add3A_1089 = vector.broadcast %reduce_max3A_1035 : i32 to vector<16xi32>
      %add3A_1090 = arith.addi %masked_cumsum3A_1088, %add3A_1089 : vector<16xi32>
      %swap3A_1091 = arith.constant 176 : index
      %swap3A_1092 = tpu.vector_load %arg12[%swap3A_1091] {strides = array<i32>} : memref<256xi32, #tpu.memory_space<vmem>>, vector<16xi32>,
      tpu.vector_store %arg12[%swap3A_1091], %add3A_1090 {strides = array<i32>} : memref<256xi32, #tpu.memory_space<vmem>>, vector<16xi32>,
      %ge3A_1093 = arith.constant 2048 : i32
      %ge3A_1094 = vector.broadcast %ge3A_1093 : i32 to vector<16xi32>
      %ge3A_1095 = arith.cmpi sge, %add3A_1090, %ge3A_1094 : vector<16xi32>
      %all_reduce_population_count3A_1096 = tpu.all_reduce %ge3A_1095 {dim = 0 : i64, kind = #tpu.reduction_kind<sum>} : vector<16xi1> -> vector<16xi32>
      %reduce_max3A_1097 = arith.constant true
      %reduce_max3A_1098 = vector.broadcast %reduce_max3A_1097 : i1 to vector<16xi1>
      %reduce_max3A_1099 = arith.constant -2147483648 : i32
      %reduce_max3A_1100 = vector.broadcast %reduce_max3A_1099 : i32 to vector<16xi32>
      %reduce_max3A_1101 = arith.xori %all_reduce_population_count3A_1096, %reduce_max3A_1100 : vector<16xi32>
      %reduce_max3A_1102 = tpu.scan <max>, %reduce_max3A_1101 masked %reduce_max3A_1098 : vector<16xi32>, vector<16xi1> -> vector<16xi32>
      %reduce_max3A_1103 = arith.xori %reduce_max3A_1102, %reduce_max3A_1100 : vector<16xi32>
      %reduce_max3A_1104 = vector.extract %reduce_max3A_1103[15] : i32 from vector<16xi32>
      %add3A_1105 = arith.addi %add3A_1027, %reduce_max3A_1104 : i32
      %reduce_max3A_1106 = arith.constant true
      %reduce_max3A_1107 = vector.broadcast %reduce_max3A_1106 : i1 to vector<16xi1>
      %reduce_max3A_1108 = arith.constant -2147483648 : i32
      %reduce_max3A_1109 = vector.broadcast %reduce_max3A_1108 : i32 to vector<16xi32>
      %reduce_max3A_1110 = arith.xori %add3A_1090, %reduce_max3A_1109 : vector<16xi32>
      %reduce_max3A_1111 = tpu.scan <max>, %reduce_max3A_1110 masked %reduce_max3A_1107 : vector<16xi32>, vector<16xi1> -> vector<16xi32>
      %reduce_max3A_1112 = arith.xori %reduce_max3A_1111, %reduce_max3A_1109 : vector<16xi32>
      %reduce_max3A_1113 = vector.extract %reduce_max3A_1112[15] : i32 from vector<16xi32>
      %broadcast_in_dim3A_1114 = arith.constant 0 : i32
      %broadcast_in_dim3A_1115 = vector.broadcast %broadcast_in_dim3A_1114 : i32 to vector<16xi32>
      %get3A_1116 = arith.constant 192 : index
      %get3A_1117 = tpu.vector_load %arg11[%get3A_1116] {strides = array<i32>} : memref<4096xi32, #tpu.memory_space<vmem>>, vector<16xi32>,
      %add3A_1118 = arith.addi %broadcast_in_dim3A_1115, %get3A_1117 : vector<16xi32>
      %get3A_1119 = arith.constant 448 : index
      %get3A_1120 = tpu.vector_load %arg11[%get3A_1119] {strides = array<i32>} : memref<4096xi32, #tpu.memory_space<vmem>>, vector<16xi32>,
      %add3A_1121 = arith.addi %add3A_1118, %get3A_1120 : vector<16xi32>
      %get3A_1122 = arith.constant 704 : index
      %get3A_1123 = tpu.vector_load %arg11[%get3A_1122] {strides = array<i32>} : memref<4096xi32, #tpu.memory_space<vmem>>, vector<16xi32>,
      %add3A_1124 = arith.addi %add3A_1121, %get3A_1123 : vector<16xi32>
      %get3A_1125 = arith.constant 960 : index
      %get3A_1126 = tpu.vector_load %arg11[%get3A_1125] {strides = array<i32>} : memref<4096xi32, #tpu.memory_space<vmem>>, vector<16xi32>,
      %add3A_1127 = arith.addi %add3A_1124, %get3A_1126 : vector<16xi32>
      %get3A_1128 = arith.constant 1216 : index
      %get3A_1129 = tpu.vector_load %arg11[%get3A_1128] {strides = array<i32>} : memref<4096xi32, #tpu.memory_space<vmem>>, vector<16xi32>,
      %add3A_1130 = arith.addi %add3A_1127, %get3A_1129 : vector<16xi32>
      %get3A_1131 = arith.constant 1472 : index
      %get3A_1132 = tpu.vector_load %arg11[%get3A_1131] {strides = array<i32>} : memref<4096xi32, #tpu.memory_space<vmem>>, vector<16xi32>,
      %add3A_1133 = arith.addi %add3A_1130, %get3A_1132 : vector<16xi32>
      %get3A_1134 = arith.constant 1728 : index
      %get3A_1135 = tpu.vector_load %arg11[%get3A_1134] {strides = array<i32>} : memref<4096xi32, #tpu.memory_space<vmem>>, vector<16xi32>,
      %add3A_1136 = arith.addi %add3A_1133, %get3A_1135 : vector<16xi32>
      %get3A_1137 = arith.constant 1984 : index
      %get3A_1138 = tpu.vector_load %arg11[%get3A_1137] {strides = array<i32>} : memref<4096xi32, #tpu.memory_space<vmem>>, vector<16xi32>,
      %add3A_1139 = arith.addi %add3A_1136, %get3A_1138 : vector<16xi32>
      %get3A_1140 = arith.constant 2240 : index
      %get3A_1141 = tpu.vector_load %arg11[%get3A_1140] {strides = array<i32>} : memref<4096xi32, #tpu.memory_space<vmem>>, vector<16xi32>,
      %add3A_1142 = arith.addi %add3A_1139, %get3A_1141 : vector<16xi32>
      %get3A_1143 = arith.constant 2496 : index
      %get3A_1144 = tpu.vector_load %arg11[%get3A_1143] {strides = array<i32>} : memref<4096xi32, #tpu.memory_space<vmem>>, vector<16xi32>,
      %add3A_1145 = arith.addi %add3A_1142, %get3A_1144 : vector<16xi32>
      %get3A_1146 = arith.constant 2752 : index
      %get3A_1147 = tpu.vector_load %arg11[%get3A_1146] {strides = array<i32>} : memref<4096xi32, #tpu.memory_space<vmem>>, vector<16xi32>,
      %add3A_1148 = arith.addi %add3A_1145, %get3A_1147 : vector<16xi32>
      %get3A_1149 = arith.constant 3008 : index
      %get3A_1150 = tpu.vector_load %arg11[%get3A_1149] {strides = array<i32>} : memref<4096xi32, #tpu.memory_space<vmem>>, vector<16xi32>,
      %add3A_1151 = arith.addi %add3A_1148, %get3A_1150 : vector<16xi32>
      %get3A_1152 = arith.constant 3264 : index
      %get3A_1153 = tpu.vector_load %arg11[%get3A_1152] {strides = array<i32>} : memref<4096xi32, #tpu.memory_space<vmem>>, vector<16xi32>,
      %add3A_1154 = arith.addi %add3A_1151, %get3A_1153 : vector<16xi32>
      %get3A_1155 = arith.constant 3520 : index
      %get3A_1156 = tpu.vector_load %arg11[%get3A_1155] {strides = array<i32>} : memref<4096xi32, #tpu.memory_space<vmem>>, vector<16xi32>,
      %add3A_1157 = arith.addi %add3A_1154, %get3A_1156 : vector<16xi32>
      %get3A_1158 = arith.constant 3776 : index
      %get3A_1159 = tpu.vector_load %arg11[%get3A_1158] {strides = array<i32>} : memref<4096xi32, #tpu.memory_space<vmem>>, vector<16xi32>,
      %add3A_1160 = arith.addi %add3A_1157, %get3A_1159 : vector<16xi32>
      %get3A_1161 = arith.constant 4032 : index
      %get3A_1162 = tpu.vector_load %arg11[%get3A_1161] {strides = array<i32>} : memref<4096xi32, #tpu.memory_space<vmem>>, vector<16xi32>,
      %add3A_1163 = arith.addi %add3A_1160, %get3A_1162 : vector<16xi32>
      %broadcast_in_dim3A_1164 = arith.constant true
      %broadcast_in_dim3A_1165 = vector.broadcast %broadcast_in_dim3A_1164 : i1 to vector<16xi1>
      %masked_cumsum3A_1166 = tpu.scan <sum>, %add3A_1163 masked %broadcast_in_dim3A_1165 : vector<16xi32>, vector<16xi1> -> vector<16xi32>
      %add3A_1167 = vector.broadcast %reduce_max3A_1113 : i32 to vector<16xi32>
      %add3A_1168 = arith.addi %masked_cumsum3A_1166, %add3A_1167 : vector<16xi32>
      %swap3A_1169 = arith.constant 192 : index
      %swap3A_1170 = tpu.vector_load %arg12[%swap3A_1169] {strides = array<i32>} : memref<256xi32, #tpu.memory_space<vmem>>, vector<16xi32>,
      tpu.vector_store %arg12[%swap3A_1169], %add3A_1168 {strides = array<i32>} : memref<256xi32, #tpu.memory_space<vmem>>, vector<16xi32>,
      %ge3A_1171 = arith.constant 2048 : i32
      %ge3A_1172 = vector.broadcast %ge3A_1171 : i32 to vector<16xi32>
      %ge3A_1173 = arith.cmpi sge, %add3A_1168, %ge3A_1172 : vector<16xi32>
      %all_reduce_population_count3A_1174 = tpu.all_reduce %ge3A_1173 {dim = 0 : i64, kind = #tpu.reduction_kind<sum>} : vector<16xi1> -> vector<16xi32>
      %reduce_max3A_1175 = arith.constant true
      %reduce_max3A_1176 = vector.broadcast %reduce_max3A_1175 : i1 to vector<16xi1>
      %reduce_max3A_1177 = arith.constant -2147483648 : i32
      %reduce_max3A_1178 = vector.broadcast %reduce_max3A_1177 : i32 to vector<16xi32>
      %reduce_max3A_1179 = arith.xori %all_reduce_population_count3A_1174, %reduce_max3A_1178 : vector<16xi32>
      %reduce_max3A_1180 = tpu.scan <max>, %reduce_max3A_1179 masked %reduce_max3A_1176 : vector<16xi32>, vector<16xi1> -> vector<16xi32>
      %reduce_max3A_1181 = arith.xori %reduce_max3A_1180, %reduce_max3A_1178 : vector<16xi32>
      %reduce_max3A_1182 = vector.extract %reduce_max3A_1181[15] : i32 from vector<16xi32>
      %add3A_1183 = arith.addi %add3A_1105, %reduce_max3A_1182 : i32
      %reduce_max3A_1184 = arith.constant true
      %reduce_max3A_1185 = vector.broadcast %reduce_max3A_1184 : i1 to vector<16xi1>
      %reduce_max3A_1186 = arith.constant -2147483648 : i32
      %reduce_max3A_1187 = vector.broadcast %reduce_max3A_1186 : i32 to vector<16xi32>
      %reduce_max3A_1188 = arith.xori %add3A_1168, %reduce_max3A_1187 : vector<16xi32>
      %reduce_max3A_1189 = tpu.scan <max>, %reduce_max3A_1188 masked %reduce_max3A_1185 : vector<16xi32>, vector<16xi1> -> vector<16xi32>
      %reduce_max3A_1190 = arith.xori %reduce_max3A_1189, %reduce_max3A_1187 : vector<16xi32>
      %reduce_max3A_1191 = vector.extract %reduce_max3A_1190[15] : i32 from vector<16xi32>
      %broadcast_in_dim3A_1192 = arith.constant 0 : i32
      %broadcast_in_dim3A_1193 = vector.broadcast %broadcast_in_dim3A_1192 : i32 to vector<16xi32>
      %get3A_1194 = arith.constant 208 : index
      %get3A_1195 = tpu.vector_load %arg11[%get3A_1194] {strides = array<i32>} : memref<4096xi32, #tpu.memory_space<vmem>>, vector<16xi32>,
      %add3A_1196 = arith.addi %broadcast_in_dim3A_1193, %get3A_1195 : vector<16xi32>
      %get3A_1197 = arith.constant 464 : index
      %get3A_1198 = tpu.vector_load %arg11[%get3A_1197] {strides = array<i32>} : memref<4096xi32, #tpu.memory_space<vmem>>, vector<16xi32>,
      %add3A_1199 = arith.addi %add3A_1196, %get3A_1198 : vector<16xi32>
      %get3A_1200 = arith.constant 720 : index
      %get3A_1201 = tpu.vector_load %arg11[%get3A_1200] {strides = array<i32>} : memref<4096xi32, #tpu.memory_space<vmem>>, vector<16xi32>,
      %add3A_1202 = arith.addi %add3A_1199, %get3A_1201 : vector<16xi32>
      %get3A_1203 = arith.constant 976 : index
      %get3A_1204 = tpu.vector_load %arg11[%get3A_1203] {strides = array<i32>} : memref<4096xi32, #tpu.memory_space<vmem>>, vector<16xi32>,
      %add3A_1205 = arith.addi %add3A_1202, %get3A_1204 : vector<16xi32>
      %get3A_1206 = arith.constant 1232 : index
      %get3A_1207 = tpu.vector_load %arg11[%get3A_1206] {strides = array<i32>} : memref<4096xi32, #tpu.memory_space<vmem>>, vector<16xi32>,
      %add3A_1208 = arith.addi %add3A_1205, %get3A_1207 : vector<16xi32>
      %get3A_1209 = arith.constant 1488 : index
      %get3A_1210 = tpu.vector_load %arg11[%get3A_1209] {strides = array<i32>} : memref<4096xi32, #tpu.memory_space<vmem>>, vector<16xi32>,
      %add3A_1211 = arith.addi %add3A_1208, %get3A_1210 : vector<16xi32>
      %get3A_1212 = arith.constant 1744 : index
      %get3A_1213 = tpu.vector_load %arg11[%get3A_1212] {strides = array<i32>} : memref<4096xi32, #tpu.memory_space<vmem>>, vector<16xi32>,
      %add3A_1214 = arith.addi %add3A_1211, %get3A_1213 : vector<16xi32>
      %get3A_1215 = arith.constant 2000 : index
      %get3A_1216 = tpu.vector_load %arg11[%get3A_1215] {strides = array<i32>} : memref<4096xi32, #tpu.memory_space<vmem>>, vector<16xi32>,
      %add3A_1217 = arith.addi %add3A_1214, %get3A_1216 : vector<16xi32>
      %get3A_1218 = arith.constant 2256 : index
      %get3A_1219 = tpu.vector_load %arg11[%get3A_1218] {strides = array<i32>} : memref<4096xi32, #tpu.memory_space<vmem>>, vector<16xi32>,
      %add3A_1220 = arith.addi %add3A_1217, %get3A_1219 : vector<16xi32>
      %get3A_1221 = arith.constant 2512 : index
      %get3A_1222 = tpu.vector_load %arg11[%get3A_1221] {strides = array<i32>} : memref<4096xi32, #tpu.memory_space<vmem>>, vector<16xi32>,
      %add3A_1223 = arith.addi %add3A_1220, %get3A_1222 : vector<16xi32>
      %get3A_1224 = arith.constant 2768 : index
      %get3A_1225 = tpu.vector_load %arg11[%get3A_1224] {strides = array<i32>} : memref<4096xi32, #tpu.memory_space<vmem>>, vector<16xi32>,
      %add3A_1226 = arith.addi %add3A_1223, %get3A_1225 : vector<16xi32>
      %get3A_1227 = arith.constant 3024 : index
      %get3A_1228 = tpu.vector_load %arg11[%get3A_1227] {strides = array<i32>} : memref<4096xi32, #tpu.memory_space<vmem>>, vector<16xi32>,
      %add3A_1229 = arith.addi %add3A_1226, %get3A_1228 : vector<16xi32>
      %get3A_1230 = arith.constant 3280 : index
      %get3A_1231 = tpu.vector_load %arg11[%get3A_1230] {strides = array<i32>} : memref<4096xi32, #tpu.memory_space<vmem>>, vector<16xi32>,
      %add3A_1232 = arith.addi %add3A_1229, %get3A_1231 : vector<16xi32>
      %get3A_1233 = arith.constant 3536 : index
      %get3A_1234 = tpu.vector_load %arg11[%get3A_1233] {strides = array<i32>} : memref<4096xi32, #tpu.memory_space<vmem>>, vector<16xi32>,
      %add3A_1235 = arith.addi %add3A_1232, %get3A_1234 : vector<16xi32>
      %get3A_1236 = arith.constant 3792 : index
      %get3A_1237 = tpu.vector_load %arg11[%get3A_1236] {strides = array<i32>} : memref<4096xi32, #tpu.memory_space<vmem>>, vector<16xi32>,
      %add3A_1238 = arith.addi %add3A_1235, %get3A_1237 : vector<16xi32>
      %get3A_1239 = arith.constant 4048 : index
      %get3A_1240 = tpu.vector_load %arg11[%get3A_1239] {strides = array<i32>} : memref<4096xi32, #tpu.memory_space<vmem>>, vector<16xi32>,
      %add3A_1241 = arith.addi %add3A_1238, %get3A_1240 : vector<16xi32>
      %broadcast_in_dim3A_1242 = arith.constant true
      %broadcast_in_dim3A_1243 = vector.broadcast %broadcast_in_dim3A_1242 : i1 to vector<16xi1>
      %masked_cumsum3A_1244 = tpu.scan <sum>, %add3A_1241 masked %broadcast_in_dim3A_1243 : vector<16xi32>, vector<16xi1> -> vector<16xi32>
      %add3A_1245 = vector.broadcast %reduce_max3A_1191 : i32 to vector<16xi32>
      %add3A_1246 = arith.addi %masked_cumsum3A_1244, %add3A_1245 : vector<16xi32>
      %swap3A_1247 = arith.constant 208 : index
      %swap3A_1248 = tpu.vector_load %arg12[%swap3A_1247] {strides = array<i32>} : memref<256xi32, #tpu.memory_space<vmem>>, vector<16xi32>,
      tpu.vector_store %arg12[%swap3A_1247], %add3A_1246 {strides = array<i32>} : memref<256xi32, #tpu.memory_space<vmem>>, vector<16xi32>,
      %ge3A_1249 = arith.constant 2048 : i32
      %ge3A_1250 = vector.broadcast %ge3A_1249 : i32 to vector<16xi32>
      %ge3A_1251 = arith.cmpi sge, %add3A_1246, %ge3A_1250 : vector<16xi32>
      %all_reduce_population_count3A_1252 = tpu.all_reduce %ge3A_1251 {dim = 0 : i64, kind = #tpu.reduction_kind<sum>} : vector<16xi1> -> vector<16xi32>
      %reduce_max3A_1253 = arith.constant true
      %reduce_max3A_1254 = vector.broadcast %reduce_max3A_1253 : i1 to vector<16xi1>
      %reduce_max3A_1255 = arith.constant -2147483648 : i32
      %reduce_max3A_1256 = vector.broadcast %reduce_max3A_1255 : i32 to vector<16xi32>
      %reduce_max3A_1257 = arith.xori %all_reduce_population_count3A_1252, %reduce_max3A_1256 : vector<16xi32>
      %reduce_max3A_1258 = tpu.scan <max>, %reduce_max3A_1257 masked %reduce_max3A_1254 : vector<16xi32>, vector<16xi1> -> vector<16xi32>
      %reduce_max3A_1259 = arith.xori %reduce_max3A_1258, %reduce_max3A_1256 : vector<16xi32>
      %reduce_max3A_1260 = vector.extract %reduce_max3A_1259[15] : i32 from vector<16xi32>
      %add3A_1261 = arith.addi %add3A_1183, %reduce_max3A_1260 : i32
      %reduce_max3A_1262 = arith.constant true
      %reduce_max3A_1263 = vector.broadcast %reduce_max3A_1262 : i1 to vector<16xi1>
      %reduce_max3A_1264 = arith.constant -2147483648 : i32
      %reduce_max3A_1265 = vector.broadcast %reduce_max3A_1264 : i32 to vector<16xi32>
      %reduce_max3A_1266 = arith.xori %add3A_1246, %reduce_max3A_1265 : vector<16xi32>
      %reduce_max3A_1267 = tpu.scan <max>, %reduce_max3A_1266 masked %reduce_max3A_1263 : vector<16xi32>, vector<16xi1> -> vector<16xi32>
      %reduce_max3A_1268 = arith.xori %reduce_max3A_1267, %reduce_max3A_1265 : vector<16xi32>
      %reduce_max3A_1269 = vector.extract %reduce_max3A_1268[15] : i32 from vector<16xi32>
      %broadcast_in_dim3A_1270 = arith.constant 0 : i32
      %broadcast_in_dim3A_1271 = vector.broadcast %broadcast_in_dim3A_1270 : i32 to vector<16xi32>
      %get3A_1272 = arith.constant 224 : index
      %get3A_1273 = tpu.vector_load %arg11[%get3A_1272] {strides = array<i32>} : memref<4096xi32, #tpu.memory_space<vmem>>, vector<16xi32>,
      %add3A_1274 = arith.addi %broadcast_in_dim3A_1271, %get3A_1273 : vector<16xi32>
      %get3A_1275 = arith.constant 480 : index
      %get3A_1276 = tpu.vector_load %arg11[%get3A_1275] {strides = array<i32>} : memref<4096xi32, #tpu.memory_space<vmem>>, vector<16xi32>,
      %add3A_1277 = arith.addi %add3A_1274, %get3A_1276 : vector<16xi32>
      %get3A_1278 = arith.constant 736 : index
      %get3A_1279 = tpu.vector_load %arg11[%get3A_1278] {strides = array<i32>} : memref<4096xi32, #tpu.memory_space<vmem>>, vector<16xi32>,
      %add3A_1280 = arith.addi %add3A_1277, %get3A_1279 : vector<16xi32>
      %get3A_1281 = arith.constant 992 : index
      %get3A_1282 = tpu.vector_load %arg11[%get3A_1281] {strides = array<i32>} : memref<4096xi32, #tpu.memory_space<vmem>>, vector<16xi32>,
      %add3A_1283 = arith.addi %add3A_1280, %get3A_1282 : vector<16xi32>
      %get3A_1284 = arith.constant 1248 : index
      %get3A_1285 = tpu.vector_load %arg11[%get3A_1284] {strides = array<i32>} : memref<4096xi32, #tpu.memory_space<vmem>>, vector<16xi32>,
      %add3A_1286 = arith.addi %add3A_1283, %get3A_1285 : vector<16xi32>
      %get3A_1287 = arith.constant 1504 : index
      %get3A_1288 = tpu.vector_load %arg11[%get3A_1287] {strides = array<i32>} : memref<4096xi32, #tpu.memory_space<vmem>>, vector<16xi32>,
      %add3A_1289 = arith.addi %add3A_1286, %get3A_1288 : vector<16xi32>
      %get3A_1290 = arith.constant 1760 : index
      %get3A_1291 = tpu.vector_load %arg11[%get3A_1290] {strides = array<i32>} : memref<4096xi32, #tpu.memory_space<vmem>>, vector<16xi32>,
      %add3A_1292 = arith.addi %add3A_1289, %get3A_1291 : vector<16xi32>
      %get3A_1293 = arith.constant 2016 : index
      %get3A_1294 = tpu.vector_load %arg11[%get3A_1293] {strides = array<i32>} : memref<4096xi32, #tpu.memory_space<vmem>>, vector<16xi32>,
      %add3A_1295 = arith.addi %add3A_1292, %get3A_1294 : vector<16xi32>
      %get3A_1296 = arith.constant 2272 : index
      %get3A_1297 = tpu.vector_load %arg11[%get3A_1296] {strides = array<i32>} : memref<4096xi32, #tpu.memory_space<vmem>>, vector<16xi32>,
      %add3A_1298 = arith.addi %add3A_1295, %get3A_1297 : vector<16xi32>
      %get3A_1299 = arith.constant 2528 : index
      %get3A_1300 = tpu.vector_load %arg11[%get3A_1299] {strides = array<i32>} : memref<4096xi32, #tpu.memory_space<vmem>>, vector<16xi32>,
      %add3A_1301 = arith.addi %add3A_1298, %get3A_1300 : vector<16xi32>
      %get3A_1302 = arith.constant 2784 : index
      %get3A_1303 = tpu.vector_load %arg11[%get3A_1302] {strides = array<i32>} : memref<4096xi32, #tpu.memory_space<vmem>>, vector<16xi32>,
      %add3A_1304 = arith.addi %add3A_1301, %get3A_1303 : vector<16xi32>
      %get3A_1305 = arith.constant 3040 : index
      %get3A_1306 = tpu.vector_load %arg11[%get3A_1305] {strides = array<i32>} : memref<4096xi32, #tpu.memory_space<vmem>>, vector<16xi32>,
      %add3A_1307 = arith.addi %add3A_1304, %get3A_1306 : vector<16xi32>
      %get3A_1308 = arith.constant 3296 : index
      %get3A_1309 = tpu.vector_load %arg11[%get3A_1308] {strides = array<i32>} : memref<4096xi32, #tpu.memory_space<vmem>>, vector<16xi32>,
      %add3A_1310 = arith.addi %add3A_1307, %get3A_1309 : vector<16xi32>
      %get3A_1311 = arith.constant 3552 : index
      %get3A_1312 = tpu.vector_load %arg11[%get3A_1311] {strides = array<i32>} : memref<4096xi32, #tpu.memory_space<vmem>>, vector<16xi32>,
      %add3A_1313 = arith.addi %add3A_1310, %get3A_1312 : vector<16xi32>
      %get3A_1314 = arith.constant 3808 : index
      %get3A_1315 = tpu.vector_load %arg11[%get3A_1314] {strides = array<i32>} : memref<4096xi32, #tpu.memory_space<vmem>>, vector<16xi32>,
      %add3A_1316 = arith.addi %add3A_1313, %get3A_1315 : vector<16xi32>
      %get3A_1317 = arith.constant 4064 : index
      %get3A_1318 = tpu.vector_load %arg11[%get3A_1317] {strides = array<i32>} : memref<4096xi32, #tpu.memory_space<vmem>>, vector<16xi32>,
      %add3A_1319 = arith.addi %add3A_1316, %get3A_1318 : vector<16xi32>
      %broadcast_in_dim3A_1320 = arith.constant true
      %broadcast_in_dim3A_1321 = vector.broadcast %broadcast_in_dim3A_1320 : i1 to vector<16xi1>
      %masked_cumsum3A_1322 = tpu.scan <sum>, %add3A_1319 masked %broadcast_in_dim3A_1321 : vector<16xi32>, vector<16xi1> -> vector<16xi32>
      %add3A_1323 = vector.broadcast %reduce_max3A_1269 : i32 to vector<16xi32>
      %add3A_1324 = arith.addi %masked_cumsum3A_1322, %add3A_1323 : vector<16xi32>
      %swap3A_1325 = arith.constant 224 : index
      %swap3A_1326 = tpu.vector_load %arg12[%swap3A_1325] {strides = array<i32>} : memref<256xi32, #tpu.memory_space<vmem>>, vector<16xi32>,
      tpu.vector_store %arg12[%swap3A_1325], %add3A_1324 {strides = array<i32>} : memref<256xi32, #tpu.memory_space<vmem>>, vector<16xi32>,
      %ge3A_1327 = arith.constant 2048 : i32
      %ge3A_1328 = vector.broadcast %ge3A_1327 : i32 to vector<16xi32>
      %ge3A_1329 = arith.cmpi sge, %add3A_1324, %ge3A_1328 : vector<16xi32>
      %all_reduce_population_count3A_1330 = tpu.all_reduce %ge3A_1329 {dim = 0 : i64, kind = #tpu.reduction_kind<sum>} : vector<16xi1> -> vector<16xi32>
      %reduce_max3A_1331 = arith.constant true
      %reduce_max3A_1332 = vector.broadcast %reduce_max3A_1331 : i1 to vector<16xi1>
      %reduce_max3A_1333 = arith.constant -2147483648 : i32
      %reduce_max3A_1334 = vector.broadcast %reduce_max3A_1333 : i32 to vector<16xi32>
      %reduce_max3A_1335 = arith.xori %all_reduce_population_count3A_1330, %reduce_max3A_1334 : vector<16xi32>
      %reduce_max3A_1336 = tpu.scan <max>, %reduce_max3A_1335 masked %reduce_max3A_1332 : vector<16xi32>, vector<16xi1> -> vector<16xi32>
      %reduce_max3A_1337 = arith.xori %reduce_max3A_1336, %reduce_max3A_1334 : vector<16xi32>
      %reduce_max3A_1338 = vector.extract %reduce_max3A_1337[15] : i32 from vector<16xi32>
      %add3A_1339 = arith.addi %add3A_1261, %reduce_max3A_1338 : i32
      %reduce_max3A_1340 = arith.constant true
      %reduce_max3A_1341 = vector.broadcast %reduce_max3A_1340 : i1 to vector<16xi1>
      %reduce_max3A_1342 = arith.constant -2147483648 : i32
      %reduce_max3A_1343 = vector.broadcast %reduce_max3A_1342 : i32 to vector<16xi32>
      %reduce_max3A_1344 = arith.xori %add3A_1324, %reduce_max3A_1343 : vector<16xi32>
      %reduce_max3A_1345 = tpu.scan <max>, %reduce_max3A_1344 masked %reduce_max3A_1341 : vector<16xi32>, vector<16xi1> -> vector<16xi32>
      %reduce_max3A_1346 = arith.xori %reduce_max3A_1345, %reduce_max3A_1343 : vector<16xi32>
      %reduce_max3A_1347 = vector.extract %reduce_max3A_1346[15] : i32 from vector<16xi32>
      %broadcast_in_dim3A_1348 = arith.constant 0 : i32
      %broadcast_in_dim3A_1349 = vector.broadcast %broadcast_in_dim3A_1348 : i32 to vector<16xi32>
      %get3A_1350 = arith.constant 240 : index
      %get3A_1351 = tpu.vector_load %arg11[%get3A_1350] {strides = array<i32>} : memref<4096xi32, #tpu.memory_space<vmem>>, vector<16xi32>,
      %add3A_1352 = arith.addi %broadcast_in_dim3A_1349, %get3A_1351 : vector<16xi32>
      %get3A_1353 = arith.constant 496 : index
      %get3A_1354 = tpu.vector_load %arg11[%get3A_1353] {strides = array<i32>} : memref<4096xi32, #tpu.memory_space<vmem>>, vector<16xi32>,
      %add3A_1355 = arith.addi %add3A_1352, %get3A_1354 : vector<16xi32>
      %get3A_1356 = arith.constant 752 : index
      %get3A_1357 = tpu.vector_load %arg11[%get3A_1356] {strides = array<i32>} : memref<4096xi32, #tpu.memory_space<vmem>>, vector<16xi32>,
      %add3A_1358 = arith.addi %add3A_1355, %get3A_1357 : vector<16xi32>
      %get3A_1359 = arith.constant 1008 : index
      %get3A_1360 = tpu.vector_load %arg11[%get3A_1359] {strides = array<i32>} : memref<4096xi32, #tpu.memory_space<vmem>>, vector<16xi32>,
      %add3A_1361 = arith.addi %add3A_1358, %get3A_1360 : vector<16xi32>
      %get3A_1362 = arith.constant 1264 : index
      %get3A_1363 = tpu.vector_load %arg11[%get3A_1362] {strides = array<i32>} : memref<4096xi32, #tpu.memory_space<vmem>>, vector<16xi32>,
      %add3A_1364 = arith.addi %add3A_1361, %get3A_1363 : vector<16xi32>
      %get3A_1365 = arith.constant 1520 : index
      %get3A_1366 = tpu.vector_load %arg11[%get3A_1365] {strides = array<i32>} : memref<4096xi32, #tpu.memory_space<vmem>>, vector<16xi32>,
      %add3A_1367 = arith.addi %add3A_1364, %get3A_1366 : vector<16xi32>
      %get3A_1368 = arith.constant 1776 : index
      %get3A_1369 = tpu.vector_load %arg11[%get3A_1368] {strides = array<i32>} : memref<4096xi32, #tpu.memory_space<vmem>>, vector<16xi32>,
      %add3A_1370 = arith.addi %add3A_1367, %get3A_1369 : vector<16xi32>
      %get3A_1371 = arith.constant 2032 : index
      %get3A_1372 = tpu.vector_load %arg11[%get3A_1371] {strides = array<i32>} : memref<4096xi32, #tpu.memory_space<vmem>>, vector<16xi32>,
      %add3A_1373 = arith.addi %add3A_1370, %get3A_1372 : vector<16xi32>
      %get3A_1374 = arith.constant 2288 : index
      %get3A_1375 = tpu.vector_load %arg11[%get3A_1374] {strides = array<i32>} : memref<4096xi32, #tpu.memory_space<vmem>>, vector<16xi32>,
      %add3A_1376 = arith.addi %add3A_1373, %get3A_1375 : vector<16xi32>
      %get3A_1377 = arith.constant 2544 : index
      %get3A_1378 = tpu.vector_load %arg11[%get3A_1377] {strides = array<i32>} : memref<4096xi32, #tpu.memory_space<vmem>>, vector<16xi32>,
      %add3A_1379 = arith.addi %add3A_1376, %get3A_1378 : vector<16xi32>
      %get3A_1380 = arith.constant 2800 : index
      %get3A_1381 = tpu.vector_load %arg11[%get3A_1380] {strides = array<i32>} : memref<4096xi32, #tpu.memory_space<vmem>>, vector<16xi32>,
      %add3A_1382 = arith.addi %add3A_1379, %get3A_1381 : vector<16xi32>
      %get3A_1383 = arith.constant 3056 : index
      %get3A_1384 = tpu.vector_load %arg11[%get3A_1383] {strides = array<i32>} : memref<4096xi32, #tpu.memory_space<vmem>>, vector<16xi32>,
      %add3A_1385 = arith.addi %add3A_1382, %get3A_1384 : vector<16xi32>
      %get3A_1386 = arith.constant 3312 : index
      %get3A_1387 = tpu.vector_load %arg11[%get3A_1386] {strides = array<i32>} : memref<4096xi32, #tpu.memory_space<vmem>>, vector<16xi32>,
      %add3A_1388 = arith.addi %add3A_1385, %get3A_1387 : vector<16xi32>
      %get3A_1389 = arith.constant 3568 : index
      %get3A_1390 = tpu.vector_load %arg11[%get3A_1389] {strides = array<i32>} : memref<4096xi32, #tpu.memory_space<vmem>>, vector<16xi32>,
      %add3A_1391 = arith.addi %add3A_1388, %get3A_1390 : vector<16xi32>
      %get3A_1392 = arith.constant 3824 : index
      %get3A_1393 = tpu.vector_load %arg11[%get3A_1392] {strides = array<i32>} : memref<4096xi32, #tpu.memory_space<vmem>>, vector<16xi32>,
      %add3A_1394 = arith.addi %add3A_1391, %get3A_1393 : vector<16xi32>
      %get3A_1395 = arith.constant 4080 : index
      %get3A_1396 = tpu.vector_load %arg11[%get3A_1395] {strides = array<i32>} : memref<4096xi32, #tpu.memory_space<vmem>>, vector<16xi32>,
      %add3A_1397 = arith.addi %add3A_1394, %get3A_1396 : vector<16xi32>
      %broadcast_in_dim3A_1398 = arith.constant true
      %broadcast_in_dim3A_1399 = vector.broadcast %broadcast_in_dim3A_1398 : i1 to vector<16xi1>
      %masked_cumsum3A_1400 = tpu.scan <sum>, %add3A_1397 masked %broadcast_in_dim3A_1399 : vector<16xi32>, vector<16xi1> -> vector<16xi32>
      %add3A_1401 = vector.broadcast %reduce_max3A_1347 : i32 to vector<16xi32>
      %add3A_1402 = arith.addi %masked_cumsum3A_1400, %add3A_1401 : vector<16xi32>
      %swap3A_1403 = arith.constant 240 : index
      %swap3A_1404 = tpu.vector_load %arg12[%swap3A_1403] {strides = array<i32>} : memref<256xi32, #tpu.memory_space<vmem>>, vector<16xi32>,
      tpu.vector_store %arg12[%swap3A_1403], %add3A_1402 {strides = array<i32>} : memref<256xi32, #tpu.memory_space<vmem>>, vector<16xi32>,
      %ge3A_1405 = arith.constant 2048 : i32
      %ge3A_1406 = vector.broadcast %ge3A_1405 : i32 to vector<16xi32>
      %ge3A_1407 = arith.cmpi sge, %add3A_1402, %ge3A_1406 : vector<16xi32>
      %all_reduce_population_count3A_1408 = tpu.all_reduce %ge3A_1407 {dim = 0 : i64, kind = #tpu.reduction_kind<sum>} : vector<16xi1> -> vector<16xi32>
      %reduce_max3A_1409 = arith.constant true
      %reduce_max3A_1410 = vector.broadcast %reduce_max3A_1409 : i1 to vector<16xi1>
      %reduce_max3A_1411 = arith.constant -2147483648 : i32
      %reduce_max3A_1412 = vector.broadcast %reduce_max3A_1411 : i32 to vector<16xi32>
      %reduce_max3A_1413 = arith.xori %all_reduce_population_count3A_1408, %reduce_max3A_1412 : vector<16xi32>
      %reduce_max3A_1414 = tpu.scan <max>, %reduce_max3A_1413 masked %reduce_max3A_1410 : vector<16xi32>, vector<16xi1> -> vector<16xi32>
      %reduce_max3A_1415 = arith.xori %reduce_max3A_1414, %reduce_max3A_1412 : vector<16xi32>
      %reduce_max3A_1416 = vector.extract %reduce_max3A_1415[15] : i32 from vector<16xi32>
      %add3A_1417 = arith.addi %add3A_1339, %reduce_max3A_1416 : i32
      %reduce_max3A_1418 = arith.constant true
      %reduce_max3A_1419 = vector.broadcast %reduce_max3A_1418 : i1 to vector<16xi1>
      %reduce_max3A_1420 = arith.constant -2147483648 : i32
      %reduce_max3A_1421 = vector.broadcast %reduce_max3A_1420 : i32 to vector<16xi32>
      %reduce_max3A_1422 = arith.xori %add3A_1402, %reduce_max3A_1421 : vector<16xi32>
      %reduce_max3A_1423 = tpu.scan <max>, %reduce_max3A_1422 masked %reduce_max3A_1419 : vector<16xi32>, vector<16xi1> -> vector<16xi32>
      %reduce_max3A_1424 = arith.xori %reduce_max3A_1423, %reduce_max3A_1421 : vector<16xi32>
      %reduce_max3A_1425 = vector.extract %reduce_max3A_1424[15] : i32 from vector<16xi32>
      %sub3A_1426 = arith.constant 256 : i32
      %sub3A_1427 = arith.subi %sub3A_1426, %add3A_1417 : i32
      %broadcast_in_dim3A_1428 = vector.broadcast %sub3A_1427 : i32 to vector<16xi32>
      %gather3A = tpu.vector_load_idx %arg12[%broadcast_in_dim3A_1428] : memref<256xi32, #tpu.memory_space<vmem>>[vector<16xi32>], vector<16xi32>,
      %reduce_max3A_1429 = arith.constant true
      %reduce_max3A_1430 = vector.broadcast %reduce_max3A_1429 : i1 to vector<16xi1>
      %reduce_max3A_1431 = arith.constant -2147483648 : i32
      %reduce_max3A_1432 = vector.broadcast %reduce_max3A_1431 : i32 to vector<16xi32>
      %reduce_max3A_1433 = arith.xori %gather3A, %reduce_max3A_1432 : vector<16xi32>
      %reduce_max3A_1434 = tpu.scan <max>, %reduce_max3A_1433 masked %reduce_max3A_1430 : vector<16xi32>, vector<16xi1> -> vector<16xi32>
      %reduce_max3A_1435 = arith.xori %reduce_max3A_1434, %reduce_max3A_1432 : vector<16xi32>
      %reduce_max3A_1436 = vector.extract %reduce_max3A_1435[15] : i32 from vector<16xi32>
      %scan3A_1437 = arith.constant 0 : i32
      %scan3A_1438 = arith.constant 0 : i32
      %scan3A_1439 = arith.constant 256 : i32
      %scan3A_1440 = arith.addi %scan3A_1438, %scan3A_1439 : i32
      %scan3A_1441 = arith.constant 1 : i32
      %scan3A_1442 = scf.for %scan3A_1480 = %scan3A_1438 to %scan3A_1440 step %scan3A_1441 iter_args(%scan3A_1481 = %scan3A_1437) -> (i32)  : i32 {
        %mul3A_1482 = arith.constant 2 : i32
        %mul3A_1483 = arith.muli %mul3A_1482, %scan3A_1480 : i32
        %add3A_1484 = arith.constant 1 : i32
        %add3A_1485 = arith.addi %mul3A_1483, %add3A_1484 : i32
        %mul3A_1486 = arith.constant 2 : i32
        %mul3A_1487 = arith.muli %mul3A_1486, %scan3A_1480 : i32
        %mul3A_1488 = arith.constant 16 : i32
        %mul3A_1489 = arith.muli %mul3A_1487, %mul3A_1488 : i32
        %get3A_1490 = arith.index_cast %mul3A_1489 : i32 to index
        %get3A_1491 = tpu.vector_load %arg7[%get3A_1490] {strides = array<i32>} : memref<8192xf32, #tpu.memory_space<vmem>>, vector<16xf32>,
        %bitcast_convert_type3A_1492 = tpu.bitcast %get3A_1491 : vector<16xf32> -> vector<16xi32>
        %shift_right_arithmetic3A = arith.constant 31 : i32
        %shift_right_arithmetic3A_1493 = vector.broadcast %shift_right_arithmetic3A : i32 to vector<16xi32>
        %shift_right_arithmetic3A_1494 = arith.shrsi %bitcast_convert_type3A_1492, %shift_right_arithmetic3A_1493 : vector<16xi32>
        %not3A = arith.constant dense<-1> : vector<16xi32>
        %not3A_1495 = arith.xori %shift_right_arithmetic3A_1494, %not3A : vector<16xi32>
        %and3A_1496 = arith.constant 2147483647 : i32
        %and3A_1497 = vector.broadcast %and3A_1496 : i32 to vector<16xi32>
        %and3A_1498 = arith.andi %not3A_1495, %and3A_1497 : vector<16xi32>
        %xor3A = arith.xori %bitcast_convert_type3A_1492, %and3A_1498 : vector<16xi32>
        %mul3A_1499 = arith.constant 16 : i32
        %mul3A_1500 = arith.muli %mul3A_1487, %mul3A_1499 : i32
        %broadcast_in_dim3A_1501 = vector.broadcast %mul3A_1500 : i32 to vector<16xi32>
        %add3A_1502 = arith.addi %broadcast_in_dim3A_1501, %iota3A : vector<16xi32>
        %shift_right_logical3A_1503 = arith.constant 24 : i32
        %shift_right_logical3A_1504 = vector.broadcast %shift_right_logical3A_1503 : i32 to vector<16xi32>
        %shift_right_logical3A_1505 = arith.shrui %xor3A, %shift_right_logical3A_1504 : vector<16xi32>
        %le3A = vector.broadcast %sub3A_1427 : i32 to vector<16xi32>
        %le3A_1506 = arith.cmpi sle, %shift_right_logical3A_1505, %le3A : vector<16xi32>
        %broadcast_in_dim3A_1507 = arith.constant 0 : i32
        %broadcast_in_dim3A_1508 = vector.broadcast %broadcast_in_dim3A_1507 : i32 to vector<16xi32>
        %select_n3A_1509 = arith.select %le3A_1506, %broadcast_in_dim3A_0, %broadcast_in_dim3A_1508 : vector<16xi1>, vector<16xi32>
        %broadcast_in_dim3A_1510 = arith.constant true
        %broadcast_in_dim3A_1511 = vector.broadcast %broadcast_in_dim3A_1510 : i1 to vector<16xi1>
        %masked_cumsum3A_1512 = tpu.scan <sum>, %select_n3A_1509 masked %broadcast_in_dim3A_1511 : vector<16xi32>, vector<16xi1> -> vector<16xi32>
        %sub3A_1513 = arith.subi %masked_cumsum3A_1512, %select_n3A_1509 : vector<16xi32>
        %broadcast_in_dim3A_1514 = vector.broadcast %scan3A_1481 : i32 to vector<16xi32>
        %add3A_1515 = arith.addi %broadcast_in_dim3A_1514, %sub3A_1513 : vector<16xi32>
        %bitcast_convert_type3A_1516 = tpu.bitcast %xor3A : vector<16xi32> -> vector<16xf32>
        tpu.vector_store_idx %arg10[%add3A_1515], %bitcast_convert_type3A_1516 masked %le3A_1506 : memref<32768xf32, #tpu.memory_space<vmem>>[vector<16xi32>], vector<16xf32>, vector<16xi1>
        %add3A_1517 = arith.constant 8320 : i32
        %add3A_1518 = vector.broadcast %add3A_1517 : i32 to vector<16xi32>
        %add3A_1519 = arith.addi %add3A_1515, %add3A_1518 : vector<16xi32>
        %bitcast_convert_type3A_1520 = tpu.bitcast %add3A_1502 : vector<16xi32> -> vector<16xf32>
        tpu.vector_store_idx %arg10[%add3A_1519], %bitcast_convert_type3A_1520 masked %le3A_1506 : memref<32768xf32, #tpu.memory_space<vmem>>[vector<16xi32>], vector<16xf32>, vector<16xi1>
        %all_reduce_population_count3A_1521 = tpu.all_reduce %le3A_1506 {dim = 0 : i64, kind = #tpu.reduction_kind<sum>} : vector<16xi1> -> vector<16xi32>
        %reduce_max3A_1522 = arith.constant true
        %reduce_max3A_1523 = vector.broadcast %reduce_max3A_1522 : i1 to vector<16xi1>
        %reduce_max3A_1524 = arith.constant -2147483648 : i32
        %reduce_max3A_1525 = vector.broadcast %reduce_max3A_1524 : i32 to vector<16xi32>
        %reduce_max3A_1526 = arith.xori %all_reduce_population_count3A_1521, %reduce_max3A_1525 : vector<16xi32>
        %reduce_max3A_1527 = tpu.scan <max>, %reduce_max3A_1526 masked %reduce_max3A_1523 : vector<16xi32>, vector<16xi1> -> vector<16xi32>
        %reduce_max3A_1528 = arith.xori %reduce_max3A_1527, %reduce_max3A_1525 : vector<16xi32>
        %reduce_max3A_1529 = vector.extract %reduce_max3A_1528[15] : i32 from vector<16xi32>
        %add3A_1530 = arith.addi %scan3A_1481, %reduce_max3A_1529 : i32
        %mul3A_1531 = arith.constant 16 : i32
        %mul3A_1532 = arith.muli %add3A_1485, %mul3A_1531 : i32
        %get3A_1533 = arith.index_cast %mul3A_1532 : i32 to index
        %get3A_1534 = tpu.vector_load %arg7[%get3A_1533] {strides = array<i32>} : memref<8192xf32, #tpu.memory_space<vmem>>, vector<16xf32>,
        %bitcast_convert_type3A_1535 = tpu.bitcast %get3A_1534 : vector<16xf32> -> vector<16xi32>
        %shift_right_arithmetic3A_1536 = arith.constant 31 : i32
        %shift_right_arithmetic3A_1537 = vector.broadcast %shift_right_arithmetic3A_1536 : i32 to vector<16xi32>
        %shift_right_arithmetic3A_1538 = arith.shrsi %bitcast_convert_type3A_1535, %shift_right_arithmetic3A_1537 : vector<16xi32>
        %not3A_1539 = arith.constant dense<-1> : vector<16xi32>
        %not3A_1540 = arith.xori %shift_right_arithmetic3A_1538, %not3A_1539 : vector<16xi32>
        %and3A_1541 = arith.constant 2147483647 : i32
        %and3A_1542 = vector.broadcast %and3A_1541 : i32 to vector<16xi32>
        %and3A_1543 = arith.andi %not3A_1540, %and3A_1542 : vector<16xi32>
        %xor3A_1544 = arith.xori %bitcast_convert_type3A_1535, %and3A_1543 : vector<16xi32>
        %mul3A_1545 = arith.constant 16 : i32
        %mul3A_1546 = arith.muli %add3A_1485, %mul3A_1545 : i32
        %broadcast_in_dim3A_1547 = vector.broadcast %mul3A_1546 : i32 to vector<16xi32>
        %add3A_1548 = arith.addi %broadcast_in_dim3A_1547, %iota3A : vector<16xi32>
        %shift_right_logical3A_1549 = arith.constant 24 : i32
        %shift_right_logical3A_1550 = vector.broadcast %shift_right_logical3A_1549 : i32 to vector<16xi32>
        %shift_right_logical3A_1551 = arith.shrui %xor3A_1544, %shift_right_logical3A_1550 : vector<16xi32>
        %le3A_1552 = vector.broadcast %sub3A_1427 : i32 to vector<16xi32>
        %le3A_1553 = arith.cmpi sle, %shift_right_logical3A_1551, %le3A_1552 : vector<16xi32>
        %broadcast_in_dim3A_1554 = arith.constant 0 : i32
        %broadcast_in_dim3A_1555 = vector.broadcast %broadcast_in_dim3A_1554 : i32 to vector<16xi32>
        %select_n3A_1556 = arith.select %le3A_1553, %broadcast_in_dim3A_0, %broadcast_in_dim3A_1555 : vector<16xi1>, vector<16xi32>
        %broadcast_in_dim3A_1557 = arith.constant true
        %broadcast_in_dim3A_1558 = vector.broadcast %broadcast_in_dim3A_1557 : i1 to vector<16xi1>
        %masked_cumsum3A_1559 = tpu.scan <sum>, %select_n3A_1556 masked %broadcast_in_dim3A_1558 : vector<16xi32>, vector<16xi1> -> vector<16xi32>
        %sub3A_1560 = arith.subi %masked_cumsum3A_1559, %select_n3A_1556 : vector<16xi32>
        %broadcast_in_dim3A_1561 = vector.broadcast %add3A_1530 : i32 to vector<16xi32>
        %add3A_1562 = arith.addi %broadcast_in_dim3A_1561, %sub3A_1560 : vector<16xi32>
        %bitcast_convert_type3A_1563 = tpu.bitcast %xor3A_1544 : vector<16xi32> -> vector<16xf32>
        tpu.vector_store_idx %arg10[%add3A_1562], %bitcast_convert_type3A_1563 masked %le3A_1553 : memref<32768xf32, #tpu.memory_space<vmem>>[vector<16xi32>], vector<16xf32>, vector<16xi1>
        %add3A_1564 = arith.constant 8320 : i32
        %add3A_1565 = vector.broadcast %add3A_1564 : i32 to vector<16xi32>
        %add3A_1566 = arith.addi %add3A_1562, %add3A_1565 : vector<16xi32>
        %bitcast_convert_type3A_1567 = tpu.bitcast %add3A_1548 : vector<16xi32> -> vector<16xf32>
        tpu.vector_store_idx %arg10[%add3A_1566], %bitcast_convert_type3A_1567 masked %le3A_1553 : memref<32768xf32, #tpu.memory_space<vmem>>[vector<16xi32>], vector<16xf32>, vector<16xi1>
        %all_reduce_population_count3A_1568 = tpu.all_reduce %le3A_1553 {dim = 0 : i64, kind = #tpu.reduction_kind<sum>} : vector<16xi1> -> vector<16xi32>
        %reduce_max3A_1569 = arith.constant true
        %reduce_max3A_1570 = vector.broadcast %reduce_max3A_1569 : i1 to vector<16xi1>
        %reduce_max3A_1571 = arith.constant -2147483648 : i32
        %reduce_max3A_1572 = vector.broadcast %reduce_max3A_1571 : i32 to vector<16xi32>
        %reduce_max3A_1573 = arith.xori %all_reduce_population_count3A_1568, %reduce_max3A_1572 : vector<16xi32>
        %reduce_max3A_1574 = tpu.scan <max>, %reduce_max3A_1573 masked %reduce_max3A_1570 : vector<16xi32>, vector<16xi1> -> vector<16xi32>
        %reduce_max3A_1575 = arith.xori %reduce_max3A_1574, %reduce_max3A_1572 : vector<16xi32>
        %reduce_max3A_1576 = vector.extract %reduce_max3A_1575[15] : i32 from vector<16xi32>
        %add3A_1577 = arith.addi %add3A_1530, %reduce_max3A_1576 : i32
        scf.yield %add3A_1577 : i32
      }
      %scan3A_1443 = arith.constant 256 : i32
      %add3A_1444 = arith.constant 0 : i32
      %add3A_1445 = arith.addi %scan3A_1442, %add3A_1444 : i32
      %broadcast_in_dim3A_1446 = vector.broadcast %add3A_1445 : i32 to vector<16xi32>
      %add3A_1447 = arith.addi %broadcast_in_dim3A_1446, %iota3A : vector<16xi32>
      %broadcast_in_dim3A_1448 = arith.constant -1 : i32
      %broadcast_in_dim3A_1449 = vector.broadcast %broadcast_in_dim3A_1448 : i32 to vector<16xi32>
      %bitcast_convert_type3A = tpu.bitcast %broadcast_in_dim3A_1449 : vector<16xi32> -> vector<16xf32>
      tpu.vector_store_idx %arg10[%add3A_1447], %bitcast_convert_type3A : memref<32768xf32, #tpu.memory_space<vmem>>[vector<16xi32>], vector<16xf32>,
      %add3A_1450 = arith.constant 8320 : i32
      %add3A_1451 = vector.broadcast %add3A_1450 : i32 to vector<16xi32>
      %add3A_1452 = arith.addi %add3A_1447, %add3A_1451 : vector<16xi32>
      %broadcast_in_dim3A_1453 = arith.constant 0.000000e+00 : f32
      %broadcast_in_dim3A_1454 = vector.broadcast %broadcast_in_dim3A_1453 : f32 to vector<16xf32>
      tpu.vector_store_idx %arg10[%add3A_1452], %broadcast_in_dim3A_1454 : memref<32768xf32, #tpu.memory_space<vmem>>[vector<16xi32>], vector<16xf32>,
      %add3A_1455 = arith.constant 16 : i32
      %add3A_1456 = arith.addi %scan3A_1442, %add3A_1455 : i32
      %broadcast_in_dim3A_1457 = vector.broadcast %add3A_1456 : i32 to vector<16xi32>
      %add3A_1458 = arith.addi %broadcast_in_dim3A_1457, %iota3A : vector<16xi32>
      %broadcast_in_dim3A_1459 = arith.constant -1 : i32
      %broadcast_in_dim3A_1460 = vector.broadcast %broadcast_in_dim3A_1459 : i32 to vector<16xi32>
      %bitcast_convert_type3A_1461 = tpu.bitcast %broadcast_in_dim3A_1460 : vector<16xi32> -> vector<16xf32>
      tpu.vector_store_idx %arg10[%add3A_1458], %bitcast_convert_type3A_1461 : memref<32768xf32, #tpu.memory_space<vmem>>[vector<16xi32>], vector<16xf32>,
      %add3A_1462 = arith.constant 8320 : i32
      %add3A_1463 = vector.broadcast %add3A_1462 : i32 to vector<16xi32>
      %add3A_1464 = arith.addi %add3A_1458, %add3A_1463 : vector<16xi32>
      %broadcast_in_dim3A_1465 = arith.constant 0.000000e+00 : f32
      %broadcast_in_dim3A_1466 = vector.broadcast %broadcast_in_dim3A_1465 : f32 to vector<16xf32>
      tpu.vector_store_idx %arg10[%add3A_1464], %broadcast_in_dim3A_1466 : memref<32768xf32, #tpu.memory_space<vmem>>[vector<16xi32>], vector<16xf32>,
      %add3A_1467 = arith.constant 31 : i32
      %add3A_1468 = arith.addi %reduce_max3A_1436, %add3A_1467 : i32
      %shift_right_logical3A = arith.constant 5 : i32
      %shift_right_logical3A_1469 = arith.shrui %add3A_1468, %shift_right_logical3A : i32
      %mul3A_1470 = arith.constant 2 : i32
      %mul3A_1471 = arith.muli %shift_right_logical3A_1469, %mul3A_1470 : i32
      %scan3A_1472 = arith.constant 0 : i32
      %scan3A_1473 = arith.constant 0 : i32
      %scan3A_1474 = arith.constant 4 : i32
      %scan3A_1475 = arith.addi %scan3A_1473, %scan3A_1474 : i32
      %scan3A_1476 = arith.constant 1 : i32
      scf.for %scan3A_1480 = %scan3A_1473 to %scan3A_1475 step %scan3A_1476  : i32 {
        %mul3A_1481 = arith.constant 8 : i32
        %mul3A_1482 = arith.muli %scan3A_1480, %mul3A_1481 : i32
        %broadcast_in_dim3A_1483 = vector.broadcast %mul3A_1482 : i32 to vector<16xi32>
        %mul3A_1484 = vector.broadcast %mul3A_1471 : i32 to vector<16xi32>
        %mul3A_1485 = arith.muli %iota3A, %mul3A_1484 : vector<16xi32>
        %broadcast_in_dim3A_1486 = arith.constant 0 : i32
        %broadcast_in_dim3A_1487 = vector.broadcast %broadcast_in_dim3A_1486 : i32 to vector<16xi32>
        %swap3A_1488 = arith.constant 0 : index
        %swap3A_1489 = tpu.vector_load %arg11[%swap3A_1488] {strides = array<i32>} : memref<4096xi32, #tpu.memory_space<vmem>>, vector<16xi32>,
        tpu.vector_store %arg11[%swap3A_1488], %broadcast_in_dim3A_1487 {strides = array<i32>} : memref<4096xi32, #tpu.memory_space<vmem>>, vector<16xi32>,
        %broadcast_in_dim3A_1490 = arith.constant 0 : i32
        %broadcast_in_dim3A_1491 = vector.broadcast %broadcast_in_dim3A_1490 : i32 to vector<16xi32>
        %swap3A_1492 = arith.constant 16 : index
        %swap3A_1493 = tpu.vector_load %arg11[%swap3A_1492] {strides = array<i32>} : memref<4096xi32, #tpu.memory_space<vmem>>, vector<16xi32>,
        tpu.vector_store %arg11[%swap3A_1492], %broadcast_in_dim3A_1491 {strides = array<i32>} : memref<4096xi32, #tpu.memory_space<vmem>>, vector<16xi32>,
        %broadcast_in_dim3A_1494 = arith.constant 0 : i32
        %broadcast_in_dim3A_1495 = vector.broadcast %broadcast_in_dim3A_1494 : i32 to vector<16xi32>
        %swap3A_1496 = arith.constant 32 : index
        %swap3A_1497 = tpu.vector_load %arg11[%swap3A_1496] {strides = array<i32>} : memref<4096xi32, #tpu.memory_space<vmem>>, vector<16xi32>,
        tpu.vector_store %arg11[%swap3A_1496], %broadcast_in_dim3A_1495 {strides = array<i32>} : memref<4096xi32, #tpu.memory_space<vmem>>, vector<16xi32>,
        %broadcast_in_dim3A_1498 = arith.constant 0 : i32
        %broadcast_in_dim3A_1499 = vector.broadcast %broadcast_in_dim3A_1498 : i32 to vector<16xi32>
        %swap3A_1500 = arith.constant 48 : index
        %swap3A_1501 = tpu.vector_load %arg11[%swap3A_1500] {strides = array<i32>} : memref<4096xi32, #tpu.memory_space<vmem>>, vector<16xi32>,
        tpu.vector_store %arg11[%swap3A_1500], %broadcast_in_dim3A_1499 {strides = array<i32>} : memref<4096xi32, #tpu.memory_space<vmem>>, vector<16xi32>,
        %broadcast_in_dim3A_1502 = arith.constant 0 : i32
        %broadcast_in_dim3A_1503 = vector.broadcast %broadcast_in_dim3A_1502 : i32 to vector<16xi32>
        %swap3A_1504 = arith.constant 64 : index
        %swap3A_1505 = tpu.vector_load %arg11[%swap3A_1504] {strides = array<i32>} : memref<4096xi32, #tpu.memory_space<vmem>>, vector<16xi32>,
        tpu.vector_store %arg11[%swap3A_1504], %broadcast_in_dim3A_1503 {strides = array<i32>} : memref<4096xi32, #tpu.memory_space<vmem>>, vector<16xi32>,
        %broadcast_in_dim3A_1506 = arith.constant 0 : i32
        %broadcast_in_dim3A_1507 = vector.broadcast %broadcast_in_dim3A_1506 : i32 to vector<16xi32>
        %swap3A_1508 = arith.constant 80 : index
        %swap3A_1509 = tpu.vector_load %arg11[%swap3A_1508] {strides = array<i32>} : memref<4096xi32, #tpu.memory_space<vmem>>, vector<16xi32>,
        tpu.vector_store %arg11[%swap3A_1508], %broadcast_in_dim3A_1507 {strides = array<i32>} : memref<4096xi32, #tpu.memory_space<vmem>>, vector<16xi32>,
        %broadcast_in_dim3A_1510 = arith.constant 0 : i32
        %broadcast_in_dim3A_1511 = vector.broadcast %broadcast_in_dim3A_1510 : i32 to vector<16xi32>
        %swap3A_1512 = arith.constant 96 : index
        %swap3A_1513 = tpu.vector_load %arg11[%swap3A_1512] {strides = array<i32>} : memref<4096xi32, #tpu.memory_space<vmem>>, vector<16xi32>,
        tpu.vector_store %arg11[%swap3A_1512], %broadcast_in_dim3A_1511 {strides = array<i32>} : memref<4096xi32, #tpu.memory_space<vmem>>, vector<16xi32>,
        %broadcast_in_dim3A_1514 = arith.constant 0 : i32
        %broadcast_in_dim3A_1515 = vector.broadcast %broadcast_in_dim3A_1514 : i32 to vector<16xi32>
        %swap3A_1516 = arith.constant 112 : index
        %swap3A_1517 = tpu.vector_load %arg11[%swap3A_1516] {strides = array<i32>} : memref<4096xi32, #tpu.memory_space<vmem>>, vector<16xi32>,
        tpu.vector_store %arg11[%swap3A_1516], %broadcast_in_dim3A_1515 {strides = array<i32>} : memref<4096xi32, #tpu.memory_space<vmem>>, vector<16xi32>,
        %broadcast_in_dim3A_1518 = arith.constant 0 : i32
        %broadcast_in_dim3A_1519 = vector.broadcast %broadcast_in_dim3A_1518 : i32 to vector<16xi32>
        %swap3A_1520 = arith.constant 128 : index
        %swap3A_1521 = tpu.vector_load %arg11[%swap3A_1520] {strides = array<i32>} : memref<4096xi32, #tpu.memory_space<vmem>>, vector<16xi32>,
        tpu.vector_store %arg11[%swap3A_1520], %broadcast_in_dim3A_1519 {strides = array<i32>} : memref<4096xi32, #tpu.memory_space<vmem>>, vector<16xi32>,
        %broadcast_in_dim3A_1522 = arith.constant 0 : i32
        %broadcast_in_dim3A_1523 = vector.broadcast %broadcast_in_dim3A_1522 : i32 to vector<16xi32>
        %swap3A_1524 = arith.constant 144 : index
        %swap3A_1525 = tpu.vector_load %arg11[%swap3A_1524] {strides = array<i32>} : memref<4096xi32, #tpu.memory_space<vmem>>, vector<16xi32>,
        tpu.vector_store %arg11[%swap3A_1524], %broadcast_in_dim3A_1523 {strides = array<i32>} : memref<4096xi32, #tpu.memory_space<vmem>>, vector<16xi32>,
        %broadcast_in_dim3A_1526 = arith.constant 0 : i32
        %broadcast_in_dim3A_1527 = vector.broadcast %broadcast_in_dim3A_1526 : i32 to vector<16xi32>
        %swap3A_1528 = arith.constant 160 : index
        %swap3A_1529 = tpu.vector_load %arg11[%swap3A_1528] {strides = array<i32>} : memref<4096xi32, #tpu.memory_space<vmem>>, vector<16xi32>,
        tpu.vector_store %arg11[%swap3A_1528], %broadcast_in_dim3A_1527 {strides = array<i32>} : memref<4096xi32, #tpu.memory_space<vmem>>, vector<16xi32>,
        %broadcast_in_dim3A_1530 = arith.constant 0 : i32
        %broadcast_in_dim3A_1531 = vector.broadcast %broadcast_in_dim3A_1530 : i32 to vector<16xi32>
        %swap3A_1532 = arith.constant 176 : index
        %swap3A_1533 = tpu.vector_load %arg11[%swap3A_1532] {strides = array<i32>} : memref<4096xi32, #tpu.memory_space<vmem>>, vector<16xi32>,
        tpu.vector_store %arg11[%swap3A_1532], %broadcast_in_dim3A_1531 {strides = array<i32>} : memref<4096xi32, #tpu.memory_space<vmem>>, vector<16xi32>,
        %broadcast_in_dim3A_1534 = arith.constant 0 : i32
        %broadcast_in_dim3A_1535 = vector.broadcast %broadcast_in_dim3A_1534 : i32 to vector<16xi32>
        %swap3A_1536 = arith.constant 192 : index
        %swap3A_1537 = tpu.vector_load %arg11[%swap3A_1536] {strides = array<i32>} : memref<4096xi32, #tpu.memory_space<vmem>>, vector<16xi32>,
        tpu.vector_store %arg11[%swap3A_1536], %broadcast_in_dim3A_1535 {strides = array<i32>} : memref<4096xi32, #tpu.memory_space<vmem>>, vector<16xi32>,
        %broadcast_in_dim3A_1538 = arith.constant 0 : i32
        %broadcast_in_dim3A_1539 = vector.broadcast %broadcast_in_dim3A_1538 : i32 to vector<16xi32>
        %swap3A_1540 = arith.constant 208 : index
        %swap3A_1541 = tpu.vector_load %arg11[%swap3A_1540] {strides = array<i32>} : memref<4096xi32, #tpu.memory_space<vmem>>, vector<16xi32>,
        tpu.vector_store %arg11[%swap3A_1540], %broadcast_in_dim3A_1539 {strides = array<i32>} : memref<4096xi32, #tpu.memory_space<vmem>>, vector<16xi32>,
        %broadcast_in_dim3A_1542 = arith.constant 0 : i32
        %broadcast_in_dim3A_1543 = vector.broadcast %broadcast_in_dim3A_1542 : i32 to vector<16xi32>
        %swap3A_1544 = arith.constant 224 : index
        %swap3A_1545 = tpu.vector_load %arg11[%swap3A_1544] {strides = array<i32>} : memref<4096xi32, #tpu.memory_space<vmem>>, vector<16xi32>,
        tpu.vector_store %arg11[%swap3A_1544], %broadcast_in_dim3A_1543 {strides = array<i32>} : memref<4096xi32, #tpu.memory_space<vmem>>, vector<16xi32>,
        %broadcast_in_dim3A_1546 = arith.constant 0 : i32
        %broadcast_in_dim3A_1547 = vector.broadcast %broadcast_in_dim3A_1546 : i32 to vector<16xi32>
        %swap3A_1548 = arith.constant 240 : index
        %swap3A_1549 = tpu.vector_load %arg11[%swap3A_1548] {strides = array<i32>} : memref<4096xi32, #tpu.memory_space<vmem>>, vector<16xi32>,
        tpu.vector_store %arg11[%swap3A_1548], %broadcast_in_dim3A_1547 {strides = array<i32>} : memref<4096xi32, #tpu.memory_space<vmem>>, vector<16xi32>,
        %while3A = arith.constant 0 : i32
        %while3A_1550 = arith.constant 0 : i32
        %while3A_1551 = arith.subi %shift_right_logical3A_1469, %while3A_1550 : i32
        %while3A_1552 = arith.addi %while3A_1550, %while3A_1551 : i32
        %while3A_1553 = arith.constant 1 : i32
        %while3A_1554 = arith.divsi %while3A_1551, %while3A_1553 : i32
        %while3A_1555 = arith.muli %while3A_1554, %while3A_1553 : i32
        %while3A_1556 = arith.addi %while3A_1550, %while3A_1555 : i32
        %while3A_1557 = arith.constant 1 : i32
        scf.for %while3A_1864 = %while3A_1550 to %while3A_1556 step %while3A_1557  : i32 {
          %mul3A_1865 = arith.constant 2 : i32
          %mul3A_1866 = arith.muli %mul3A_1865, %while3A_1864 : i32
          %broadcast_in_dim3A_1867 = vector.broadcast %mul3A_1866 : i32 to vector<16xi32>
          %add3A_1868 = arith.addi %broadcast_in_dim3A_1867, %mul3A_1485 : vector<16xi32>
          %gather3A_1869 = tpu.vector_load_idx %arg10[%add3A_1868] : memref<32768xf32, #tpu.memory_space<vmem>>[vector<16xi32>], vector<16xf32>,
          %bitcast_convert_type3A_1870 = tpu.bitcast %gather3A_1869 : vector<16xf32> -> vector<16xi32>
          %shift_right_logical3A_1871 = arith.shrui %bitcast_convert_type3A_1870, %broadcast_in_dim3A_1483 : vector<16xi32>
          %and3A_1872 = arith.constant 15 : i32
          %and3A_1873 = vector.broadcast %and3A_1872 : i32 to vector<16xi32>
          %and3A_1874 = arith.andi %shift_right_logical3A_1871, %and3A_1873 : vector<16xi32>
          %mul3A_1875 = arith.constant 16 : i32
          %mul3A_1876 = vector.broadcast %mul3A_1875 : i32 to vector<16xi32>
          %mul3A_1877 = arith.muli %iota3A, %mul3A_1876 : vector<16xi32>
          %add3A_1878 = arith.addi %mul3A_1877, %and3A_1874 : vector<16xi32>
          tpu.vector_store_idx %arg11[%add3A_1878], %broadcast_in_dim3A_0 {add = true} : memref<4096xi32, #tpu.memory_space<vmem>>[vector<16xi32>], vector<16xi32>,
          %add3A_1879 = arith.constant 1 : i32
          %add3A_1880 = vector.broadcast %add3A_1879 : i32 to vector<16xi32>
          %add3A_1881 = arith.addi %add3A_1868, %add3A_1880 : vector<16xi32>
          %gather3A_1882 = tpu.vector_load_idx %arg10[%add3A_1881] : memref<32768xf32, #tpu.memory_space<vmem>>[vector<16xi32>], vector<16xf32>,
          %bitcast_convert_type3A_1883 = tpu.bitcast %gather3A_1882 : vector<16xf32> -> vector<16xi32>
          %shift_right_logical3A_1884 = arith.shrui %bitcast_convert_type3A_1883, %broadcast_in_dim3A_1483 : vector<16xi32>
          %and3A_1885 = arith.constant 15 : i32
          %and3A_1886 = vector.broadcast %and3A_1885 : i32 to vector<16xi32>
          %and3A_1887 = arith.andi %shift_right_logical3A_1884, %and3A_1886 : vector<16xi32>
          %mul3A_1888 = arith.constant 16 : i32
          %mul3A_1889 = vector.broadcast %mul3A_1888 : i32 to vector<16xi32>
          %mul3A_1890 = arith.muli %iota3A, %mul3A_1889 : vector<16xi32>
          %add3A_1891 = arith.addi %mul3A_1890, %and3A_1887 : vector<16xi32>
          tpu.vector_store_idx %arg11[%add3A_1891], %broadcast_in_dim3A_0 {add = true} : memref<4096xi32, #tpu.memory_space<vmem>>[vector<16xi32>], vector<16xi32>,
        }
        %while3A_1558 = arith.constant 1 : i32
        scf.for %while3A_1864 = %while3A_1556 to %while3A_1552 step %while3A_1558  : i32 {
          %mul3A_1865 = arith.constant 2 : i32
          %mul3A_1866 = arith.muli %mul3A_1865, %while3A_1864 : i32
          %broadcast_in_dim3A_1867 = vector.broadcast %mul3A_1866 : i32 to vector<16xi32>
          %add3A_1868 = arith.addi %broadcast_in_dim3A_1867, %mul3A_1485 : vector<16xi32>
          %gather3A_1869 = tpu.vector_load_idx %arg10[%add3A_1868] : memref<32768xf32, #tpu.memory_space<vmem>>[vector<16xi32>], vector<16xf32>,
          %bitcast_convert_type3A_1870 = tpu.bitcast %gather3A_1869 : vector<16xf32> -> vector<16xi32>
          %shift_right_logical3A_1871 = arith.shrui %bitcast_convert_type3A_1870, %broadcast_in_dim3A_1483 : vector<16xi32>
          %and3A_1872 = arith.constant 15 : i32
          %and3A_1873 = vector.broadcast %and3A_1872 : i32 to vector<16xi32>
          %and3A_1874 = arith.andi %shift_right_logical3A_1871, %and3A_1873 : vector<16xi32>
          %mul3A_1875 = arith.constant 16 : i32
          %mul3A_1876 = vector.broadcast %mul3A_1875 : i32 to vector<16xi32>
          %mul3A_1877 = arith.muli %iota3A, %mul3A_1876 : vector<16xi32>
          %add3A_1878 = arith.addi %mul3A_1877, %and3A_1874 : vector<16xi32>
          tpu.vector_store_idx %arg11[%add3A_1878], %broadcast_in_dim3A_0 {add = true} : memref<4096xi32, #tpu.memory_space<vmem>>[vector<16xi32>], vector<16xi32>,
          %add3A_1879 = arith.constant 1 : i32
          %add3A_1880 = vector.broadcast %add3A_1879 : i32 to vector<16xi32>
          %add3A_1881 = arith.addi %add3A_1868, %add3A_1880 : vector<16xi32>
          %gather3A_1882 = tpu.vector_load_idx %arg10[%add3A_1881] : memref<32768xf32, #tpu.memory_space<vmem>>[vector<16xi32>], vector<16xf32>,
          %bitcast_convert_type3A_1883 = tpu.bitcast %gather3A_1882 : vector<16xf32> -> vector<16xi32>
          %shift_right_logical3A_1884 = arith.shrui %bitcast_convert_type3A_1883, %broadcast_in_dim3A_1483 : vector<16xi32>
          %and3A_1885 = arith.constant 15 : i32
          %and3A_1886 = vector.broadcast %and3A_1885 : i32 to vector<16xi32>
          %and3A_1887 = arith.andi %shift_right_logical3A_1884, %and3A_1886 : vector<16xi32>
          %mul3A_1888 = arith.constant 16 : i32
          %mul3A_1889 = vector.broadcast %mul3A_1888 : i32 to vector<16xi32>
          %mul3A_1890 = arith.muli %iota3A, %mul3A_1889 : vector<16xi32>
          %add3A_1891 = arith.addi %mul3A_1890, %and3A_1887 : vector<16xi32>
          tpu.vector_store_idx %arg11[%add3A_1891], %broadcast_in_dim3A_0 {add = true} : memref<4096xi32, #tpu.memory_space<vmem>>[vector<16xi32>], vector<16xi32>,
        }
        %broadcast_in_dim3A_1559 = arith.constant 0 : i32
        %broadcast_in_dim3A_1560 = vector.broadcast %broadcast_in_dim3A_1559 : i32 to vector<16xi32>
        %get3A_1561 = arith.constant 0 : index
        %get3A_1562 = tpu.vector_load %arg11[%get3A_1561] {strides = array<i32>} : memref<4096xi32, #tpu.memory_space<vmem>>, vector<16xi32>,
        %add3A_1563 = arith.addi %broadcast_in_dim3A_1560, %get3A_1562 : vector<16xi32>
        %get3A_1564 = arith.constant 16 : index
        %get3A_1565 = tpu.vector_load %arg11[%get3A_1564] {strides = array<i32>} : memref<4096xi32, #tpu.memory_space<vmem>>, vector<16xi32>,
        %add3A_1566 = arith.addi %add3A_1563, %get3A_1565 : vector<16xi32>
        %get3A_1567 = arith.constant 32 : index
        %get3A_1568 = tpu.vector_load %arg11[%get3A_1567] {strides = array<i32>} : memref<4096xi32, #tpu.memory_space<vmem>>, vector<16xi32>,
        %add3A_1569 = arith.addi %add3A_1566, %get3A_1568 : vector<16xi32>
        %get3A_1570 = arith.constant 48 : index
        %get3A_1571 = tpu.vector_load %arg11[%get3A_1570] {strides = array<i32>} : memref<4096xi32, #tpu.memory_space<vmem>>, vector<16xi32>,
        %add3A_1572 = arith.addi %add3A_1569, %get3A_1571 : vector<16xi32>
        %get3A_1573 = arith.constant 64 : index
        %get3A_1574 = tpu.vector_load %arg11[%get3A_1573] {strides = array<i32>} : memref<4096xi32, #tpu.memory_space<vmem>>, vector<16xi32>,
        %add3A_1575 = arith.addi %add3A_1572, %get3A_1574 : vector<16xi32>
        %get3A_1576 = arith.constant 80 : index
        %get3A_1577 = tpu.vector_load %arg11[%get3A_1576] {strides = array<i32>} : memref<4096xi32, #tpu.memory_space<vmem>>, vector<16xi32>,
        %add3A_1578 = arith.addi %add3A_1575, %get3A_1577 : vector<16xi32>
        %get3A_1579 = arith.constant 96 : index
        %get3A_1580 = tpu.vector_load %arg11[%get3A_1579] {strides = array<i32>} : memref<4096xi32, #tpu.memory_space<vmem>>, vector<16xi32>,
        %add3A_1581 = arith.addi %add3A_1578, %get3A_1580 : vector<16xi32>
        %get3A_1582 = arith.constant 112 : index
        %get3A_1583 = tpu.vector_load %arg11[%get3A_1582] {strides = array<i32>} : memref<4096xi32, #tpu.memory_space<vmem>>, vector<16xi32>,
        %add3A_1584 = arith.addi %add3A_1581, %get3A_1583 : vector<16xi32>
        %get3A_1585 = arith.constant 128 : index
        %get3A_1586 = tpu.vector_load %arg11[%get3A_1585] {strides = array<i32>} : memref<4096xi32, #tpu.memory_space<vmem>>, vector<16xi32>,
        %add3A_1587 = arith.addi %add3A_1584, %get3A_1586 : vector<16xi32>
        %get3A_1588 = arith.constant 144 : index
        %get3A_1589 = tpu.vector_load %arg11[%get3A_1588] {strides = array<i32>} : memref<4096xi32, #tpu.memory_space<vmem>>, vector<16xi32>,
        %add3A_1590 = arith.addi %add3A_1587, %get3A_1589 : vector<16xi32>
        %get3A_1591 = arith.constant 160 : index
        %get3A_1592 = tpu.vector_load %arg11[%get3A_1591] {strides = array<i32>} : memref<4096xi32, #tpu.memory_space<vmem>>, vector<16xi32>,
        %add3A_1593 = arith.addi %add3A_1590, %get3A_1592 : vector<16xi32>
        %get3A_1594 = arith.constant 176 : index
        %get3A_1595 = tpu.vector_load %arg11[%get3A_1594] {strides = array<i32>} : memref<4096xi32, #tpu.memory_space<vmem>>, vector<16xi32>,
        %add3A_1596 = arith.addi %add3A_1593, %get3A_1595 : vector<16xi32>
        %get3A_1597 = arith.constant 192 : index
        %get3A_1598 = tpu.vector_load %arg11[%get3A_1597] {strides = array<i32>} : memref<4096xi32, #tpu.memory_space<vmem>>, vector<16xi32>,
        %add3A_1599 = arith.addi %add3A_1596, %get3A_1598 : vector<16xi32>
        %get3A_1600 = arith.constant 208 : index
        %get3A_1601 = tpu.vector_load %arg11[%get3A_1600] {strides = array<i32>} : memref<4096xi32, #tpu.memory_space<vmem>>, vector<16xi32>,
        %add3A_1602 = arith.addi %add3A_1599, %get3A_1601 : vector<16xi32>
        %get3A_1603 = arith.constant 224 : index
        %get3A_1604 = tpu.vector_load %arg11[%get3A_1603] {strides = array<i32>} : memref<4096xi32, #tpu.memory_space<vmem>>, vector<16xi32>,
        %add3A_1605 = arith.addi %add3A_1602, %get3A_1604 : vector<16xi32>
        %get3A_1606 = arith.constant 240 : index
        %get3A_1607 = tpu.vector_load %arg11[%get3A_1606] {strides = array<i32>} : memref<4096xi32, #tpu.memory_space<vmem>>, vector<16xi32>,
        %add3A_1608 = arith.addi %add3A_1605, %get3A_1607 : vector<16xi32>
        %broadcast_in_dim3A_1609 = arith.constant true
        %broadcast_in_dim3A_1610 = vector.broadcast %broadcast_in_dim3A_1609 : i1 to vector<16xi1>
        %masked_cumsum3A_1611 = tpu.scan <sum>, %add3A_1608 masked %broadcast_in_dim3A_1610 : vector<16xi32>, vector<16xi1> -> vector<16xi32>
        %sub3A_1612 = arith.subi %masked_cumsum3A_1611, %add3A_1608 : vector<16xi32>
        %swap3A_1613 = arith.constant 0 : index
        %swap3A_1614 = tpu.vector_load %arg11[%swap3A_1613] {strides = array<i32>} : memref<4096xi32, #tpu.memory_space<vmem>>, vector<16xi32>,
        tpu.vector_store %arg11[%swap3A_1613], %sub3A_1612 {strides = array<i32>} : memref<4096xi32, #tpu.memory_space<vmem>>, vector<16xi32>,
        %add3A_1615 = arith.addi %sub3A_1612, %get3A_1562 : vector<16xi32>
        %swap3A_1616 = arith.constant 16 : index
        %swap3A_1617 = tpu.vector_load %arg11[%swap3A_1616] {strides = array<i32>} : memref<4096xi32, #tpu.memory_space<vmem>>, vector<16xi32>,
        tpu.vector_store %arg11[%swap3A_1616], %add3A_1615 {strides = array<i32>} : memref<4096xi32, #tpu.memory_space<vmem>>, vector<16xi32>,
        %add3A_1618 = arith.addi %add3A_1615, %get3A_1565 : vector<16xi32>
        %swap3A_1619 = arith.constant 32 : index
        %swap3A_1620 = tpu.vector_load %arg11[%swap3A_1619] {strides = array<i32>} : memref<4096xi32, #tpu.memory_space<vmem>>, vector<16xi32>,
        tpu.vector_store %arg11[%swap3A_1619], %add3A_1618 {strides = array<i32>} : memref<4096xi32, #tpu.memory_space<vmem>>, vector<16xi32>,
        %add3A_1621 = arith.addi %add3A_1618, %get3A_1568 : vector<16xi32>
        %swap3A_1622 = arith.constant 48 : index
        %swap3A_1623 = tpu.vector_load %arg11[%swap3A_1622] {strides = array<i32>} : memref<4096xi32, #tpu.memory_space<vmem>>, vector<16xi32>,
        tpu.vector_store %arg11[%swap3A_1622], %add3A_1621 {strides = array<i32>} : memref<4096xi32, #tpu.memory_space<vmem>>, vector<16xi32>,
        %add3A_1624 = arith.addi %add3A_1621, %get3A_1571 : vector<16xi32>
        %swap3A_1625 = arith.constant 64 : index
        %swap3A_1626 = tpu.vector_load %arg11[%swap3A_1625] {strides = array<i32>} : memref<4096xi32, #tpu.memory_space<vmem>>, vector<16xi32>,
        tpu.vector_store %arg11[%swap3A_1625], %add3A_1624 {strides = array<i32>} : memref<4096xi32, #tpu.memory_space<vmem>>, vector<16xi32>,
        %add3A_1627 = arith.addi %add3A_1624, %get3A_1574 : vector<16xi32>
        %swap3A_1628 = arith.constant 80 : index
        %swap3A_1629 = tpu.vector_load %arg11[%swap3A_1628] {strides = array<i32>} : memref<4096xi32, #tpu.memory_space<vmem>>, vector<16xi32>,
        tpu.vector_store %arg11[%swap3A_1628], %add3A_1627 {strides = array<i32>} : memref<4096xi32, #tpu.memory_space<vmem>>, vector<16xi32>,
        %add3A_1630 = arith.addi %add3A_1627, %get3A_1577 : vector<16xi32>
        %swap3A_1631 = arith.constant 96 : index
        %swap3A_1632 = tpu.vector_load %arg11[%swap3A_1631] {strides = array<i32>} : memref<4096xi32, #tpu.memory_space<vmem>>, vector<16xi32>,
        tpu.vector_store %arg11[%swap3A_1631], %add3A_1630 {strides = array<i32>} : memref<4096xi32, #tpu.memory_space<vmem>>, vector<16xi32>,
        %add3A_1633 = arith.addi %add3A_1630, %get3A_1580 : vector<16xi32>
        %swap3A_1634 = arith.constant 112 : index
        %swap3A_1635 = tpu.vector_load %arg11[%swap3A_1634] {strides = array<i32>} : memref<4096xi32, #tpu.memory_space<vmem>>, vector<16xi32>,
        tpu.vector_store %arg11[%swap3A_1634], %add3A_1633 {strides = array<i32>} : memref<4096xi32, #tpu.memory_space<vmem>>, vector<16xi32>,
        %add3A_1636 = arith.addi %add3A_1633, %get3A_1583 : vector<16xi32>
        %swap3A_1637 = arith.constant 128 : index
        %swap3A_1638 = tpu.vector_load %arg11[%swap3A_1637] {strides = array<i32>} : memref<4096xi32, #tpu.memory_space<vmem>>, vector<16xi32>,
        tpu.vector_store %arg11[%swap3A_1637], %add3A_1636 {strides = array<i32>} : memref<4096xi32, #tpu.memory_space<vmem>>, vector<16xi32>,
        %add3A_1639 = arith.addi %add3A_1636, %get3A_1586 : vector<16xi32>
        %swap3A_1640 = arith.constant 144 : index
        %swap3A_1641 = tpu.vector_load %arg11[%swap3A_1640] {strides = array<i32>} : memref<4096xi32, #tpu.memory_space<vmem>>, vector<16xi32>,
        tpu.vector_store %arg11[%swap3A_1640], %add3A_1639 {strides = array<i32>} : memref<4096xi32, #tpu.memory_space<vmem>>, vector<16xi32>,
        %add3A_1642 = arith.addi %add3A_1639, %get3A_1589 : vector<16xi32>
        %swap3A_1643 = arith.constant 160 : index
        %swap3A_1644 = tpu.vector_load %arg11[%swap3A_1643] {strides = array<i32>} : memref<4096xi32, #tpu.memory_space<vmem>>, vector<16xi32>,
        tpu.vector_store %arg11[%swap3A_1643], %add3A_1642 {strides = array<i32>} : memref<4096xi32, #tpu.memory_space<vmem>>, vector<16xi32>,
        %add3A_1645 = arith.addi %add3A_1642, %get3A_1592 : vector<16xi32>
        %swap3A_1646 = arith.constant 176 : index
        %swap3A_1647 = tpu.vector_load %arg11[%swap3A_1646] {strides = array<i32>} : memref<4096xi32, #tpu.memory_space<vmem>>, vector<16xi32>,
        tpu.vector_store %arg11[%swap3A_1646], %add3A_1645 {strides = array<i32>} : memref<4096xi32, #tpu.memory_space<vmem>>, vector<16xi32>,
        %add3A_1648 = arith.addi %add3A_1645, %get3A_1595 : vector<16xi32>
        %swap3A_1649 = arith.constant 192 : index
        %swap3A_1650 = tpu.vector_load %arg11[%swap3A_1649] {strides = array<i32>} : memref<4096xi32, #tpu.memory_space<vmem>>, vector<16xi32>,
        tpu.vector_store %arg11[%swap3A_1649], %add3A_1648 {strides = array<i32>} : memref<4096xi32, #tpu.memory_space<vmem>>, vector<16xi32>,
        %add3A_1651 = arith.addi %add3A_1648, %get3A_1598 : vector<16xi32>
        %swap3A_1652 = arith.constant 208 : index
        %swap3A_1653 = tpu.vector_load %arg11[%swap3A_1652] {strides = array<i32>} : memref<4096xi32, #tpu.memory_space<vmem>>, vector<16xi32>,
        tpu.vector_store %arg11[%swap3A_1652], %add3A_1651 {strides = array<i32>} : memref<4096xi32, #tpu.memory_space<vmem>>, vector<16xi32>,
        %add3A_1654 = arith.addi %add3A_1651, %get3A_1601 : vector<16xi32>
        %swap3A_1655 = arith.constant 224 : index
        %swap3A_1656 = tpu.vector_load %arg11[%swap3A_1655] {strides = array<i32>} : memref<4096xi32, #tpu.memory_space<vmem>>, vector<16xi32>,
        tpu.vector_store %arg11[%swap3A_1655], %add3A_1654 {strides = array<i32>} : memref<4096xi32, #tpu.memory_space<vmem>>, vector<16xi32>,
        %add3A_1657 = arith.addi %add3A_1654, %get3A_1604 : vector<16xi32>
        %swap3A_1658 = arith.constant 240 : index
        %swap3A_1659 = tpu.vector_load %arg11[%swap3A_1658] {strides = array<i32>} : memref<4096xi32, #tpu.memory_space<vmem>>, vector<16xi32>,
        tpu.vector_store %arg11[%swap3A_1658], %add3A_1657 {strides = array<i32>} : memref<4096xi32, #tpu.memory_space<vmem>>, vector<16xi32>,
        %add3A_1660 = arith.addi %add3A_1657, %get3A_1607 : vector<16xi32>
        %while3A_1661 = arith.constant 0 : i32
        %while3A_1662 = arith.constant 0 : i32
        %while3A_1663 = arith.subi %shift_right_logical3A_1469, %while3A_1662 : i32
        %while3A_1664 = arith.addi %while3A_1662, %while3A_1663 : i32
        %while3A_1665 = arith.constant 1 : i32
        %while3A_1666 = arith.divsi %while3A_1663, %while3A_1665 : i32
        %while3A_1667 = arith.muli %while3A_1666, %while3A_1665 : i32
        %while3A_1668 = arith.addi %while3A_1662, %while3A_1667 : i32
        %while3A_1669 = arith.constant 1 : i32
        scf.for %while3A_1864 = %while3A_1662 to %while3A_1668 step %while3A_1669  : i32 {
          %mul3A_1865 = arith.constant 2 : i32
          %mul3A_1866 = arith.muli %mul3A_1865, %while3A_1864 : i32
          %broadcast_in_dim3A_1867 = vector.broadcast %mul3A_1866 : i32 to vector<16xi32>
          %add3A_1868 = arith.addi %broadcast_in_dim3A_1867, %mul3A_1485 : vector<16xi32>
          %gather3A_1869 = tpu.vector_load_idx %arg10[%add3A_1868] : memref<32768xf32, #tpu.memory_space<vmem>>[vector<16xi32>], vector<16xf32>,
          %add3A_1870 = arith.constant 8320 : i32
          %add3A_1871 = vector.broadcast %add3A_1870 : i32 to vector<16xi32>
          %add3A_1872 = arith.addi %add3A_1868, %add3A_1871 : vector<16xi32>
          %gather3A_1873 = tpu.vector_load_idx %arg10[%add3A_1872] : memref<32768xf32, #tpu.memory_space<vmem>>[vector<16xi32>], vector<16xf32>,
          %bitcast_convert_type3A_1874 = tpu.bitcast %gather3A_1869 : vector<16xf32> -> vector<16xi32>
          %shift_right_logical3A_1875 = arith.shrui %bitcast_convert_type3A_1874, %broadcast_in_dim3A_1483 : vector<16xi32>
          %and3A_1876 = arith.constant 15 : i32
          %and3A_1877 = vector.broadcast %and3A_1876 : i32 to vector<16xi32>
          %and3A_1878 = arith.andi %shift_right_logical3A_1875, %and3A_1877 : vector<16xi32>
          %mul3A_1879 = arith.constant 16 : i32
          %mul3A_1880 = vector.broadcast %mul3A_1879 : i32 to vector<16xi32>
          %mul3A_1881 = arith.muli %iota3A, %mul3A_1880 : vector<16xi32>
          %add3A_1882 = arith.addi %mul3A_1881, %and3A_1878 : vector<16xi32>
          %gather3A_1883 = tpu.vector_load_idx %arg11[%add3A_1882] : memref<4096xi32, #tpu.memory_space<vmem>>[vector<16xi32>], vector<16xi32>,
          tpu.vector_store_idx %arg9[%gather3A_1883], %gather3A_1869 : memref<32768xf32, #tpu.memory_space<vmem>>[vector<16xi32>], vector<16xf32>,
          %add3A_1884 = arith.constant 8320 : i32
          %add3A_1885 = vector.broadcast %add3A_1884 : i32 to vector<16xi32>
          %add3A_1886 = arith.addi %gather3A_1883, %add3A_1885 : vector<16xi32>
          tpu.vector_store_idx %arg9[%add3A_1886], %gather3A_1873 : memref<32768xf32, #tpu.memory_space<vmem>>[vector<16xi32>], vector<16xf32>,
          tpu.vector_store_idx %arg11[%add3A_1882], %broadcast_in_dim3A_0 {add = true} : memref<4096xi32, #tpu.memory_space<vmem>>[vector<16xi32>], vector<16xi32>,
          %add3A_1887 = arith.constant 1 : i32
          %add3A_1888 = vector.broadcast %add3A_1887 : i32 to vector<16xi32>
          %add3A_1889 = arith.addi %add3A_1868, %add3A_1888 : vector<16xi32>
          %gather3A_1890 = tpu.vector_load_idx %arg10[%add3A_1889] : memref<32768xf32, #tpu.memory_space<vmem>>[vector<16xi32>], vector<16xf32>,
          %add3A_1891 = arith.constant 8320 : i32
          %add3A_1892 = vector.broadcast %add3A_1891 : i32 to vector<16xi32>
          %add3A_1893 = arith.addi %add3A_1889, %add3A_1892 : vector<16xi32>
          %gather3A_1894 = tpu.vector_load_idx %arg10[%add3A_1893] : memref<32768xf32, #tpu.memory_space<vmem>>[vector<16xi32>], vector<16xf32>,
          %bitcast_convert_type3A_1895 = tpu.bitcast %gather3A_1890 : vector<16xf32> -> vector<16xi32>
          %shift_right_logical3A_1896 = arith.shrui %bitcast_convert_type3A_1895, %broadcast_in_dim3A_1483 : vector<16xi32>
          %and3A_1897 = arith.constant 15 : i32
          %and3A_1898 = vector.broadcast %and3A_1897 : i32 to vector<16xi32>
          %and3A_1899 = arith.andi %shift_right_logical3A_1896, %and3A_1898 : vector<16xi32>
          %mul3A_1900 = arith.constant 16 : i32
          %mul3A_1901 = vector.broadcast %mul3A_1900 : i32 to vector<16xi32>
          %mul3A_1902 = arith.muli %iota3A, %mul3A_1901 : vector<16xi32>
          %add3A_1903 = arith.addi %mul3A_1902, %and3A_1899 : vector<16xi32>
          %gather3A_1904 = tpu.vector_load_idx %arg11[%add3A_1903] : memref<4096xi32, #tpu.memory_space<vmem>>[vector<16xi32>], vector<16xi32>,
          tpu.vector_store_idx %arg9[%gather3A_1904], %gather3A_1890 : memref<32768xf32, #tpu.memory_space<vmem>>[vector<16xi32>], vector<16xf32>,
          %add3A_1905 = arith.constant 8320 : i32
          %add3A_1906 = vector.broadcast %add3A_1905 : i32 to vector<16xi32>
          %add3A_1907 = arith.addi %gather3A_1904, %add3A_1906 : vector<16xi32>
          tpu.vector_store_idx %arg9[%add3A_1907], %gather3A_1894 : memref<32768xf32, #tpu.memory_space<vmem>>[vector<16xi32>], vector<16xf32>,
          tpu.vector_store_idx %arg11[%add3A_1903], %broadcast_in_dim3A_0 {add = true} : memref<4096xi32, #tpu.memory_space<vmem>>[vector<16xi32>], vector<16xi32>,
        }
        %while3A_1670 = arith.constant 1 : i32
        scf.for %while3A_1864 = %while3A_1668 to %while3A_1664 step %while3A_1670  : i32 {
          %mul3A_1865 = arith.constant 2 : i32
          %mul3A_1866 = arith.muli %mul3A_1865, %while3A_1864 : i32
          %broadcast_in_dim3A_1867 = vector.broadcast %mul3A_1866 : i32 to vector<16xi32>
          %add3A_1868 = arith.addi %broadcast_in_dim3A_1867, %mul3A_1485 : vector<16xi32>
          %gather3A_1869 = tpu.vector_load_idx %arg10[%add3A_1868] : memref<32768xf32, #tpu.memory_space<vmem>>[vector<16xi32>], vector<16xf32>,
          %add3A_1870 = arith.constant 8320 : i32
          %add3A_1871 = vector.broadcast %add3A_1870 : i32 to vector<16xi32>
          %add3A_1872 = arith.addi %add3A_1868, %add3A_1871 : vector<16xi32>
          %gather3A_1873 = tpu.vector_load_idx %arg10[%add3A_1872] : memref<32768xf32, #tpu.memory_space<vmem>>[vector<16xi32>], vector<16xf32>,
          %bitcast_convert_type3A_1874 = tpu.bitcast %gather3A_1869 : vector<16xf32> -> vector<16xi32>
          %shift_right_logical3A_1875 = arith.shrui %bitcast_convert_type3A_1874, %broadcast_in_dim3A_1483 : vector<16xi32>
          %and3A_1876 = arith.constant 15 : i32
          %and3A_1877 = vector.broadcast %and3A_1876 : i32 to vector<16xi32>
          %and3A_1878 = arith.andi %shift_right_logical3A_1875, %and3A_1877 : vector<16xi32>
          %mul3A_1879 = arith.constant 16 : i32
          %mul3A_1880 = vector.broadcast %mul3A_1879 : i32 to vector<16xi32>
          %mul3A_1881 = arith.muli %iota3A, %mul3A_1880 : vector<16xi32>
          %add3A_1882 = arith.addi %mul3A_1881, %and3A_1878 : vector<16xi32>
          %gather3A_1883 = tpu.vector_load_idx %arg11[%add3A_1882] : memref<4096xi32, #tpu.memory_space<vmem>>[vector<16xi32>], vector<16xi32>,
          tpu.vector_store_idx %arg9[%gather3A_1883], %gather3A_1869 : memref<32768xf32, #tpu.memory_space<vmem>>[vector<16xi32>], vector<16xf32>,
          %add3A_1884 = arith.constant 8320 : i32
          %add3A_1885 = vector.broadcast %add3A_1884 : i32 to vector<16xi32>
          %add3A_1886 = arith.addi %gather3A_1883, %add3A_1885 : vector<16xi32>
          tpu.vector_store_idx %arg9[%add3A_1886], %gather3A_1873 : memref<32768xf32, #tpu.memory_space<vmem>>[vector<16xi32>], vector<16xf32>,
          tpu.vector_store_idx %arg11[%add3A_1882], %broadcast_in_dim3A_0 {add = true} : memref<4096xi32, #tpu.memory_space<vmem>>[vector<16xi32>], vector<16xi32>,
          %add3A_1887 = arith.constant 1 : i32
          %add3A_1888 = vector.broadcast %add3A_1887 : i32 to vector<16xi32>
          %add3A_1889 = arith.addi %add3A_1868, %add3A_1888 : vector<16xi32>
          %gather3A_1890 = tpu.vector_load_idx %arg10[%add3A_1889] : memref<32768xf32, #tpu.memory_space<vmem>>[vector<16xi32>], vector<16xf32>,
          %add3A_1891 = arith.constant 8320 : i32
          %add3A_1892 = vector.broadcast %add3A_1891 : i32 to vector<16xi32>
          %add3A_1893 = arith.addi %add3A_1889, %add3A_1892 : vector<16xi32>
          %gather3A_1894 = tpu.vector_load_idx %arg10[%add3A_1893] : memref<32768xf32, #tpu.memory_space<vmem>>[vector<16xi32>], vector<16xf32>,
          %bitcast_convert_type3A_1895 = tpu.bitcast %gather3A_1890 : vector<16xf32> -> vector<16xi32>
          %shift_right_logical3A_1896 = arith.shrui %bitcast_convert_type3A_1895, %broadcast_in_dim3A_1483 : vector<16xi32>
          %and3A_1897 = arith.constant 15 : i32
          %and3A_1898 = vector.broadcast %and3A_1897 : i32 to vector<16xi32>
          %and3A_1899 = arith.andi %shift_right_logical3A_1896, %and3A_1898 : vector<16xi32>
          %mul3A_1900 = arith.constant 16 : i32
          %mul3A_1901 = vector.broadcast %mul3A_1900 : i32 to vector<16xi32>
          %mul3A_1902 = arith.muli %iota3A, %mul3A_1901 : vector<16xi32>
          %add3A_1903 = arith.addi %mul3A_1902, %and3A_1899 : vector<16xi32>
          %gather3A_1904 = tpu.vector_load_idx %arg11[%add3A_1903] : memref<4096xi32, #tpu.memory_space<vmem>>[vector<16xi32>], vector<16xi32>,
          tpu.vector_store_idx %arg9[%gather3A_1904], %gather3A_1890 : memref<32768xf32, #tpu.memory_space<vmem>>[vector<16xi32>], vector<16xf32>,
          %add3A_1905 = arith.constant 8320 : i32
          %add3A_1906 = vector.broadcast %add3A_1905 : i32 to vector<16xi32>
          %add3A_1907 = arith.addi %gather3A_1904, %add3A_1906 : vector<16xi32>
          tpu.vector_store_idx %arg9[%add3A_1907], %gather3A_1894 : memref<32768xf32, #tpu.memory_space<vmem>>[vector<16xi32>], vector<16xf32>,
          tpu.vector_store_idx %arg11[%add3A_1903], %broadcast_in_dim3A_0 {add = true} : memref<4096xi32, #tpu.memory_space<vmem>>[vector<16xi32>], vector<16xi32>,
        }
        %mul3A_1671 = arith.constant 8 : i32
        %mul3A_1672 = arith.muli %scan3A_1480, %mul3A_1671 : i32
        %add3A_1673 = arith.constant 4 : i32
        %add3A_1674 = arith.addi %mul3A_1672, %add3A_1673 : i32
        %broadcast_in_dim3A_1675 = vector.broadcast %add3A_1674 : i32 to vector<16xi32>
        %mul3A_1676 = vector.broadcast %mul3A_1471 : i32 to vector<16xi32>
        %mul3A_1677 = arith.muli %iota3A, %mul3A_1676 : vector<16xi32>
        %broadcast_in_dim3A_1678 = arith.constant 0 : i32
        %broadcast_in_dim3A_1679 = vector.broadcast %broadcast_in_dim3A_1678 : i32 to vector<16xi32>
        %swap3A_1680 = arith.constant 0 : index
        %swap3A_1681 = tpu.vector_load %arg11[%swap3A_1680] {strides = array<i32>} : memref<4096xi32, #tpu.memory_space<vmem>>, vector<16xi32>,
        tpu.vector_store %arg11[%swap3A_1680], %broadcast_in_dim3A_1679 {strides = array<i32>} : memref<4096xi32, #tpu.memory_space<vmem>>, vector<16xi32>,
        %broadcast_in_dim3A_1682 = arith.constant 0 : i32
        %broadcast_in_dim3A_1683 = vector.broadcast %broadcast_in_dim3A_1682 : i32 to vector<16xi32>
        %swap3A_1684 = arith.constant 16 : index
        %swap3A_1685 = tpu.vector_load %arg11[%swap3A_1684] {strides = array<i32>} : memref<4096xi32, #tpu.memory_space<vmem>>, vector<16xi32>,
        tpu.vector_store %arg11[%swap3A_1684], %broadcast_in_dim3A_1683 {strides = array<i32>} : memref<4096xi32, #tpu.memory_space<vmem>>, vector<16xi32>,
        %broadcast_in_dim3A_1686 = arith.constant 0 : i32
        %broadcast_in_dim3A_1687 = vector.broadcast %broadcast_in_dim3A_1686 : i32 to vector<16xi32>
        %swap3A_1688 = arith.constant 32 : index
        %swap3A_1689 = tpu.vector_load %arg11[%swap3A_1688] {strides = array<i32>} : memref<4096xi32, #tpu.memory_space<vmem>>, vector<16xi32>,
        tpu.vector_store %arg11[%swap3A_1688], %broadcast_in_dim3A_1687 {strides = array<i32>} : memref<4096xi32, #tpu.memory_space<vmem>>, vector<16xi32>,
        %broadcast_in_dim3A_1690 = arith.constant 0 : i32
        %broadcast_in_dim3A_1691 = vector.broadcast %broadcast_in_dim3A_1690 : i32 to vector<16xi32>
        %swap3A_1692 = arith.constant 48 : index
        %swap3A_1693 = tpu.vector_load %arg11[%swap3A_1692] {strides = array<i32>} : memref<4096xi32, #tpu.memory_space<vmem>>, vector<16xi32>,
        tpu.vector_store %arg11[%swap3A_1692], %broadcast_in_dim3A_1691 {strides = array<i32>} : memref<4096xi32, #tpu.memory_space<vmem>>, vector<16xi32>,
        %broadcast_in_dim3A_1694 = arith.constant 0 : i32
        %broadcast_in_dim3A_1695 = vector.broadcast %broadcast_in_dim3A_1694 : i32 to vector<16xi32>
        %swap3A_1696 = arith.constant 64 : index
        %swap3A_1697 = tpu.vector_load %arg11[%swap3A_1696] {strides = array<i32>} : memref<4096xi32, #tpu.memory_space<vmem>>, vector<16xi32>,
        tpu.vector_store %arg11[%swap3A_1696], %broadcast_in_dim3A_1695 {strides = array<i32>} : memref<4096xi32, #tpu.memory_space<vmem>>, vector<16xi32>,
        %broadcast_in_dim3A_1698 = arith.constant 0 : i32
        %broadcast_in_dim3A_1699 = vector.broadcast %broadcast_in_dim3A_1698 : i32 to vector<16xi32>
        %swap3A_1700 = arith.constant 80 : index
        %swap3A_1701 = tpu.vector_load %arg11[%swap3A_1700] {strides = array<i32>} : memref<4096xi32, #tpu.memory_space<vmem>>, vector<16xi32>,
        tpu.vector_store %arg11[%swap3A_1700], %broadcast_in_dim3A_1699 {strides = array<i32>} : memref<4096xi32, #tpu.memory_space<vmem>>, vector<16xi32>,
        %broadcast_in_dim3A_1702 = arith.constant 0 : i32
        %broadcast_in_dim3A_1703 = vector.broadcast %broadcast_in_dim3A_1702 : i32 to vector<16xi32>
        %swap3A_1704 = arith.constant 96 : index
        %swap3A_1705 = tpu.vector_load %arg11[%swap3A_1704] {strides = array<i32>} : memref<4096xi32, #tpu.memory_space<vmem>>, vector<16xi32>,
        tpu.vector_store %arg11[%swap3A_1704], %broadcast_in_dim3A_1703 {strides = array<i32>} : memref<4096xi32, #tpu.memory_space<vmem>>, vector<16xi32>,
        %broadcast_in_dim3A_1706 = arith.constant 0 : i32
        %broadcast_in_dim3A_1707 = vector.broadcast %broadcast_in_dim3A_1706 : i32 to vector<16xi32>
        %swap3A_1708 = arith.constant 112 : index
        %swap3A_1709 = tpu.vector_load %arg11[%swap3A_1708] {strides = array<i32>} : memref<4096xi32, #tpu.memory_space<vmem>>, vector<16xi32>,
        tpu.vector_store %arg11[%swap3A_1708], %broadcast_in_dim3A_1707 {strides = array<i32>} : memref<4096xi32, #tpu.memory_space<vmem>>, vector<16xi32>,
        %broadcast_in_dim3A_1710 = arith.constant 0 : i32
        %broadcast_in_dim3A_1711 = vector.broadcast %broadcast_in_dim3A_1710 : i32 to vector<16xi32>
        %swap3A_1712 = arith.constant 128 : index
        %swap3A_1713 = tpu.vector_load %arg11[%swap3A_1712] {strides = array<i32>} : memref<4096xi32, #tpu.memory_space<vmem>>, vector<16xi32>,
        tpu.vector_store %arg11[%swap3A_1712], %broadcast_in_dim3A_1711 {strides = array<i32>} : memref<4096xi32, #tpu.memory_space<vmem>>, vector<16xi32>,
        %broadcast_in_dim3A_1714 = arith.constant 0 : i32
        %broadcast_in_dim3A_1715 = vector.broadcast %broadcast_in_dim3A_1714 : i32 to vector<16xi32>
        %swap3A_1716 = arith.constant 144 : index
        %swap3A_1717 = tpu.vector_load %arg11[%swap3A_1716] {strides = array<i32>} : memref<4096xi32, #tpu.memory_space<vmem>>, vector<16xi32>,
        tpu.vector_store %arg11[%swap3A_1716], %broadcast_in_dim3A_1715 {strides = array<i32>} : memref<4096xi32, #tpu.memory_space<vmem>>, vector<16xi32>,
        %broadcast_in_dim3A_1718 = arith.constant 0 : i32
        %broadcast_in_dim3A_1719 = vector.broadcast %broadcast_in_dim3A_1718 : i32 to vector<16xi32>
        %swap3A_1720 = arith.constant 160 : index
        %swap3A_1721 = tpu.vector_load %arg11[%swap3A_1720] {strides = array<i32>} : memref<4096xi32, #tpu.memory_space<vmem>>, vector<16xi32>,
        tpu.vector_store %arg11[%swap3A_1720], %broadcast_in_dim3A_1719 {strides = array<i32>} : memref<4096xi32, #tpu.memory_space<vmem>>, vector<16xi32>,
        %broadcast_in_dim3A_1722 = arith.constant 0 : i32
        %broadcast_in_dim3A_1723 = vector.broadcast %broadcast_in_dim3A_1722 : i32 to vector<16xi32>
        %swap3A_1724 = arith.constant 176 : index
        %swap3A_1725 = tpu.vector_load %arg11[%swap3A_1724] {strides = array<i32>} : memref<4096xi32, #tpu.memory_space<vmem>>, vector<16xi32>,
        tpu.vector_store %arg11[%swap3A_1724], %broadcast_in_dim3A_1723 {strides = array<i32>} : memref<4096xi32, #tpu.memory_space<vmem>>, vector<16xi32>,
        %broadcast_in_dim3A_1726 = arith.constant 0 : i32
        %broadcast_in_dim3A_1727 = vector.broadcast %broadcast_in_dim3A_1726 : i32 to vector<16xi32>
        %swap3A_1728 = arith.constant 192 : index
        %swap3A_1729 = tpu.vector_load %arg11[%swap3A_1728] {strides = array<i32>} : memref<4096xi32, #tpu.memory_space<vmem>>, vector<16xi32>,
        tpu.vector_store %arg11[%swap3A_1728], %broadcast_in_dim3A_1727 {strides = array<i32>} : memref<4096xi32, #tpu.memory_space<vmem>>, vector<16xi32>,
        %broadcast_in_dim3A_1730 = arith.constant 0 : i32
        %broadcast_in_dim3A_1731 = vector.broadcast %broadcast_in_dim3A_1730 : i32 to vector<16xi32>
        %swap3A_1732 = arith.constant 208 : index
        %swap3A_1733 = tpu.vector_load %arg11[%swap3A_1732] {strides = array<i32>} : memref<4096xi32, #tpu.memory_space<vmem>>, vector<16xi32>,
        tpu.vector_store %arg11[%swap3A_1732], %broadcast_in_dim3A_1731 {strides = array<i32>} : memref<4096xi32, #tpu.memory_space<vmem>>, vector<16xi32>,
        %broadcast_in_dim3A_1734 = arith.constant 0 : i32
        %broadcast_in_dim3A_1735 = vector.broadcast %broadcast_in_dim3A_1734 : i32 to vector<16xi32>
        %swap3A_1736 = arith.constant 224 : index
        %swap3A_1737 = tpu.vector_load %arg11[%swap3A_1736] {strides = array<i32>} : memref<4096xi32, #tpu.memory_space<vmem>>, vector<16xi32>,
        tpu.vector_store %arg11[%swap3A_1736], %broadcast_in_dim3A_1735 {strides = array<i32>} : memref<4096xi32, #tpu.memory_space<vmem>>, vector<16xi32>,
        %broadcast_in_dim3A_1738 = arith.constant 0 : i32
        %broadcast_in_dim3A_1739 = vector.broadcast %broadcast_in_dim3A_1738 : i32 to vector<16xi32>
        %swap3A_1740 = arith.constant 240 : index
        %swap3A_1741 = tpu.vector_load %arg11[%swap3A_1740] {strides = array<i32>} : memref<4096xi32, #tpu.memory_space<vmem>>, vector<16xi32>,
        tpu.vector_store %arg11[%swap3A_1740], %broadcast_in_dim3A_1739 {strides = array<i32>} : memref<4096xi32, #tpu.memory_space<vmem>>, vector<16xi32>,
        %while3A_1742 = arith.constant 0 : i32
        %while3A_1743 = arith.constant 0 : i32
        %while3A_1744 = arith.subi %shift_right_logical3A_1469, %while3A_1743 : i32
        %while3A_1745 = arith.addi %while3A_1743, %while3A_1744 : i32
        %while3A_1746 = arith.constant 1 : i32
        %while3A_1747 = arith.divsi %while3A_1744, %while3A_1746 : i32
        %while3A_1748 = arith.muli %while3A_1747, %while3A_1746 : i32
        %while3A_1749 = arith.addi %while3A_1743, %while3A_1748 : i32
        %while3A_1750 = arith.constant 1 : i32
        scf.for %while3A_1864 = %while3A_1743 to %while3A_1749 step %while3A_1750  : i32 {
          %mul3A_1865 = arith.constant 2 : i32
          %mul3A_1866 = arith.muli %mul3A_1865, %while3A_1864 : i32
          %broadcast_in_dim3A_1867 = vector.broadcast %mul3A_1866 : i32 to vector<16xi32>
          %add3A_1868 = arith.addi %broadcast_in_dim3A_1867, %mul3A_1677 : vector<16xi32>
          %gather3A_1869 = tpu.vector_load_idx %arg9[%add3A_1868] : memref<32768xf32, #tpu.memory_space<vmem>>[vector<16xi32>], vector<16xf32>,
          %bitcast_convert_type3A_1870 = tpu.bitcast %gather3A_1869 : vector<16xf32> -> vector<16xi32>
          %shift_right_logical3A_1871 = arith.shrui %bitcast_convert_type3A_1870, %broadcast_in_dim3A_1675 : vector<16xi32>
          %and3A_1872 = arith.constant 15 : i32
          %and3A_1873 = vector.broadcast %and3A_1872 : i32 to vector<16xi32>
          %and3A_1874 = arith.andi %shift_right_logical3A_1871, %and3A_1873 : vector<16xi32>
          %mul3A_1875 = arith.constant 16 : i32
          %mul3A_1876 = vector.broadcast %mul3A_1875 : i32 to vector<16xi32>
          %mul3A_1877 = arith.muli %iota3A, %mul3A_1876 : vector<16xi32>
          %add3A_1878 = arith.addi %mul3A_1877, %and3A_1874 : vector<16xi32>
          tpu.vector_store_idx %arg11[%add3A_1878], %broadcast_in_dim3A_0 {add = true} : memref<4096xi32, #tpu.memory_space<vmem>>[vector<16xi32>], vector<16xi32>,
          %add3A_1879 = arith.constant 1 : i32
          %add3A_1880 = vector.broadcast %add3A_1879 : i32 to vector<16xi32>
          %add3A_1881 = arith.addi %add3A_1868, %add3A_1880 : vector<16xi32>
          %gather3A_1882 = tpu.vector_load_idx %arg9[%add3A_1881] : memref<32768xf32, #tpu.memory_space<vmem>>[vector<16xi32>], vector<16xf32>,
          %bitcast_convert_type3A_1883 = tpu.bitcast %gather3A_1882 : vector<16xf32> -> vector<16xi32>
          %shift_right_logical3A_1884 = arith.shrui %bitcast_convert_type3A_1883, %broadcast_in_dim3A_1675 : vector<16xi32>
          %and3A_1885 = arith.constant 15 : i32
          %and3A_1886 = vector.broadcast %and3A_1885 : i32 to vector<16xi32>
          %and3A_1887 = arith.andi %shift_right_logical3A_1884, %and3A_1886 : vector<16xi32>
          %mul3A_1888 = arith.constant 16 : i32
          %mul3A_1889 = vector.broadcast %mul3A_1888 : i32 to vector<16xi32>
          %mul3A_1890 = arith.muli %iota3A, %mul3A_1889 : vector<16xi32>
          %add3A_1891 = arith.addi %mul3A_1890, %and3A_1887 : vector<16xi32>
          tpu.vector_store_idx %arg11[%add3A_1891], %broadcast_in_dim3A_0 {add = true} : memref<4096xi32, #tpu.memory_space<vmem>>[vector<16xi32>], vector<16xi32>,
        }
        %while3A_1751 = arith.constant 1 : i32
        scf.for %while3A_1864 = %while3A_1749 to %while3A_1745 step %while3A_1751  : i32 {
          %mul3A_1865 = arith.constant 2 : i32
          %mul3A_1866 = arith.muli %mul3A_1865, %while3A_1864 : i32
          %broadcast_in_dim3A_1867 = vector.broadcast %mul3A_1866 : i32 to vector<16xi32>
          %add3A_1868 = arith.addi %broadcast_in_dim3A_1867, %mul3A_1677 : vector<16xi32>
          %gather3A_1869 = tpu.vector_load_idx %arg9[%add3A_1868] : memref<32768xf32, #tpu.memory_space<vmem>>[vector<16xi32>], vector<16xf32>,
          %bitcast_convert_type3A_1870 = tpu.bitcast %gather3A_1869 : vector<16xf32> -> vector<16xi32>
          %shift_right_logical3A_1871 = arith.shrui %bitcast_convert_type3A_1870, %broadcast_in_dim3A_1675 : vector<16xi32>
          %and3A_1872 = arith.constant 15 : i32
          %and3A_1873 = vector.broadcast %and3A_1872 : i32 to vector<16xi32>
          %and3A_1874 = arith.andi %shift_right_logical3A_1871, %and3A_1873 : vector<16xi32>
          %mul3A_1875 = arith.constant 16 : i32
          %mul3A_1876 = vector.broadcast %mul3A_1875 : i32 to vector<16xi32>
          %mul3A_1877 = arith.muli %iota3A, %mul3A_1876 : vector<16xi32>
          %add3A_1878 = arith.addi %mul3A_1877, %and3A_1874 : vector<16xi32>
          tpu.vector_store_idx %arg11[%add3A_1878], %broadcast_in_dim3A_0 {add = true} : memref<4096xi32, #tpu.memory_space<vmem>>[vector<16xi32>], vector<16xi32>,
          %add3A_1879 = arith.constant 1 : i32
          %add3A_1880 = vector.broadcast %add3A_1879 : i32 to vector<16xi32>
          %add3A_1881 = arith.addi %add3A_1868, %add3A_1880 : vector<16xi32>
          %gather3A_1882 = tpu.vector_load_idx %arg9[%add3A_1881] : memref<32768xf32, #tpu.memory_space<vmem>>[vector<16xi32>], vector<16xf32>,
          %bitcast_convert_type3A_1883 = tpu.bitcast %gather3A_1882 : vector<16xf32> -> vector<16xi32>
          %shift_right_logical3A_1884 = arith.shrui %bitcast_convert_type3A_1883, %broadcast_in_dim3A_1675 : vector<16xi32>
          %and3A_1885 = arith.constant 15 : i32
          %and3A_1886 = vector.broadcast %and3A_1885 : i32 to vector<16xi32>
          %and3A_1887 = arith.andi %shift_right_logical3A_1884, %and3A_1886 : vector<16xi32>
          %mul3A_1888 = arith.constant 16 : i32
          %mul3A_1889 = vector.broadcast %mul3A_1888 : i32 to vector<16xi32>
          %mul3A_1890 = arith.muli %iota3A, %mul3A_1889 : vector<16xi32>
          %add3A_1891 = arith.addi %mul3A_1890, %and3A_1887 : vector<16xi32>
          tpu.vector_store_idx %arg11[%add3A_1891], %broadcast_in_dim3A_0 {add = true} : memref<4096xi32, #tpu.memory_space<vmem>>[vector<16xi32>], vector<16xi32>,
        }
        %broadcast_in_dim3A_1752 = arith.constant 0 : i32
        %broadcast_in_dim3A_1753 = vector.broadcast %broadcast_in_dim3A_1752 : i32 to vector<16xi32>
        %get3A_1754 = arith.constant 0 : index
        %get3A_1755 = tpu.vector_load %arg11[%get3A_1754] {strides = array<i32>} : memref<4096xi32, #tpu.memory_space<vmem>>, vector<16xi32>,
        %add3A_1756 = arith.addi %broadcast_in_dim3A_1753, %get3A_1755 : vector<16xi32>
        %get3A_1757 = arith.constant 16 : index
        %get3A_1758 = tpu.vector_load %arg11[%get3A_1757] {strides = array<i32>} : memref<4096xi32, #tpu.memory_space<vmem>>, vector<16xi32>,
        %add3A_1759 = arith.addi %add3A_1756, %get3A_1758 : vector<16xi32>
        %get3A_1760 = arith.constant 32 : index
        %get3A_1761 = tpu.vector_load %arg11[%get3A_1760] {strides = array<i32>} : memref<4096xi32, #tpu.memory_space<vmem>>, vector<16xi32>,
        %add3A_1762 = arith.addi %add3A_1759, %get3A_1761 : vector<16xi32>
        %get3A_1763 = arith.constant 48 : index
        %get3A_1764 = tpu.vector_load %arg11[%get3A_1763] {strides = array<i32>} : memref<4096xi32, #tpu.memory_space<vmem>>, vector<16xi32>,
        %add3A_1765 = arith.addi %add3A_1762, %get3A_1764 : vector<16xi32>
        %get3A_1766 = arith.constant 64 : index
        %get3A_1767 = tpu.vector_load %arg11[%get3A_1766] {strides = array<i32>} : memref<4096xi32, #tpu.memory_space<vmem>>, vector<16xi32>,
        %add3A_1768 = arith.addi %add3A_1765, %get3A_1767 : vector<16xi32>
        %get3A_1769 = arith.constant 80 : index
        %get3A_1770 = tpu.vector_load %arg11[%get3A_1769] {strides = array<i32>} : memref<4096xi32, #tpu.memory_space<vmem>>, vector<16xi32>,
        %add3A_1771 = arith.addi %add3A_1768, %get3A_1770 : vector<16xi32>
        %get3A_1772 = arith.constant 96 : index
        %get3A_1773 = tpu.vector_load %arg11[%get3A_1772] {strides = array<i32>} : memref<4096xi32, #tpu.memory_space<vmem>>, vector<16xi32>,
        %add3A_1774 = arith.addi %add3A_1771, %get3A_1773 : vector<16xi32>
        %get3A_1775 = arith.constant 112 : index
        %get3A_1776 = tpu.vector_load %arg11[%get3A_1775] {strides = array<i32>} : memref<4096xi32, #tpu.memory_space<vmem>>, vector<16xi32>,
        %add3A_1777 = arith.addi %add3A_1774, %get3A_1776 : vector<16xi32>
        %get3A_1778 = arith.constant 128 : index
        %get3A_1779 = tpu.vector_load %arg11[%get3A_1778] {strides = array<i32>} : memref<4096xi32, #tpu.memory_space<vmem>>, vector<16xi32>,
        %add3A_1780 = arith.addi %add3A_1777, %get3A_1779 : vector<16xi32>
        %get3A_1781 = arith.constant 144 : index
        %get3A_1782 = tpu.vector_load %arg11[%get3A_1781] {strides = array<i32>} : memref<4096xi32, #tpu.memory_space<vmem>>, vector<16xi32>,
        %add3A_1783 = arith.addi %add3A_1780, %get3A_1782 : vector<16xi32>
        %get3A_1784 = arith.constant 160 : index
        %get3A_1785 = tpu.vector_load %arg11[%get3A_1784] {strides = array<i32>} : memref<4096xi32, #tpu.memory_space<vmem>>, vector<16xi32>,
        %add3A_1786 = arith.addi %add3A_1783, %get3A_1785 : vector<16xi32>
        %get3A_1787 = arith.constant 176 : index
        %get3A_1788 = tpu.vector_load %arg11[%get3A_1787] {strides = array<i32>} : memref<4096xi32, #tpu.memory_space<vmem>>, vector<16xi32>,
        %add3A_1789 = arith.addi %add3A_1786, %get3A_1788 : vector<16xi32>
        %get3A_1790 = arith.constant 192 : index
        %get3A_1791 = tpu.vector_load %arg11[%get3A_1790] {strides = array<i32>} : memref<4096xi32, #tpu.memory_space<vmem>>, vector<16xi32>,
        %add3A_1792 = arith.addi %add3A_1789, %get3A_1791 : vector<16xi32>
        %get3A_1793 = arith.constant 208 : index
        %get3A_1794 = tpu.vector_load %arg11[%get3A_1793] {strides = array<i32>} : memref<4096xi32, #tpu.memory_space<vmem>>, vector<16xi32>,
        %add3A_1795 = arith.addi %add3A_1792, %get3A_1794 : vector<16xi32>
        %get3A_1796 = arith.constant 224 : index
        %get3A_1797 = tpu.vector_load %arg11[%get3A_1796] {strides = array<i32>} : memref<4096xi32, #tpu.memory_space<vmem>>, vector<16xi32>,
        %add3A_1798 = arith.addi %add3A_1795, %get3A_1797 : vector<16xi32>
        %get3A_1799 = arith.constant 240 : index
        %get3A_1800 = tpu.vector_load %arg11[%get3A_1799] {strides = array<i32>} : memref<4096xi32, #tpu.memory_space<vmem>>, vector<16xi32>,
        %add3A_1801 = arith.addi %add3A_1798, %get3A_1800 : vector<16xi32>
        %broadcast_in_dim3A_1802 = arith.constant true
        %broadcast_in_dim3A_1803 = vector.broadcast %broadcast_in_dim3A_1802 : i1 to vector<16xi1>
        %masked_cumsum3A_1804 = tpu.scan <sum>, %add3A_1801 masked %broadcast_in_dim3A_1803 : vector<16xi32>, vector<16xi1> -> vector<16xi32>
        %sub3A_1805 = arith.subi %masked_cumsum3A_1804, %add3A_1801 : vector<16xi32>
        %swap3A_1806 = arith.constant 0 : index
        %swap3A_1807 = tpu.vector_load %arg11[%swap3A_1806] {strides = array<i32>} : memref<4096xi32, #tpu.memory_space<vmem>>, vector<16xi32>,
        tpu.vector_store %arg11[%swap3A_1806], %sub3A_1805 {strides = array<i32>} : memref<4096xi32, #tpu.memory_space<vmem>>, vector<16xi32>,
        %add3A_1808 = arith.addi %sub3A_1805, %get3A_1755 : vector<16xi32>
        %swap3A_1809 = arith.constant 16 : index
        %swap3A_1810 = tpu.vector_load %arg11[%swap3A_1809] {strides = array<i32>} : memref<4096xi32, #tpu.memory_space<vmem>>, vector<16xi32>,
        tpu.vector_store %arg11[%swap3A_1809], %add3A_1808 {strides = array<i32>} : memref<4096xi32, #tpu.memory_space<vmem>>, vector<16xi32>,
        %add3A_1811 = arith.addi %add3A_1808, %get3A_1758 : vector<16xi32>
        %swap3A_1812 = arith.constant 32 : index
        %swap3A_1813 = tpu.vector_load %arg11[%swap3A_1812] {strides = array<i32>} : memref<4096xi32, #tpu.memory_space<vmem>>, vector<16xi32>,
        tpu.vector_store %arg11[%swap3A_1812], %add3A_1811 {strides = array<i32>} : memref<4096xi32, #tpu.memory_space<vmem>>, vector<16xi32>,
        %add3A_1814 = arith.addi %add3A_1811, %get3A_1761 : vector<16xi32>
        %swap3A_1815 = arith.constant 48 : index
        %swap3A_1816 = tpu.vector_load %arg11[%swap3A_1815] {strides = array<i32>} : memref<4096xi32, #tpu.memory_space<vmem>>, vector<16xi32>,
        tpu.vector_store %arg11[%swap3A_1815], %add3A_1814 {strides = array<i32>} : memref<4096xi32, #tpu.memory_space<vmem>>, vector<16xi32>,
        %add3A_1817 = arith.addi %add3A_1814, %get3A_1764 : vector<16xi32>
        %swap3A_1818 = arith.constant 64 : index
        %swap3A_1819 = tpu.vector_load %arg11[%swap3A_1818] {strides = array<i32>} : memref<4096xi32, #tpu.memory_space<vmem>>, vector<16xi32>,
        tpu.vector_store %arg11[%swap3A_1818], %add3A_1817 {strides = array<i32>} : memref<4096xi32, #tpu.memory_space<vmem>>, vector<16xi32>,
        %add3A_1820 = arith.addi %add3A_1817, %get3A_1767 : vector<16xi32>
        %swap3A_1821 = arith.constant 80 : index
        %swap3A_1822 = tpu.vector_load %arg11[%swap3A_1821] {strides = array<i32>} : memref<4096xi32, #tpu.memory_space<vmem>>, vector<16xi32>,
        tpu.vector_store %arg11[%swap3A_1821], %add3A_1820 {strides = array<i32>} : memref<4096xi32, #tpu.memory_space<vmem>>, vector<16xi32>,
        %add3A_1823 = arith.addi %add3A_1820, %get3A_1770 : vector<16xi32>
        %swap3A_1824 = arith.constant 96 : index
        %swap3A_1825 = tpu.vector_load %arg11[%swap3A_1824] {strides = array<i32>} : memref<4096xi32, #tpu.memory_space<vmem>>, vector<16xi32>,
        tpu.vector_store %arg11[%swap3A_1824], %add3A_1823 {strides = array<i32>} : memref<4096xi32, #tpu.memory_space<vmem>>, vector<16xi32>,
        %add3A_1826 = arith.addi %add3A_1823, %get3A_1773 : vector<16xi32>
        %swap3A_1827 = arith.constant 112 : index
        %swap3A_1828 = tpu.vector_load %arg11[%swap3A_1827] {strides = array<i32>} : memref<4096xi32, #tpu.memory_space<vmem>>, vector<16xi32>,
        tpu.vector_store %arg11[%swap3A_1827], %add3A_1826 {strides = array<i32>} : memref<4096xi32, #tpu.memory_space<vmem>>, vector<16xi32>,
        %add3A_1829 = arith.addi %add3A_1826, %get3A_1776 : vector<16xi32>
        %swap3A_1830 = arith.constant 128 : index
        %swap3A_1831 = tpu.vector_load %arg11[%swap3A_1830] {strides = array<i32>} : memref<4096xi32, #tpu.memory_space<vmem>>, vector<16xi32>,
        tpu.vector_store %arg11[%swap3A_1830], %add3A_1829 {strides = array<i32>} : memref<4096xi32, #tpu.memory_space<vmem>>, vector<16xi32>,
        %add3A_1832 = arith.addi %add3A_1829, %get3A_1779 : vector<16xi32>
        %swap3A_1833 = arith.constant 144 : index
        %swap3A_1834 = tpu.vector_load %arg11[%swap3A_1833] {strides = array<i32>} : memref<4096xi32, #tpu.memory_space<vmem>>, vector<16xi32>,
        tpu.vector_store %arg11[%swap3A_1833], %add3A_1832 {strides = array<i32>} : memref<4096xi32, #tpu.memory_space<vmem>>, vector<16xi32>,
        %add3A_1835 = arith.addi %add3A_1832, %get3A_1782 : vector<16xi32>
        %swap3A_1836 = arith.constant 160 : index
        %swap3A_1837 = tpu.vector_load %arg11[%swap3A_1836] {strides = array<i32>} : memref<4096xi32, #tpu.memory_space<vmem>>, vector<16xi32>,
        tpu.vector_store %arg11[%swap3A_1836], %add3A_1835 {strides = array<i32>} : memref<4096xi32, #tpu.memory_space<vmem>>, vector<16xi32>,
        %add3A_1838 = arith.addi %add3A_1835, %get3A_1785 : vector<16xi32>
        %swap3A_1839 = arith.constant 176 : index
        %swap3A_1840 = tpu.vector_load %arg11[%swap3A_1839] {strides = array<i32>} : memref<4096xi32, #tpu.memory_space<vmem>>, vector<16xi32>,
        tpu.vector_store %arg11[%swap3A_1839], %add3A_1838 {strides = array<i32>} : memref<4096xi32, #tpu.memory_space<vmem>>, vector<16xi32>,
        %add3A_1841 = arith.addi %add3A_1838, %get3A_1788 : vector<16xi32>
        %swap3A_1842 = arith.constant 192 : index
        %swap3A_1843 = tpu.vector_load %arg11[%swap3A_1842] {strides = array<i32>} : memref<4096xi32, #tpu.memory_space<vmem>>, vector<16xi32>,
        tpu.vector_store %arg11[%swap3A_1842], %add3A_1841 {strides = array<i32>} : memref<4096xi32, #tpu.memory_space<vmem>>, vector<16xi32>,
        %add3A_1844 = arith.addi %add3A_1841, %get3A_1791 : vector<16xi32>
        %swap3A_1845 = arith.constant 208 : index
        %swap3A_1846 = tpu.vector_load %arg11[%swap3A_1845] {strides = array<i32>} : memref<4096xi32, #tpu.memory_space<vmem>>, vector<16xi32>,
        tpu.vector_store %arg11[%swap3A_1845], %add3A_1844 {strides = array<i32>} : memref<4096xi32, #tpu.memory_space<vmem>>, vector<16xi32>,
        %add3A_1847 = arith.addi %add3A_1844, %get3A_1794 : vector<16xi32>
        %swap3A_1848 = arith.constant 224 : index
        %swap3A_1849 = tpu.vector_load %arg11[%swap3A_1848] {strides = array<i32>} : memref<4096xi32, #tpu.memory_space<vmem>>, vector<16xi32>,
        tpu.vector_store %arg11[%swap3A_1848], %add3A_1847 {strides = array<i32>} : memref<4096xi32, #tpu.memory_space<vmem>>, vector<16xi32>,
        %add3A_1850 = arith.addi %add3A_1847, %get3A_1797 : vector<16xi32>
        %swap3A_1851 = arith.constant 240 : index
        %swap3A_1852 = tpu.vector_load %arg11[%swap3A_1851] {strides = array<i32>} : memref<4096xi32, #tpu.memory_space<vmem>>, vector<16xi32>,
        tpu.vector_store %arg11[%swap3A_1851], %add3A_1850 {strides = array<i32>} : memref<4096xi32, #tpu.memory_space<vmem>>, vector<16xi32>,
        %add3A_1853 = arith.addi %add3A_1850, %get3A_1800 : vector<16xi32>
        %while3A_1854 = arith.constant 0 : i32
        %while3A_1855 = arith.constant 0 : i32
        %while3A_1856 = arith.subi %shift_right_logical3A_1469, %while3A_1855 : i32
        %while3A_1857 = arith.addi %while3A_1855, %while3A_1856 : i32
        %while3A_1858 = arith.constant 1 : i32
        %while3A_1859 = arith.divsi %while3A_1856, %while3A_1858 : i32
        %while3A_1860 = arith.muli %while3A_1859, %while3A_1858 : i32
        %while3A_1861 = arith.addi %while3A_1855, %while3A_1860 : i32
        %while3A_1862 = arith.constant 1 : i32
        scf.for %while3A_1864 = %while3A_1855 to %while3A_1861 step %while3A_1862  : i32 {
          %mul3A_1865 = arith.constant 2 : i32
          %mul3A_1866 = arith.muli %mul3A_1865, %while3A_1864 : i32
          %broadcast_in_dim3A_1867 = vector.broadcast %mul3A_1866 : i32 to vector<16xi32>
          %add3A_1868 = arith.addi %broadcast_in_dim3A_1867, %mul3A_1677 : vector<16xi32>
          %gather3A_1869 = tpu.vector_load_idx %arg9[%add3A_1868] : memref<32768xf32, #tpu.memory_space<vmem>>[vector<16xi32>], vector<16xf32>,
          %add3A_1870 = arith.constant 8320 : i32
          %add3A_1871 = vector.broadcast %add3A_1870 : i32 to vector<16xi32>
          %add3A_1872 = arith.addi %add3A_1868, %add3A_1871 : vector<16xi32>
          %gather3A_1873 = tpu.vector_load_idx %arg9[%add3A_1872] : memref<32768xf32, #tpu.memory_space<vmem>>[vector<16xi32>], vector<16xf32>,
          %bitcast_convert_type3A_1874 = tpu.bitcast %gather3A_1869 : vector<16xf32> -> vector<16xi32>
          %shift_right_logical3A_1875 = arith.shrui %bitcast_convert_type3A_1874, %broadcast_in_dim3A_1675 : vector<16xi32>
          %and3A_1876 = arith.constant 15 : i32
          %and3A_1877 = vector.broadcast %and3A_1876 : i32 to vector<16xi32>
          %and3A_1878 = arith.andi %shift_right_logical3A_1875, %and3A_1877 : vector<16xi32>
          %mul3A_1879 = arith.constant 16 : i32
          %mul3A_1880 = vector.broadcast %mul3A_1879 : i32 to vector<16xi32>
          %mul3A_1881 = arith.muli %iota3A, %mul3A_1880 : vector<16xi32>
          %add3A_1882 = arith.addi %mul3A_1881, %and3A_1878 : vector<16xi32>
          %gather3A_1883 = tpu.vector_load_idx %arg11[%add3A_1882] : memref<4096xi32, #tpu.memory_space<vmem>>[vector<16xi32>], vector<16xi32>,
          tpu.vector_store_idx %arg10[%gather3A_1883], %gather3A_1869 : memref<32768xf32, #tpu.memory_space<vmem>>[vector<16xi32>], vector<16xf32>,
          %add3A_1884 = arith.constant 8320 : i32
          %add3A_1885 = vector.broadcast %add3A_1884 : i32 to vector<16xi32>
          %add3A_1886 = arith.addi %gather3A_1883, %add3A_1885 : vector<16xi32>
          tpu.vector_store_idx %arg10[%add3A_1886], %gather3A_1873 : memref<32768xf32, #tpu.memory_space<vmem>>[vector<16xi32>], vector<16xf32>,
          tpu.vector_store_idx %arg11[%add3A_1882], %broadcast_in_dim3A_0 {add = true} : memref<4096xi32, #tpu.memory_space<vmem>>[vector<16xi32>], vector<16xi32>,
          %add3A_1887 = arith.constant 1 : i32
          %add3A_1888 = vector.broadcast %add3A_1887 : i32 to vector<16xi32>
          %add3A_1889 = arith.addi %add3A_1868, %add3A_1888 : vector<16xi32>
          %gather3A_1890 = tpu.vector_load_idx %arg9[%add3A_1889] : memref<32768xf32, #tpu.memory_space<vmem>>[vector<16xi32>], vector<16xf32>,
          %add3A_1891 = arith.constant 8320 : i32
          %add3A_1892 = vector.broadcast %add3A_1891 : i32 to vector<16xi32>
          %add3A_1893 = arith.addi %add3A_1889, %add3A_1892 : vector<16xi32>
          %gather3A_1894 = tpu.vector_load_idx %arg9[%add3A_1893] : memref<32768xf32, #tpu.memory_space<vmem>>[vector<16xi32>], vector<16xf32>,
          %bitcast_convert_type3A_1895 = tpu.bitcast %gather3A_1890 : vector<16xf32> -> vector<16xi32>
          %shift_right_logical3A_1896 = arith.shrui %bitcast_convert_type3A_1895, %broadcast_in_dim3A_1675 : vector<16xi32>
          %and3A_1897 = arith.constant 15 : i32
          %and3A_1898 = vector.broadcast %and3A_1897 : i32 to vector<16xi32>
          %and3A_1899 = arith.andi %shift_right_logical3A_1896, %and3A_1898 : vector<16xi32>
          %mul3A_1900 = arith.constant 16 : i32
          %mul3A_1901 = vector.broadcast %mul3A_1900 : i32 to vector<16xi32>
          %mul3A_1902 = arith.muli %iota3A, %mul3A_1901 : vector<16xi32>
          %add3A_1903 = arith.addi %mul3A_1902, %and3A_1899 : vector<16xi32>
          %gather3A_1904 = tpu.vector_load_idx %arg11[%add3A_1903] : memref<4096xi32, #tpu.memory_space<vmem>>[vector<16xi32>], vector<16xi32>,
          tpu.vector_store_idx %arg10[%gather3A_1904], %gather3A_1890 : memref<32768xf32, #tpu.memory_space<vmem>>[vector<16xi32>], vector<16xf32>,
          %add3A_1905 = arith.constant 8320 : i32
          %add3A_1906 = vector.broadcast %add3A_1905 : i32 to vector<16xi32>
          %add3A_1907 = arith.addi %gather3A_1904, %add3A_1906 : vector<16xi32>
          tpu.vector_store_idx %arg10[%add3A_1907], %gather3A_1894 : memref<32768xf32, #tpu.memory_space<vmem>>[vector<16xi32>], vector<16xf32>,
          tpu.vector_store_idx %arg11[%add3A_1903], %broadcast_in_dim3A_0 {add = true} : memref<4096xi32, #tpu.memory_space<vmem>>[vector<16xi32>], vector<16xi32>,
        }
        %while3A_1863 = arith.constant 1 : i32
        scf.for %while3A_1864 = %while3A_1861 to %while3A_1857 step %while3A_1863  : i32 {
          %mul3A_1865 = arith.constant 2 : i32
          %mul3A_1866 = arith.muli %mul3A_1865, %while3A_1864 : i32
          %broadcast_in_dim3A_1867 = vector.broadcast %mul3A_1866 : i32 to vector<16xi32>
          %add3A_1868 = arith.addi %broadcast_in_dim3A_1867, %mul3A_1677 : vector<16xi32>
          %gather3A_1869 = tpu.vector_load_idx %arg9[%add3A_1868] : memref<32768xf32, #tpu.memory_space<vmem>>[vector<16xi32>], vector<16xf32>,
          %add3A_1870 = arith.constant 8320 : i32
          %add3A_1871 = vector.broadcast %add3A_1870 : i32 to vector<16xi32>
          %add3A_1872 = arith.addi %add3A_1868, %add3A_1871 : vector<16xi32>
          %gather3A_1873 = tpu.vector_load_idx %arg9[%add3A_1872] : memref<32768xf32, #tpu.memory_space<vmem>>[vector<16xi32>], vector<16xf32>,
          %bitcast_convert_type3A_1874 = tpu.bitcast %gather3A_1869 : vector<16xf32> -> vector<16xi32>
          %shift_right_logical3A_1875 = arith.shrui %bitcast_convert_type3A_1874, %broadcast_in_dim3A_1675 : vector<16xi32>
          %and3A_1876 = arith.constant 15 : i32
          %and3A_1877 = vector.broadcast %and3A_1876 : i32 to vector<16xi32>
          %and3A_1878 = arith.andi %shift_right_logical3A_1875, %and3A_1877 : vector<16xi32>
          %mul3A_1879 = arith.constant 16 : i32
          %mul3A_1880 = vector.broadcast %mul3A_1879 : i32 to vector<16xi32>
          %mul3A_1881 = arith.muli %iota3A, %mul3A_1880 : vector<16xi32>
          %add3A_1882 = arith.addi %mul3A_1881, %and3A_1878 : vector<16xi32>
          %gather3A_1883 = tpu.vector_load_idx %arg11[%add3A_1882] : memref<4096xi32, #tpu.memory_space<vmem>>[vector<16xi32>], vector<16xi32>,
          tpu.vector_store_idx %arg10[%gather3A_1883], %gather3A_1869 : memref<32768xf32, #tpu.memory_space<vmem>>[vector<16xi32>], vector<16xf32>,
          %add3A_1884 = arith.constant 8320 : i32
          %add3A_1885 = vector.broadcast %add3A_1884 : i32 to vector<16xi32>
          %add3A_1886 = arith.addi %gather3A_1883, %add3A_1885 : vector<16xi32>
          tpu.vector_store_idx %arg10[%add3A_1886], %gather3A_1873 : memref<32768xf32, #tpu.memory_space<vmem>>[vector<16xi32>], vector<16xf32>,
          tpu.vector_store_idx %arg11[%add3A_1882], %broadcast_in_dim3A_0 {add = true} : memref<4096xi32, #tpu.memory_space<vmem>>[vector<16xi32>], vector<16xi32>,
          %add3A_1887 = arith.constant 1 : i32
          %add3A_1888 = vector.broadcast %add3A_1887 : i32 to vector<16xi32>
          %add3A_1889 = arith.addi %add3A_1868, %add3A_1888 : vector<16xi32>
          %gather3A_1890 = tpu.vector_load_idx %arg9[%add3A_1889] : memref<32768xf32, #tpu.memory_space<vmem>>[vector<16xi32>], vector<16xf32>,
          %add3A_1891 = arith.constant 8320 : i32
          %add3A_1892 = vector.broadcast %add3A_1891 : i32 to vector<16xi32>
          %add3A_1893 = arith.addi %add3A_1889, %add3A_1892 : vector<16xi32>
          %gather3A_1894 = tpu.vector_load_idx %arg9[%add3A_1893] : memref<32768xf32, #tpu.memory_space<vmem>>[vector<16xi32>], vector<16xf32>,
          %bitcast_convert_type3A_1895 = tpu.bitcast %gather3A_1890 : vector<16xf32> -> vector<16xi32>
          %shift_right_logical3A_1896 = arith.shrui %bitcast_convert_type3A_1895, %broadcast_in_dim3A_1675 : vector<16xi32>
          %and3A_1897 = arith.constant 15 : i32
          %and3A_1898 = vector.broadcast %and3A_1897 : i32 to vector<16xi32>
          %and3A_1899 = arith.andi %shift_right_logical3A_1896, %and3A_1898 : vector<16xi32>
          %mul3A_1900 = arith.constant 16 : i32
          %mul3A_1901 = vector.broadcast %mul3A_1900 : i32 to vector<16xi32>
          %mul3A_1902 = arith.muli %iota3A, %mul3A_1901 : vector<16xi32>
          %add3A_1903 = arith.addi %mul3A_1902, %and3A_1899 : vector<16xi32>
          %gather3A_1904 = tpu.vector_load_idx %arg11[%add3A_1903] : memref<4096xi32, #tpu.memory_space<vmem>>[vector<16xi32>], vector<16xi32>,
          tpu.vector_store_idx %arg10[%gather3A_1904], %gather3A_1890 : memref<32768xf32, #tpu.memory_space<vmem>>[vector<16xi32>], vector<16xf32>,
          %add3A_1905 = arith.constant 8320 : i32
          %add3A_1906 = vector.broadcast %add3A_1905 : i32 to vector<16xi32>
          %add3A_1907 = arith.addi %gather3A_1904, %add3A_1906 : vector<16xi32>
          tpu.vector_store_idx %arg10[%add3A_1907], %gather3A_1894 : memref<32768xf32, #tpu.memory_space<vmem>>[vector<16xi32>], vector<16xf32>,
          tpu.vector_store_idx %arg11[%add3A_1903], %broadcast_in_dim3A_0 {add = true} : memref<4096xi32, #tpu.memory_space<vmem>>[vector<16xi32>], vector<16xi32>,
        }
      }
      %scan3A_1477 = arith.constant 4 : i32
      %mul3A_1478 = arith.constant 2048 : i32
      %mul3A_1479 = arith.muli %select_n3A_166, %mul3A_1478 : i32
      "tpu.region"() ({
        %run_scoped3A = tpu.sem_alloc : memref<!tpu.dma_semaphore, #tpu.memory_space<semaphore_mem>>
        %dma_start3A_1480 = arith.constant 8320 : i32
        %dma_start3A_1481 = tpu.memref_slice %arg10[%dma_start3A_1480] : memref<32768xf32, #tpu.memory_space<vmem>> -> memref<2048xf32, #tpu.memory_space<vmem>>
        %dma_start3A_1482 = tpu.memref_slice %arg20[%select_n3A_150, %mul3A_1479] : memref<4x32768xf32, #tpu.memory_space<vmem_shared>> -> memref<1x2048xf32, #tpu.memory_space<vmem_shared>>
        %dma_start3A_1483 = tpu.memref_squeeze %dma_start3A_1482 : memref<1x2048xf32, #tpu.memory_space<vmem_shared>> -> memref<2048xf32, #tpu.memory_space<vmem_shared>>
        %dma_start3A_1484 = tpu.memref_slice %arg20[%select_n3A_150, %mul3A_1479] : memref<4x32768xf32, #tpu.memory_space<vmem_shared>> -> memref<1x2048xf32, #tpu.memory_space<vmem_shared>>
        %dma_start3A_1485 = tpu.memref_squeeze %dma_start3A_1484 : memref<1x2048xf32, #tpu.memory_space<vmem_shared>> -> memref<2048xf32, #tpu.memory_space<vmem_shared>>
        %dma_start3A_1486 = arith.constant 8320 : i32
        %dma_start3A_1487 = tpu.memref_slice %arg10[%dma_start3A_1486] : memref<32768xf32, #tpu.memory_space<vmem>> -> memref<2048xf32, #tpu.memory_space<vmem>>
        tpu.enqueue_dma source(%dma_start3A_1487 : memref<2048xf32, #tpu.memory_space<vmem>>) target(%dma_start3A_1485 : memref<2048xf32, #tpu.memory_space<vmem_shared>>) target_semaphore(%run_scoped3A : memref<!tpu.dma_semaphore, #tpu.memory_space<semaphore_mem>>)
        %dma_wait3A_1488 = arith.constant 8320 : i32
        %dma_wait3A_1489 = tpu.memref_slice %arg10[%dma_wait3A_1488] : memref<32768xf32, #tpu.memory_space<vmem>> -> memref<2048xf32, #tpu.memory_space<vmem>>
        %dma_wait3A_1490 = tpu.memref_slice %arg20[%select_n3A_150, %mul3A_1479] : memref<4x32768xf32, #tpu.memory_space<vmem_shared>> -> memref<1x2048xf32, #tpu.memory_space<vmem_shared>>
        %dma_wait3A_1491 = tpu.memref_squeeze %dma_wait3A_1490 : memref<1x2048xf32, #tpu.memory_space<vmem_shared>> -> memref<2048xf32, #tpu.memory_space<vmem_shared>>
        %dma_wait3A_1492 = tpu.memref_slice %arg20[%select_n3A_150, %mul3A_1479] : memref<4x32768xf32, #tpu.memory_space<vmem_shared>> -> memref<1x2048xf32, #tpu.memory_space<vmem_shared>>
        %dma_wait3A_1493 = tpu.memref_squeeze %dma_wait3A_1492 : memref<1x2048xf32, #tpu.memory_space<vmem_shared>> -> memref<2048xf32, #tpu.memory_space<vmem_shared>>
        %dma_wait3A_1494 = arith.constant 8320 : i32
        %dma_wait3A_1495 = tpu.memref_slice %arg10[%dma_wait3A_1494] : memref<32768xf32, #tpu.memory_space<vmem>> -> memref<2048xf32, #tpu.memory_space<vmem>>
        tpu.wait_dma2 semaphore(%run_scoped3A : memref<!tpu.dma_semaphore, #tpu.memory_space<semaphore_mem>>) src(%dma_wait3A_1495 : memref<2048xf32, #tpu.memory_space<vmem>>) dst(%dma_wait3A_1493 : memref<2048xf32, #tpu.memory_space<vmem_shared>>)
        tpu.yield
      }) : () -> ()
    }
    %scan3A_7 = arith.constant 4 : i32
    "tpu.trace_stop"() : () -> ()
    %barrier3A = arith.constant 0 : index
    tpu.barrier barrier_id(%barrier3A)
    %jit3A = arith.constant 4 : i32
    %div3A = arith.divsi %arg1, %jit3A : i32
    %sign3A = arith.constant 0 : i32
    %sign3A_8 = arith.cmpi sgt, %arg1, %sign3A : i32
    %sign3A_9 = arith.extui %sign3A_8 : i1 to i32
    %sign3A_10 = arith.constant 0 : i32
    %sign3A_11 = arith.cmpi slt, %arg1, %sign3A_10 : i32
    %sign3A_12 = arith.extui %sign3A_11 : i1 to i32
    %sign3A_13 = arith.subi %sign3A_9, %sign3A_12 : i32
    %sign3A_14 = arith.constant 0 : i32
    %sign3A_15 = arith.cmpi sgt, %jit3A, %sign3A_14 : i32
    %sign3A_16 = arith.extui %sign3A_15 : i1 to i32
    %sign3A_17 = arith.constant 0 : i32
    %sign3A_18 = arith.cmpi slt, %jit3A, %sign3A_17 : i32
    %sign3A_19 = arith.extui %sign3A_18 : i1 to i32
    %sign3A_20 = arith.subi %sign3A_16, %sign3A_19 : i32
    %ne3A = arith.cmpi ne, %sign3A_13, %sign3A_20 : i32
    %rem3A = arith.remsi %arg1, %jit3A : i32
    %ne3A_21 = arith.constant 0 : i32
    %ne3A_22 = arith.cmpi ne, %rem3A, %ne3A_21 : i32
    %and3A = arith.andi %ne3A, %ne3A_22 : i1
    %sub3A = arith.constant 1 : i32
    %sub3A_23 = arith.subi %div3A, %sub3A : i32
    %select_n3A = arith.select %and3A, %sub3A_23, %div3A : i32
    %jit3A_24 = arith.constant 4 : i32
    %eq3A_25 = arith.constant 0 : i32
    %eq3A_26 = arith.cmpi eq, %jit3A_24, %eq3A_25 : i32
    %jit3A_27 = arith.constant 1 : i32
    %select_n3A_28 = arith.select %eq3A_26, %jit3A_27, %jit3A_24 : i32
    %rem3A_29 = arith.remsi %arg1, %select_n3A_28 : i32
    %ne3A_30 = arith.constant 0 : i32
    %ne3A_31 = arith.cmpi ne, %rem3A_29, %ne3A_30 : i32
    %lt3A = arith.constant 0 : i32
    %lt3A_32 = arith.cmpi slt, %rem3A_29, %lt3A : i32
    %lt3A_33 = arith.constant 0 : i32
    %lt3A_34 = arith.cmpi slt, %select_n3A_28, %lt3A_33 : i32
    %ne3A_35 = arith.xori %lt3A_32, %lt3A_34 : i1
    %and3A_36 = arith.andi %ne3A_35, %ne3A_31 : i1
    %add3A = arith.addi %rem3A_29, %select_n3A_28 : i32
    %select_n3A_37 = arith.select %and3A_36, %add3A, %rem3A_29 : i32
    %mul3A = arith.constant 4 : i32
    %mul3A_38 = arith.muli %arg0, %mul3A : i32
    %add3A_39 = arith.addi %mul3A_38, %select_n3A : i32
    "tpu.region"() ({
      %run_scoped3A = tpu.sem_alloc : memref<!tpu.dma_semaphore, #tpu.memory_space<semaphore_mem>>
      %dma_start3A_123 = arith.constant 0 : i32
      %dma_start3A_124 = tpu.memref_slice %arg20[%select_n3A, %dma_start3A_123] : memref<4x32768xf32, #tpu.memory_space<vmem_shared>> -> memref<1x32768xf32, #tpu.memory_space<vmem_shared>>
      %dma_start3A_125 = tpu.memref_squeeze %dma_start3A_124 : memref<1x32768xf32, #tpu.memory_space<vmem_shared>> -> memref<32768xf32, #tpu.memory_space<vmem_shared>>
      %dma_start3A_126 = arith.constant 0 : i32
      %dma_start3A_127 = tpu.memref_slice %arg20[%select_n3A, %dma_start3A_126] : memref<4x32768xf32, #tpu.memory_space<vmem_shared>> -> memref<1x32768xf32, #tpu.memory_space<vmem_shared>>
      %dma_start3A_128 = tpu.memref_squeeze %dma_start3A_127 : memref<1x32768xf32, #tpu.memory_space<vmem_shared>> -> memref<32768xf32, #tpu.memory_space<vmem_shared>>
      tpu.enqueue_dma source(%dma_start3A_128 : memref<32768xf32, #tpu.memory_space<vmem_shared>>) target(%arg13 : memref<32768xf32, #tpu.memory_space<vmem>>) target_semaphore(%run_scoped3A : memref<!tpu.dma_semaphore, #tpu.memory_space<semaphore_mem>>)
      %dma_wait3A_129 = arith.constant 0 : i32
      %dma_wait3A_130 = tpu.memref_slice %arg20[%select_n3A, %dma_wait3A_129] : memref<4x32768xf32, #tpu.memory_space<vmem_shared>> -> memref<1x32768xf32, #tpu.memory_space<vmem_shared>>
      %dma_wait3A_131 = tpu.memref_squeeze %dma_wait3A_130 : memref<1x32768xf32, #tpu.memory_space<vmem_shared>> -> memref<32768xf32, #tpu.memory_space<vmem_shared>>
      %dma_wait3A_132 = arith.constant 0 : i32
      %dma_wait3A_133 = tpu.memref_slice %arg20[%select_n3A, %dma_wait3A_132] : memref<4x32768xf32, #tpu.memory_space<vmem_shared>> -> memref<1x32768xf32, #tpu.memory_space<vmem_shared>>
      %dma_wait3A_134 = tpu.memref_squeeze %dma_wait3A_133 : memref<1x32768xf32, #tpu.memory_space<vmem_shared>> -> memref<32768xf32, #tpu.memory_space<vmem_shared>>
      tpu.wait_dma2 semaphore(%run_scoped3A : memref<!tpu.dma_semaphore, #tpu.memory_space<semaphore_mem>>) src(%dma_wait3A_134 : memref<32768xf32, #tpu.memory_space<vmem_shared>>) dst(%arg13 : memref<32768xf32, #tpu.memory_space<vmem>>)
      tpu.yield
    }) : () -> ()
    %scan3A_40 = arith.constant 0 : i32
    %scan3A_41 = arith.constant 0 : i32
    %scan3A_42 = arith.constant 2048 : i32
    %scan3A_43 = arith.addi %scan3A_41, %scan3A_42 : i32
    %scan3A_44 = arith.constant 1 : i32
    scf.for %scan3A_123 = %scan3A_41 to %scan3A_43 step %scan3A_44  : i32 {
      %mul3A_124 = arith.constant 16 : i32
      %mul3A_125 = arith.muli %scan3A_123, %mul3A_124 : i32
      %get3A = arith.index_cast %mul3A_125 : i32 to index
      %get3A_126 = tpu.vector_load %arg13[%get3A] {strides = array<i32>} : memref<32768xf32, #tpu.memory_space<vmem>>, vector<16xf32>,
      %bitcast_convert_type3A = tpu.bitcast %get3A_126 : vector<16xf32> -> vector<16xi32>
      %convert_element_type3A_127 = arith.sitofp %bitcast_convert_type3A : vector<16xi32> to vector<16xf32>
      %mul3A_128 = arith.constant 16 : i32
      %mul3A_129 = arith.muli %scan3A_123, %mul3A_128 : i32
      %swap3A = arith.index_cast %mul3A_129 : i32 to index
      %swap3A_130 = tpu.vector_load %arg9[%swap3A] {strides = array<i32>} : memref<32768xf32, #tpu.memory_space<vmem>>, vector<16xf32>,
      tpu.vector_store %arg9[%swap3A], %convert_element_type3A_127 {strides = array<i32>} : memref<32768xf32, #tpu.memory_space<vmem>>, vector<16xf32>,
    }
    %scan3A_45 = arith.constant 2048 : i32
    %add3A_46 = arith.constant 0 : i32
    %add3A_47 = arith.addi %select_n3A_37, %add3A_46 : i32
    %lt3A_48 = arith.constant 19 : i32
    %lt3A_49 = arith.cmpi slt, %add3A_47, %lt3A_48 : i32
    %convert_element_type3A = arith.extui %lt3A_49 : i1 to i32
    %cond3A = arith.constant 0 : i32
    %cond3A_50 = arith.cmpi ne, %convert_element_type3A, %cond3A : i32
    scf.if %cond3A_50 {
      "tpu.region"() ({
        %run_scoped3A = tpu.sem_alloc : memref<!tpu.dma_semaphore, #tpu.memory_space<semaphore_mem>>
        %dma_start3A_123 = arith.constant 0 : i32
        %dma_start3A_124 = tpu.memref_slice %arg5[%add3A_39, %add3A_47, %dma_start3A_123] : memref<8x19x32768xf32, #tpu.memory_space<hbm>> -> memref<1x1x32768xf32, #tpu.memory_space<hbm>>
        %dma_start3A_125 = tpu.memref_squeeze %dma_start3A_124 : memref<1x1x32768xf32, #tpu.memory_space<hbm>> -> memref<32768xf32, #tpu.memory_space<hbm>>
        %dma_start3A_126 = arith.constant 0 : i32
        %dma_start3A_127 = tpu.memref_slice %arg5[%add3A_39, %add3A_47, %dma_start3A_126] : memref<8x19x32768xf32, #tpu.memory_space<hbm>> -> memref<1x1x32768xf32, #tpu.memory_space<hbm>>
        %dma_start3A_128 = tpu.memref_squeeze %dma_start3A_127 : memref<1x1x32768xf32, #tpu.memory_space<hbm>> -> memref<32768xf32, #tpu.memory_space<hbm>>
        tpu.enqueue_dma source(%arg9 : memref<32768xf32, #tpu.memory_space<vmem>>) target(%dma_start3A_128 : memref<32768xf32, #tpu.memory_space<hbm>>) target_semaphore(%run_scoped3A : memref<!tpu.dma_semaphore, #tpu.memory_space<semaphore_mem>>)
        %dma_wait3A_129 = arith.constant 0 : i32
        %dma_wait3A_130 = tpu.memref_slice %arg5[%add3A_39, %add3A_47, %dma_wait3A_129] : memref<8x19x32768xf32, #tpu.memory_space<hbm>> -> memref<1x1x32768xf32, #tpu.memory_space<hbm>>
        %dma_wait3A_131 = tpu.memref_squeeze %dma_wait3A_130 : memref<1x1x32768xf32, #tpu.memory_space<hbm>> -> memref<32768xf32, #tpu.memory_space<hbm>>
        %dma_wait3A_132 = arith.constant 0 : i32
        %dma_wait3A_133 = tpu.memref_slice %arg5[%add3A_39, %add3A_47, %dma_wait3A_132] : memref<8x19x32768xf32, #tpu.memory_space<hbm>> -> memref<1x1x32768xf32, #tpu.memory_space<hbm>>
        %dma_wait3A_134 = tpu.memref_squeeze %dma_wait3A_133 : memref<1x1x32768xf32, #tpu.memory_space<hbm>> -> memref<32768xf32, #tpu.memory_space<hbm>>
        tpu.wait_dma2 semaphore(%run_scoped3A : memref<!tpu.dma_semaphore, #tpu.memory_space<semaphore_mem>>) src(%arg9 : memref<32768xf32, #tpu.memory_space<vmem>>) dst(%dma_wait3A_134 : memref<32768xf32, #tpu.memory_space<hbm>>)
        tpu.yield
      }) : () -> ()
    } else {
    }
    %add3A_51 = arith.constant 4 : i32
    %add3A_52 = arith.addi %select_n3A_37, %add3A_51 : i32
    %lt3A_53 = arith.constant 19 : i32
    %lt3A_54 = arith.cmpi slt, %add3A_52, %lt3A_53 : i32
    %convert_element_type3A_55 = arith.extui %lt3A_54 : i1 to i32
    %cond3A_56 = arith.constant 0 : i32
    %cond3A_57 = arith.cmpi ne, %convert_element_type3A_55, %cond3A_56 : i32
    scf.if %cond3A_57 {
      "tpu.region"() ({
        %run_scoped3A = tpu.sem_alloc : memref<!tpu.dma_semaphore, #tpu.memory_space<semaphore_mem>>
        %dma_start3A_123 = arith.constant 0 : i32
        %dma_start3A_124 = tpu.memref_slice %arg5[%add3A_39, %add3A_52, %dma_start3A_123] : memref<8x19x32768xf32, #tpu.memory_space<hbm>> -> memref<1x1x32768xf32, #tpu.memory_space<hbm>>
        %dma_start3A_125 = tpu.memref_squeeze %dma_start3A_124 : memref<1x1x32768xf32, #tpu.memory_space<hbm>> -> memref<32768xf32, #tpu.memory_space<hbm>>
        %dma_start3A_126 = arith.constant 0 : i32
        %dma_start3A_127 = tpu.memref_slice %arg5[%add3A_39, %add3A_52, %dma_start3A_126] : memref<8x19x32768xf32, #tpu.memory_space<hbm>> -> memref<1x1x32768xf32, #tpu.memory_space<hbm>>
        %dma_start3A_128 = tpu.memref_squeeze %dma_start3A_127 : memref<1x1x32768xf32, #tpu.memory_space<hbm>> -> memref<32768xf32, #tpu.memory_space<hbm>>
        tpu.enqueue_dma source(%arg9 : memref<32768xf32, #tpu.memory_space<vmem>>) target(%dma_start3A_128 : memref<32768xf32, #tpu.memory_space<hbm>>) target_semaphore(%run_scoped3A : memref<!tpu.dma_semaphore, #tpu.memory_space<semaphore_mem>>)
        %dma_wait3A_129 = arith.constant 0 : i32
        %dma_wait3A_130 = tpu.memref_slice %arg5[%add3A_39, %add3A_52, %dma_wait3A_129] : memref<8x19x32768xf32, #tpu.memory_space<hbm>> -> memref<1x1x32768xf32, #tpu.memory_space<hbm>>
        %dma_wait3A_131 = tpu.memref_squeeze %dma_wait3A_130 : memref<1x1x32768xf32, #tpu.memory_space<hbm>> -> memref<32768xf32, #tpu.memory_space<hbm>>
        %dma_wait3A_132 = arith.constant 0 : i32
        %dma_wait3A_133 = tpu.memref_slice %arg5[%add3A_39, %add3A_52, %dma_wait3A_132] : memref<8x19x32768xf32, #tpu.memory_space<hbm>> -> memref<1x1x32768xf32, #tpu.memory_space<hbm>>
        %dma_wait3A_134 = tpu.memref_squeeze %dma_wait3A_133 : memref<1x1x32768xf32, #tpu.memory_space<hbm>> -> memref<32768xf32, #tpu.memory_space<hbm>>
        tpu.wait_dma2 semaphore(%run_scoped3A : memref<!tpu.dma_semaphore, #tpu.memory_space<semaphore_mem>>) src(%arg9 : memref<32768xf32, #tpu.memory_space<vmem>>) dst(%dma_wait3A_134 : memref<32768xf32, #tpu.memory_space<hbm>>)
        tpu.yield
      }) : () -> ()
    } else {
    }
    %add3A_58 = arith.constant 8 : i32
    %add3A_59 = arith.addi %select_n3A_37, %add3A_58 : i32
    %lt3A_60 = arith.constant 19 : i32
    %lt3A_61 = arith.cmpi slt, %add3A_59, %lt3A_60 : i32
    %convert_element_type3A_62 = arith.extui %lt3A_61 : i1 to i32
    %cond3A_63 = arith.constant 0 : i32
    %cond3A_64 = arith.cmpi ne, %convert_element_type3A_62, %cond3A_63 : i32
    scf.if %cond3A_64 {
      "tpu.region"() ({
        %run_scoped3A = tpu.sem_alloc : memref<!tpu.dma_semaphore, #tpu.memory_space<semaphore_mem>>
        %dma_start3A_123 = arith.constant 0 : i32
        %dma_start3A_124 = tpu.memref_slice %arg5[%add3A_39, %add3A_59, %dma_start3A_123] : memref<8x19x32768xf32, #tpu.memory_space<hbm>> -> memref<1x1x32768xf32, #tpu.memory_space<hbm>>
        %dma_start3A_125 = tpu.memref_squeeze %dma_start3A_124 : memref<1x1x32768xf32, #tpu.memory_space<hbm>> -> memref<32768xf32, #tpu.memory_space<hbm>>
        %dma_start3A_126 = arith.constant 0 : i32
        %dma_start3A_127 = tpu.memref_slice %arg5[%add3A_39, %add3A_59, %dma_start3A_126] : memref<8x19x32768xf32, #tpu.memory_space<hbm>> -> memref<1x1x32768xf32, #tpu.memory_space<hbm>>
        %dma_start3A_128 = tpu.memref_squeeze %dma_start3A_127 : memref<1x1x32768xf32, #tpu.memory_space<hbm>> -> memref<32768xf32, #tpu.memory_space<hbm>>
        tpu.enqueue_dma source(%arg9 : memref<32768xf32, #tpu.memory_space<vmem>>) target(%dma_start3A_128 : memref<32768xf32, #tpu.memory_space<hbm>>) target_semaphore(%run_scoped3A : memref<!tpu.dma_semaphore, #tpu.memory_space<semaphore_mem>>)
        %dma_wait3A_129 = arith.constant 0 : i32
        %dma_wait3A_130 = tpu.memref_slice %arg5[%add3A_39, %add3A_59, %dma_wait3A_129] : memref<8x19x32768xf32, #tpu.memory_space<hbm>> -> memref<1x1x32768xf32, #tpu.memory_space<hbm>>
        %dma_wait3A_131 = tpu.memref_squeeze %dma_wait3A_130 : memref<1x1x32768xf32, #tpu.memory_space<hbm>> -> memref<32768xf32, #tpu.memory_space<hbm>>
        %dma_wait3A_132 = arith.constant 0 : i32
        %dma_wait3A_133 = tpu.memref_slice %arg5[%add3A_39, %add3A_59, %dma_wait3A_132] : memref<8x19x32768xf32, #tpu.memory_space<hbm>> -> memref<1x1x32768xf32, #tpu.memory_space<hbm>>
        %dma_wait3A_134 = tpu.memref_squeeze %dma_wait3A_133 : memref<1x1x32768xf32, #tpu.memory_space<hbm>> -> memref<32768xf32, #tpu.memory_space<hbm>>
        tpu.wait_dma2 semaphore(%run_scoped3A : memref<!tpu.dma_semaphore, #tpu.memory_space<semaphore_mem>>) src(%arg9 : memref<32768xf32, #tpu.memory_space<vmem>>) dst(%dma_wait3A_134 : memref<32768xf32, #tpu.memory_space<hbm>>)
        tpu.yield
      }) : () -> ()
    } else {
    }
    %add3A_65 = arith.constant 12 : i32
    %add3A_66 = arith.addi %select_n3A_37, %add3A_65 : i32
    %lt3A_67 = arith.constant 19 : i32
    %lt3A_68 = arith.cmpi slt, %add3A_66, %lt3A_67 : i32
    %convert_element_type3A_69 = arith.extui %lt3A_68 : i1 to i32
    %cond3A_70 = arith.constant 0 : i32
    %cond3A_71 = arith.cmpi ne, %convert_element_type3A_69, %cond3A_70 : i32
    scf.if %cond3A_71 {
      "tpu.region"() ({
        %run_scoped3A = tpu.sem_alloc : memref<!tpu.dma_semaphore, #tpu.memory_space<semaphore_mem>>
        %dma_start3A_123 = arith.constant 0 : i32
        %dma_start3A_124 = tpu.memref_slice %arg5[%add3A_39, %add3A_66, %dma_start3A_123] : memref<8x19x32768xf32, #tpu.memory_space<hbm>> -> memref<1x1x32768xf32, #tpu.memory_space<hbm>>
        %dma_start3A_125 = tpu.memref_squeeze %dma_start3A_124 : memref<1x1x32768xf32, #tpu.memory_space<hbm>> -> memref<32768xf32, #tpu.memory_space<hbm>>
        %dma_start3A_126 = arith.constant 0 : i32
        %dma_start3A_127 = tpu.memref_slice %arg5[%add3A_39, %add3A_66, %dma_start3A_126] : memref<8x19x32768xf32, #tpu.memory_space<hbm>> -> memref<1x1x32768xf32, #tpu.memory_space<hbm>>
        %dma_start3A_128 = tpu.memref_squeeze %dma_start3A_127 : memref<1x1x32768xf32, #tpu.memory_space<hbm>> -> memref<32768xf32, #tpu.memory_space<hbm>>
        tpu.enqueue_dma source(%arg9 : memref<32768xf32, #tpu.memory_space<vmem>>) target(%dma_start3A_128 : memref<32768xf32, #tpu.memory_space<hbm>>) target_semaphore(%run_scoped3A : memref<!tpu.dma_semaphore, #tpu.memory_space<semaphore_mem>>)
        %dma_wait3A_129 = arith.constant 0 : i32
        %dma_wait3A_130 = tpu.memref_slice %arg5[%add3A_39, %add3A_66, %dma_wait3A_129] : memref<8x19x32768xf32, #tpu.memory_space<hbm>> -> memref<1x1x32768xf32, #tpu.memory_space<hbm>>
        %dma_wait3A_131 = tpu.memref_squeeze %dma_wait3A_130 : memref<1x1x32768xf32, #tpu.memory_space<hbm>> -> memref<32768xf32, #tpu.memory_space<hbm>>
        %dma_wait3A_132 = arith.constant 0 : i32
        %dma_wait3A_133 = tpu.memref_slice %arg5[%add3A_39, %add3A_66, %dma_wait3A_132] : memref<8x19x32768xf32, #tpu.memory_space<hbm>> -> memref<1x1x32768xf32, #tpu.memory_space<hbm>>
        %dma_wait3A_134 = tpu.memref_squeeze %dma_wait3A_133 : memref<1x1x32768xf32, #tpu.memory_space<hbm>> -> memref<32768xf32, #tpu.memory_space<hbm>>
        tpu.wait_dma2 semaphore(%run_scoped3A : memref<!tpu.dma_semaphore, #tpu.memory_space<semaphore_mem>>) src(%arg9 : memref<32768xf32, #tpu.memory_space<vmem>>) dst(%dma_wait3A_134 : memref<32768xf32, #tpu.memory_space<hbm>>)
        tpu.yield
      }) : () -> ()
    } else {
    }
    %add3A_72 = arith.constant 16 : i32
    %add3A_73 = arith.addi %select_n3A_37, %add3A_72 : i32
    %lt3A_74 = arith.constant 19 : i32
    %lt3A_75 = arith.cmpi slt, %add3A_73, %lt3A_74 : i32
    %convert_element_type3A_76 = arith.extui %lt3A_75 : i1 to i32
    %cond3A_77 = arith.constant 0 : i32
    %cond3A_78 = arith.cmpi ne, %convert_element_type3A_76, %cond3A_77 : i32
    scf.if %cond3A_78 {
      "tpu.region"() ({
        %run_scoped3A = tpu.sem_alloc : memref<!tpu.dma_semaphore, #tpu.memory_space<semaphore_mem>>
        %dma_start3A_123 = arith.constant 0 : i32
        %dma_start3A_124 = tpu.memref_slice %arg5[%add3A_39, %add3A_73, %dma_start3A_123] : memref<8x19x32768xf32, #tpu.memory_space<hbm>> -> memref<1x1x32768xf32, #tpu.memory_space<hbm>>
        %dma_start3A_125 = tpu.memref_squeeze %dma_start3A_124 : memref<1x1x32768xf32, #tpu.memory_space<hbm>> -> memref<32768xf32, #tpu.memory_space<hbm>>
        %dma_start3A_126 = arith.constant 0 : i32
        %dma_start3A_127 = tpu.memref_slice %arg5[%add3A_39, %add3A_73, %dma_start3A_126] : memref<8x19x32768xf32, #tpu.memory_space<hbm>> -> memref<1x1x32768xf32, #tpu.memory_space<hbm>>
        %dma_start3A_128 = tpu.memref_squeeze %dma_start3A_127 : memref<1x1x32768xf32, #tpu.memory_space<hbm>> -> memref<32768xf32, #tpu.memory_space<hbm>>
        tpu.enqueue_dma source(%arg9 : memref<32768xf32, #tpu.memory_space<vmem>>) target(%dma_start3A_128 : memref<32768xf32, #tpu.memory_space<hbm>>) target_semaphore(%run_scoped3A : memref<!tpu.dma_semaphore, #tpu.memory_space<semaphore_mem>>)
        %dma_wait3A_129 = arith.constant 0 : i32
        %dma_wait3A_130 = tpu.memref_slice %arg5[%add3A_39, %add3A_73, %dma_wait3A_129] : memref<8x19x32768xf32, #tpu.memory_space<hbm>> -> memref<1x1x32768xf32, #tpu.memory_space<hbm>>
        %dma_wait3A_131 = tpu.memref_squeeze %dma_wait3A_130 : memref<1x1x32768xf32, #tpu.memory_space<hbm>> -> memref<32768xf32, #tpu.memory_space<hbm>>
        %dma_wait3A_132 = arith.constant 0 : i32
        %dma_wait3A_133 = tpu.memref_slice %arg5[%add3A_39, %add3A_73, %dma_wait3A_132] : memref<8x19x32768xf32, #tpu.memory_space<hbm>> -> memref<1x1x32768xf32, #tpu.memory_space<hbm>>
        %dma_wait3A_134 = tpu.memref_squeeze %dma_wait3A_133 : memref<1x1x32768xf32, #tpu.memory_space<hbm>> -> memref<32768xf32, #tpu.memory_space<hbm>>
        tpu.wait_dma2 semaphore(%run_scoped3A : memref<!tpu.dma_semaphore, #tpu.memory_space<semaphore_mem>>) src(%arg9 : memref<32768xf32, #tpu.memory_space<vmem>>) dst(%dma_wait3A_134 : memref<32768xf32, #tpu.memory_space<hbm>>)
        tpu.yield
      }) : () -> ()
    } else {
    }
    %mul3A_79 = arith.constant 32 : i32
    %mul3A_80 = arith.muli %select_n3A_37, %mul3A_79 : i32
    %dma_start3A = arith.constant 0 : i32
    %dma_start3A_81 = tpu.memref_slice %arg2[%add3A_39, %mul3A_80, %dma_start3A] : memref<8x128x8192xf32, #tpu.memory_space<hbm>> -> memref<1x1x8192xf32, #tpu.memory_space<hbm>>
    %dma_start3A_82 = tpu.memref_squeeze %dma_start3A_81 : memref<1x1x8192xf32, #tpu.memory_space<hbm>> -> memref<8192xf32, #tpu.memory_space<hbm>>
    %dma_start3A_83 = arith.constant 0 : i32
    %dma_start3A_84 = tpu.memref_slice %arg2[%add3A_39, %mul3A_80, %dma_start3A_83] : memref<8x128x8192xf32, #tpu.memory_space<hbm>> -> memref<1x1x8192xf32, #tpu.memory_space<hbm>>
    %dma_start3A_85 = tpu.memref_squeeze %dma_start3A_84 : memref<1x1x8192xf32, #tpu.memory_space<hbm>> -> memref<8192xf32, #tpu.memory_space<hbm>>
    tpu.enqueue_dma source(%dma_start3A_85 : memref<8192xf32, #tpu.memory_space<hbm>>) target(%arg7 : memref<8192xf32, #tpu.memory_space<vmem>>) target_semaphore(%arg16 : memref<!tpu.dma_semaphore, #tpu.memory_space<semaphore_mem>>)
    "tpu.trace_start"() <{level = 10 : i32, message = "sc_gather"}> : () -> ()
    %scan3A_86 = arith.constant 0 : i32
    %scan3A_87 = arith.constant 0 : i32
    %scan3A_88 = arith.constant 16 : i32
    %scan3A_89 = arith.addi %scan3A_87, %scan3A_88 : i32
    %scan3A_90 = arith.constant 1 : i32
    scf.for %scan3A_123 = %scan3A_87 to %scan3A_89 step %scan3A_90  : i32 {
      %mul3A_124 = arith.constant 2 : i32
      %mul3A_125 = arith.muli %mul3A_124, %scan3A_123 : i32
      %add3A_126 = arith.addi %mul3A_80, %mul3A_125 : i32
      %add3A_127 = arith.constant 1 : i32
      %add3A_128 = arith.addi %add3A_126, %add3A_127 : i32
      %dma_wait3A_129 = arith.constant 0 : i32
      %dma_wait3A_130 = tpu.memref_slice %arg2[%add3A_39, %add3A_126, %dma_wait3A_129] : memref<8x128x8192xf32, #tpu.memory_space<hbm>> -> memref<1x1x8192xf32, #tpu.memory_space<hbm>>
      %dma_wait3A_131 = tpu.memref_squeeze %dma_wait3A_130 : memref<1x1x8192xf32, #tpu.memory_space<hbm>> -> memref<8192xf32, #tpu.memory_space<hbm>>
      %dma_wait3A_132 = arith.constant 0 : i32
      %dma_wait3A_133 = tpu.memref_slice %arg2[%add3A_39, %add3A_126, %dma_wait3A_132] : memref<8x128x8192xf32, #tpu.memory_space<hbm>> -> memref<1x1x8192xf32, #tpu.memory_space<hbm>>
      %dma_wait3A_134 = tpu.memref_squeeze %dma_wait3A_133 : memref<1x1x8192xf32, #tpu.memory_space<hbm>> -> memref<8192xf32, #tpu.memory_space<hbm>>
      tpu.wait_dma2 semaphore(%arg16 : memref<!tpu.dma_semaphore, #tpu.memory_space<semaphore_mem>>) src(%dma_wait3A_134 : memref<8192xf32, #tpu.memory_space<hbm>>) dst(%arg7 : memref<8192xf32, #tpu.memory_space<vmem>>)
      %dma_start3A_135 = arith.constant 0 : i32
      %dma_start3A_136 = tpu.memref_slice %arg2[%add3A_39, %add3A_128, %dma_start3A_135] : memref<8x128x8192xf32, #tpu.memory_space<hbm>> -> memref<1x1x8192xf32, #tpu.memory_space<hbm>>
      %dma_start3A_137 = tpu.memref_squeeze %dma_start3A_136 : memref<1x1x8192xf32, #tpu.memory_space<hbm>> -> memref<8192xf32, #tpu.memory_space<hbm>>
      %dma_start3A_138 = arith.constant 0 : i32
      %dma_start3A_139 = tpu.memref_slice %arg2[%add3A_39, %add3A_128, %dma_start3A_138] : memref<8x128x8192xf32, #tpu.memory_space<hbm>> -> memref<1x1x8192xf32, #tpu.memory_space<hbm>>
      %dma_start3A_140 = tpu.memref_squeeze %dma_start3A_139 : memref<1x1x8192xf32, #tpu.memory_space<hbm>> -> memref<8192xf32, #tpu.memory_space<hbm>>
      tpu.enqueue_dma source(%dma_start3A_140 : memref<8192xf32, #tpu.memory_space<hbm>>) target(%arg8 : memref<8192xf32, #tpu.memory_space<vmem>>) target_semaphore(%arg17 : memref<!tpu.dma_semaphore, #tpu.memory_space<semaphore_mem>>)
      %gt3A = arith.constant 0 : i32
      %gt3A_141 = arith.cmpi sgt, %scan3A_123, %gt3A : i32
      %convert_element_type3A_142 = arith.extui %gt3A_141 : i1 to i32
      %cond3A_143 = arith.constant 0 : i32
      %cond3A_144 = arith.cmpi ne, %convert_element_type3A_142, %cond3A_143 : i32
      scf.if %cond3A_144 {
        %sub3A_197 = arith.constant 2 : i32
        %sub3A_198 = arith.subi %add3A_126, %sub3A_197 : i32
        %dma_wait3A_199 = arith.constant 0 : i32
        %dma_wait3A_200 = tpu.memref_slice %arg4[%add3A_39, %sub3A_198, %dma_wait3A_199] : memref<8x128x32768xf32, #tpu.memory_space<hbm>> -> memref<1x1x32768xf32, #tpu.memory_space<hbm>>
        %dma_wait3A_201 = tpu.memref_squeeze %dma_wait3A_200 : memref<1x1x32768xf32, #tpu.memory_space<hbm>> -> memref<32768xf32, #tpu.memory_space<hbm>>
        %dma_wait3A_202 = arith.constant 0 : i32
        %dma_wait3A_203 = tpu.memref_slice %arg4[%add3A_39, %sub3A_198, %dma_wait3A_202] : memref<8x128x32768xf32, #tpu.memory_space<hbm>> -> memref<1x1x32768xf32, #tpu.memory_space<hbm>>
        %dma_wait3A_204 = tpu.memref_squeeze %dma_wait3A_203 : memref<1x1x32768xf32, #tpu.memory_space<hbm>> -> memref<32768xf32, #tpu.memory_space<hbm>>
        tpu.wait_dma2 semaphore(%arg18 : memref<!tpu.dma_semaphore, #tpu.memory_space<semaphore_mem>>) src(%arg9 : memref<32768xf32, #tpu.memory_space<vmem>>) dst(%dma_wait3A_204 : memref<32768xf32, #tpu.memory_space<hbm>>)
        %sub3A_205 = arith.constant 2 : i32
        %sub3A_206 = arith.subi %add3A_126, %sub3A_205 : i32
        %dma_wait3A_207 = arith.constant 0 : i32
        %dma_wait3A_208 = tpu.memref_slice %arg6[%add3A_39, %sub3A_206, %dma_wait3A_207] : memref<8x128x128xf32, #tpu.memory_space<hbm>> -> memref<1x1x128xf32, #tpu.memory_space<hbm>>
        %dma_wait3A_209 = tpu.memref_squeeze %dma_wait3A_208 : memref<1x1x128xf32, #tpu.memory_space<hbm>> -> memref<128xf32, #tpu.memory_space<hbm>>
        %dma_wait3A_210 = arith.constant 0 : i32
        %dma_wait3A_211 = tpu.memref_slice %arg6[%add3A_39, %sub3A_206, %dma_wait3A_210] : memref<8x128x128xf32, #tpu.memory_space<hbm>> -> memref<1x1x128xf32, #tpu.memory_space<hbm>>
        %dma_wait3A_212 = tpu.memref_squeeze %dma_wait3A_211 : memref<1x1x128xf32, #tpu.memory_space<hbm>> -> memref<128xf32, #tpu.memory_space<hbm>>
        tpu.wait_dma2 semaphore(%arg18 : memref<!tpu.dma_semaphore, #tpu.memory_space<semaphore_mem>>) src(%arg14 : memref<128xf32, #tpu.memory_space<vmem>>) dst(%dma_wait3A_212 : memref<128xf32, #tpu.memory_space<hbm>>)
      } else {
      }
      %scan3A_145 = arith.constant 0 : i32
      %scan3A_146 = arith.constant 0 : i32
      %scan3A_147 = arith.constant 128 : i32
      %scan3A_148 = arith.addi %scan3A_146, %scan3A_147 : i32
      %scan3A_149 = arith.constant 1 : i32
      scf.for %scan3A_197 = %scan3A_146 to %scan3A_148 step %scan3A_149  : i32 {
        %jit3A_198 = arith.constant 8 : i32
        %div3A_199 = arith.divsi %scan3A_197, %jit3A_198 : i32
        %sign3A_200 = arith.constant 0 : i32
        %sign3A_201 = arith.cmpi sgt, %scan3A_197, %sign3A_200 : i32
        %sign3A_202 = arith.extui %sign3A_201 : i1 to i32
        %sign3A_203 = arith.constant 0 : i32
        %sign3A_204 = arith.cmpi slt, %scan3A_197, %sign3A_203 : i32
        %sign3A_205 = arith.extui %sign3A_204 : i1 to i32
        %sign3A_206 = arith.subi %sign3A_202, %sign3A_205 : i32
        %sign3A_207 = arith.constant 0 : i32
        %sign3A_208 = arith.cmpi sgt, %jit3A_198, %sign3A_207 : i32
        %sign3A_209 = arith.extui %sign3A_208 : i1 to i32
        %sign3A_210 = arith.constant 0 : i32
        %sign3A_211 = arith.cmpi slt, %jit3A_198, %sign3A_210 : i32
        %sign3A_212 = arith.extui %sign3A_211 : i1 to i32
        %sign3A_213 = arith.subi %sign3A_209, %sign3A_212 : i32
        %ne3A_214 = arith.cmpi ne, %sign3A_206, %sign3A_213 : i32
        %rem3A_215 = arith.remsi %scan3A_197, %jit3A_198 : i32
        %ne3A_216 = arith.constant 0 : i32
        %ne3A_217 = arith.cmpi ne, %rem3A_215, %ne3A_216 : i32
        %and3A_218 = arith.andi %ne3A_214, %ne3A_217 : i1
        %sub3A_219 = arith.constant 1 : i32
        %sub3A_220 = arith.subi %div3A_199, %sub3A_219 : i32
        %select_n3A_221 = arith.select %and3A_218, %sub3A_220, %div3A_199 : i32
        %jit3A_222 = arith.constant 8 : i32
        %eq3A_223 = arith.constant 0 : i32
        %eq3A_224 = arith.cmpi eq, %jit3A_222, %eq3A_223 : i32
        %jit3A_225 = arith.constant 1 : i32
        %select_n3A_226 = arith.select %eq3A_224, %jit3A_225, %jit3A_222 : i32
        %rem3A_227 = arith.remsi %scan3A_197, %select_n3A_226 : i32
        %ne3A_228 = arith.constant 0 : i32
        %ne3A_229 = arith.cmpi ne, %rem3A_227, %ne3A_228 : i32
        %lt3A_230 = arith.constant 0 : i32
        %lt3A_231 = arith.cmpi slt, %rem3A_227, %lt3A_230 : i32
        %lt3A_232 = arith.constant 0 : i32
        %lt3A_233 = arith.cmpi slt, %select_n3A_226, %lt3A_232 : i32
        %ne3A_234 = arith.xori %lt3A_231, %lt3A_233 : i1
        %and3A_235 = arith.andi %ne3A_234, %ne3A_229 : i1
        %add3A_236 = arith.addi %rem3A_227, %select_n3A_226 : i32
        %select_n3A_237 = arith.select %and3A_235, %add3A_236, %rem3A_227 : i32
        %mul3A_238 = arith.constant 2048 : i32
        %mul3A_239 = arith.muli %select_n3A_221, %mul3A_238 : i32
        %mul3A_240 = arith.constant 256 : i32
        %mul3A_241 = arith.muli %select_n3A_237, %mul3A_240 : i32
        %add3A_242 = arith.addi %mul3A_239, %mul3A_241 : i32
        %broadcast_in_dim3A_243 = arith.constant 0xFF800000 : f32
        %broadcast_in_dim3A_244 = vector.broadcast %broadcast_in_dim3A_243 : f32 to vector<16xf32>
        %add3A_245 = arith.constant 0 : i32
        %add3A_246 = arith.addi %add3A_242, %add3A_245 : i32
        %get3A = arith.index_cast %add3A_246 : i32 to index
        %get3A_247 = tpu.vector_load %arg13[%get3A] {strides = array<i32>} : memref<32768xf32, #tpu.memory_space<vmem>>, vector<16xf32>,
        %bitcast_convert_type3A = tpu.bitcast %get3A_247 : vector<16xf32> -> vector<16xi32>
        %gather3A = tpu.vector_load_idx %arg7[%bitcast_convert_type3A] : memref<8192xf32, #tpu.memory_space<vmem>>[vector<16xi32>], vector<16xf32>,
        %add3A_248 = arith.constant 0 : i32
        %add3A_249 = arith.addi %add3A_242, %add3A_248 : i32
        %swap3A = arith.index_cast %add3A_249 : i32 to index
        %swap3A_250 = tpu.vector_load %arg9[%swap3A] {strides = array<i32>} : memref<32768xf32, #tpu.memory_space<vmem>>, vector<16xf32>,
        tpu.vector_store %arg9[%swap3A], %gather3A {strides = array<i32>} : memref<32768xf32, #tpu.memory_space<vmem>>, vector<16xf32>,
        %max3A = arith.maximumf %broadcast_in_dim3A_244, %gather3A : vector<16xf32>
        %add3A_251 = arith.constant 16 : i32
        %add3A_252 = arith.addi %add3A_242, %add3A_251 : i32
        %get3A_253 = arith.index_cast %add3A_252 : i32 to index
        %get3A_254 = tpu.vector_load %arg13[%get3A_253] {strides = array<i32>} : memref<32768xf32, #tpu.memory_space<vmem>>, vector<16xf32>,
        %bitcast_convert_type3A_255 = tpu.bitcast %get3A_254 : vector<16xf32> -> vector<16xi32>
        %gather3A_256 = tpu.vector_load_idx %arg7[%bitcast_convert_type3A_255] : memref<8192xf32, #tpu.memory_space<vmem>>[vector<16xi32>], vector<16xf32>,
        %add3A_257 = arith.constant 16 : i32
        %add3A_258 = arith.addi %add3A_242, %add3A_257 : i32
        %swap3A_259 = arith.index_cast %add3A_258 : i32 to index
        %swap3A_260 = tpu.vector_load %arg9[%swap3A_259] {strides = array<i32>} : memref<32768xf32, #tpu.memory_space<vmem>>, vector<16xf32>,
        tpu.vector_store %arg9[%swap3A_259], %gather3A_256 {strides = array<i32>} : memref<32768xf32, #tpu.memory_space<vmem>>, vector<16xf32>,
        %max3A_261 = arith.maximumf %max3A, %gather3A_256 : vector<16xf32>
        %add3A_262 = arith.constant 32 : i32
        %add3A_263 = arith.addi %add3A_242, %add3A_262 : i32
        %get3A_264 = arith.index_cast %add3A_263 : i32 to index
        %get3A_265 = tpu.vector_load %arg13[%get3A_264] {strides = array<i32>} : memref<32768xf32, #tpu.memory_space<vmem>>, vector<16xf32>,
        %bitcast_convert_type3A_266 = tpu.bitcast %get3A_265 : vector<16xf32> -> vector<16xi32>
        %gather3A_267 = tpu.vector_load_idx %arg7[%bitcast_convert_type3A_266] : memref<8192xf32, #tpu.memory_space<vmem>>[vector<16xi32>], vector<16xf32>,
        %add3A_268 = arith.constant 32 : i32
        %add3A_269 = arith.addi %add3A_242, %add3A_268 : i32
        %swap3A_270 = arith.index_cast %add3A_269 : i32 to index
        %swap3A_271 = tpu.vector_load %arg9[%swap3A_270] {strides = array<i32>} : memref<32768xf32, #tpu.memory_space<vmem>>, vector<16xf32>,
        tpu.vector_store %arg9[%swap3A_270], %gather3A_267 {strides = array<i32>} : memref<32768xf32, #tpu.memory_space<vmem>>, vector<16xf32>,
        %max3A_272 = arith.maximumf %max3A_261, %gather3A_267 : vector<16xf32>
        %add3A_273 = arith.constant 48 : i32
        %add3A_274 = arith.addi %add3A_242, %add3A_273 : i32
        %get3A_275 = arith.index_cast %add3A_274 : i32 to index
        %get3A_276 = tpu.vector_load %arg13[%get3A_275] {strides = array<i32>} : memref<32768xf32, #tpu.memory_space<vmem>>, vector<16xf32>,
        %bitcast_convert_type3A_277 = tpu.bitcast %get3A_276 : vector<16xf32> -> vector<16xi32>
        %gather3A_278 = tpu.vector_load_idx %arg7[%bitcast_convert_type3A_277] : memref<8192xf32, #tpu.memory_space<vmem>>[vector<16xi32>], vector<16xf32>,
        %add3A_279 = arith.constant 48 : i32
        %add3A_280 = arith.addi %add3A_242, %add3A_279 : i32
        %swap3A_281 = arith.index_cast %add3A_280 : i32 to index
        %swap3A_282 = tpu.vector_load %arg9[%swap3A_281] {strides = array<i32>} : memref<32768xf32, #tpu.memory_space<vmem>>, vector<16xf32>,
        tpu.vector_store %arg9[%swap3A_281], %gather3A_278 {strides = array<i32>} : memref<32768xf32, #tpu.memory_space<vmem>>, vector<16xf32>,
        %max3A_283 = arith.maximumf %max3A_272, %gather3A_278 : vector<16xf32>
        %add3A_284 = arith.constant 64 : i32
        %add3A_285 = arith.addi %add3A_242, %add3A_284 : i32
        %get3A_286 = arith.index_cast %add3A_285 : i32 to index
        %get3A_287 = tpu.vector_load %arg13[%get3A_286] {strides = array<i32>} : memref<32768xf32, #tpu.memory_space<vmem>>, vector<16xf32>,
        %bitcast_convert_type3A_288 = tpu.bitcast %get3A_287 : vector<16xf32> -> vector<16xi32>
        %gather3A_289 = tpu.vector_load_idx %arg7[%bitcast_convert_type3A_288] : memref<8192xf32, #tpu.memory_space<vmem>>[vector<16xi32>], vector<16xf32>,
        %add3A_290 = arith.constant 64 : i32
        %add3A_291 = arith.addi %add3A_242, %add3A_290 : i32
        %swap3A_292 = arith.index_cast %add3A_291 : i32 to index
        %swap3A_293 = tpu.vector_load %arg9[%swap3A_292] {strides = array<i32>} : memref<32768xf32, #tpu.memory_space<vmem>>, vector<16xf32>,
        tpu.vector_store %arg9[%swap3A_292], %gather3A_289 {strides = array<i32>} : memref<32768xf32, #tpu.memory_space<vmem>>, vector<16xf32>,
        %max3A_294 = arith.maximumf %max3A_283, %gather3A_289 : vector<16xf32>
        %add3A_295 = arith.constant 80 : i32
        %add3A_296 = arith.addi %add3A_242, %add3A_295 : i32
        %get3A_297 = arith.index_cast %add3A_296 : i32 to index
        %get3A_298 = tpu.vector_load %arg13[%get3A_297] {strides = array<i32>} : memref<32768xf32, #tpu.memory_space<vmem>>, vector<16xf32>,
        %bitcast_convert_type3A_299 = tpu.bitcast %get3A_298 : vector<16xf32> -> vector<16xi32>
        %gather3A_300 = tpu.vector_load_idx %arg7[%bitcast_convert_type3A_299] : memref<8192xf32, #tpu.memory_space<vmem>>[vector<16xi32>], vector<16xf32>,
        %add3A_301 = arith.constant 80 : i32
        %add3A_302 = arith.addi %add3A_242, %add3A_301 : i32
        %swap3A_303 = arith.index_cast %add3A_302 : i32 to index
        %swap3A_304 = tpu.vector_load %arg9[%swap3A_303] {strides = array<i32>} : memref<32768xf32, #tpu.memory_space<vmem>>, vector<16xf32>,
        tpu.vector_store %arg9[%swap3A_303], %gather3A_300 {strides = array<i32>} : memref<32768xf32, #tpu.memory_space<vmem>>, vector<16xf32>,
        %max3A_305 = arith.maximumf %max3A_294, %gather3A_300 : vector<16xf32>
        %add3A_306 = arith.constant 96 : i32
        %add3A_307 = arith.addi %add3A_242, %add3A_306 : i32
        %get3A_308 = arith.index_cast %add3A_307 : i32 to index
        %get3A_309 = tpu.vector_load %arg13[%get3A_308] {strides = array<i32>} : memref<32768xf32, #tpu.memory_space<vmem>>, vector<16xf32>,
        %bitcast_convert_type3A_310 = tpu.bitcast %get3A_309 : vector<16xf32> -> vector<16xi32>
        %gather3A_311 = tpu.vector_load_idx %arg7[%bitcast_convert_type3A_310] : memref<8192xf32, #tpu.memory_space<vmem>>[vector<16xi32>], vector<16xf32>,
        %add3A_312 = arith.constant 96 : i32
        %add3A_313 = arith.addi %add3A_242, %add3A_312 : i32
        %swap3A_314 = arith.index_cast %add3A_313 : i32 to index
        %swap3A_315 = tpu.vector_load %arg9[%swap3A_314] {strides = array<i32>} : memref<32768xf32, #tpu.memory_space<vmem>>, vector<16xf32>,
        tpu.vector_store %arg9[%swap3A_314], %gather3A_311 {strides = array<i32>} : memref<32768xf32, #tpu.memory_space<vmem>>, vector<16xf32>,
        %max3A_316 = arith.maximumf %max3A_305, %gather3A_311 : vector<16xf32>
        %add3A_317 = arith.constant 112 : i32
        %add3A_318 = arith.addi %add3A_242, %add3A_317 : i32
        %get3A_319 = arith.index_cast %add3A_318 : i32 to index
        %get3A_320 = tpu.vector_load %arg13[%get3A_319] {strides = array<i32>} : memref<32768xf32, #tpu.memory_space<vmem>>, vector<16xf32>,
        %bitcast_convert_type3A_321 = tpu.bitcast %get3A_320 : vector<16xf32> -> vector<16xi32>
        %gather3A_322 = tpu.vector_load_idx %arg7[%bitcast_convert_type3A_321] : memref<8192xf32, #tpu.memory_space<vmem>>[vector<16xi32>], vector<16xf32>,
        %add3A_323 = arith.constant 112 : i32
        %add3A_324 = arith.addi %add3A_242, %add3A_323 : i32
        %swap3A_325 = arith.index_cast %add3A_324 : i32 to index
        %swap3A_326 = tpu.vector_load %arg9[%swap3A_325] {strides = array<i32>} : memref<32768xf32, #tpu.memory_space<vmem>>, vector<16xf32>,
        tpu.vector_store %arg9[%swap3A_325], %gather3A_322 {strides = array<i32>} : memref<32768xf32, #tpu.memory_space<vmem>>, vector<16xf32>,
        %max3A_327 = arith.maximumf %max3A_316, %gather3A_322 : vector<16xf32>
        %add3A_328 = arith.constant 128 : i32
        %add3A_329 = arith.addi %add3A_242, %add3A_328 : i32
        %get3A_330 = arith.index_cast %add3A_329 : i32 to index
        %get3A_331 = tpu.vector_load %arg13[%get3A_330] {strides = array<i32>} : memref<32768xf32, #tpu.memory_space<vmem>>, vector<16xf32>,
        %bitcast_convert_type3A_332 = tpu.bitcast %get3A_331 : vector<16xf32> -> vector<16xi32>
        %gather3A_333 = tpu.vector_load_idx %arg7[%bitcast_convert_type3A_332] : memref<8192xf32, #tpu.memory_space<vmem>>[vector<16xi32>], vector<16xf32>,
        %add3A_334 = arith.constant 128 : i32
        %add3A_335 = arith.addi %add3A_242, %add3A_334 : i32
        %swap3A_336 = arith.index_cast %add3A_335 : i32 to index
        %swap3A_337 = tpu.vector_load %arg9[%swap3A_336] {strides = array<i32>} : memref<32768xf32, #tpu.memory_space<vmem>>, vector<16xf32>,
        tpu.vector_store %arg9[%swap3A_336], %gather3A_333 {strides = array<i32>} : memref<32768xf32, #tpu.memory_space<vmem>>, vector<16xf32>,
        %max3A_338 = arith.maximumf %max3A_327, %gather3A_333 : vector<16xf32>
        %add3A_339 = arith.constant 144 : i32
        %add3A_340 = arith.addi %add3A_242, %add3A_339 : i32
        %get3A_341 = arith.index_cast %add3A_340 : i32 to index
        %get3A_342 = tpu.vector_load %arg13[%get3A_341] {strides = array<i32>} : memref<32768xf32, #tpu.memory_space<vmem>>, vector<16xf32>,
        %bitcast_convert_type3A_343 = tpu.bitcast %get3A_342 : vector<16xf32> -> vector<16xi32>
        %gather3A_344 = tpu.vector_load_idx %arg7[%bitcast_convert_type3A_343] : memref<8192xf32, #tpu.memory_space<vmem>>[vector<16xi32>], vector<16xf32>,
        %add3A_345 = arith.constant 144 : i32
        %add3A_346 = arith.addi %add3A_242, %add3A_345 : i32
        %swap3A_347 = arith.index_cast %add3A_346 : i32 to index
        %swap3A_348 = tpu.vector_load %arg9[%swap3A_347] {strides = array<i32>} : memref<32768xf32, #tpu.memory_space<vmem>>, vector<16xf32>,
        tpu.vector_store %arg9[%swap3A_347], %gather3A_344 {strides = array<i32>} : memref<32768xf32, #tpu.memory_space<vmem>>, vector<16xf32>,
        %max3A_349 = arith.maximumf %max3A_338, %gather3A_344 : vector<16xf32>
        %add3A_350 = arith.constant 160 : i32
        %add3A_351 = arith.addi %add3A_242, %add3A_350 : i32
        %get3A_352 = arith.index_cast %add3A_351 : i32 to index
        %get3A_353 = tpu.vector_load %arg13[%get3A_352] {strides = array<i32>} : memref<32768xf32, #tpu.memory_space<vmem>>, vector<16xf32>,
        %bitcast_convert_type3A_354 = tpu.bitcast %get3A_353 : vector<16xf32> -> vector<16xi32>
        %gather3A_355 = tpu.vector_load_idx %arg7[%bitcast_convert_type3A_354] : memref<8192xf32, #tpu.memory_space<vmem>>[vector<16xi32>], vector<16xf32>,
        %add3A_356 = arith.constant 160 : i32
        %add3A_357 = arith.addi %add3A_242, %add3A_356 : i32
        %swap3A_358 = arith.index_cast %add3A_357 : i32 to index
        %swap3A_359 = tpu.vector_load %arg9[%swap3A_358] {strides = array<i32>} : memref<32768xf32, #tpu.memory_space<vmem>>, vector<16xf32>,
        tpu.vector_store %arg9[%swap3A_358], %gather3A_355 {strides = array<i32>} : memref<32768xf32, #tpu.memory_space<vmem>>, vector<16xf32>,
        %max3A_360 = arith.maximumf %max3A_349, %gather3A_355 : vector<16xf32>
        %add3A_361 = arith.constant 176 : i32
        %add3A_362 = arith.addi %add3A_242, %add3A_361 : i32
        %get3A_363 = arith.index_cast %add3A_362 : i32 to index
        %get3A_364 = tpu.vector_load %arg13[%get3A_363] {strides = array<i32>} : memref<32768xf32, #tpu.memory_space<vmem>>, vector<16xf32>,
        %bitcast_convert_type3A_365 = tpu.bitcast %get3A_364 : vector<16xf32> -> vector<16xi32>
        %gather3A_366 = tpu.vector_load_idx %arg7[%bitcast_convert_type3A_365] : memref<8192xf32, #tpu.memory_space<vmem>>[vector<16xi32>], vector<16xf32>,
        %add3A_367 = arith.constant 176 : i32
        %add3A_368 = arith.addi %add3A_242, %add3A_367 : i32
        %swap3A_369 = arith.index_cast %add3A_368 : i32 to index
        %swap3A_370 = tpu.vector_load %arg9[%swap3A_369] {strides = array<i32>} : memref<32768xf32, #tpu.memory_space<vmem>>, vector<16xf32>,
        tpu.vector_store %arg9[%swap3A_369], %gather3A_366 {strides = array<i32>} : memref<32768xf32, #tpu.memory_space<vmem>>, vector<16xf32>,
        %max3A_371 = arith.maximumf %max3A_360, %gather3A_366 : vector<16xf32>
        %add3A_372 = arith.constant 192 : i32
        %add3A_373 = arith.addi %add3A_242, %add3A_372 : i32
        %get3A_374 = arith.index_cast %add3A_373 : i32 to index
        %get3A_375 = tpu.vector_load %arg13[%get3A_374] {strides = array<i32>} : memref<32768xf32, #tpu.memory_space<vmem>>, vector<16xf32>,
        %bitcast_convert_type3A_376 = tpu.bitcast %get3A_375 : vector<16xf32> -> vector<16xi32>
        %gather3A_377 = tpu.vector_load_idx %arg7[%bitcast_convert_type3A_376] : memref<8192xf32, #tpu.memory_space<vmem>>[vector<16xi32>], vector<16xf32>,
        %add3A_378 = arith.constant 192 : i32
        %add3A_379 = arith.addi %add3A_242, %add3A_378 : i32
        %swap3A_380 = arith.index_cast %add3A_379 : i32 to index
        %swap3A_381 = tpu.vector_load %arg9[%swap3A_380] {strides = array<i32>} : memref<32768xf32, #tpu.memory_space<vmem>>, vector<16xf32>,
        tpu.vector_store %arg9[%swap3A_380], %gather3A_377 {strides = array<i32>} : memref<32768xf32, #tpu.memory_space<vmem>>, vector<16xf32>,
        %max3A_382 = arith.maximumf %max3A_371, %gather3A_377 : vector<16xf32>
        %add3A_383 = arith.constant 208 : i32
        %add3A_384 = arith.addi %add3A_242, %add3A_383 : i32
        %get3A_385 = arith.index_cast %add3A_384 : i32 to index
        %get3A_386 = tpu.vector_load %arg13[%get3A_385] {strides = array<i32>} : memref<32768xf32, #tpu.memory_space<vmem>>, vector<16xf32>,
        %bitcast_convert_type3A_387 = tpu.bitcast %get3A_386 : vector<16xf32> -> vector<16xi32>
        %gather3A_388 = tpu.vector_load_idx %arg7[%bitcast_convert_type3A_387] : memref<8192xf32, #tpu.memory_space<vmem>>[vector<16xi32>], vector<16xf32>,
        %add3A_389 = arith.constant 208 : i32
        %add3A_390 = arith.addi %add3A_242, %add3A_389 : i32
        %swap3A_391 = arith.index_cast %add3A_390 : i32 to index
        %swap3A_392 = tpu.vector_load %arg9[%swap3A_391] {strides = array<i32>} : memref<32768xf32, #tpu.memory_space<vmem>>, vector<16xf32>,
        tpu.vector_store %arg9[%swap3A_391], %gather3A_388 {strides = array<i32>} : memref<32768xf32, #tpu.memory_space<vmem>>, vector<16xf32>,
        %max3A_393 = arith.maximumf %max3A_382, %gather3A_388 : vector<16xf32>
        %add3A_394 = arith.constant 224 : i32
        %add3A_395 = arith.addi %add3A_242, %add3A_394 : i32
        %get3A_396 = arith.index_cast %add3A_395 : i32 to index
        %get3A_397 = tpu.vector_load %arg13[%get3A_396] {strides = array<i32>} : memref<32768xf32, #tpu.memory_space<vmem>>, vector<16xf32>,
        %bitcast_convert_type3A_398 = tpu.bitcast %get3A_397 : vector<16xf32> -> vector<16xi32>
        %gather3A_399 = tpu.vector_load_idx %arg7[%bitcast_convert_type3A_398] : memref<8192xf32, #tpu.memory_space<vmem>>[vector<16xi32>], vector<16xf32>,
        %add3A_400 = arith.constant 224 : i32
        %add3A_401 = arith.addi %add3A_242, %add3A_400 : i32
        %swap3A_402 = arith.index_cast %add3A_401 : i32 to index
        %swap3A_403 = tpu.vector_load %arg9[%swap3A_402] {strides = array<i32>} : memref<32768xf32, #tpu.memory_space<vmem>>, vector<16xf32>,
        tpu.vector_store %arg9[%swap3A_402], %gather3A_399 {strides = array<i32>} : memref<32768xf32, #tpu.memory_space<vmem>>, vector<16xf32>,
        %max3A_404 = arith.maximumf %max3A_393, %gather3A_399 : vector<16xf32>
        %add3A_405 = arith.constant 240 : i32
        %add3A_406 = arith.addi %add3A_242, %add3A_405 : i32
        %get3A_407 = arith.index_cast %add3A_406 : i32 to index
        %get3A_408 = tpu.vector_load %arg13[%get3A_407] {strides = array<i32>} : memref<32768xf32, #tpu.memory_space<vmem>>, vector<16xf32>,
        %bitcast_convert_type3A_409 = tpu.bitcast %get3A_408 : vector<16xf32> -> vector<16xi32>
        %gather3A_410 = tpu.vector_load_idx %arg7[%bitcast_convert_type3A_409] : memref<8192xf32, #tpu.memory_space<vmem>>[vector<16xi32>], vector<16xf32>,
        %add3A_411 = arith.constant 240 : i32
        %add3A_412 = arith.addi %add3A_242, %add3A_411 : i32
        %swap3A_413 = arith.index_cast %add3A_412 : i32 to index
        %swap3A_414 = tpu.vector_load %arg9[%swap3A_413] {strides = array<i32>} : memref<32768xf32, #tpu.memory_space<vmem>>, vector<16xf32>,
        tpu.vector_store %arg9[%swap3A_413], %gather3A_410 {strides = array<i32>} : memref<32768xf32, #tpu.memory_space<vmem>>, vector<16xf32>,
        %max3A_415 = arith.maximumf %max3A_404, %gather3A_410 : vector<16xf32>
        %reduce_max3A = arith.constant true
        %reduce_max3A_416 = vector.broadcast %reduce_max3A : i1 to vector<16xi1>
        %reduce_max3A_417 = tpu.scan <max>, %max3A_415 masked %reduce_max3A_416 : vector<16xf32>, vector<16xi1> -> vector<16xf32>
        %reduce_max3A_418 = vector.extract %reduce_max3A_417[15] : f32 from vector<16xf32>
        %broadcast_in_dim3A_419 = vector.broadcast %scan3A_197 : i32 to vector<16xi32>
        %broadcast_in_dim3A_420 = vector.broadcast %reduce_max3A_418 : f32 to vector<16xf32>
        tpu.vector_store_idx %arg14[%broadcast_in_dim3A_419], %broadcast_in_dim3A_420 masked %eq3A_2 : memref<128xf32, #tpu.memory_space<vmem>>[vector<16xi32>], vector<16xf32>, vector<16xi1>
      }
      %scan3A_150 = arith.constant 128 : i32
      %dma_start3A_151 = arith.constant 0 : i32
      %dma_start3A_152 = tpu.memref_slice %arg4[%add3A_39, %add3A_126, %dma_start3A_151] : memref<8x128x32768xf32, #tpu.memory_space<hbm>> -> memref<1x1x32768xf32, #tpu.memory_space<hbm>>
      %dma_start3A_153 = tpu.memref_squeeze %dma_start3A_152 : memref<1x1x32768xf32, #tpu.memory_space<hbm>> -> memref<32768xf32, #tpu.memory_space<hbm>>
      %dma_start3A_154 = arith.constant 0 : i32
      %dma_start3A_155 = tpu.memref_slice %arg4[%add3A_39, %add3A_126, %dma_start3A_154] : memref<8x128x32768xf32, #tpu.memory_space<hbm>> -> memref<1x1x32768xf32, #tpu.memory_space<hbm>>
      %dma_start3A_156 = tpu.memref_squeeze %dma_start3A_155 : memref<1x1x32768xf32, #tpu.memory_space<hbm>> -> memref<32768xf32, #tpu.memory_space<hbm>>
      tpu.enqueue_dma source(%arg9 : memref<32768xf32, #tpu.memory_space<vmem>>) target(%dma_start3A_156 : memref<32768xf32, #tpu.memory_space<hbm>>) target_semaphore(%arg18 : memref<!tpu.dma_semaphore, #tpu.memory_space<semaphore_mem>>)
      %dma_start3A_157 = arith.constant 0 : i32
      %dma_start3A_158 = tpu.memref_slice %arg6[%add3A_39, %add3A_126, %dma_start3A_157] : memref<8x128x128xf32, #tpu.memory_space<hbm>> -> memref<1x1x128xf32, #tpu.memory_space<hbm>>
      %dma_start3A_159 = tpu.memref_squeeze %dma_start3A_158 : memref<1x1x128xf32, #tpu.memory_space<hbm>> -> memref<128xf32, #tpu.memory_space<hbm>>
      %dma_start3A_160 = arith.constant 0 : i32
      %dma_start3A_161 = tpu.memref_slice %arg6[%add3A_39, %add3A_126, %dma_start3A_160] : memref<8x128x128xf32, #tpu.memory_space<hbm>> -> memref<1x1x128xf32, #tpu.memory_space<hbm>>
      %dma_start3A_162 = tpu.memref_squeeze %dma_start3A_161 : memref<1x1x128xf32, #tpu.memory_space<hbm>> -> memref<128xf32, #tpu.memory_space<hbm>>
      tpu.enqueue_dma source(%arg14 : memref<128xf32, #tpu.memory_space<vmem>>) target(%dma_start3A_162 : memref<128xf32, #tpu.memory_space<hbm>>) target_semaphore(%arg18 : memref<!tpu.dma_semaphore, #tpu.memory_space<semaphore_mem>>)
      %dma_wait3A_163 = arith.constant 0 : i32
      %dma_wait3A_164 = tpu.memref_slice %arg2[%add3A_39, %add3A_128, %dma_wait3A_163] : memref<8x128x8192xf32, #tpu.memory_space<hbm>> -> memref<1x1x8192xf32, #tpu.memory_space<hbm>>
      %dma_wait3A_165 = tpu.memref_squeeze %dma_wait3A_164 : memref<1x1x8192xf32, #tpu.memory_space<hbm>> -> memref<8192xf32, #tpu.memory_space<hbm>>
      %dma_wait3A_166 = arith.constant 0 : i32
      %dma_wait3A_167 = tpu.memref_slice %arg2[%add3A_39, %add3A_128, %dma_wait3A_166] : memref<8x128x8192xf32, #tpu.memory_space<hbm>> -> memref<1x1x8192xf32, #tpu.memory_space<hbm>>
      %dma_wait3A_168 = tpu.memref_squeeze %dma_wait3A_167 : memref<1x1x8192xf32, #tpu.memory_space<hbm>> -> memref<8192xf32, #tpu.memory_space<hbm>>
      tpu.wait_dma2 semaphore(%arg17 : memref<!tpu.dma_semaphore, #tpu.memory_space<semaphore_mem>>) src(%dma_wait3A_168 : memref<8192xf32, #tpu.memory_space<hbm>>) dst(%arg8 : memref<8192xf32, #tpu.memory_space<vmem>>)
      %lt3A_169 = arith.constant 15 : i32
      %lt3A_170 = arith.cmpi slt, %scan3A_123, %lt3A_169 : i32
      %convert_element_type3A_171 = arith.extui %lt3A_170 : i1 to i32
      %cond3A_172 = arith.constant 0 : i32
      %cond3A_173 = arith.cmpi ne, %convert_element_type3A_171, %cond3A_172 : i32
      scf.if %cond3A_173 {
        %add3A_197 = arith.constant 2 : i32
        %add3A_198 = arith.addi %add3A_126, %add3A_197 : i32
        %dma_start3A_199 = arith.constant 0 : i32
        %dma_start3A_200 = tpu.memref_slice %arg2[%add3A_39, %add3A_198, %dma_start3A_199] : memref<8x128x8192xf32, #tpu.memory_space<hbm>> -> memref<1x1x8192xf32, #tpu.memory_space<hbm>>
        %dma_start3A_201 = tpu.memref_squeeze %dma_start3A_200 : memref<1x1x8192xf32, #tpu.memory_space<hbm>> -> memref<8192xf32, #tpu.memory_space<hbm>>
        %dma_start3A_202 = arith.constant 0 : i32
        %dma_start3A_203 = tpu.memref_slice %arg2[%add3A_39, %add3A_198, %dma_start3A_202] : memref<8x128x8192xf32, #tpu.memory_space<hbm>> -> memref<1x1x8192xf32, #tpu.memory_space<hbm>>
        %dma_start3A_204 = tpu.memref_squeeze %dma_start3A_203 : memref<1x1x8192xf32, #tpu.memory_space<hbm>> -> memref<8192xf32, #tpu.memory_space<hbm>>
        tpu.enqueue_dma source(%dma_start3A_204 : memref<8192xf32, #tpu.memory_space<hbm>>) target(%arg7 : memref<8192xf32, #tpu.memory_space<vmem>>) target_semaphore(%arg16 : memref<!tpu.dma_semaphore, #tpu.memory_space<semaphore_mem>>)
      } else {
      }
      %gt3A_174 = arith.constant 0 : i32
      %gt3A_175 = arith.cmpi sgt, %scan3A_123, %gt3A_174 : i32
      %convert_element_type3A_176 = arith.extui %gt3A_175 : i1 to i32
      %cond3A_177 = arith.constant 0 : i32
      %cond3A_178 = arith.cmpi ne, %convert_element_type3A_176, %cond3A_177 : i32
      scf.if %cond3A_178 {
        %sub3A_197 = arith.constant 2 : i32
        %sub3A_198 = arith.subi %add3A_128, %sub3A_197 : i32
        %dma_wait3A_199 = arith.constant 0 : i32
        %dma_wait3A_200 = tpu.memref_slice %arg4[%add3A_39, %sub3A_198, %dma_wait3A_199] : memref<8x128x32768xf32, #tpu.memory_space<hbm>> -> memref<1x1x32768xf32, #tpu.memory_space<hbm>>
        %dma_wait3A_201 = tpu.memref_squeeze %dma_wait3A_200 : memref<1x1x32768xf32, #tpu.memory_space<hbm>> -> memref<32768xf32, #tpu.memory_space<hbm>>
        %dma_wait3A_202 = arith.constant 0 : i32
        %dma_wait3A_203 = tpu.memref_slice %arg4[%add3A_39, %sub3A_198, %dma_wait3A_202] : memref<8x128x32768xf32, #tpu.memory_space<hbm>> -> memref<1x1x32768xf32, #tpu.memory_space<hbm>>
        %dma_wait3A_204 = tpu.memref_squeeze %dma_wait3A_203 : memref<1x1x32768xf32, #tpu.memory_space<hbm>> -> memref<32768xf32, #tpu.memory_space<hbm>>
        tpu.wait_dma2 semaphore(%arg19 : memref<!tpu.dma_semaphore, #tpu.memory_space<semaphore_mem>>) src(%arg10 : memref<32768xf32, #tpu.memory_space<vmem>>) dst(%dma_wait3A_204 : memref<32768xf32, #tpu.memory_space<hbm>>)
        %sub3A_205 = arith.constant 2 : i32
        %sub3A_206 = arith.subi %add3A_128, %sub3A_205 : i32
        %dma_wait3A_207 = arith.constant 0 : i32
        %dma_wait3A_208 = tpu.memref_slice %arg6[%add3A_39, %sub3A_206, %dma_wait3A_207] : memref<8x128x128xf32, #tpu.memory_space<hbm>> -> memref<1x1x128xf32, #tpu.memory_space<hbm>>
        %dma_wait3A_209 = tpu.memref_squeeze %dma_wait3A_208 : memref<1x1x128xf32, #tpu.memory_space<hbm>> -> memref<128xf32, #tpu.memory_space<hbm>>
        %dma_wait3A_210 = arith.constant 0 : i32
        %dma_wait3A_211 = tpu.memref_slice %arg6[%add3A_39, %sub3A_206, %dma_wait3A_210] : memref<8x128x128xf32, #tpu.memory_space<hbm>> -> memref<1x1x128xf32, #tpu.memory_space<hbm>>
        %dma_wait3A_212 = tpu.memref_squeeze %dma_wait3A_211 : memref<1x1x128xf32, #tpu.memory_space<hbm>> -> memref<128xf32, #tpu.memory_space<hbm>>
        tpu.wait_dma2 semaphore(%arg19 : memref<!tpu.dma_semaphore, #tpu.memory_space<semaphore_mem>>) src(%arg15 : memref<128xf32, #tpu.memory_space<vmem>>) dst(%dma_wait3A_212 : memref<128xf32, #tpu.memory_space<hbm>>)
      } else {
      }
      %scan3A_179 = arith.constant 0 : i32
      %scan3A_180 = arith.constant 0 : i32
      %scan3A_181 = arith.constant 128 : i32
      %scan3A_182 = arith.addi %scan3A_180, %scan3A_181 : i32
      %scan3A_183 = arith.constant 1 : i32
      scf.for %scan3A_197 = %scan3A_180 to %scan3A_182 step %scan3A_183  : i32 {
        %jit3A_198 = arith.constant 8 : i32
        %div3A_199 = arith.divsi %scan3A_197, %jit3A_198 : i32
        %sign3A_200 = arith.constant 0 : i32
        %sign3A_201 = arith.cmpi sgt, %scan3A_197, %sign3A_200 : i32
        %sign3A_202 = arith.extui %sign3A_201 : i1 to i32
        %sign3A_203 = arith.constant 0 : i32
        %sign3A_204 = arith.cmpi slt, %scan3A_197, %sign3A_203 : i32
        %sign3A_205 = arith.extui %sign3A_204 : i1 to i32
        %sign3A_206 = arith.subi %sign3A_202, %sign3A_205 : i32
        %sign3A_207 = arith.constant 0 : i32
        %sign3A_208 = arith.cmpi sgt, %jit3A_198, %sign3A_207 : i32
        %sign3A_209 = arith.extui %sign3A_208 : i1 to i32
        %sign3A_210 = arith.constant 0 : i32
        %sign3A_211 = arith.cmpi slt, %jit3A_198, %sign3A_210 : i32
        %sign3A_212 = arith.extui %sign3A_211 : i1 to i32
        %sign3A_213 = arith.subi %sign3A_209, %sign3A_212 : i32
        %ne3A_214 = arith.cmpi ne, %sign3A_206, %sign3A_213 : i32
        %rem3A_215 = arith.remsi %scan3A_197, %jit3A_198 : i32
        %ne3A_216 = arith.constant 0 : i32
        %ne3A_217 = arith.cmpi ne, %rem3A_215, %ne3A_216 : i32
        %and3A_218 = arith.andi %ne3A_214, %ne3A_217 : i1
        %sub3A_219 = arith.constant 1 : i32
        %sub3A_220 = arith.subi %div3A_199, %sub3A_219 : i32
        %select_n3A_221 = arith.select %and3A_218, %sub3A_220, %div3A_199 : i32
        %jit3A_222 = arith.constant 8 : i32
        %eq3A_223 = arith.constant 0 : i32
        %eq3A_224 = arith.cmpi eq, %jit3A_222, %eq3A_223 : i32
        %jit3A_225 = arith.constant 1 : i32
        %select_n3A_226 = arith.select %eq3A_224, %jit3A_225, %jit3A_222 : i32
        %rem3A_227 = arith.remsi %scan3A_197, %select_n3A_226 : i32
        %ne3A_228 = arith.constant 0 : i32
        %ne3A_229 = arith.cmpi ne, %rem3A_227, %ne3A_228 : i32
        %lt3A_230 = arith.constant 0 : i32
        %lt3A_231 = arith.cmpi slt, %rem3A_227, %lt3A_230 : i32
        %lt3A_232 = arith.constant 0 : i32
        %lt3A_233 = arith.cmpi slt, %select_n3A_226, %lt3A_232 : i32
        %ne3A_234 = arith.xori %lt3A_231, %lt3A_233 : i1
        %and3A_235 = arith.andi %ne3A_234, %ne3A_229 : i1
        %add3A_236 = arith.addi %rem3A_227, %select_n3A_226 : i32
        %select_n3A_237 = arith.select %and3A_235, %add3A_236, %rem3A_227 : i32
        %mul3A_238 = arith.constant 2048 : i32
        %mul3A_239 = arith.muli %select_n3A_221, %mul3A_238 : i32
        %mul3A_240 = arith.constant 256 : i32
        %mul3A_241 = arith.muli %select_n3A_237, %mul3A_240 : i32
        %add3A_242 = arith.addi %mul3A_239, %mul3A_241 : i32
        %broadcast_in_dim3A_243 = arith.constant 0xFF800000 : f32
        %broadcast_in_dim3A_244 = vector.broadcast %broadcast_in_dim3A_243 : f32 to vector<16xf32>
        %add3A_245 = arith.constant 0 : i32
        %add3A_246 = arith.addi %add3A_242, %add3A_245 : i32
        %get3A = arith.index_cast %add3A_246 : i32 to index
        %get3A_247 = tpu.vector_load %arg13[%get3A] {strides = array<i32>} : memref<32768xf32, #tpu.memory_space<vmem>>, vector<16xf32>,
        %bitcast_convert_type3A = tpu.bitcast %get3A_247 : vector<16xf32> -> vector<16xi32>
        %gather3A = tpu.vector_load_idx %arg8[%bitcast_convert_type3A] : memref<8192xf32, #tpu.memory_space<vmem>>[vector<16xi32>], vector<16xf32>,
        %add3A_248 = arith.constant 0 : i32
        %add3A_249 = arith.addi %add3A_242, %add3A_248 : i32
        %swap3A = arith.index_cast %add3A_249 : i32 to index
        %swap3A_250 = tpu.vector_load %arg10[%swap3A] {strides = array<i32>} : memref<32768xf32, #tpu.memory_space<vmem>>, vector<16xf32>,
        tpu.vector_store %arg10[%swap3A], %gather3A {strides = array<i32>} : memref<32768xf32, #tpu.memory_space<vmem>>, vector<16xf32>,
        %max3A = arith.maximumf %broadcast_in_dim3A_244, %gather3A : vector<16xf32>
        %add3A_251 = arith.constant 16 : i32
        %add3A_252 = arith.addi %add3A_242, %add3A_251 : i32
        %get3A_253 = arith.index_cast %add3A_252 : i32 to index
        %get3A_254 = tpu.vector_load %arg13[%get3A_253] {strides = array<i32>} : memref<32768xf32, #tpu.memory_space<vmem>>, vector<16xf32>,
        %bitcast_convert_type3A_255 = tpu.bitcast %get3A_254 : vector<16xf32> -> vector<16xi32>
        %gather3A_256 = tpu.vector_load_idx %arg8[%bitcast_convert_type3A_255] : memref<8192xf32, #tpu.memory_space<vmem>>[vector<16xi32>], vector<16xf32>,
        %add3A_257 = arith.constant 16 : i32
        %add3A_258 = arith.addi %add3A_242, %add3A_257 : i32
        %swap3A_259 = arith.index_cast %add3A_258 : i32 to index
        %swap3A_260 = tpu.vector_load %arg10[%swap3A_259] {strides = array<i32>} : memref<32768xf32, #tpu.memory_space<vmem>>, vector<16xf32>,
        tpu.vector_store %arg10[%swap3A_259], %gather3A_256 {strides = array<i32>} : memref<32768xf32, #tpu.memory_space<vmem>>, vector<16xf32>,
        %max3A_261 = arith.maximumf %max3A, %gather3A_256 : vector<16xf32>
        %add3A_262 = arith.constant 32 : i32
        %add3A_263 = arith.addi %add3A_242, %add3A_262 : i32
        %get3A_264 = arith.index_cast %add3A_263 : i32 to index
        %get3A_265 = tpu.vector_load %arg13[%get3A_264] {strides = array<i32>} : memref<32768xf32, #tpu.memory_space<vmem>>, vector<16xf32>,
        %bitcast_convert_type3A_266 = tpu.bitcast %get3A_265 : vector<16xf32> -> vector<16xi32>
        %gather3A_267 = tpu.vector_load_idx %arg8[%bitcast_convert_type3A_266] : memref<8192xf32, #tpu.memory_space<vmem>>[vector<16xi32>], vector<16xf32>,
        %add3A_268 = arith.constant 32 : i32
        %add3A_269 = arith.addi %add3A_242, %add3A_268 : i32
        %swap3A_270 = arith.index_cast %add3A_269 : i32 to index
        %swap3A_271 = tpu.vector_load %arg10[%swap3A_270] {strides = array<i32>} : memref<32768xf32, #tpu.memory_space<vmem>>, vector<16xf32>,
        tpu.vector_store %arg10[%swap3A_270], %gather3A_267 {strides = array<i32>} : memref<32768xf32, #tpu.memory_space<vmem>>, vector<16xf32>,
        %max3A_272 = arith.maximumf %max3A_261, %gather3A_267 : vector<16xf32>
        %add3A_273 = arith.constant 48 : i32
        %add3A_274 = arith.addi %add3A_242, %add3A_273 : i32
        %get3A_275 = arith.index_cast %add3A_274 : i32 to index
        %get3A_276 = tpu.vector_load %arg13[%get3A_275] {strides = array<i32>} : memref<32768xf32, #tpu.memory_space<vmem>>, vector<16xf32>,
        %bitcast_convert_type3A_277 = tpu.bitcast %get3A_276 : vector<16xf32> -> vector<16xi32>
        %gather3A_278 = tpu.vector_load_idx %arg8[%bitcast_convert_type3A_277] : memref<8192xf32, #tpu.memory_space<vmem>>[vector<16xi32>], vector<16xf32>,
        %add3A_279 = arith.constant 48 : i32
        %add3A_280 = arith.addi %add3A_242, %add3A_279 : i32
        %swap3A_281 = arith.index_cast %add3A_280 : i32 to index
        %swap3A_282 = tpu.vector_load %arg10[%swap3A_281] {strides = array<i32>} : memref<32768xf32, #tpu.memory_space<vmem>>, vector<16xf32>,
        tpu.vector_store %arg10[%swap3A_281], %gather3A_278 {strides = array<i32>} : memref<32768xf32, #tpu.memory_space<vmem>>, vector<16xf32>,
        %max3A_283 = arith.maximumf %max3A_272, %gather3A_278 : vector<16xf32>
        %add3A_284 = arith.constant 64 : i32
        %add3A_285 = arith.addi %add3A_242, %add3A_284 : i32
        %get3A_286 = arith.index_cast %add3A_285 : i32 to index
        %get3A_287 = tpu.vector_load %arg13[%get3A_286] {strides = array<i32>} : memref<32768xf32, #tpu.memory_space<vmem>>, vector<16xf32>,
        %bitcast_convert_type3A_288 = tpu.bitcast %get3A_287 : vector<16xf32> -> vector<16xi32>
        %gather3A_289 = tpu.vector_load_idx %arg8[%bitcast_convert_type3A_288] : memref<8192xf32, #tpu.memory_space<vmem>>[vector<16xi32>], vector<16xf32>,
        %add3A_290 = arith.constant 64 : i32
        %add3A_291 = arith.addi %add3A_242, %add3A_290 : i32
        %swap3A_292 = arith.index_cast %add3A_291 : i32 to index
        %swap3A_293 = tpu.vector_load %arg10[%swap3A_292] {strides = array<i32>} : memref<32768xf32, #tpu.memory_space<vmem>>, vector<16xf32>,
        tpu.vector_store %arg10[%swap3A_292], %gather3A_289 {strides = array<i32>} : memref<32768xf32, #tpu.memory_space<vmem>>, vector<16xf32>,
        %max3A_294 = arith.maximumf %max3A_283, %gather3A_289 : vector<16xf32>
        %add3A_295 = arith.constant 80 : i32
        %add3A_296 = arith.addi %add3A_242, %add3A_295 : i32
        %get3A_297 = arith.index_cast %add3A_296 : i32 to index
        %get3A_298 = tpu.vector_load %arg13[%get3A_297] {strides = array<i32>} : memref<32768xf32, #tpu.memory_space<vmem>>, vector<16xf32>,
        %bitcast_convert_type3A_299 = tpu.bitcast %get3A_298 : vector<16xf32> -> vector<16xi32>
        %gather3A_300 = tpu.vector_load_idx %arg8[%bitcast_convert_type3A_299] : memref<8192xf32, #tpu.memory_space<vmem>>[vector<16xi32>], vector<16xf32>,
        %add3A_301 = arith.constant 80 : i32
        %add3A_302 = arith.addi %add3A_242, %add3A_301 : i32
        %swap3A_303 = arith.index_cast %add3A_302 : i32 to index
        %swap3A_304 = tpu.vector_load %arg10[%swap3A_303] {strides = array<i32>} : memref<32768xf32, #tpu.memory_space<vmem>>, vector<16xf32>,
        tpu.vector_store %arg10[%swap3A_303], %gather3A_300 {strides = array<i32>} : memref<32768xf32, #tpu.memory_space<vmem>>, vector<16xf32>,
        %max3A_305 = arith.maximumf %max3A_294, %gather3A_300 : vector<16xf32>
        %add3A_306 = arith.constant 96 : i32
        %add3A_307 = arith.addi %add3A_242, %add3A_306 : i32
        %get3A_308 = arith.index_cast %add3A_307 : i32 to index
        %get3A_309 = tpu.vector_load %arg13[%get3A_308] {strides = array<i32>} : memref<32768xf32, #tpu.memory_space<vmem>>, vector<16xf32>,
        %bitcast_convert_type3A_310 = tpu.bitcast %get3A_309 : vector<16xf32> -> vector<16xi32>
        %gather3A_311 = tpu.vector_load_idx %arg8[%bitcast_convert_type3A_310] : memref<8192xf32, #tpu.memory_space<vmem>>[vector<16xi32>], vector<16xf32>,
        %add3A_312 = arith.constant 96 : i32
        %add3A_313 = arith.addi %add3A_242, %add3A_312 : i32
        %swap3A_314 = arith.index_cast %add3A_313 : i32 to index
        %swap3A_315 = tpu.vector_load %arg10[%swap3A_314] {strides = array<i32>} : memref<32768xf32, #tpu.memory_space<vmem>>, vector<16xf32>,
        tpu.vector_store %arg10[%swap3A_314], %gather3A_311 {strides = array<i32>} : memref<32768xf32, #tpu.memory_space<vmem>>, vector<16xf32>,
        %max3A_316 = arith.maximumf %max3A_305, %gather3A_311 : vector<16xf32>
        %add3A_317 = arith.constant 112 : i32
        %add3A_318 = arith.addi %add3A_242, %add3A_317 : i32
        %get3A_319 = arith.index_cast %add3A_318 : i32 to index
        %get3A_320 = tpu.vector_load %arg13[%get3A_319] {strides = array<i32>} : memref<32768xf32, #tpu.memory_space<vmem>>, vector<16xf32>,
        %bitcast_convert_type3A_321 = tpu.bitcast %get3A_320 : vector<16xf32> -> vector<16xi32>
        %gather3A_322 = tpu.vector_load_idx %arg8[%bitcast_convert_type3A_321] : memref<8192xf32, #tpu.memory_space<vmem>>[vector<16xi32>], vector<16xf32>,
        %add3A_323 = arith.constant 112 : i32
        %add3A_324 = arith.addi %add3A_242, %add3A_323 : i32
        %swap3A_325 = arith.index_cast %add3A_324 : i32 to index
        %swap3A_326 = tpu.vector_load %arg10[%swap3A_325] {strides = array<i32>} : memref<32768xf32, #tpu.memory_space<vmem>>, vector<16xf32>,
        tpu.vector_store %arg10[%swap3A_325], %gather3A_322 {strides = array<i32>} : memref<32768xf32, #tpu.memory_space<vmem>>, vector<16xf32>,
        %max3A_327 = arith.maximumf %max3A_316, %gather3A_322 : vector<16xf32>
        %add3A_328 = arith.constant 128 : i32
        %add3A_329 = arith.addi %add3A_242, %add3A_328 : i32
        %get3A_330 = arith.index_cast %add3A_329 : i32 to index
        %get3A_331 = tpu.vector_load %arg13[%get3A_330] {strides = array<i32>} : memref<32768xf32, #tpu.memory_space<vmem>>, vector<16xf32>,
        %bitcast_convert_type3A_332 = tpu.bitcast %get3A_331 : vector<16xf32> -> vector<16xi32>
        %gather3A_333 = tpu.vector_load_idx %arg8[%bitcast_convert_type3A_332] : memref<8192xf32, #tpu.memory_space<vmem>>[vector<16xi32>], vector<16xf32>,
        %add3A_334 = arith.constant 128 : i32
        %add3A_335 = arith.addi %add3A_242, %add3A_334 : i32
        %swap3A_336 = arith.index_cast %add3A_335 : i32 to index
        %swap3A_337 = tpu.vector_load %arg10[%swap3A_336] {strides = array<i32>} : memref<32768xf32, #tpu.memory_space<vmem>>, vector<16xf32>,
        tpu.vector_store %arg10[%swap3A_336], %gather3A_333 {strides = array<i32>} : memref<32768xf32, #tpu.memory_space<vmem>>, vector<16xf32>,
        %max3A_338 = arith.maximumf %max3A_327, %gather3A_333 : vector<16xf32>
        %add3A_339 = arith.constant 144 : i32
        %add3A_340 = arith.addi %add3A_242, %add3A_339 : i32
        %get3A_341 = arith.index_cast %add3A_340 : i32 to index
        %get3A_342 = tpu.vector_load %arg13[%get3A_341] {strides = array<i32>} : memref<32768xf32, #tpu.memory_space<vmem>>, vector<16xf32>,
        %bitcast_convert_type3A_343 = tpu.bitcast %get3A_342 : vector<16xf32> -> vector<16xi32>
        %gather3A_344 = tpu.vector_load_idx %arg8[%bitcast_convert_type3A_343] : memref<8192xf32, #tpu.memory_space<vmem>>[vector<16xi32>], vector<16xf32>,
        %add3A_345 = arith.constant 144 : i32
        %add3A_346 = arith.addi %add3A_242, %add3A_345 : i32
        %swap3A_347 = arith.index_cast %add3A_346 : i32 to index
        %swap3A_348 = tpu.vector_load %arg10[%swap3A_347] {strides = array<i32>} : memref<32768xf32, #tpu.memory_space<vmem>>, vector<16xf32>,
        tpu.vector_store %arg10[%swap3A_347], %gather3A_344 {strides = array<i32>} : memref<32768xf32, #tpu.memory_space<vmem>>, vector<16xf32>,
        %max3A_349 = arith.maximumf %max3A_338, %gather3A_344 : vector<16xf32>
        %add3A_350 = arith.constant 160 : i32
        %add3A_351 = arith.addi %add3A_242, %add3A_350 : i32
        %get3A_352 = arith.index_cast %add3A_351 : i32 to index
        %get3A_353 = tpu.vector_load %arg13[%get3A_352] {strides = array<i32>} : memref<32768xf32, #tpu.memory_space<vmem>>, vector<16xf32>,
        %bitcast_convert_type3A_354 = tpu.bitcast %get3A_353 : vector<16xf32> -> vector<16xi32>
        %gather3A_355 = tpu.vector_load_idx %arg8[%bitcast_convert_type3A_354] : memref<8192xf32, #tpu.memory_space<vmem>>[vector<16xi32>], vector<16xf32>,
        %add3A_356 = arith.constant 160 : i32
        %add3A_357 = arith.addi %add3A_242, %add3A_356 : i32
        %swap3A_358 = arith.index_cast %add3A_357 : i32 to index
        %swap3A_359 = tpu.vector_load %arg10[%swap3A_358] {strides = array<i32>} : memref<32768xf32, #tpu.memory_space<vmem>>, vector<16xf32>,
        tpu.vector_store %arg10[%swap3A_358], %gather3A_355 {strides = array<i32>} : memref<32768xf32, #tpu.memory_space<vmem>>, vector<16xf32>,
        %max3A_360 = arith.maximumf %max3A_349, %gather3A_355 : vector<16xf32>
        %add3A_361 = arith.constant 176 : i32
        %add3A_362 = arith.addi %add3A_242, %add3A_361 : i32
        %get3A_363 = arith.index_cast %add3A_362 : i32 to index
        %get3A_364 = tpu.vector_load %arg13[%get3A_363] {strides = array<i32>} : memref<32768xf32, #tpu.memory_space<vmem>>, vector<16xf32>,
        %bitcast_convert_type3A_365 = tpu.bitcast %get3A_364 : vector<16xf32> -> vector<16xi32>
        %gather3A_366 = tpu.vector_load_idx %arg8[%bitcast_convert_type3A_365] : memref<8192xf32, #tpu.memory_space<vmem>>[vector<16xi32>], vector<16xf32>,
        %add3A_367 = arith.constant 176 : i32
        %add3A_368 = arith.addi %add3A_242, %add3A_367 : i32
        %swap3A_369 = arith.index_cast %add3A_368 : i32 to index
        %swap3A_370 = tpu.vector_load %arg10[%swap3A_369] {strides = array<i32>} : memref<32768xf32, #tpu.memory_space<vmem>>, vector<16xf32>,
        tpu.vector_store %arg10[%swap3A_369], %gather3A_366 {strides = array<i32>} : memref<32768xf32, #tpu.memory_space<vmem>>, vector<16xf32>,
        %max3A_371 = arith.maximumf %max3A_360, %gather3A_366 : vector<16xf32>
        %add3A_372 = arith.constant 192 : i32
        %add3A_373 = arith.addi %add3A_242, %add3A_372 : i32
        %get3A_374 = arith.index_cast %add3A_373 : i32 to index
        %get3A_375 = tpu.vector_load %arg13[%get3A_374] {strides = array<i32>} : memref<32768xf32, #tpu.memory_space<vmem>>, vector<16xf32>,
        %bitcast_convert_type3A_376 = tpu.bitcast %get3A_375 : vector<16xf32> -> vector<16xi32>
        %gather3A_377 = tpu.vector_load_idx %arg8[%bitcast_convert_type3A_376] : memref<8192xf32, #tpu.memory_space<vmem>>[vector<16xi32>], vector<16xf32>,
        %add3A_378 = arith.constant 192 : i32
        %add3A_379 = arith.addi %add3A_242, %add3A_378 : i32
        %swap3A_380 = arith.index_cast %add3A_379 : i32 to index
        %swap3A_381 = tpu.vector_load %arg10[%swap3A_380] {strides = array<i32>} : memref<32768xf32, #tpu.memory_space<vmem>>, vector<16xf32>,
        tpu.vector_store %arg10[%swap3A_380], %gather3A_377 {strides = array<i32>} : memref<32768xf32, #tpu.memory_space<vmem>>, vector<16xf32>,
        %max3A_382 = arith.maximumf %max3A_371, %gather3A_377 : vector<16xf32>
        %add3A_383 = arith.constant 208 : i32
        %add3A_384 = arith.addi %add3A_242, %add3A_383 : i32
        %get3A_385 = arith.index_cast %add3A_384 : i32 to index
        %get3A_386 = tpu.vector_load %arg13[%get3A_385] {strides = array<i32>} : memref<32768xf32, #tpu.memory_space<vmem>>, vector<16xf32>,
        %bitcast_convert_type3A_387 = tpu.bitcast %get3A_386 : vector<16xf32> -> vector<16xi32>
        %gather3A_388 = tpu.vector_load_idx %arg8[%bitcast_convert_type3A_387] : memref<8192xf32, #tpu.memory_space<vmem>>[vector<16xi32>], vector<16xf32>,
        %add3A_389 = arith.constant 208 : i32
        %add3A_390 = arith.addi %add3A_242, %add3A_389 : i32
        %swap3A_391 = arith.index_cast %add3A_390 : i32 to index
        %swap3A_392 = tpu.vector_load %arg10[%swap3A_391] {strides = array<i32>} : memref<32768xf32, #tpu.memory_space<vmem>>, vector<16xf32>,
        tpu.vector_store %arg10[%swap3A_391], %gather3A_388 {strides = array<i32>} : memref<32768xf32, #tpu.memory_space<vmem>>, vector<16xf32>,
        %max3A_393 = arith.maximumf %max3A_382, %gather3A_388 : vector<16xf32>
        %add3A_394 = arith.constant 224 : i32
        %add3A_395 = arith.addi %add3A_242, %add3A_394 : i32
        %get3A_396 = arith.index_cast %add3A_395 : i32 to index
        %get3A_397 = tpu.vector_load %arg13[%get3A_396] {strides = array<i32>} : memref<32768xf32, #tpu.memory_space<vmem>>, vector<16xf32>,
        %bitcast_convert_type3A_398 = tpu.bitcast %get3A_397 : vector<16xf32> -> vector<16xi32>
        %gather3A_399 = tpu.vector_load_idx %arg8[%bitcast_convert_type3A_398] : memref<8192xf32, #tpu.memory_space<vmem>>[vector<16xi32>], vector<16xf32>,
        %add3A_400 = arith.constant 224 : i32
        %add3A_401 = arith.addi %add3A_242, %add3A_400 : i32
        %swap3A_402 = arith.index_cast %add3A_401 : i32 to index
        %swap3A_403 = tpu.vector_load %arg10[%swap3A_402] {strides = array<i32>} : memref<32768xf32, #tpu.memory_space<vmem>>, vector<16xf32>,
        tpu.vector_store %arg10[%swap3A_402], %gather3A_399 {strides = array<i32>} : memref<32768xf32, #tpu.memory_space<vmem>>, vector<16xf32>,
        %max3A_404 = arith.maximumf %max3A_393, %gather3A_399 : vector<16xf32>
        %add3A_405 = arith.constant 240 : i32
        %add3A_406 = arith.addi %add3A_242, %add3A_405 : i32
        %get3A_407 = arith.index_cast %add3A_406 : i32 to index
        %get3A_408 = tpu.vector_load %arg13[%get3A_407] {strides = array<i32>} : memref<32768xf32, #tpu.memory_space<vmem>>, vector<16xf32>,
        %bitcast_convert_type3A_409 = tpu.bitcast %get3A_408 : vector<16xf32> -> vector<16xi32>
        %gather3A_410 = tpu.vector_load_idx %arg8[%bitcast_convert_type3A_409] : memref<8192xf32, #tpu.memory_space<vmem>>[vector<16xi32>], vector<16xf32>,
        %add3A_411 = arith.constant 240 : i32
        %add3A_412 = arith.addi %add3A_242, %add3A_411 : i32
        %swap3A_413 = arith.index_cast %add3A_412 : i32 to index
        %swap3A_414 = tpu.vector_load %arg10[%swap3A_413] {strides = array<i32>} : memref<32768xf32, #tpu.memory_space<vmem>>, vector<16xf32>,
        tpu.vector_store %arg10[%swap3A_413], %gather3A_410 {strides = array<i32>} : memref<32768xf32, #tpu.memory_space<vmem>>, vector<16xf32>,
        %max3A_415 = arith.maximumf %max3A_404, %gather3A_410 : vector<16xf32>
        %reduce_max3A = arith.constant true
        %reduce_max3A_416 = vector.broadcast %reduce_max3A : i1 to vector<16xi1>
        %reduce_max3A_417 = tpu.scan <max>, %max3A_415 masked %reduce_max3A_416 : vector<16xf32>, vector<16xi1> -> vector<16xf32>
        %reduce_max3A_418 = vector.extract %reduce_max3A_417[15] : f32 from vector<16xf32>
        %broadcast_in_dim3A_419 = vector.broadcast %scan3A_197 : i32 to vector<16xi32>
        %broadcast_in_dim3A_420 = vector.broadcast %reduce_max3A_418 : f32 to vector<16xf32>
        tpu.vector_store_idx %arg15[%broadcast_in_dim3A_419], %broadcast_in_dim3A_420 masked %eq3A_2 : memref<128xf32, #tpu.memory_space<vmem>>[vector<16xi32>], vector<16xf32>, vector<16xi1>
      }
      %scan3A_184 = arith.constant 128 : i32
      %dma_start3A_185 = arith.constant 0 : i32
      %dma_start3A_186 = tpu.memref_slice %arg4[%add3A_39, %add3A_128, %dma_start3A_185] : memref<8x128x32768xf32, #tpu.memory_space<hbm>> -> memref<1x1x32768xf32, #tpu.memory_space<hbm>>
      %dma_start3A_187 = tpu.memref_squeeze %dma_start3A_186 : memref<1x1x32768xf32, #tpu.memory_space<hbm>> -> memref<32768xf32, #tpu.memory_space<hbm>>
      %dma_start3A_188 = arith.constant 0 : i32
      %dma_start3A_189 = tpu.memref_slice %arg4[%add3A_39, %add3A_128, %dma_start3A_188] : memref<8x128x32768xf32, #tpu.memory_space<hbm>> -> memref<1x1x32768xf32, #tpu.memory_space<hbm>>
      %dma_start3A_190 = tpu.memref_squeeze %dma_start3A_189 : memref<1x1x32768xf32, #tpu.memory_space<hbm>> -> memref<32768xf32, #tpu.memory_space<hbm>>
      tpu.enqueue_dma source(%arg10 : memref<32768xf32, #tpu.memory_space<vmem>>) target(%dma_start3A_190 : memref<32768xf32, #tpu.memory_space<hbm>>) target_semaphore(%arg19 : memref<!tpu.dma_semaphore, #tpu.memory_space<semaphore_mem>>)
      %dma_start3A_191 = arith.constant 0 : i32
      %dma_start3A_192 = tpu.memref_slice %arg6[%add3A_39, %add3A_128, %dma_start3A_191] : memref<8x128x128xf32, #tpu.memory_space<hbm>> -> memref<1x1x128xf32, #tpu.memory_space<hbm>>
      %dma_start3A_193 = tpu.memref_squeeze %dma_start3A_192 : memref<1x1x128xf32, #tpu.memory_space<hbm>> -> memref<128xf32, #tpu.memory_space<hbm>>
      %dma_start3A_194 = arith.constant 0 : i32
      %dma_start3A_195 = tpu.memref_slice %arg6[%add3A_39, %add3A_128, %dma_start3A_194] : memref<8x128x128xf32, #tpu.memory_space<hbm>> -> memref<1x1x128xf32, #tpu.memory_space<hbm>>
      %dma_start3A_196 = tpu.memref_squeeze %dma_start3A_195 : memref<1x1x128xf32, #tpu.memory_space<hbm>> -> memref<128xf32, #tpu.memory_space<hbm>>
      tpu.enqueue_dma source(%arg15 : memref<128xf32, #tpu.memory_space<vmem>>) target(%dma_start3A_196 : memref<128xf32, #tpu.memory_space<hbm>>) target_semaphore(%arg19 : memref<!tpu.dma_semaphore, #tpu.memory_space<semaphore_mem>>)
    }
    %scan3A_91 = arith.constant 16 : i32
    "tpu.trace_stop"() : () -> ()
    %add3A_92 = arith.constant 30 : i32
    %add3A_93 = arith.addi %mul3A_80, %add3A_92 : i32
    %dma_wait3A = arith.constant 0 : i32
    %dma_wait3A_94 = tpu.memref_slice %arg4[%add3A_39, %add3A_93, %dma_wait3A] : memref<8x128x32768xf32, #tpu.memory_space<hbm>> -> memref<1x1x32768xf32, #tpu.memory_space<hbm>>
    %dma_wait3A_95 = tpu.memref_squeeze %dma_wait3A_94 : memref<1x1x32768xf32, #tpu.memory_space<hbm>> -> memref<32768xf32, #tpu.memory_space<hbm>>
    %dma_wait3A_96 = arith.constant 0 : i32
    %dma_wait3A_97 = tpu.memref_slice %arg4[%add3A_39, %add3A_93, %dma_wait3A_96] : memref<8x128x32768xf32, #tpu.memory_space<hbm>> -> memref<1x1x32768xf32, #tpu.memory_space<hbm>>
    %dma_wait3A_98 = tpu.memref_squeeze %dma_wait3A_97 : memref<1x1x32768xf32, #tpu.memory_space<hbm>> -> memref<32768xf32, #tpu.memory_space<hbm>>
    tpu.wait_dma2 semaphore(%arg18 : memref<!tpu.dma_semaphore, #tpu.memory_space<semaphore_mem>>) src(%arg9 : memref<32768xf32, #tpu.memory_space<vmem>>) dst(%dma_wait3A_98 : memref<32768xf32, #tpu.memory_space<hbm>>)
    %add3A_99 = arith.constant 30 : i32
    %add3A_100 = arith.addi %mul3A_80, %add3A_99 : i32
    %dma_wait3A_101 = arith.constant 0 : i32
    %dma_wait3A_102 = tpu.memref_slice %arg6[%add3A_39, %add3A_100, %dma_wait3A_101] : memref<8x128x128xf32, #tpu.memory_space<hbm>> -> memref<1x1x128xf32, #tpu.memory_space<hbm>>
    %dma_wait3A_103 = tpu.memref_squeeze %dma_wait3A_102 : memref<1x1x128xf32, #tpu.memory_space<hbm>> -> memref<128xf32, #tpu.memory_space<hbm>>
    %dma_wait3A_104 = arith.constant 0 : i32
    %dma_wait3A_105 = tpu.memref_slice %arg6[%add3A_39, %add3A_100, %dma_wait3A_104] : memref<8x128x128xf32, #tpu.memory_space<hbm>> -> memref<1x1x128xf32, #tpu.memory_space<hbm>>
    %dma_wait3A_106 = tpu.memref_squeeze %dma_wait3A_105 : memref<1x1x128xf32, #tpu.memory_space<hbm>> -> memref<128xf32, #tpu.memory_space<hbm>>
    tpu.wait_dma2 semaphore(%arg18 : memref<!tpu.dma_semaphore, #tpu.memory_space<semaphore_mem>>) src(%arg14 : memref<128xf32, #tpu.memory_space<vmem>>) dst(%dma_wait3A_106 : memref<128xf32, #tpu.memory_space<hbm>>)
    %add3A_107 = arith.constant 31 : i32
    %add3A_108 = arith.addi %mul3A_80, %add3A_107 : i32
    %dma_wait3A_109 = arith.constant 0 : i32
    %dma_wait3A_110 = tpu.memref_slice %arg4[%add3A_39, %add3A_108, %dma_wait3A_109] : memref<8x128x32768xf32, #tpu.memory_space<hbm>> -> memref<1x1x32768xf32, #tpu.memory_space<hbm>>
    %dma_wait3A_111 = tpu.memref_squeeze %dma_wait3A_110 : memref<1x1x32768xf32, #tpu.memory_space<hbm>> -> memref<32768xf32, #tpu.memory_space<hbm>>
    %dma_wait3A_112 = arith.constant 0 : i32
    %dma_wait3A_113 = tpu.memref_slice %arg4[%add3A_39, %add3A_108, %dma_wait3A_112] : memref<8x128x32768xf32, #tpu.memory_space<hbm>> -> memref<1x1x32768xf32, #tpu.memory_space<hbm>>
    %dma_wait3A_114 = tpu.memref_squeeze %dma_wait3A_113 : memref<1x1x32768xf32, #tpu.memory_space<hbm>> -> memref<32768xf32, #tpu.memory_space<hbm>>
    tpu.wait_dma2 semaphore(%arg19 : memref<!tpu.dma_semaphore, #tpu.memory_space<semaphore_mem>>) src(%arg10 : memref<32768xf32, #tpu.memory_space<vmem>>) dst(%dma_wait3A_114 : memref<32768xf32, #tpu.memory_space<hbm>>)
    %add3A_115 = arith.constant 31 : i32
    %add3A_116 = arith.addi %mul3A_80, %add3A_115 : i32
    %dma_wait3A_117 = arith.constant 0 : i32
    %dma_wait3A_118 = tpu.memref_slice %arg6[%add3A_39, %add3A_116, %dma_wait3A_117] : memref<8x128x128xf32, #tpu.memory_space<hbm>> -> memref<1x1x128xf32, #tpu.memory_space<hbm>>
    %dma_wait3A_119 = tpu.memref_squeeze %dma_wait3A_118 : memref<1x1x128xf32, #tpu.memory_space<hbm>> -> memref<128xf32, #tpu.memory_space<hbm>>
    %dma_wait3A_120 = arith.constant 0 : i32
    %dma_wait3A_121 = tpu.memref_slice %arg6[%add3A_39, %add3A_116, %dma_wait3A_120] : memref<8x128x128xf32, #tpu.memory_space<hbm>> -> memref<1x1x128xf32, #tpu.memory_space<hbm>>
    %dma_wait3A_122 = tpu.memref_squeeze %dma_wait3A_121 : memref<1x1x128xf32, #tpu.memory_space<hbm>> -> memref<128xf32, #tpu.memory_space<hbm>>
    tpu.wait_dma2 semaphore(%arg19 : memref<!tpu.dma_semaphore, #tpu.memory_space<semaphore_mem>>) src(%arg15 : memref<128xf32, #tpu.memory_space<vmem>>) dst(%dma_wait3A_122 : memref<128xf32, #tpu.memory_space<hbm>>)
    return
  }
}

module attributes {stable_mosaic.version = 14 : i64} {
  func.func @_sorter_body(%arg0: i32, %arg1: memref<1x128x8192xf32, #tpu.memory_space<vmem>>, %arg2: memref<16x128xf32, #tpu.memory_space<vmem>>, %arg3: memref<16xf32, #tpu.memory_space<vmem>>, %arg4: memref<1x16x8192xf32, #tpu.memory_space<vmem>>, %arg5: memref<1x1x8192xi32, #tpu.memory_space<vmem>>) attributes {dimension_semantics = [#tpu.dimension_semantics<arbitrary>], iteration_bounds = array<i64: 8>, scalar_prefetch = 0 : i64, scratch_operands = 0 : i64, tpu.core_type = #tpu.core_type<tc>, window_params = [{transform_indices = @transform_0, window_bounds = array<i64: 1, 128, 8192>}, {pipeline_mode = #tpu.pipeline_mode<synchronous>, transform_indices = @transform_1, window_bounds = array<i64: 16, 128>}, {pipeline_mode = #tpu.pipeline_mode<synchronous>, transform_indices = @transform_2, window_bounds = array<i64: 16>}, {transform_indices = @transform_3, window_bounds = array<i64: 1, 16, 8192>}, {transform_indices = @transform_4, window_bounds = array<i64: 1, 1, 8192>}]} {
    %get3A = arith.constant 0 : index
    %get3A_0 = arith.constant 0 : index
    %get3A_1 = arith.constant 0 : index
    %get3A_2 = vector.load %arg1[%get3A, %get3A_0, %get3A_1] : memref<1x128x8192xf32, #tpu.memory_space<vmem>>, vector<1x128x8192xf32>
    %get3A_3 = vector.shape_cast %get3A_2 : vector<1x128x8192xf32> to vector<128x8192xf32>
    %get3A_4 = arith.constant 0 : index
    %get3A_5 = arith.constant 0 : index
    %get3A_6 = vector.load %arg2[%get3A_4, %get3A_5] : memref<16x128xf32, #tpu.memory_space<vmem>>, vector<16x128xf32>
    %dot_general3A = arith.constant dense<0.000000e+00> : vector<16x8192xf32>
    %dot_general3A_7 = tpu.matmul %get3A_6, %get3A_3, %dot_general3A {dimension_numbers = #tpu.dot_dimension_numbers<[1], [0], [0], [1], [0, 0, 1, 1], [], []>, transpose_lhs_hint = false} : vector<16x128xf32>, vector<128x8192xf32>, vector<16x8192xf32> -> vector<16x8192xf32>
    %get3A_8 = arith.constant 0 : index
    %get3A_9 = vector.load %arg3[%get3A_8] : memref<16xf32, #tpu.memory_space<vmem>>, vector<16xf32>
    %broadcast_in_dim3A = vector.shape_cast %get3A_9 : vector<16xf32> to vector<16x1xf32>
    %add3A = vector.broadcast %broadcast_in_dim3A : vector<16x1xf32> to vector<16x8192xf32>
    %add3A_10 = arith.addf %dot_general3A_7, %add3A : vector<16x8192xf32>
    %swap3A = arith.constant 0 : index
    %swap3A_11 = arith.constant 0 : index
    %swap3A_12 = arith.constant 0 : index
    %swap3A_13 = vector.load %arg4[%swap3A, %swap3A_11, %swap3A_12] : memref<1x16x8192xf32, #tpu.memory_space<vmem>>, vector<1x16x8192xf32>
    %swap3A_14 = vector.shape_cast %swap3A_13 : vector<1x16x8192xf32> to vector<16x8192xf32>
    %swap3A_15 = vector.shape_cast %add3A_10 : vector<16x8192xf32> to vector<1x16x8192xf32>
    tpu.vector_store %arg4[%swap3A, %swap3A_11, %swap3A_12], %swap3A_15 {strides = array<i32>} : memref<1x16x8192xf32, #tpu.memory_space<vmem>>, vector<1x16x8192xf32>,
    %argmax3A = tpu.reduce_index %add3A_10 {axis = 0 : i32, kind = #tpu.reduction_kind<arg_max>} : vector<16x8192xf32> -> vector<8192xi32>
    %swap3A_16 = arith.constant 0 : index
    %swap3A_17 = arith.constant 0 : index
    %swap3A_18 = arith.constant 0 : index
    %swap3A_19 = vector.load %arg5[%swap3A_16, %swap3A_17, %swap3A_18] : memref<1x1x8192xi32, #tpu.memory_space<vmem>>, vector<1x1x8192xi32>
    %swap3A_20 = vector.shape_cast %swap3A_19 : vector<1x1x8192xi32> to vector<8192xi32>
    %swap3A_21 = vector.shape_cast %argmax3A : vector<8192xi32> to vector<1x1x8192xi32>
    tpu.vector_store %arg5[%swap3A_16, %swap3A_17, %swap3A_18], %swap3A_21 {strides = array<i32>} : memref<1x1x8192xi32, #tpu.memory_space<vmem>>, vector<1x1x8192xi32>,
    return
  }
  func.func @transform_0(%arg0: i32) -> (i32, i32, i32) {
    %c0_i32 = arith.constant 0 : i32
    %c0_i32_0 = arith.constant 0 : i32
    %c0_i32_1 = arith.constant 0 : i32
    return %arg0, %c0_i32, %c0_i32_0 : i32, i32, i32
  }
  func.func @transform_1(%arg0: i32) -> (i32, i32) {
    %c0_i32 = arith.constant 0 : i32
    %c0_i32_0 = arith.constant 0 : i32
    %c0_i32_1 = arith.constant 0 : i32
    return %c0_i32, %c0_i32_0 : i32, i32
  }
  func.func @transform_2(%arg0: i32) -> i32 {
    %c0_i32 = arith.constant 0 : i32
    %c0_i32_0 = arith.constant 0 : i32
    return %c0_i32 : i32
  }
  func.func @transform_3(%arg0: i32) -> (i32, i32, i32) {
    %c0_i32 = arith.constant 0 : i32
    %c0_i32_0 = arith.constant 0 : i32
    %c0_i32_1 = arith.constant 0 : i32
    return %arg0, %c0_i32, %c0_i32_0 : i32, i32, i32
  }
  func.func @transform_4(%arg0: i32) -> (i32, i32, i32) {
    %c0_i32 = arith.constant 0 : i32
    %c0_i32_0 = arith.constant 0 : i32
    %c0_i32_1 = arith.constant 0 : i32
    return %arg0, %c0_i32, %c0_i32_0 : i32, i32, i32
  }
}

</mosaic_0001>

<sc_bundles>
// kernel: kernel.4.cloned.1.call-start
scs
__scs_entry_jumppad:
0x0: {  	(pc) =	sbr.rel $0x88, $3  }
0x1: {  	(tag) =	ssettag $0x0;
	lr =	simm.s32 $0x1  }
0x2: {  	[smem:$0x3F9E] =	sst lr;
	_ =	strace $0xD0000000  }
0x3: {  	_ = 	snop  }
0x4: {  	_ = 	snop  }
0x5: {  	_ = 	snop  }
0x6: {  	_ = 	snop  }
0x7: {  	_ = 	snop  }
__scs_overlays_trampoline_lowered:
0x8: {  	[smem:$0x3FAD] =	sst s0  }
0x9: {  	[smem:$0x3FAE] =	sst s1  }
0xa: {  	[smem:$0x3FAF] =	sst s2  }
0xb: {  	[smem:$0x3FB0] =	sst s3  }
0xc: {  	[smem:$0x3FB1] =	sst s4  }
0xd: {  	[smem:$0x3FB2] =	sst s5  }
0xe: {  	[smem:$0x3FB3] =	sst s6  }
0xf: {  	[smem:$0x3FB4] =	sst s7  }
0x10: {  	[smem:$0x3FB5] =	sst s8  }
0x11: {  	[smem:$0x3FB6] =	sst s9;
	s0 =	simm.s32 @!p0 $0x0  }
0x12: {  	s1 =	sld [smem:$0x3F9C];
	s0 =	simm.s32 @p0 $0x1  }
0x13: {  	[smem:$0x3FB7] =	sst s0;
	s0 =	simm.s32 @!p1 $0x0  }
0x14: {  	s2 =	sld [smem:$0x3F9B];
	s0 =	simm.s32 @p1 $0x1  }
0x15: {  	[smem:$0x3FB8] =	sst s0;
	s0 =	simm.s32 @!p2 $0x0  }
0x16: {  	s3 =	sld [smem:$0x3FDB];
	s0 =	simm.s32 @p2 $0x1  }
0x17: {  	s4 =	simm.s32 $0x1BF5;
	[smem:$0x3FBA] =	sst s0  }
0x18: {  	s0 =	sld [smem:$0x3F9D];
	_ =	swait.ge [sflag:s4], $0x0  }
0x19: {  	s7 =	sld [smem:$0x3F9E]  }
0x1a: {  	s8 =	sadd.s32 $0xFFFFE003, lr  }
0x1b: {  	s9 =	sadd.s32 $0xFFFFFEF7, lr;
	s5 =	simm.s32 $0xFFFFFFFF;
	p2 =	slt.u32 s8, $0xFFFFF086  }
0x1c: {  	p1 =	slt.u32 s9, $0xF7A;
	s5 =	simm.s32 @!p2 $0x0  }
0x1d: {  	s5 =	simm.s32 @p1 $0x1;
	p0 =	seq.s32 s7, s2  }
0x1e: {  	s7 =	smul.u32 @!p0 $0xF7A, s2;
	p2 =	seq.s32 @!p0 s5, $0x0  }
0x1f: {  	s9 =	smul.u32 $0xF7A, s1;
	s8 =	simm.s32 @!p0 $0x1BF5;
	p2 =	por !p2, p0  }
0x20: {  	[sflag:s8] =	ssyncset.s32 @!p0 $0xFFFFF086;
	s6 =	sadd.s32 @!p0 s3, s7;
	s7 =	simm.s32 @!p0 $0x108  }
0x21: {  	s3 =	sadd.s32 s3, s9;
	s6 =	sadd.s32 @!p0 $0x88, s6;
	s7 =	simm.s32 @p2 $0x1082  }
0x22: {  	[simem:s7], [sflag:s8] =	dma.local @!p0 [hbm:s6], $0xF7A  }
0x23: {  	s9 =	sor.u32 $0xD0000000, s2;
	s6 =	simm.s32 $0x108;
	_ =	swait.ge @!p0 [sflag:s8], $0x0  }
0x24: {  	s3 =	sadd.s32 $0x88, s3;
	s6 =	simm.s32 @!p1 $0x1082;
	[sflag:s4] =	ssyncset.s32 $0xFFFFF086  }
0x25: {  	[simem:s6], [sflag:s4] =	dma.local [hbm:s3], $0xF7A  }
0x26: {  	[smem:$0x3F9E] =	sst s1;
	(tag) =	ssettag s2;
	_ =	strace s9  }
0x27: {  	s1 =	sld [smem:$0x3FAE]  }
0x28: {  	s2 =	sld [smem:$0x3FAF]  }
0x29: {  	s4 =	sld [smem:$0x3FB1]  }
0x2a: {  	p0 =	seq.s32 s5, $0x0;
	s5 =	sld [smem:$0x3FB2]  }
0x2b: {  	s6 =	sld [smem:$0x3FB3]  }
0x2c: {  	s7 =	sld [smem:$0x3FB4]  }
0x2d: {  	s3 =	simm.s32 $0x108;
	s8 =	sld [smem:$0x3FB5]  }
0x2e: {  	s3 =	simm.s32 @!p0 $0x1082;
	s9 =	sld [smem:$0x3FB6]  }
0x2f: {  	lr =	sadd.s32 s0, s3;
	s0 =	sld [smem:$0x3FAD]  }
0x30: {  	s3 =	sld [smem:$0x3FB0]  }
0x31: {  	[smem:$0x3FB9] =	sst s10  }
0x32: {  	s10 =	sld [smem:$0x3FB7];
	_ =	sdelay $0x3  }
0x33: {  	p0 =	seq.s32 s10, $0x1;
	s10 =	sld [smem:$0x3FB9];
	_ =	sdelay $0x3  }
0x34: {  	[smem:$0x3FB9] =	sst s10  }
0x35: {  	s10 =	sld [smem:$0x3FB8];
	_ =	sdelay $0x3  }
0x36: {  	p1 =	seq.s32 s10, $0x1;
	s10 =	sld [smem:$0x3FB9];
	_ =	sdelay $0x3  }
0x37: {  	[smem:$0x3FB9] =	sst s10  }
0x38: {  	s10 =	sld [smem:$0x3FBA]  }
0x39: {  	_ = 	snop;
	(pc) =	sbr.ind lr, $3  }
0x3a: {  	_ = 	snop  }
0x3b: {  	_ = 	snop  }
0x3c: {  	p2 =	seq.s32 s10, $0x1;
	s10 =	sld [smem:$0x3FB9]  }
0x3d: {  	_ =	shalt  }
0x3e: {  	_ =	shalt  }
0x3f: {  	_ =	shalt  }
0x40: {  	_ =	shalt  }
0x41: {  	_ =	shalt  }
0x42: {  	_ =	shalt  }
0x43: {  	_ =	shalt  }
0x44: {  	_ =	shalt  }
0x45: {  	_ =	shalt  }
0x46: {  	_ =	shalt  }
0x47: {  	_ =	shalt  }
0x48: {  	_ =	shalt  }
0x49: {  	_ =	shalt  }
0x4a: {  	_ =	shalt  }
0x4b: {  	_ =	shalt  }
0x4c: {  	_ =	shalt  }
0x4d: {  	_ =	shalt  }
0x4e: {  	_ =	shalt  }
0x4f: {  	_ =	shalt  }
0x50: {  	_ =	shalt  }
0x51: {  	_ =	shalt  }
0x52: {  	_ =	shalt  }
0x53: {  	_ =	shalt  }
0x54: {  	_ =	shalt  }
0x55: {  	_ =	shalt  }
0x56: {  	_ =	shalt  }
0x57: {  	_ =	shalt  }
0x58: {  	_ =	shalt  }
0x59: {  	_ =	shalt  }
0x5a: {  	_ =	shalt  }
0x5b: {  	_ =	shalt  }
0x5c: {  	_ =	shalt  }
0x5d: {  	_ =	shalt  }
0x5e: {  	_ =	shalt  }
0x5f: {  	_ =	shalt  }
0x60: {  	_ =	shalt  }
0x61: {  	_ =	shalt  }
0x62: {  	_ =	shalt  }
0x63: {  	_ =	shalt  }
0x64: {  	_ =	shalt  }
0x65: {  	_ =	shalt  }
0x66: {  	_ =	shalt  }
0x67: {  	_ =	shalt  }
0x68: {  	_ =	shalt  }
0x69: {  	_ =	shalt  }
0x6a: {  	_ =	shalt  }
0x6b: {  	_ =	shalt  }
0x6c: {  	_ =	shalt  }
0x6d: {  	_ =	shalt  }
0x6e: {  	_ =	shalt  }
0x6f: {  	_ =	shalt  }
0x70: {  	_ =	shalt  }
0x71: {  	_ =	shalt  }
0x72: {  	_ =	shalt  }
0x73: {  	_ =	shalt  }
0x74: {  	_ =	shalt  }
0x75: {  	_ =	shalt  }
0x76: {  	_ =	shalt  }
0x77: {  	_ =	shalt  }
0x78: {  	_ =	shalt  }
0x79: {  	_ =	shalt  }
0x7a: {  	_ =	shalt  }
0x7b: {  	_ =	shalt  }
0x7c: {  	_ =	shalt  }
0x7d: {  	_ =	shalt  }
0x7e: {  	_ =	shalt  }
0x7f: {  	_ =	shalt  }
0x80: {  	_ =	shalt  }
0x81: {  	_ =	shalt  }
0x82: {  	_ =	shalt  }
0x83: {  	_ =	shalt  }
0x84: {  	_ =	shalt  }
0x85: {  	_ =	shalt  }
0x86: {  	_ =	shalt  }
0x87: {  	_ =	shalt  }
.Lfunc_end0:
.L_simem_size_0:
called_computation.1_lowered:
.L_overlay_start_0:
0x88: {  	s2 =	sld [smem:$0x3FD9]  }
0x89: {  	s3 =	sld [smem:$0x3FFE];
	_ =	sdelay $0x1  }
0x8a: {  	s1 =	srdreg.scid  }
0x8b: {  	s0 =	sand.u32 $0x1, s1  }
0x8c: {  	s14 =	sshll.u32 s0, $0xA;
	s2 =	sadd.s32 s3, s2  }
0x8d: {  	s2 =	sadd.s32 s2, s14  }
0x8e: {  	[smem:$0x3FC5] =	sst s2  }
0x8f: {  	_ = 	snop  }
0x90: {  	s2 =	sld [smem:$0x3FD0];
	_ =	sdelay $0x2  }
0x91: {  	s4 =	simm.s32 $0xA;
	s5 =	simm.s32 $0x10;
	s15 =	sld [smem:$0x3FC9]  }
0x92: {  	[smem:s5], [sflag:s4] =	dma.local [hbm:s2], $0x1  }
0x93: {  	_ =	swait.eq [sflag:s4], $0x1  }
0x94: {  	[sflag:s4] =	ssyncset.done $0x0  }
0x95: {  	s16 =	sld [smem:$0x11];
	[sflag:s4] =	ssyncadd.s32 $0xFFFFFFFF  }
0x96: {  	s17 =	sld [smem:$0x12];
	(tm) =	ssettm $0x1  }
0x97: {  	s18 =	sld [smem:$0x3FFB];
	_ =	sdelay $0x3  }
0x98: {  	_ =	strace s18  }
0x99: {  	s5 =	sld [smem:$0x3FFC];
	_ =	sdelay $0x3  }
0x9a: {  	_ =	strace s5  }
0x9b: {  	s5 =	sld [smem:$0x3FFD];
	_ =	sdelay $0x3  }
0x9c: {  	_ =	strace s5  }
0x9d: {  	_ =	strace $0x8FFFFFFF  }
0x9e: {  	s19 =	sld [smem:$0x3FDB];
	_ =	sdelay $0x1  }
0x9f: {  	s6 =	simm.s32 $_scs_section_size  }
0xa0: {  	s7 =	simm.s32 $_size__tile_overlayer_lowered;
	s8 =	simm.s32 $_tile_overlayer_lowered  }
0xa1: {  	s22 =	simm.s32 $0x1BFF;
	s21 =	sshll.u32 s8, $0x1;
	s5 =	sadd.s32 s6, s19  }
0xa2: {  	s9 =	simm.s32 $0x0;
	s20 =	sshll.u32 s7, $0x1;
	s7 =	sadd.s32 s21, s5  }
0xa3: {  	[timem:s9], [sflag:s22] =	dma.local [hbm:s7], s20  }
0xa4: {  	_ =	swait.ge [sflag:s22], s20  }
0xa5: {  	s6 =	ssub.s32 $0x0, s20;
	[sflag:s22] =	ssyncset.done $0x0  }
0xa6: {  	[sflag:s22] =	ssyncadd.s32 s6;
	_ =	sdelay $0x1  }
0xa7: {  	s23 =	simm.s32 $0x1B8B  }
0xa8: {  	_ =	swait.ge [sflag:s23], $0x1  }
0xa9: {  	[sflag:s23] =	ssyncset.done $0x0  }
0xaa: {  	s25 =	simm.s32 $0x1B8E;
	s24 =	sld [smem:$0x3FFE];
	[sflag:s23] =	ssyncadd.s32 $0xFFFFFFFF  }
0xab: {  	s26 =	simm.s32 $execute0_lowered;
	[smem:$0x3FD2] =	sst s25  }
0xac: {  	s7 =	sshll.u32 s26, $0x1;
	_ =	strace $0x80000046;
	[dreg:$0x1] =	wrdreg $0xFFFFFFFF  }
0xad: {  	s28 =	simm.s32 $_size_execute0_lowered;
	s5 =	sadd.s32 s5, s7;
	[dreg:$0x0] =	wrdreg $0x0  }
0xae: {  	s7 =	sshll.u32 s28, $0x1;
	[dreg:$0x2] =	wrdreg s5  }
0xaf: {  	[dreg:$0x3] =	wrdreg s7  }
0xb0: {  	[dreg:$0x4] =	wrdreg $0xC0  }
0xb1: {  	_ =	task [dreg:s9], $0x5FFFF  }
0xb2: {  	[dreg:$0x1] =	wrdreg $0xFFFFFFFF  }
0xb3: {  	[dreg:$0x0] =	wrdreg $0x60  }
0xb4: {  	[dreg:$0x2] =	wrdreg s15  }
0xb5: {  	[dreg:$0x3] =	wrdreg s16  }
0xb6: {  	[dreg:$0x4] =	wrdreg s24  }
0xb7: {  	[dreg:$0x5] =	wrdreg s17  }
0xb8: {  	[dreg:$0x6] =	wrdreg $0x1D2000  }
0xb9: {  	[dreg:$0x7] =	wrdreg $0x9  }
0xba: {  	_ =	task.clear_ibuf [dreg:s9], $0x8FFFF;
	_ =	strace $0x90000046  }
0xbb: {  	s29 =	simm.s32 $0x9;
	_ =	strace $0x8000004A  }
0xbc: {  	_ =	swait.ge [sflag:s29], $0x1  }
0xbd: {  	[sflag:s29] =	ssyncadd.s32 $0xFFFFFFFF  }
0xbe: {  	_ =	strace $0x9000004A  }
0xbf: {  	_ =	sfence  }
0xc0: {  	s30 =	sld [smem:$0x0];
	_ =	sdelay $0x2  }
0xc1: {  	s31 =	sshll.u32 s1, $0xD;
	s1 =	sshrl.u32 s1, $0x2  }
0xc2: {  	s3 =	sand.u32 $0x4000, s31;
	s1 =	sadd.s32 s1, s30  }
0xc3: {  	s0 =	sor.u32 s3, s0;
	s1 =	sshll.u32 s1, $0x11  }
0xc4: {  	s0 =	sor.u32 s1, s0  }
0xc5: {  	s0 =	sadd.s32 $0x8F2B, s0  }
0xc6: {  	[sflag:s0] =	ssyncadd.remote.s32 $0x1  }
0xc7: {  	_ =	sfence.sel $0xFFFF  }
0xc8: {  	[dreg:$0x0] =	wrdreg $0xFFFFFFFF;
	(pc) =	sbr.abs _section_cstart, $3  }
0xc9: {  	[dreg:$0x1] =	wrdreg $0xFFFFFFFF  }
0xca: {  	_ =	task.clear_ibuf [dreg:s9], $0x2FFFF;
	_ =	strace $0x9FFFFFFF  }
0xcb: {  	(tm) =	ssettm $0x7FFFFFFF  }
tec
execute0_lowered:
.L_overlay_start_1:
0x0: {  	(tag) =	ssettag $0x1  }
0x1: {  	s13 =	rddreg [dreg:$0x0]  }
0x2: {  	s0 =	rddreg [dreg:$0x1]  }
0x3: {  	s1 =	rddreg [dreg:$0x2]  }
0x4: {  	s2 =	rddreg [dreg:$0x4];
	s3 =	simm.s32 $0x0  }
0x5: {  	s4 =	srdreg.scid;
	s11 =	stileid.u32;
	s30 =	simm.s32 $0x4000  }
0x6: {  	[smem:$0x7FF] =	sst s3;
	s4 =	sand.u32 $0x1, s4;
	s5 =	sadd.s32 $0xC1C00, s1  }
0x7: {  	s1 =	sadd.s32 $0x1C00, s1;
	s29 =	sshll.u32 s11, $0x2;
	s8 =	sshrl.u32 s11, $0x2  }
0x8: {  	s10 =	sshll.u32 s11, $0xC;
	s14 =	sand.u32 $0x3, s11;
	_ =	strace $0x80000047  }
0x9: {  	s6 =	ssub.s32 $0x2, s4;
	s31 =	sshll.u32 s4, $0x10;
	s9 =	sshll.u32 s8, $0xE  }
0xa: {  	s4 =	sshll.u32 s4, $0x2;
	s12 =	sand.u32 $0x2000, s10;
	s17 =	sshll.u32 s14, $0x7  }
0xb: {  	s23 =	sshll.u32 s14, $0x12;
	s26 =	sshll.u32 s14, $0x5;
	p0 =	seq.s32 s14, $0x3  }
0xc: {  	s7 =	sshrl.u32 s6, $0x1;
	s0 =	sadd.s32 s0, s31;
	s4 =	sor.u32 s8, s4  }
0xd: {  	s8 =	sshll.u32 s8, $0x7;
	s19 =	sor.u32 $0x200, s17;
	[dreg:$0xe] =	wrdreg s26  }
0xe: {  	s6 =	ssub.s32 s6, s7;
	s7 =	sand.u32 $0xC, s29;
	s0 =	sadd.s32 s9, s0  }
0xf: {  	s15 =	smul.u32 $0xC0000, s4;
	s16 =	sadd.s32 s8, s2;
	[dreg:$0x6] =	wrdreg s7  }
0x10: {  	s28 =	sshll.u32 s4, $0x16;
	s29 =	sshll.u32 s4, $0xE;
	[dreg:$0x8] =	wrdreg s16  }
0x11: {  	s9 =	simm.s32 $0x1D180;
	s0 =	sadd.s32 s12, s0;
	[dreg:$0x10] =	wrdreg s28  }
0x12: {  	s12 =	sshll.u32 s4, $0x14;
	[dreg:$0x11] =	wrdreg s29;
	s31 =	smax.u32 s6, $0x1  }
0x13: {  	s4 =	simm.s32 $0x1D100;
	[dreg:$0x7] =	wrdreg s0;
	s18 =	sor.u32 s17, s15  }
0x14: {  	s20 =	sadd.s32 $0x40000, s15;
	s10 =	sor.u32 s19, s15;
	s7 =	sor.u32 s23, s12  }
0x15: {  	[dreg:$0x12] =	wrdreg s31;
	s23 =	simm.s32 $0x14000;
	s21 =	sshrl.u32 s18, $0x3  }
0x16: {  	s0 =	sor.u32 s17, s20;
	s10 =	sshrl.u32 s10, $0x3;
	s22 =	sor.u32 s19, s20  }
0x17: {  	s2 =	sadd.s32 $0x80000, s18;
	s25 =	sshrl.u32 s7, $0x3;
	s20 =	simm.s32 $0x80  }
0x18: {  	s11 =	sadd.s32 s1, s21;
	s0 =	sshrl.u32 s0, $0x3;
	s10 =	sadd.s32 s1, s10  }
0x19: {  	s2 =	sshrl.u32 s2, $0x3;
	s21 =	simm.s32 $0x400;
	[dreg:$0x9] =	wrdreg s11  }
0x1a: {  	[dreg:$0xa] =	wrdreg s10;
	s0 =	sadd.s32 s1, s0;
	s24 =	sadd.s32 s1, s2  }
0x1b: {  	s11 =	simm.s32 $0x4;
	[dreg:$0xb] =	wrdreg s0;
	s0 =	sshrl.u32 s22, $0x3  }
0x1c: {  	v0 =	vimm.s32 $0x0;
	v1 =	vlaneseq.u32;
	s2 =	simm.s32 $0x0;
	[dreg:$0xd] =	wrdreg s24;
	s0 =	sadd.s32 s1, s0  }
0x1d: {  	v2 =	vimm.s32 $0x7F000000;
	v4 =	vimm.s32 $0x1;
	v5 =	vimm.s32 $0x7FFFFFFF;
	s22 =	simm.s32 $0x5;
	[dreg:$0xc] =	wrdreg s0;
	s0 =	sadd.s32 s13, s25  }
0x1e: {  	v6 =	vimm.f32 $NaN;
	v7 =	vimm.f32 $0.0e+00;
	v3 =	vmul.u32 $0x100, v1;
	s25 =	simm.s32 $0xC000;
	[dreg:$0xf] =	wrdreg s0;
	s0 =	simm.s32 $0x2000  }
.LBB2_1:
.Ltmp0:
0x1f: {  	(pc) =	sbr.rel .LBB2_2-.Ltmp0, $3  }
0x20: {  	_ =	sdelay $0x1  }
0x21: {  	[dreg:$0x13] =	wrdreg s2  }
0x22: {  	s14 =	simm.s32 $0x0;
	_ =	strace $0x80000048  }
.LBB2_18:
0x23: {  	s1 =	sshll.u32 s16, $0xD;
	s2 =	rddreg [dreg:$0x8];
	s14 =	sadd.s32 $0x1, s14  }
0x24: {  	s31 =	simm.s32 $0x200;
	s1 =	sand.u32 $0x3FFFE000, s1;
	p1 =	sne.s32 s14, $0x4  }
.Ltmp1:
0x25: {  	s6 =	simm.s32 $0xE080;
	s1 =	sadd.s32 s1, s2;
	(pc) =	sbr.rel @!p1 .LBB2_19-.Ltmp1, $4  }
0x26: {  	[spmem:s1] =	stream.strided.scatter [tilespmem:s6], [sflag:$0x5], $0x800, s31, s20, $0x200038;
	[tilespmem:$0x1F200] =	vst v63  }
0x27: {  	_ =	swait.ge [sflag:s22], $0x800  }
0x28: {  	[sflag:s22] =	ssyncset.done $0x0  }
0x29: {  	[sflag:s22] =	ssyncadd.s32 $0xFFFFF800  }
.LBB2_2:
0x2a: {  	s1 =	rddreg [dreg:$0x6]  }
0x2b: {  	s16 =	sor.u32 s1, s14  }
0x2c: {  	s1 =	sshll.u32 s16, $0x4  }
0x2d: {  	s2 =	rddreg [dreg:$0x7];
	s1 =	sand.u32 $0x70, s1  }
0x2e: {  	s2 =	sadd.s32 s1, s2;
	s1 =	simm.s32 $0x0  }
0x2f: {  	[tilespmem:s1], [sflag:$0x5] =	stream.strided.gather [hbm4b:s2+s20], $0x2000, s21, s20, $0x200038;
	[tilespmem:$0x1F200] =	vst v63  }
0x30: {  	_ =	swait.ge [sflag:s22], $0x2000  }
0x31: {  	[sflag:s22] =	ssyncset.done $0x0  }
0x32: {  	s6 =	simm.s32 $0x0;
	s2 =	simm.s32 $0x40;
	[sflag:s22] =	ssyncadd.s32 $0xFFFFE000  }
.LBB2_3:
0x33: {  	p1 =	sne.s32 s2, $0x3FC0;
	[tilespmem:s6+$0x14000] =	vst v0;
	s6 =	smov.u32 s2;
	s2 =	sadd.s32 $0x40, s2  }
.Ltmp2:
0x34: {  	(pc) =	sbr.rel @p1 .LBB2_3-.Ltmp2, $2  }
0x35: {  	_ =	sdelay $0x2  }
0x36: {  	s6 =	sshra.s32 s6, $0x2  }
0x37: {  	[tilespmem:s6+$0x14000] =	vst v0  }
.LBB2_5:
0x38: {  	s2 =	sshra.s32 s1, $0x2  }
0x39: {  	v8 =	vld [tilespmem:s2+$0x0];
	_ =	sdelay $0x4  }
0x3a: {  	vm0 =	vlt.s32 v8, $0x0  }
0x3b: {  	v9 =	vsel vm0, $0x0, v2  }
0x3c: {  	v9 =	vxor.u32 v8, v9;
	v8 =	vshrl.u32 v8, $0x18  }
0x3d: {  	v9 =	vshrl.u32 v9, $0x18;
	v8 =	vand.u32 $0x80, v8  }
0x3e: {  	v9 =	vand.u32 $0x7F, v9;
	v8 =	vor.u32 v3, v8  }
0x3f: {  	v8 =	vor.u32 v8, v9;
	_ =	sdelay $0x4  }
0x40: {  	[tilespmem:v8+s23+$0x0] =	vst.idx.add.s32.msk $0xffff, v4  }
0x41: {  	v8 =	vld [tilespmem:s2+$0x10];
	_ =	sdelay $0x4  }
0x42: {  	vm15 =	vlt.s32 v8, $0x0  }
0x43: {  	v63 =	vsel vm15, $0x0, v2  }
0x44: {  	v9 =	vxor.u32 v8, v63;
	v8 =	vshrl.u32 v8, $0x18  }
0x45: {  	v9 =	vshrl.u32 v9, $0x18;
	v8 =	vand.u32 $0x80, v8  }
0x46: {  	v9 =	vand.u32 $0x7F, v9;
	v8 =	vor.u32 v3, v8  }
0x47: {  	p1 =	sne.s32 s1, $0x7F80;
	v8 =	vor.u32 v8, v9  }
.Ltmp3:
0x48: {  	_ = 	snop;
	(pc) =	sbr.rel @p1 .LBB2_5-.Ltmp3, $2  }
0x49: {  	_ =	sdelay $0x2  }
0x4a: {  	s1 =	sadd.s32 $0x80, s1;
	[tilespmem:v8+s23+$0x0] =	vst.idx.add.s32.msk $0xffff, v4  }
0x4b: {  	v8 =	vld [tilespmem:$0x14000]  }
0x4c: {  	v9 =	vld [tilespmem:$0x14100]  }
0x4d: {  	v10 =	vld [tilespmem:$0x14200]  }
0x4e: {  	v11 =	vld [tilespmem:$0x14300]  }
0x4f: {  	v12 =	vld [tilespmem:$0x14400]  }
0x50: {  	v13 =	vld [tilespmem:$0x14500]  }
0x51: {  	v8 =	vadd.s32 v8, v9;
	v9 =	vld [tilespmem:$0x14600]  }
0x52: {  	v8 =	vadd.s32 v10, v8;
	v10 =	vld [tilespmem:$0x14700]  }
0x53: {  	v8 =	vadd.s32 v11, v8;
	v11 =	vld [tilespmem:$0x14800]  }
0x54: {  	v8 =	vadd.s32 v12, v8;
	v12 =	vld [tilespmem:$0x14900]  }
0x55: {  	v8 =	vadd.s32 v13, v8;
	v13 =	vld [tilespmem:$0x14A00]  }
0x56: {  	v8 =	vadd.s32 v9, v8;
	v9 =	vld [tilespmem:$0x14B00]  }
0x57: {  	v8 =	vadd.s32 v10, v8;
	v10 =	vld [tilespmem:$0x14C00]  }
0x58: {  	v8 =	vadd.s32 v11, v8;
	v11 =	vld [tilespmem:$0x14D00]  }
0x59: {  	v8 =	vadd.s32 v12, v8;
	v12 =	vld [tilespmem:$0x14E00]  }
0x5a: {  	v8 =	vadd.s32 v13, v8;
	v13 =	vld [tilespmem:$0x14F00]  }
0x5b: {  	v8 =	vadd.s32 v9, v8  }
0x5c: {  	v8 =	vadd.s32 v10, v8  }
0x5d: {  	v8 =	vadd.s32 v11, v8  }
0x5e: {  	v8 =	vadd.s32 v12, v8  }
0x5f: {  	v8 =	vadd.s32 v13, v8  }
0x60: {  	(xrf0) =	vadd.scan.msk.s32 $0xffff, v8;
	_ =	sdelay $0x5  }
0x61: {  	v8, _, _ =	vpop (xrf0)  }
0x62: {  	vm0 =	vgt.s32 v8, $0x7FF  }
0x63: {  	v10 =	vld [tilespmem:$0x14010];
	v9 =	vmpcnt.ones.xlane vm0  }
0x64: {  	v11 =	vld [tilespmem:$0x14110]  }
0x65: {  	v12 =	vld [tilespmem:$0x14210];
	v9 =	vxor.u32 $0x80000000, v9  }
0x66: {  	v13 =	vld [tilespmem:$0x14310];
	(xrf0) =	vmax.scan.msk.u32 $0xffff, v9;
	v9 =	vxor.u32 $0x80000000, v8  }
0x67: {  	(xrf0) =	vmax.scan.msk.u32 $0xffff, v9;
	v9 =	vld [tilespmem:$0x14410]  }
0x68: {  	v14 =	vld [tilespmem:$0x14510]  }
0x69: {  	v10 =	vadd.s32 v10, v11;
	v11 =	vld [tilespmem:$0x14610]  }
0x6a: {  	v10 =	vadd.s32 v12, v10;
	v12 =	vld [tilespmem:$0x14710]  }
0x6b: {  	v10 =	vadd.s32 v13, v10;
	v13 =	vld [tilespmem:$0x14810]  }
0x6c: {  	v15, _, _ =	vpop (xrf0);
	v9 =	vadd.s32 v9, v10;
	v10 =	vld [tilespmem:$0x14910]  }
0x6d: {  	(v2sf) =	vpush v15, $0xF;
	v15, _, _ =	vpop (xrf0);
	v9 =	vadd.s32 v14, v9;
	v14 =	vld [tilespmem:$0x14A10]  }
0x6e: {  	(v2sf) =	vpush v15, $0xF;
	v9 =	vadd.s32 v11, v9;
	v11 =	vld [tilespmem:$0x14B10]  }
0x6f: {  	v9 =	vadd.s32 v12, v9;
	v12 =	vld [tilespmem:$0x14C10]  }
0x70: {  	v9 =	vadd.s32 v13, v9;
	v13 =	vld [tilespmem:$0x14D10]  }
0x71: {  	v9 =	vadd.s32 v10, v9;
	v10 =	vld [tilespmem:$0x14E10]  }
0x72: {  	v9 =	vadd.s32 v14, v9;
	v14 =	vld [tilespmem:$0x14F10]  }
0x73: {  	v9 =	vadd.s32 v11, v9  }
0x74: {  	v9 =	vadd.s32 v12, v9  }
0x75: {  	v9 =	vadd.s32 v13, v9  }
0x76: {  	v9 =	vadd.s32 v10, v9  }
0x77: {  	v9 =	vadd.s32 v14, v9  }
0x78: {  	(xrf0) =	vadd.scan.msk.s32 $0xffff, v9;
	_ =	sdelay $0x3  }
0x79: {  	s19 =	spop (v2sf)  }
0x7a: {  	s1 =	spop (v2sf)  }
0x7b: {  	s1 =	sxor.u32 $0x80000000, s1;
	v9, _, _ =	vpop (xrf0)  }
0x7c: {  	v9 =	vadd.s32 s1, v9  }
0x7d: {  	vm0 =	vgt.s32 v9, $0x7FF  }
0x7e: {  	v11 =	vld [tilespmem:$0x14020];
	v10 =	vmpcnt.ones.xlane vm0  }
0x7f: {  	v12 =	vld [tilespmem:$0x14120]  }
0x80: {  	v13 =	vld [tilespmem:$0x14220];
	v10 =	vxor.u32 $0x80000000, v10  }
0x81: {  	v14 =	vld [tilespmem:$0x14320];
	(xrf0) =	vmax.scan.msk.u32 $0xffff, v10;
	v10 =	vxor.u32 $0x80000000, v9  }
0x82: {  	(xrf0) =	vmax.scan.msk.u32 $0xffff, v10;
	v10 =	vld [tilespmem:$0x14420]  }
0x83: {  	v15 =	vld [tilespmem:$0x14520]  }
0x84: {  	v11 =	vadd.s32 v11, v12;
	v12 =	vld [tilespmem:$0x14620]  }
0x85: {  	v11 =	vadd.s32 v13, v11;
	v13 =	vld [tilespmem:$0x14720]  }
0x86: {  	v11 =	vadd.s32 v14, v11;
	v14 =	vld [tilespmem:$0x14820]  }
0x87: {  	v16, _, _ =	vpop (xrf0);
	v10 =	vadd.s32 v10, v11;
	v11 =	vld [tilespmem:$0x14920]  }
0x88: {  	(v2sf) =	vpush v16, $0xF;
	v47, _, _ =	vpop (xrf0);
	v10 =	vadd.s32 v15, v10;
	v15 =	vld [tilespmem:$0x14A20]  }
0x89: {  	(v2sf) =	vpush v47, $0xF;
	v10 =	vadd.s32 v12, v10;
	v12 =	vld [tilespmem:$0x14B20]  }
0x8a: {  	v10 =	vadd.s32 v13, v10;
	v13 =	vld [tilespmem:$0x14C20]  }
0x8b: {  	v10 =	vadd.s32 v14, v10;
	v14 =	vld [tilespmem:$0x14D20]  }
0x8c: {  	v10 =	vadd.s32 v11, v10;
	v11 =	vld [tilespmem:$0x14E20]  }
0x8d: {  	v10 =	vadd.s32 v15, v10;
	v15 =	vld [tilespmem:$0x14F20]  }
0x8e: {  	v10 =	vadd.s32 v12, v10  }
0x8f: {  	v10 =	vadd.s32 v13, v10  }
0x90: {  	v10 =	vadd.s32 v14, v10  }
0x91: {  	v10 =	vadd.s32 v11, v10  }
0x92: {  	v10 =	vadd.s32 v15, v10  }
0x93: {  	(xrf0) =	vadd.scan.msk.s32 $0xffff, v10;
	_ =	sdelay $0x3  }
0x94: {  	s10 =	spop (v2sf)  }
0x95: {  	s6 =	spop (v2sf)  }
0x96: {  	s1 =	sxor.u32 $0x80000000, s6;
	v10, _, _ =	vpop (xrf0)  }
0x97: {  	v10 =	vadd.s32 s1, v10  }
0x98: {  	vm0 =	vgt.s32 v10, $0x7FF  }
0x99: {  	v12 =	vld [tilespmem:$0x14030];
	v11 =	vmpcnt.ones.xlane vm0  }
0x9a: {  	v13 =	vld [tilespmem:$0x14130]  }
0x9b: {  	v14 =	vld [tilespmem:$0x14230];
	v11 =	vxor.u32 $0x80000000, v11  }
0x9c: {  	v15 =	vld [tilespmem:$0x14330];
	(xrf0) =	vmax.scan.msk.u32 $0xffff, v11;
	v11 =	vxor.u32 $0x80000000, v10  }
0x9d: {  	(xrf0) =	vmax.scan.msk.u32 $0xffff, v11;
	v11 =	vld [tilespmem:$0x14430]  }
0x9e: {  	v48 =	vld [tilespmem:$0x14530]  }
0x9f: {  	v12 =	vadd.s32 v12, v13;
	v13 =	vld [tilespmem:$0x14630]  }
0xa0: {  	v12 =	vadd.s32 v14, v12;
	v14 =	vld [tilespmem:$0x14730]  }
0xa1: {  	v12 =	vadd.s32 v15, v12;
	v15 =	vld [tilespmem:$0x14830]  }
0xa2: {  	v17, _, _ =	vpop (xrf0);
	v11 =	vadd.s32 v11, v12;
	v12 =	vld [tilespmem:$0x14930]  }
0xa3: {  	v50 =	vld [tilespmem:$0x14A30];
	(v2sf) =	vpush v17, $0xF;
	v49, _, _ =	vpop (xrf0);
	v11 =	vadd.s32 v48, v11  }
0xa4: {  	(v2sf) =	vpush v49, $0xF;
	v11 =	vadd.s32 v13, v11;
	v13 =	vld [tilespmem:$0x14B30]  }
0xa5: {  	v11 =	vadd.s32 v14, v11;
	v14 =	vld [tilespmem:$0x14C30]  }
0xa6: {  	v11 =	vadd.s32 v15, v11;
	v15 =	vld [tilespmem:$0x14D30]  }
0xa7: {  	v11 =	vadd.s32 v12, v11;
	v12 =	vld [tilespmem:$0x14E30]  }
0xa8: {  	v51 =	vld [tilespmem:$0x14F30];
	v11 =	vadd.s32 v50, v11  }
0xa9: {  	v11 =	vadd.s32 v13, v11  }
0xaa: {  	v11 =	vadd.s32 v14, v11  }
0xab: {  	v11 =	vadd.s32 v15, v11  }
0xac: {  	v11 =	vadd.s32 v12, v11  }
0xad: {  	v11 =	vadd.s32 v51, v11  }
0xae: {  	(xrf0) =	vadd.scan.msk.s32 $0xffff, v11;
	_ =	sdelay $0x3  }
0xaf: {  	s13 =	spop (v2sf)  }
0xb0: {  	s7 =	spop (v2sf)  }
0xb1: {  	s1 =	sxor.u32 $0x80000000, s7;
	v11, _, _ =	vpop (xrf0)  }
0xb2: {  	v11 =	vadd.s32 s1, v11  }
0xb3: {  	vm0 =	vgt.s32 v11, $0x7FF  }
0xb4: {  	v13 =	vld [tilespmem:$0x14040];
	v12 =	vmpcnt.ones.xlane vm0  }
0xb5: {  	v14 =	vld [tilespmem:$0x14140]  }
0xb6: {  	v15 =	vld [tilespmem:$0x14240];
	v12 =	vxor.u32 $0x80000000, v12  }
0xb7: {  	v52 =	vld [tilespmem:$0x14340];
	(xrf0) =	vmax.scan.msk.u32 $0xffff, v12;
	v12 =	vxor.u32 $0x80000000, v11  }
0xb8: {  	(xrf0) =	vmax.scan.msk.u32 $0xffff, v12;
	v12 =	vld [tilespmem:$0x14440]  }
0xb9: {  	v53 =	vld [tilespmem:$0x14540]  }
0xba: {  	v13 =	vadd.s32 v13, v14;
	v14 =	vld [tilespmem:$0x14640]  }
0xbb: {  	v13 =	vadd.s32 v15, v13;
	v15 =	vld [tilespmem:$0x14740]  }
0xbc: {  	v54 =	vld [tilespmem:$0x14840];
	v13 =	vadd.s32 v52, v13  }
0xbd: {  	v18, _, _ =	vpop (xrf0);
	v12 =	vadd.s32 v12, v13;
	v13 =	vld [tilespmem:$0x14940]  }
0xbe: {  	v56 =	vld [tilespmem:$0x14A40];
	(v2sf) =	vpush v18, $0xF;
	v55, _, _ =	vpop (xrf0);
	v12 =	vadd.s32 v53, v12  }
0xbf: {  	(v2sf) =	vpush v55, $0xF;
	v12 =	vadd.s32 v14, v12;
	v14 =	vld [tilespmem:$0x14B40]  }
0xc0: {  	v12 =	vadd.s32 v15, v12;
	v15 =	vld [tilespmem:$0x14C40]  }
0xc1: {  	v57 =	vld [tilespmem:$0x14D40];
	v12 =	vadd.s32 v54, v12  }
0xc2: {  	v12 =	vadd.s32 v13, v12;
	v13 =	vld [tilespmem:$0x14E40]  }
0xc3: {  	v58 =	vld [tilespmem:$0x14F40];
	v12 =	vadd.s32 v56, v12  }
0xc4: {  	v12 =	vadd.s32 v14, v12  }
0xc5: {  	v12 =	vadd.s32 v15, v12  }
0xc6: {  	v12 =	vadd.s32 v57, v12  }
0xc7: {  	v12 =	vadd.s32 v13, v12  }
0xc8: {  	v12 =	vadd.s32 v58, v12  }
0xc9: {  	(xrf0) =	vadd.scan.msk.s32 $0xffff, v12;
	_ =	sdelay $0x3  }
0xca: {  	s24 =	spop (v2sf)  }
0xcb: {  	s8 =	spop (v2sf)  }
0xcc: {  	s1 =	sxor.u32 $0x80000000, s8;
	v12, _, _ =	vpop (xrf0)  }
0xcd: {  	v12 =	vadd.s32 s1, v12  }
0xce: {  	vm0 =	vgt.s32 v12, $0x7FF  }
0xcf: {  	v14 =	vld [tilespmem:$0x14050];
	v13 =	vmpcnt.ones.xlane vm0  }
0xd0: {  	v15 =	vld [tilespmem:$0x14150]  }
0xd1: {  	v59 =	vld [tilespmem:$0x14250];
	v13 =	vxor.u32 $0x80000000, v13  }
0xd2: {  	v60 =	vld [tilespmem:$0x14350];
	(xrf0) =	vmax.scan.msk.u32 $0xffff, v13;
	v13 =	vxor.u32 $0x80000000, v12  }
0xd3: {  	(xrf0) =	vmax.scan.msk.u32 $0xffff, v13;
	v13 =	vld [tilespmem:$0x14450]  }
0xd4: {  	v61 =	vld [tilespmem:$0x14550]  }
0xd5: {  	v14 =	vadd.s32 v14, v15;
	v15 =	vld [tilespmem:$0x14650]  }
0xd6: {  	v62 =	vld [tilespmem:$0x14750];
	v14 =	vadd.s32 v59, v14  }
0xd7: {  	v63 =	vld [tilespmem:$0x14850];
	v14 =	vadd.s32 v60, v14  }
0xd8: {  	v19, _, _ =	vpop (xrf0);
	v13 =	vadd.s32 v13, v14;
	v14 =	vld [tilespmem:$0x14950]  }
0xd9: {  	v22 =	vld [tilespmem:$0x14A50];
	(v2sf) =	vpush v19, $0xF;
	v21, _, _ =	vpop (xrf0);
	v13 =	vadd.s32 v61, v13  }
0xda: {  	(v2sf) =	vpush v21, $0xF;
	v13 =	vadd.s32 v15, v13;
	v15 =	vld [tilespmem:$0x14B50]  }
0xdb: {  	v23 =	vld [tilespmem:$0x14C50];
	v13 =	vadd.s32 v62, v13  }
0xdc: {  	v24 =	vld [tilespmem:$0x14D50];
	v13 =	vadd.s32 v63, v13  }
0xdd: {  	v13 =	vadd.s32 v14, v13;
	v14 =	vld [tilespmem:$0x14E50]  }
0xde: {  	v25 =	vld [tilespmem:$0x14F50];
	v13 =	vadd.s32 v22, v13  }
0xdf: {  	v13 =	vadd.s32 v15, v13  }
0xe0: {  	v13 =	vadd.s32 v23, v13  }
0xe1: {  	v13 =	vadd.s32 v24, v13  }
0xe2: {  	v13 =	vadd.s32 v14, v13  }
0xe3: {  	v13 =	vadd.s32 v25, v13  }
0xe4: {  	(xrf0) =	vadd.scan.msk.s32 $0xffff, v13;
	_ =	sdelay $0x3  }
0xe5: {  	s28 =	spop (v2sf)  }
0xe6: {  	s15 =	spop (v2sf)  }
0xe7: {  	s1 =	sxor.u32 $0x80000000, s15;
	v13, _, _ =	vpop (xrf0)  }
0xe8: {  	v13 =	vadd.s32 s1, v13  }
0xe9: {  	vm0 =	vgt.s32 v13, $0x7FF  }
0xea: {  	v26 =	vld [tilespmem:$0x14160];
	v14 =	vmpcnt.ones.xlane vm0  }
0xeb: {  	v15 =	vld [tilespmem:$0x14060]  }
0xec: {  	v27 =	vld [tilespmem:$0x14260];
	v14 =	vxor.u32 $0x80000000, v14  }
0xed: {  	v28 =	vld [tilespmem:$0x14360];
	(xrf0) =	vmax.scan.msk.u32 $0xffff, v14;
	v14 =	vxor.u32 $0x80000000, v13  }
0xee: {  	(xrf0) =	vmax.scan.msk.u32 $0xffff, v14;
	v14 =	vld [tilespmem:$0x14460]  }
0xef: {  	v29 =	vld [tilespmem:$0x14560]  }
0xf0: {  	v30 =	vld [tilespmem:$0x14660];
	v15 =	vadd.s32 v15, v26  }
0xf1: {  	v31 =	vld [tilespmem:$0x14760];
	v15 =	vadd.s32 v27, v15  }
0xf2: {  	v32 =	vld [tilespmem:$0x14860];
	v15 =	vadd.s32 v28, v15  }
0xf3: {  	v20, _, _ =	vpop (xrf0);
	v14 =	vadd.s32 v14, v15;
	v15 =	vld [tilespmem:$0x14960]  }
0xf4: {  	v34 =	vld [tilespmem:$0x14A60];
	(v2sf) =	vpush v20, $0xF;
	v33, _, _ =	vpop (xrf0);
	v14 =	vadd.s32 v29, v14  }
0xf5: {  	v35 =	vld [tilespmem:$0x14B60];
	(v2sf) =	vpush v33, $0xF;
	v14 =	vadd.s32 v30, v14  }
0xf6: {  	v36 =	vld [tilespmem:$0x14C60];
	v14 =	vadd.s32 v31, v14  }
0xf7: {  	v37 =	vld [tilespmem:$0x14D60];
	v14 =	vadd.s32 v32, v14  }
0xf8: {  	v14 =	vadd.s32 v15, v14;
	v15 =	vld [tilespmem:$0x14E60]  }
0xf9: {  	v38 =	vld [tilespmem:$0x14F60];
	v14 =	vadd.s32 v34, v14  }
0xfa: {  	v14 =	vadd.s32 v35, v14  }
0xfb: {  	v14 =	vadd.s32 v36, v14  }
0xfc: {  	v14 =	vadd.s32 v37, v14  }
0xfd: {  	v14 =	vadd.s32 v15, v14  }
0xfe: {  	v14 =	vadd.s32 v38, v14  }
0xff: {  	(xrf0) =	vadd.scan.msk.s32 $0xffff, v14;
	_ =	sdelay $0x3  }
0x100: {  	s26 =	spop (v2sf)  }
0x101: {  	s17 =	spop (v2sf)  }
0x102: {  	s1 =	sxor.u32 $0x80000000, s17;
	v14, _, _ =	vpop (xrf0)  }
0x103: {  	v14 =	vadd.s32 s1, v14  }
0x104: {  	vm0 =	vgt.s32 v14, $0x7FF  }
0x105: {  	v39 =	vld [tilespmem:$0x14070];
	v15 =	vmpcnt.ones.xlane vm0  }
0x106: {  	v40 =	vld [tilespmem:$0x14170]  }
0x107: {  	v41 =	vld [tilespmem:$0x14270];
	v15 =	vxor.u32 $0x80000000, v15  }
0x108: {  	v42 =	vld [tilespmem:$0x14370];
	(xrf0) =	vmax.scan.msk.u32 $0xffff, v15;
	v15 =	vxor.u32 $0x80000000, v14  }
0x109: {  	(xrf0) =	vmax.scan.msk.u32 $0xffff, v15;
	v15 =	vld [tilespmem:$0x14470]  }
0x10a: {  	v43 =	vld [tilespmem:$0x14570]  }
0x10b: {  	v44 =	vld [tilespmem:$0x14670];
	v16 =	vadd.s32 v39, v40  }
0x10c: {  	v45 =	vld [tilespmem:$0x14770];
	v16 =	vadd.s32 v41, v16  }
0x10d: {  	v46 =	vld [tilespmem:$0x14870];
	v16 =	vadd.s32 v42, v16  }
0x10e: {  	v47 =	vld [tilespmem:$0x14970];
	v21, _, _ =	vpop (xrf0);
	v15 =	vadd.s32 v15, v16  }
0x10f: {  	v49 =	vld [tilespmem:$0x14A70];
	(v2sf) =	vpush v21, $0xF;
	v48, _, _ =	vpop (xrf0);
	v15 =	vadd.s32 v43, v15  }
0x110: {  	v50 =	vld [tilespmem:$0x14B70];
	(v2sf) =	vpush v48, $0xF;
	v15 =	vadd.s32 v44, v15  }
0x111: {  	v51 =	vld [tilespmem:$0x14C70];
	v15 =	vadd.s32 v45, v15  }
0x112: {  	v52 =	vld [tilespmem:$0x14D70];
	v15 =	vadd.s32 v46, v15  }
0x113: {  	v53 =	vld [tilespmem:$0x14E70];
	v15 =	vadd.s32 v47, v15  }
0x114: {  	v54 =	vld [tilespmem:$0x14F70];
	v15 =	vadd.s32 v49, v15  }
0x115: {  	v15 =	vadd.s32 v50, v15  }
0x116: {  	v15 =	vadd.s32 v51, v15  }
0x117: {  	v15 =	vadd.s32 v52, v15  }
0x118: {  	v15 =	vadd.s32 v53, v15  }
0x119: {  	v15 =	vadd.s32 v54, v15  }
0x11a: {  	(xrf0) =	vadd.scan.msk.s32 $0xffff, v15;
	_ =	sdelay $0x3  }
0x11b: {  	s1 =	spop (v2sf)  }
0x11c: {  	s2 =	spop (v2sf)  }
0x11d: {  	s2 =	sxor.u32 $0x80000000, s2;
	v15, _, _ =	vpop (xrf0)  }
0x11e: {  	v15 =	vadd.s32 s2, v15  }
0x11f: {  	vm0 =	vgt.s32 v15, $0x7FF  }
0x120: {  	v56 =	vld [tilespmem:$0x14080];
	v55 =	vmpcnt.ones.xlane vm0  }
0x121: {  	v57 =	vld [tilespmem:$0x14180]  }
0x122: {  	v58 =	vld [tilespmem:$0x14280];
	v16 =	vxor.u32 $0x80000000, v55  }
0x123: {  	v60 =	vld [tilespmem:$0x14380];
	v59 =	vxor.u32 $0x80000000, v15;
	(xrf0) =	vmax.scan.msk.u32 $0xffff, v16  }
0x124: {  	v61 =	vld [tilespmem:$0x14480];
	(xrf0) =	vmax.scan.msk.u32 $0xffff, v59  }
0x125: {  	v62 =	vld [tilespmem:$0x14580]  }
0x126: {  	v17 =	vadd.s32 v56, v57;
	v63 =	vld [tilespmem:$0x14680]  }
0x127: {  	v17 =	vadd.s32 v58, v17;
	v24 =	vld [tilespmem:$0x14780]  }
0x128: {  	v17 =	vadd.s32 v60, v17;
	v25 =	vld [tilespmem:$0x14880]  }
0x129: {  	v26 =	vld [tilespmem:$0x14980];
	v16 =	vadd.s32 v61, v17;
	v22, _, _ =	vpop (xrf0)  }
0x12a: {  	v28 =	vld [tilespmem:$0x14A80];
	v16 =	vadd.s32 v62, v16;
	(v2sf) =	vpush v22, $0xF;
	v27, _, _ =	vpop (xrf0)  }
0x12b: {  	v29 =	vld [tilespmem:$0x14B80];
	v16 =	vadd.s32 v63, v16;
	(v2sf) =	vpush v27, $0xF  }
0x12c: {  	v30 =	vld [tilespmem:$0x14C80];
	v16 =	vadd.s32 v24, v16  }
0x12d: {  	v31 =	vld [tilespmem:$0x14D80];
	v16 =	vadd.s32 v25, v16  }
0x12e: {  	v32 =	vld [tilespmem:$0x14E80];
	v16 =	vadd.s32 v26, v16  }
0x12f: {  	v33 =	vld [tilespmem:$0x14F80];
	v16 =	vadd.s32 v28, v16  }
0x130: {  	v16 =	vadd.s32 v29, v16  }
0x131: {  	v16 =	vadd.s32 v30, v16  }
0x132: {  	v16 =	vadd.s32 v31, v16  }
0x133: {  	v16 =	vadd.s32 v32, v16  }
0x134: {  	v16 =	vadd.s32 v33, v16  }
0x135: {  	(xrf0) =	vadd.scan.msk.s32 $0xffff, v16;
	_ =	sdelay $0x3  }
0x136: {  	s2 =	spop (v2sf)  }
0x137: {  	s6 =	spop (v2sf)  }
0x138: {  	v16, _, _ =	vpop (xrf0);
	s6 =	sxor.u32 $0x80000000, s6  }
0x139: {  	v16 =	vadd.s32 s6, v16  }
0x13a: {  	vm0 =	vgt.s32 v16, $0x7FF  }
0x13b: {  	v35 =	vld [tilespmem:$0x14090];
	v34 =	vmpcnt.ones.xlane vm0  }
0x13c: {  	v36 =	vld [tilespmem:$0x14190]  }
0x13d: {  	v37 =	vld [tilespmem:$0x14290];
	v17 =	vxor.u32 $0x80000000, v34  }
0x13e: {  	v39 =	vld [tilespmem:$0x14390];
	v38 =	vxor.u32 $0x80000000, v16;
	(xrf0) =	vmax.scan.msk.u32 $0xffff, v17  }
0x13f: {  	v40 =	vld [tilespmem:$0x14490];
	(xrf0) =	vmax.scan.msk.u32 $0xffff, v38  }
0x140: {  	v41 =	vld [tilespmem:$0x14590]  }
0x141: {  	v42 =	vld [tilespmem:$0x14690];
	v18 =	vadd.s32 v35, v36  }
0x142: {  	v18 =	vadd.s32 v37, v18;
	v43 =	vld [tilespmem:$0x14790]  }
0x143: {  	v18 =	vadd.s32 v39, v18;
	v44 =	vld [tilespmem:$0x14890]  }
0x144: {  	v45 =	vld [tilespmem:$0x14990];
	v17 =	vadd.s32 v40, v18;
	v23, _, _ =	vpop (xrf0)  }
0x145: {  	v47 =	vld [tilespmem:$0x14A90];
	v17 =	vadd.s32 v41, v17;
	(v2sf) =	vpush v23, $0xF;
	v46, _, _ =	vpop (xrf0)  }
0x146: {  	v48 =	vld [tilespmem:$0x14B90];
	v17 =	vadd.s32 v42, v17;
	(v2sf) =	vpush v46, $0xF  }
0x147: {  	v49 =	vld [tilespmem:$0x14C90];
	v17 =	vadd.s32 v43, v17  }
0x148: {  	v50 =	vld [tilespmem:$0x14D90];
	v17 =	vadd.s32 v44, v17  }
0x149: {  	v51 =	vld [tilespmem:$0x14E90];
	v17 =	vadd.s32 v45, v17  }
0x14a: {  	v52 =	vld [tilespmem:$0x14F90];
	v17 =	vadd.s32 v47, v17  }
0x14b: {  	v17 =	vadd.s32 v48, v17  }
0x14c: {  	v17 =	vadd.s32 v49, v17  }
0x14d: {  	v17 =	vadd.s32 v50, v17  }
0x14e: {  	v17 =	vadd.s32 v51, v17  }
0x14f: {  	v17 =	vadd.s32 v52, v17  }
0x150: {  	(xrf0) =	vadd.scan.msk.s32 $0xffff, v17;
	_ =	sdelay $0x3  }
0x151: {  	s6 =	spop (v2sf)  }
0x152: {  	s7 =	spop (v2sf)  }
0x153: {  	v17, _, _ =	vpop (xrf0);
	s7 =	sxor.u32 $0x80000000, s7  }
0x154: {  	v17 =	vadd.s32 s7, v17  }
0x155: {  	vm0 =	vgt.s32 v17, $0x7FF  }
0x156: {  	v54 =	vld [tilespmem:$0x140A0];
	v53 =	vmpcnt.ones.xlane vm0  }
0x157: {  	v55 =	vld [tilespmem:$0x141A0]  }
0x158: {  	v56 =	vld [tilespmem:$0x142A0];
	v18 =	vxor.u32 $0x80000000, v53  }
0x159: {  	v58 =	vld [tilespmem:$0x143A0];
	v57 =	vxor.u32 $0x80000000, v17;
	(xrf0) =	vmax.scan.msk.u32 $0xffff, v18  }
0x15a: {  	v59 =	vld [tilespmem:$0x144A0];
	(xrf0) =	vmax.scan.msk.u32 $0xffff, v57  }
0x15b: {  	v60 =	vld [tilespmem:$0x145A0]  }
0x15c: {  	v61 =	vld [tilespmem:$0x146A0];
	v19 =	vadd.s32 v54, v55  }
0x15d: {  	v62 =	vld [tilespmem:$0x147A0];
	v19 =	vadd.s32 v56, v19  }
0x15e: {  	v63 =	vld [tilespmem:$0x148A0];
	v19 =	vadd.s32 v58, v19  }
0x15f: {  	v28 =	vld [tilespmem:$0x149A0];
	v18 =	vadd.s32 v59, v19;
	v24, _, _ =	vpop (xrf0)  }
0x160: {  	v30 =	vld [tilespmem:$0x14AA0];
	v18 =	vadd.s32 v60, v18;
	(v2sf) =	vpush v24, $0xF;
	v29, _, _ =	vpop (xrf0)  }
0x161: {  	v31 =	vld [tilespmem:$0x14BA0];
	v18 =	vadd.s32 v61, v18;
	(v2sf) =	vpush v29, $0xF  }
0x162: {  	v32 =	vld [tilespmem:$0x14CA0];
	v18 =	vadd.s32 v62, v18  }
0x163: {  	v33 =	vld [tilespmem:$0x14DA0];
	v18 =	vadd.s32 v63, v18  }
0x164: {  	v34 =	vld [tilespmem:$0x14EA0];
	v18 =	vadd.s32 v28, v18  }
0x165: {  	v35 =	vld [tilespmem:$0x14FA0];
	v18 =	vadd.s32 v30, v18  }
0x166: {  	v18 =	vadd.s32 v31, v18  }
0x167: {  	v18 =	vadd.s32 v32, v18  }
0x168: {  	v18 =	vadd.s32 v33, v18  }
0x169: {  	v18 =	vadd.s32 v34, v18  }
0x16a: {  	v18 =	vadd.s32 v35, v18  }
0x16b: {  	(xrf0) =	vadd.scan.msk.s32 $0xffff, v18;
	_ =	sdelay $0x3  }
0x16c: {  	s7 =	spop (v2sf)  }
0x16d: {  	s8 =	spop (v2sf)  }
0x16e: {  	v18, _, _ =	vpop (xrf0);
	s8 =	sxor.u32 $0x80000000, s8  }
0x16f: {  	v18 =	vadd.s32 s8, v18  }
0x170: {  	vm0 =	vgt.s32 v18, $0x7FF  }
0x171: {  	v37 =	vld [tilespmem:$0x140B0];
	v36 =	vmpcnt.ones.xlane vm0  }
0x172: {  	v38 =	vld [tilespmem:$0x141B0]  }
0x173: {  	v39 =	vld [tilespmem:$0x142B0];
	v19 =	vxor.u32 $0x80000000, v36  }
0x174: {  	v41 =	vld [tilespmem:$0x143B0];
	v40 =	vxor.u32 $0x80000000, v18;
	(xrf0) =	vmax.scan.msk.u32 $0xffff, v19  }
0x175: {  	v42 =	vld [tilespmem:$0x144B0];
	(xrf0) =	vmax.scan.msk.u32 $0xffff, v40  }
0x176: {  	v43 =	vld [tilespmem:$0x145B0]  }
0x177: {  	v44 =	vld [tilespmem:$0x146B0];
	v20 =	vadd.s32 v37, v38  }
0x178: {  	v45 =	vld [tilespmem:$0x147B0];
	v20 =	vadd.s32 v39, v20  }
0x179: {  	v20 =	vadd.s32 v41, v20;
	v46 =	vld [tilespmem:$0x148B0]  }
0x17a: {  	v47 =	vld [tilespmem:$0x149B0];
	v19 =	vadd.s32 v42, v20;
	v25, _, _ =	vpop (xrf0)  }
0x17b: {  	v49 =	vld [tilespmem:$0x14AB0];
	v19 =	vadd.s32 v43, v19;
	(v2sf) =	vpush v25, $0xF;
	v48, _, _ =	vpop (xrf0)  }
0x17c: {  	v50 =	vld [tilespmem:$0x14BB0];
	v19 =	vadd.s32 v44, v19;
	(v2sf) =	vpush v48, $0xF  }
0x17d: {  	v51 =	vld [tilespmem:$0x14CB0];
	v19 =	vadd.s32 v45, v19  }
0x17e: {  	v52 =	vld [tilespmem:$0x14DB0];
	v19 =	vadd.s32 v46, v19  }
0x17f: {  	v53 =	vld [tilespmem:$0x14EB0];
	v19 =	vadd.s32 v47, v19  }
0x180: {  	v54 =	vld [tilespmem:$0x14FB0];
	v19 =	vadd.s32 v49, v19  }
0x181: {  	v19 =	vadd.s32 v50, v19  }
0x182: {  	v19 =	vadd.s32 v51, v19  }
0x183: {  	v19 =	vadd.s32 v52, v19  }
0x184: {  	v19 =	vadd.s32 v53, v19  }
0x185: {  	v19 =	vadd.s32 v54, v19  }
0x186: {  	(xrf0) =	vadd.scan.msk.s32 $0xffff, v19;
	_ =	sdelay $0x3  }
0x187: {  	s15 =	spop (v2sf)  }
0x188: {  	s18 =	spop (v2sf)  }
0x189: {  	v19, _, _ =	vpop (xrf0);
	s8 =	sxor.u32 $0x80000000, s18  }
0x18a: {  	v19 =	vadd.s32 s8, v19  }
0x18b: {  	vm0 =	vgt.s32 v19, $0x7FF  }
0x18c: {  	v56 =	vld [tilespmem:$0x140C0];
	v55 =	vmpcnt.ones.xlane vm0  }
0x18d: {  	v57 =	vld [tilespmem:$0x141C0]  }
0x18e: {  	v58 =	vld [tilespmem:$0x142C0];
	v20 =	vxor.u32 $0x80000000, v55  }
0x18f: {  	v60 =	vld [tilespmem:$0x143C0];
	v59 =	vxor.u32 $0x80000000, v19;
	(xrf0) =	vmax.scan.msk.u32 $0xffff, v20  }
0x190: {  	v61 =	vld [tilespmem:$0x144C0];
	(xrf0) =	vmax.scan.msk.u32 $0xffff, v59  }
0x191: {  	v62 =	vld [tilespmem:$0x145C0]  }
0x192: {  	v63 =	vld [tilespmem:$0x146C0];
	v21 =	vadd.s32 v56, v57  }
0x193: {  	v28 =	vld [tilespmem:$0x147C0];
	v21 =	vadd.s32 v58, v21  }
0x194: {  	v21 =	vadd.s32 v60, v21;
	v29 =	vld [tilespmem:$0x148C0]  }
0x195: {  	v30 =	vld [tilespmem:$0x149C0];
	v20 =	vadd.s32 v61, v21;
	v26, _, _ =	vpop (xrf0)  }
0x196: {  	v32 =	vld [tilespmem:$0x14AC0];
	v20 =	vadd.s32 v62, v20;
	(v2sf) =	vpush v26, $0xF;
	v31, _, _ =	vpop (xrf0)  }
0x197: {  	v33 =	vld [tilespmem:$0x14BC0];
	v20 =	vadd.s32 v63, v20;
	(v2sf) =	vpush v31, $0xF  }
0x198: {  	v34 =	vld [tilespmem:$0x14CC0];
	v20 =	vadd.s32 v28, v20  }
0x199: {  	v35 =	vld [tilespmem:$0x14DC0];
	v20 =	vadd.s32 v29, v20  }
0x19a: {  	v36 =	vld [tilespmem:$0x14EC0];
	v20 =	vadd.s32 v30, v20  }
0x19b: {  	v37 =	vld [tilespmem:$0x14FC0];
	v20 =	vadd.s32 v32, v20  }
0x19c: {  	v20 =	vadd.s32 v33, v20  }
0x19d: {  	v20 =	vadd.s32 v34, v20  }
0x19e: {  	v20 =	vadd.s32 v35, v20  }
0x19f: {  	v20 =	vadd.s32 v36, v20  }
0x1a0: {  	v20 =	vadd.s32 v37, v20  }
0x1a1: {  	(xrf0) =	vadd.scan.msk.s32 $0xffff, v20;
	_ =	sdelay $0x3  }
0x1a2: {  	s17 =	spop (v2sf)  }
0x1a3: {  	s29 =	spop (v2sf)  }
0x1a4: {  	v20, _, _ =	vpop (xrf0);
	s8 =	sxor.u32 $0x80000000, s29  }
0x1a5: {  	v20 =	vadd.s32 s8, v20  }
0x1a6: {  	vm0 =	vgt.s32 v20, $0x7FF  }
0x1a7: {  	v39 =	vld [tilespmem:$0x140D0];
	v38 =	vmpcnt.ones.xlane vm0  }
0x1a8: {  	v40 =	vld [tilespmem:$0x141D0]  }
0x1a9: {  	v41 =	vld [tilespmem:$0x142D0];
	v21 =	vxor.u32 $0x80000000, v38  }
0x1aa: {  	v43 =	vld [tilespmem:$0x143D0];
	v42 =	vxor.u32 $0x80000000, v20;
	(xrf0) =	vmax.scan.msk.u32 $0xffff, v21  }
0x1ab: {  	v44 =	vld [tilespmem:$0x144D0];
	(xrf0) =	vmax.scan.msk.u32 $0xffff, v42  }
0x1ac: {  	v45 =	vld [tilespmem:$0x145D0]  }
0x1ad: {  	v46 =	vld [tilespmem:$0x146D0];
	v22 =	vadd.s32 v39, v40  }
0x1ae: {  	v47 =	vld [tilespmem:$0x147D0];
	v22 =	vadd.s32 v41, v22  }
0x1af: {  	v22 =	vadd.s32 v43, v22;
	v48 =	vld [tilespmem:$0x148D0]  }
0x1b0: {  	v49 =	vld [tilespmem:$0x149D0];
	v21 =	vadd.s32 v44, v22;
	v27, _, _ =	vpop (xrf0)  }
0x1b1: {  	v51 =	vld [tilespmem:$0x14AD0];
	v21 =	vadd.s32 v45, v21;
	(v2sf) =	vpush v27, $0xF;
	v50, _, _ =	vpop (xrf0)  }
0x1b2: {  	v52 =	vld [tilespmem:$0x14BD0];
	v21 =	vadd.s32 v46, v21;
	(v2sf) =	vpush v50, $0xF  }
0x1b3: {  	v53 =	vld [tilespmem:$0x14CD0];
	v21 =	vadd.s32 v47, v21  }
0x1b4: {  	v54 =	vld [tilespmem:$0x14DD0];
	v21 =	vadd.s32 v48, v21  }
0x1b5: {  	v55 =	vld [tilespmem:$0x14ED0];
	v21 =	vadd.s32 v49, v21  }
0x1b6: {  	v56 =	vld [tilespmem:$0x14FD0];
	v21 =	vadd.s32 v51, v21  }
0x1b7: {  	v21 =	vadd.s32 v52, v21  }
0x1b8: {  	v21 =	vadd.s32 v53, v21  }
0x1b9: {  	v21 =	vadd.s32 v54, v21  }
0x1ba: {  	v21 =	vadd.s32 v55, v21  }
0x1bb: {  	v21 =	vadd.s32 v56, v21  }
0x1bc: {  	(xrf0) =	vadd.scan.msk.s32 $0xffff, v21;
	_ =	sdelay $0x3  }
0x1bd: {  	s18 =	spop (v2sf)  }
0x1be: {  	s31 =	spop (v2sf)  }
0x1bf: {  	v21, _, _ =	vpop (xrf0);
	s8 =	sxor.u32 $0x80000000, s31  }
0x1c0: {  	v21 =	vadd.s32 s8, v21  }
0x1c1: {  	vm0 =	vgt.s32 v21, $0x7FF  }
0x1c2: {  	v58 =	vld [tilespmem:$0x140E0];
	v57 =	vmpcnt.ones.xlane vm0  }
0x1c3: {  	v59 =	vld [tilespmem:$0x141E0]  }
0x1c4: {  	v60 =	vld [tilespmem:$0x142E0];
	v22 =	vxor.u32 $0x80000000, v57  }
0x1c5: {  	v62 =	vld [tilespmem:$0x143E0];
	v61 =	vxor.u32 $0x80000000, v21;
	(xrf0) =	vmax.scan.msk.u32 $0xffff, v22  }
0x1c6: {  	v63 =	vld [tilespmem:$0x144E0];
	(xrf0) =	vmax.scan.msk.u32 $0xffff, v61  }
0x1c7: {  	v32 =	vld [tilespmem:$0x145E0]  }
0x1c8: {  	v23 =	vadd.s32 v58, v59;
	v33 =	vld [tilespmem:$0x146E0]  }
0x1c9: {  	v23 =	vadd.s32 v60, v23;
	v34 =	vld [tilespmem:$0x147E0]  }
0x1ca: {  	v23 =	vadd.s32 v62, v23;
	v35 =	vld [tilespmem:$0x148E0]  }
0x1cb: {  	v36 =	vld [tilespmem:$0x149E0];
	v22 =	vadd.s32 v63, v23;
	v28, _, _ =	vpop (xrf0)  }
0x1cc: {  	v38 =	vld [tilespmem:$0x14AE0];
	v22 =	vadd.s32 v32, v22;
	(v2sf) =	vpush v28, $0xF;
	v37, _, _ =	vpop (xrf0)  }
0x1cd: {  	v39 =	vld [tilespmem:$0x14BE0];
	v22 =	vadd.s32 v33, v22;
	(v2sf) =	vpush v37, $0xF  }
0x1ce: {  	v40 =	vld [tilespmem:$0x14CE0];
	v22 =	vadd.s32 v34, v22  }
0x1cf: {  	v41 =	vld [tilespmem:$0x14DE0];
	v22 =	vadd.s32 v35, v22  }
0x1d0: {  	v42 =	vld [tilespmem:$0x14EE0];
	v22 =	vadd.s32 v36, v22  }
0x1d1: {  	v43 =	vld [tilespmem:$0x14FE0];
	v22 =	vadd.s32 v38, v22  }
0x1d2: {  	v22 =	vadd.s32 v39, v22  }
0x1d3: {  	v22 =	vadd.s32 v40, v22  }
0x1d4: {  	v22 =	vadd.s32 v41, v22  }
0x1d5: {  	v22 =	vadd.s32 v42, v22  }
0x1d6: {  	v22 =	vadd.s32 v43, v22  }
0x1d7: {  	(xrf0) =	vadd.scan.msk.s32 $0xffff, v22;
	_ =	sdelay $0x3  }
0x1d8: {  	s8 =	spop (v2sf)  }
0x1d9: {  	s31 =	spop (v2sf)  }
0x1da: {  	v22, _, _ =	vpop (xrf0);
	s31 =	sxor.u32 $0x80000000, s31  }
0x1db: {  	v22 =	vadd.s32 s31, v22  }
0x1dc: {  	vm0 =	vgt.s32 v22, $0x7FF  }
0x1dd: {  	v45 =	vld [tilespmem:$0x140F0];
	v44 =	vmpcnt.ones.xlane vm0  }
0x1de: {  	v46 =	vld [tilespmem:$0x141F0]  }
0x1df: {  	v47 =	vld [tilespmem:$0x142F0];
	v23 =	vxor.u32 $0x80000000, v44  }
0x1e0: {  	v49 =	vld [tilespmem:$0x143F0];
	v48 =	vxor.u32 $0x80000000, v22;
	(xrf0) =	vmax.scan.msk.u32 $0xffff, v23  }
0x1e1: {  	v50 =	vld [tilespmem:$0x144F0];
	(xrf0) =	vmax.scan.msk.u32 $0xffff, v48  }
0x1e2: {  	v51 =	vld [tilespmem:$0x145F0]  }
0x1e3: {  	v24 =	vadd.s32 v45, v46;
	v52 =	vld [tilespmem:$0x146F0]  }
0x1e4: {  	v24 =	vadd.s32 v47, v24;
	v53 =	vld [tilespmem:$0x147F0]  }
0x1e5: {  	v54 =	vld [tilespmem:$0x148F0];
	v24 =	vadd.s32 v49, v24  }
0x1e6: {  	v55 =	vld [tilespmem:$0x149F0];
	v23 =	vadd.s32 v50, v24;
	v29, _, _ =	vpop (xrf0)  }
0x1e7: {  	v57 =	vld [tilespmem:$0x14AF0];
	v23 =	vadd.s32 v51, v23;
	(v2sf) =	vpush v29, $0xF;
	v56, _, _ =	vpop (xrf0)  }
0x1e8: {  	v58 =	vld [tilespmem:$0x14BF0];
	v23 =	vadd.s32 v52, v23;
	(v2sf) =	vpush v56, $0xF  }
0x1e9: {  	v59 =	vld [tilespmem:$0x14CF0];
	v23 =	vadd.s32 v53, v23  }
0x1ea: {  	v60 =	vld [tilespmem:$0x14DF0];
	v23 =	vadd.s32 v54, v23  }
0x1eb: {  	v61 =	vld [tilespmem:$0x14EF0];
	v23 =	vadd.s32 v55, v23  }
0x1ec: {  	v62 =	vld [tilespmem:$0x14FF0];
	v23 =	vadd.s32 v57, v23  }
0x1ed: {  	v23 =	vadd.s32 v58, v23  }
0x1ee: {  	v23 =	vadd.s32 v59, v23  }
0x1ef: {  	v23 =	vadd.s32 v60, v23  }
0x1f0: {  	v23 =	vadd.s32 v61, v23  }
0x1f1: {  	v23 =	vadd.s32 v62, v23  }
0x1f2: {  	(xrf0) =	vadd.scan.msk.s32 $0xffff, v23;
	_ =	sdelay $0x3  }
0x1f3: {  	s31 =	spop (v2sf)  }
0x1f4: {  	s29 =	spop (v2sf)  }
0x1f5: {  	v23, _, _ =	vpop (xrf0);
	s29 =	sxor.u32 $0x80000000, s29  }
0x1f6: {  	v23 =	vadd.s32 s29, v23  }
0x1f7: {  	vm0 =	vgt.s32 v23, $0x7FF  }
0x1f8: {  	v63 =	vmpcnt.ones.xlane vm0;
	_ =	sdelay $0x1  }
0x1f9: {  	v24 =	vxor.u32 $0x80000000, v63  }
0x1fa: {  	(xrf0) =	vmax.scan.msk.u32 $0xffff, v24;
	_ =	sdelay $0x1  }
0x1fb: {  	[tilespmem:$0x15000] =	vst v8  }
0x1fc: {  	[tilespmem:$0x15010] =	vst v9  }
0x1fd: {  	[tilespmem:$0x15020] =	vst v10  }
0x1fe: {  	[tilespmem:$0x15030] =	vst v11  }
0x1ff: {  	[tilespmem:$0x15040] =	vst v12;
	v8, _, _ =	vpop (xrf0)  }
0x200: {  	[tilespmem:$0x15050] =	vst v13;
	(v2sf) =	vpush v8, $0xF  }
0x201: {  	[tilespmem:$0x15060] =	vst v14  }
0x202: {  	s19 =	sxor.u32 $0x7FFFFFFF, s19;
	s10 =	sxor.u32 $0x7FFFFFFF, s10;
	[tilespmem:$0x15070] =	vst v15  }
0x203: {  	s10 =	sadd.s32 s10, s19;
	s13 =	sxor.u32 $0x7FFFFFFF, s13;
	[tilespmem:$0x15080] =	vst v16  }
0x204: {  	s10 =	sadd.s32 s13, s10;
	s24 =	sxor.u32 $0x7FFFFFFF, s24;
	[tilespmem:$0x15090] =	vst v17  }
0x205: {  	s10 =	sadd.s32 s24, s10;
	s28 =	sxor.u32 $0x7FFFFFFF, s28;
	[tilespmem:$0x150A0] =	vst v18  }
0x206: {  	s10 =	sadd.s32 s28, s10;
	[tilespmem:$0x150B0] =	vst v19;
	s29 =	sxor.u32 $0x7FFFFFFF, s26  }
0x207: {  	s1 =	sxor.u32 $0x7FFFFFFF, s1;
	[tilespmem:$0x150C0] =	vst v20;
	s10 =	sadd.s32 s29, s10  }
0x208: {  	s2 =	sxor.u32 $0x7FFFFFFF, s2;
	[tilespmem:$0x150D0] =	vst v21;
	s1 =	sadd.s32 s1, s10  }
0x209: {  	s6 =	sxor.u32 $0x7FFFFFFF, s6;
	[tilespmem:$0x150E0] =	vst v22;
	s1 =	sadd.s32 s2, s1  }
0x20a: {  	s24 =	sxor.u32 $0x7FFFFFFF, s7;
	s26 =	simm.s32 $0x10;
	[tilespmem:$0x150F0] =	vst v23;
	s1 =	sadd.s32 s6, s1  }
0x20b: {  	s28 =	sxor.u32 $0x7FFFFFFF, s15;
	s1 =	sadd.s32 s24, s1;
	v8 =	vld [tilespmem:s26+$0xFFFFFFF0]  }
0x20c: {  	s29 =	sxor.u32 $0x7FFFFFFF, s17;
	s1 =	sadd.s32 s28, s1  }
0x20d: {  	s10 =	sxor.u32 $0x7FFFFFFF, s18;
	s1 =	sadd.s32 s29, s1  }
0x20e: {  	s13 =	sxor.u32 $0x7FFFFFFF, s8;
	s1 =	sadd.s32 s10, s1  }
0x20f: {  	s15 =	sxor.u32 $0x7FFFFFFF, s31;
	s1 =	sadd.s32 s13, s1;
	s17 =	spop (v2sf)  }
0x210: {  	s1 =	sadd.s32 s15, s1;
	vm0 =	vlt.s32 v8, $0x0;
	s18 =	sxor.u32 $0x7FFFFFFF, s17  }
0x211: {  	v9 =	vsel vm0, $0x0, v5;
	s1 =	sadd.s32 s18, s1  }
0x212: {  	v10 =	vxor.u32 v8, v9;
	s1 =	sadd.s32 $0x110, s1  }
0x213: {  	v9 =	vshrl.u32 v10, $0x18;
	v8 =	vmov s1  }
0x214: {  	vm0 =	vle.s32 v9, v8  }
0x215: {  	v9 =	vsel vm0, $0x1, v0  }
0x216: {  	(xrf0) =	vadd.scan.msk.s32 $0xffff, v9;
	_ =	sdelay $0x5  }
0x217: {  	v11 =	vmpcnt.ones.xlane vm0;
	v12, _, _ =	vpop (xrf0)  }
0x218: {  	s19 =	simm.s32 $0x0;
	v9 =	vsub.s32 v12, v9  }
0x219: {  	v11 =	vxor.u32 $0x80000000, v11;
	v12 =	vadd.s32 s19, v9  }
0x21a: {  	(xrf0) =	vmax.scan.msk.u32 $0xffff, v11;
	v11 =	vadd.s32 $0x2080, v12;
	_ =	sdelay $0x2  }
0x21b: {  	s24 =	simm.s32 $0x15000  }
0x21c: {  	v13 =	vor.u32 s19, v1;
	v9 =	vld.idx.msk [tilespmem:v8+s24+$0x0], $0xffff;
	[tilespmem:v12+s25+$0x0] =	vst.idx.msk vm0, v10  }
0x21d: {  	[tilespmem:v11+s25+$0x0] =	vst.idx.msk vm0, v13  }
0x21e: {  	v10, _, _ =	vpop (xrf0);
	v11 =	vld [tilespmem:s26+$0x0]  }
0x21f: {  	(v2sf) =	vpush v10, $0xF;
	_ =	sdelay $0x3  }
0x220: {  	vm0 =	vlt.s32 v11, $0x0  }
0x221: {  	v10 =	vsel vm0, $0x0, v5  }
0x222: {  	v10 =	vxor.u32 v11, v10  }
0x223: {  	v11 =	vshrl.u32 v10, $0x18  }
0x224: {  	vm0 =	vle.s32 v11, v8  }
0x225: {  	v11 =	vsel vm0, $0x1, v0;
	v12 =	vmpcnt.ones.xlane vm0  }
0x226: {  	(xrf0) =	vadd.scan.msk.s32 $0xffff, v11  }
0x227: {  	v12 =	vxor.u32 $0x80000000, v12  }
0x228: {  	(xrf0) =	vmax.scan.msk.u32 $0xffff, v12;
	_ =	sdelay $0x2  }
0x229: {  	s26 =	spop (v2sf)  }
0x22a: {  	s1 =	sadd.s32 $0x0, s26;
	v12, _, _ =	vpop (xrf0)  }
0x22b: {  	s28 =	sadd.s32 $0x80000000, s1;
	v11 =	vsub.s32 v12, v11  }
0x22c: {  	v11 =	vadd.s32 s28, v11;
	v12, _, _ =	vpop (xrf0)  }
0x22d: {  	v13 =	vadd.s32 $0x2080, v11;
	(v2sf) =	vpush v12, $0xF;
	_ =	sdelay $0x2  }
0x22e: {  	s29 =	simm.s32 $0x10  }
0x22f: {  	v12 =	vor.u32 s29, v1;
	[tilespmem:v11+s25+$0x0] =	vst.idx.msk vm0, v10  }
0x230: {  	s2 =	simm.s32 $0x30;
	[tilespmem:v13+s25+$0x0] =	vst.idx.msk vm0, v12  }
0x231: {  	v10 =	vld [tilespmem:s2+$0xFFFFFFF0];
	_ =	sdelay $0x4  }
0x232: {  	vm0 =	vlt.s32 v10, $0x0  }
0x233: {  	v11 =	vsel vm0, $0x0, v5  }
0x234: {  	v10 =	vxor.u32 v10, v11  }
0x235: {  	v11 =	vshrl.u32 v10, $0x18  }
0x236: {  	vm0 =	vle.s32 v11, v8;
	s31 =	spop (v2sf)  }
0x237: {  	s6 =	simm.s32 $0x40;
	s1 =	simm.s32 $0x20;
	v12 =	vsel vm0, $0x1, v0;
	v11 =	vmpcnt.ones.xlane vm0;
	s7 =	sadd.s32 s31, s28  }
.LBB2_7:
0x238: {  	p1 =	sne.s32 s6, $0x1FE0  }
0x239: {  	(xrf0) =	vadd.scan.msk.s32 $0xffff, v12;
	s8 =	sadd.s32 $0x80000000, s7;
	s7 =	smov.u32 s6;
	s6 =	sadd.s32 $0x20, s6  }
0x23a: {  	v11 =	vxor.u32 $0x80000000, v11  }
0x23b: {  	(xrf0) =	vmax.scan.msk.u32 $0xffff, v11;
	_ =	sdelay $0x3  }
0x23c: {  	v11, _, _ =	vpop (xrf0)  }
0x23d: {  	v11 =	vsub.s32 v11, v12  }
0x23e: {  	v11 =	vadd.s32 s8, v11;
	v12, _, _ =	vpop (xrf0)  }
0x23f: {  	v13 =	vadd.s32 $0x2080, v11;
	(v2sf) =	vpush v12, $0xF;
	_ =	sdelay $0x3  }
0x240: {  	v12 =	vor.u32 s1, v1;
	[tilespmem:v11+s25+$0x0] =	vst.idx.msk vm0, v10  }
0x241: {  	[tilespmem:v13+s25+$0x0] =	vst.idx.msk vm0, v12  }
0x242: {  	v10 =	vld [tilespmem:s2+$0x0];
	_ =	sdelay $0x4  }
0x243: {  	vm0 =	vlt.s32 v10, $0x0  }
0x244: {  	v11 =	vsel vm0, $0x0, v5  }
0x245: {  	v10 =	vxor.u32 v10, v11  }
0x246: {  	v11 =	vshrl.u32 v10, $0x18  }
0x247: {  	vm0 =	vle.s32 v11, v8;
	s10 =	spop (v2sf)  }
0x248: {  	s8 =	sadd.s32 s10, s8;
	v11 =	vsel vm0, $0x1, v0;
	v12 =	vmpcnt.ones.xlane vm0  }
0x249: {  	(xrf0) =	vadd.scan.msk.s32 $0xffff, v11  }
0x24a: {  	v12 =	vxor.u32 $0x80000000, v12  }
0x24b: {  	(xrf0) =	vmax.scan.msk.u32 $0xffff, v12;
	_ =	sdelay $0x3  }
0x24c: {  	v12, _, _ =	vpop (xrf0)  }
0x24d: {  	s8 =	sadd.s32 $0x80000000, s8;
	v11 =	vsub.s32 v12, v11  }
0x24e: {  	v11 =	vadd.s32 s8, v11;
	v12, _, _ =	vpop (xrf0)  }
0x24f: {  	v13 =	vadd.s32 $0x2080, v11;
	(v2sf) =	vpush v12, $0xF;
	_ =	sdelay $0x2  }
0x250: {  	s10 =	sadd.s32 $0x10, s1;
	s1 =	smov.u32 s7  }
0x251: {  	v12 =	vor.u32 s10, v1;
	[tilespmem:v11+s25+$0x0] =	vst.idx.msk vm0, v10  }
0x252: {  	s2 =	sadd.s32 $0x20, s2;
	[tilespmem:v13+s25+$0x0] =	vst.idx.msk vm0, v12  }
0x253: {  	v10 =	vld [tilespmem:s2+$0xFFFFFFF0];
	_ =	sdelay $0x4  }
0x254: {  	vm0 =	vlt.s32 v10, $0x0  }
.Ltmp4:
0x255: {  	v11 =	vsel vm0, $0x0, v5;
	(pc) =	sbr.rel @p1 .LBB2_7-.Ltmp4, $4  }
0x256: {  	v10 =	vxor.u32 v10, v11  }
0x257: {  	v11 =	vshrl.u32 v10, $0x18  }
0x258: {  	vm0 =	vle.s32 v11, v8;
	s7 =	spop (v2sf)  }
0x259: {  	v12 =	vsel vm0, $0x1, v0;
	v11 =	vmpcnt.ones.xlane vm0;
	s7 =	sadd.s32 s7, s8  }
0x25a: {  	(xrf0) =	vadd.scan.msk.s32 $0xffff, v12;
	_ =	sdelay $0x5  }
0x25b: {  	v13, _, _ =	vpop (xrf0)  }
0x25c: {  	s6 =	sadd.s32 $0x80000000, s7;
	v57 =	vsub.s32 v13, v12  }
0x25d: {  	v12 =	vadd.s32 s6, v57  }
0x25e: {  	v58 =	vadd.s32 $0x2080, v12;
	_ =	sdelay $0x3  }
0x25f: {  	v14 =	vor.u32 s1, v1;
	[tilespmem:v12+s25+$0x0] =	vst.idx.msk vm0, v10  }
0x260: {  	[tilespmem:v58+s25+$0x0] =	vst.idx.msk vm0, v14  }
0x261: {  	v10 =	vld [tilespmem:s2+$0x0];
	_ =	sdelay $0x4  }
0x262: {  	vm14 =	vlt.s32 v10, $0x0  }
0x263: {  	v59 =	vsel vm14, $0x0, v5  }
0x264: {  	v10 =	vxor.u32 v10, v59  }
0x265: {  	v12 =	vshrl.u32 v10, $0x18  }
0x266: {  	vm15 =	vle.s32 v12, v8  }
0x267: {  	v8 =	vxor.u32 $0x80000000, v11;
	v11 =	vmpcnt.ones.xlane vm15  }
0x268: {  	(xrf0) =	vmax.scan.msk.u32 $0xffff, v8;
	v8 =	vsel vm15, $0x1, v0  }
0x269: {  	(xrf0) =	vadd.scan.msk.s32 $0xffff, v8;
	v11 =	vxor.u32 $0x80000000, v11  }
0x26a: {  	(xrf0) =	vmax.scan.msk.u32 $0xffff, v11;
	_ =	sdelay $0x3  }
0x26b: {  	v11, _, _ =	vpop (xrf0)  }
0x26c: {  	v9 =	vxor.u32 $0x80000000, v9;
	(v2sf) =	vpush v11, $0xF;
	v11, _, _ =	vpop (xrf0)  }
0x26d: {  	(xrf0) =	vmax.scan.msk.u32 $0xffff, v9;
	v60, _, _ =	vpop (xrf0)  }
0x26e: {  	(v2sf) =	vpush v60, $0xF;
	_ =	sdelay $0x4  }
0x26f: {  	v9, _, _ =	vpop (xrf0)  }
0x270: {  	(v2sf) =	vpush v9, $0xF;
	_ =	sdelay $0x6  }
0x271: {  	s24 =	spop (v2sf)  }
0x272: {  	s2 =	sadd.s32 s24, s6  }
0x273: {  	v8 =	vsub.s32 v11, v8;
	s2 =	sadd.s32 $0x80000000, s2;
	s26 =	spop (v2sf)  }
0x274: {  	v8 =	vadd.s32 s2, v8;
	s2 =	sadd.s32 s26, s2  }
0x275: {  	v9 =	vadd.s32 $0x2080, v8;
	s2 =	sadd.s32 $0x80000000, s2  }
0x276: {  	v61 =	vor.u32 $0x2080, v1;
	v11 =	vadd.s32 s2, v1  }
0x277: {  	v62 =	vadd.s32 s2, v61;
	s2 =	sadd.s32 $0x10, s2  }
0x278: {  	s28 =	sadd.s32 $0x10, s1;
	v63 =	vadd.s32 s2, v1  }
0x279: {  	s29 =	spop (v2sf);
	[tilespmem:v8+s25+$0x0] =	vst.idx.msk vm15, v10;
	v8 =	vor.u32 s28, v1;
	v10 =	vadd.s32 s2, v61  }
.Ltmp5:
0x27a: {  	s1 =	sadd.s32 $0x8000001F, s29;
	[tilespmem:v9+s25+$0x0] =	vst.idx.msk vm15, v8;
	(pc) =	sbr.rel .LBB2_9-.Ltmp5, $4  }
0x27b: {  	s31 =	sshrl.u32 s1, $0x5;
	[tilespmem:v11+s25+$0x0] =	vst.idx.msk $0xffff, v6  }
0x27c: {  	s1 =	sshll.u32 s31, $0x1;
	[tilespmem:v62+s25+$0x0] =	vst.idx.msk $0xffff, v7  }
0x27d: {  	v8 =	vmul.u32 s1, v1;
	[tilespmem:v63+s25+$0x0] =	vst.idx.msk $0xffff, v6  }
0x27e: {  	s2 =	simm.s32 $0x0;
	p1 =	seq.s32 s31, $0x0;
	[tilespmem:v10+s25+$0x0] =	vst.idx.msk $0xffff, v7  }
.LBB2_17:
0x27f: {  	s2 =	sadd.s32 $0x1, s2  }
0x280: {  	p2 =	sne.s32 s2, $0x4  }
.Ltmp6:
0x281: {  	_ = 	snop;
	(pc) =	sbr.rel @!p2 .LBB2_18-.Ltmp6, $1  }
0x282: {  	_ =	sdelay $0x3  }
.LBB2_9:
0x283: {  	[tilespmem:$0x14000] =	vst v0  }
0x284: {  	[tilespmem:$0x14010] =	vst v0  }
0x285: {  	[tilespmem:$0x14020] =	vst v0  }
0x286: {  	[tilespmem:$0x14030] =	vst v0  }
0x287: {  	[tilespmem:$0x14040] =	vst v0  }
0x288: {  	[tilespmem:$0x14050] =	vst v0  }
0x289: {  	[tilespmem:$0x14060] =	vst v0  }
0x28a: {  	[tilespmem:$0x14070] =	vst v0  }
0x28b: {  	[tilespmem:$0x14080] =	vst v0  }
0x28c: {  	[tilespmem:$0x14090] =	vst v0  }
0x28d: {  	[tilespmem:$0x140A0] =	vst v0  }
.Ltmp7:
0x28e: {  	[tilespmem:$0x140B0] =	vst v0;
	(pc) =	sbr.rel @p1 .LBB2_11-.Ltmp7, $4  }
0x28f: {  	[tilespmem:$0x140C0] =	vst v0  }
0x290: {  	[tilespmem:$0x140D0] =	vst v0  }
0x291: {  	s6 =	sshll.u32 s2, $0x3;
	[tilespmem:$0x140E0] =	vst v0  }
0x292: {  	[tilespmem:$0x140F0] =	vst v0;
	s7 =	simm.s32 $0x0;
	v9 =	vmov s6  }
.LBB2_10:
0x293: {  	v10 =	vadd.s32 s7, v8;
	_ =	sdelay $0x4  }
0x294: {  	v11 =	vld.idx.msk [tilespmem:v10+s25+$0x0], $0xffff;
	_ =	sdelay $0x4  }
0x295: {  	v12 =	vmul.u32 $0x10, v1;
	v11 =	vshrl.u32 v11, v9  }
0x296: {  	v11 =	vand.u32 $0xF, v11  }
0x297: {  	v11 =	vor.u32 v12, v11  }
0x298: {  	v10 =	vor.u32 $0x1, v10;
	_ =	sdelay $0x3  }
0x299: {  	[tilespmem:v11+s23+$0x0] =	vst.idx.add.s32.msk $0xffff, v4  }
0x29a: {  	v10 =	vld.idx.msk [tilespmem:v10+s25+$0x0], $0xffff;
	_ =	sdelay $0x4  }
0x29b: {  	v10 =	vshrl.u32 v10, v9  }
0x29c: {  	s7 =	sadd.s32 $0x2, s7;
	v10 =	vand.u32 $0xF, v10  }
0x29d: {  	p2 =	sne.s32 s1, s7;
	v10 =	vor.u32 v12, v10  }
.Ltmp8:
0x29e: {  	_ = 	snop;
	(pc) =	sbr.rel @p2 .LBB2_10-.Ltmp8, $2  }
0x29f: {  	_ =	sdelay $0x2  }
0x2a0: {  	[tilespmem:v10+s23+$0x0] =	vst.idx.add.s32.msk $0xffff, v4  }
.LBB2_11:
0x2a1: {  	v10 =	vld [tilespmem:$0x14000]  }
0x2a2: {  	v11 =	vld [tilespmem:$0x14010]  }
0x2a3: {  	v12 =	vld [tilespmem:$0x14020]  }
0x2a4: {  	v13 =	vld [tilespmem:$0x14030]  }
0x2a5: {  	v14 =	vld [tilespmem:$0x14040]  }
0x2a6: {  	v15 =	vld [tilespmem:$0x14050]  }
0x2a7: {  	v17 =	vld [tilespmem:$0x14060];
	v16 =	vadd.s32 v10, v11  }
0x2a8: {  	v18 =	vld [tilespmem:$0x14070];
	v16 =	vadd.s32 v12, v16  }
0x2a9: {  	v19 =	vld [tilespmem:$0x14080];
	v16 =	vadd.s32 v13, v16  }
0x2aa: {  	v20 =	vld [tilespmem:$0x14090];
	v16 =	vadd.s32 v14, v16  }
0x2ab: {  	v21 =	vld [tilespmem:$0x140A0];
	v16 =	vadd.s32 v15, v16  }
0x2ac: {  	v22 =	vld [tilespmem:$0x140B0];
	v16 =	vadd.s32 v17, v16  }
0x2ad: {  	v23 =	vld [tilespmem:$0x140C0];
	v16 =	vadd.s32 v18, v16  }
0x2ae: {  	v24 =	vld [tilespmem:$0x140D0];
	v16 =	vadd.s32 v19, v16  }
0x2af: {  	v25 =	vld [tilespmem:$0x140E0];
	v16 =	vadd.s32 v20, v16  }
0x2b0: {  	v26 =	vld [tilespmem:$0x140F0];
	v16 =	vadd.s32 v21, v16  }
0x2b1: {  	v16 =	vadd.s32 v22, v16  }
0x2b2: {  	v16 =	vadd.s32 v23, v16  }
0x2b3: {  	v16 =	vadd.s32 v24, v16  }
0x2b4: {  	v16 =	vadd.s32 v25, v16  }
0x2b5: {  	v16 =	vadd.s32 v26, v16  }
0x2b6: {  	(xrf0) =	vadd.scan.msk.s32 $0xffff, v16;
	_ =	sdelay $0x5  }
0x2b7: {  	v63, _, _ =	vpop (xrf0)  }
0x2b8: {  	v16 =	vsub.s32 v63, v16  }
0x2b9: {  	[tilespmem:$0x14000] =	vst v16;
	v10 =	vadd.s32 v10, v16  }
0x2ba: {  	[tilespmem:$0x14010] =	vst v10;
	v10 =	vadd.s32 v11, v10  }
0x2bb: {  	[tilespmem:$0x14020] =	vst v10;
	v10 =	vadd.s32 v12, v10  }
0x2bc: {  	[tilespmem:$0x14030] =	vst v10;
	v10 =	vadd.s32 v13, v10  }
0x2bd: {  	[tilespmem:$0x14040] =	vst v10;
	v10 =	vadd.s32 v14, v10  }
0x2be: {  	[tilespmem:$0x14050] =	vst v10;
	v10 =	vadd.s32 v15, v10  }
0x2bf: {  	[tilespmem:$0x14060] =	vst v10;
	v10 =	vadd.s32 v17, v10  }
0x2c0: {  	[tilespmem:$0x14070] =	vst v10;
	v10 =	vadd.s32 v18, v10  }
0x2c1: {  	[tilespmem:$0x14080] =	vst v10;
	v10 =	vadd.s32 v19, v10  }
0x2c2: {  	[tilespmem:$0x14090] =	vst v10;
	v10 =	vadd.s32 v20, v10  }
0x2c3: {  	[tilespmem:$0x140A0] =	vst v10;
	v10 =	vadd.s32 v21, v10  }
.Ltmp9:
0x2c4: {  	[tilespmem:$0x140B0] =	vst v10;
	v10 =	vadd.s32 v22, v10;
	(pc) =	sbr.rel @p1 .LBB2_13-.Ltmp9, $4  }
0x2c5: {  	[tilespmem:$0x140C0] =	vst v10;
	v10 =	vadd.s32 v23, v10  }
0x2c6: {  	[tilespmem:$0x140D0] =	vst v10;
	v10 =	vadd.s32 v24, v10  }
0x2c7: {  	[tilespmem:$0x140E0] =	vst v10;
	v10 =	vadd.s32 v25, v10  }
0x2c8: {  	s7 =	simm.s32 $0x0;
	[tilespmem:$0x140F0] =	vst v10  }
.LBB2_12:
0x2c9: {  	v10 =	vadd.s32 s7, v8;
	_ =	sdelay $0x4  }
0x2ca: {  	v11 =	vld.idx.msk [tilespmem:v10+s25+$0x0], $0xffff;
	_ =	sdelay $0x4  }
0x2cb: {  	v13 =	vmul.u32 $0x10, v1;
	v12 =	vshrl.u32 v11, v9  }
0x2cc: {  	v12 =	vand.u32 $0xF, v12  }
0x2cd: {  	v12 =	vor.u32 v13, v12;
	_ =	sdelay $0x3  }
0x2ce: {  	v14 =	vand.u32 $0xFFFFFFFE, v10  }
0x2cf: {  	v14 =	vadd.s32 $0x2080, v14;
	v15 =	vld.idx.msk [tilespmem:v12+s23+$0x0], $0xffff;
	_ =	sdelay $0x4  }
0x2d0: {  	v14 =	vld.idx.msk [tilespmem:v14+s25+$0x0], $0xffff;
	v16 =	vadd.s32 $0x2080, v15;
	_ =	sdelay $0x1  }
0x2d1: {  	v17 =	vor.u32 $0x1, v10;
	_ =	sdelay $0x1  }
0x2d2: {  	[tilespmem:v15+s30+$0x0] =	vst.idx.msk $0xffff, v11  }
0x2d3: {  	[tilespmem:v16+s30+$0x0] =	vst.idx.msk $0xffff, v14  }
0x2d4: {  	[tilespmem:v12+s23+$0x0] =	vst.idx.add.s32.msk $0xffff, v4  }
0x2d5: {  	v11 =	vld.idx.msk [tilespmem:v17+s25+$0x0], $0xffff;
	_ =	sdelay $0x4  }
0x2d6: {  	v62 =	vshrl.u32 v11, v9  }
0x2d7: {  	v12 =	vand.u32 $0xF, v62  }
0x2d8: {  	v12 =	vor.u32 v13, v12;
	_ =	sdelay $0x4  }
0x2d9: {  	v10 =	vadd.s32 $0x2081, v10;
	v13 =	vld.idx.msk [tilespmem:v12+s23+$0x0], $0xffff;
	_ =	sdelay $0x4  }
0x2da: {  	s7 =	sadd.s32 $0x2, s7;
	v10 =	vld.idx.msk [tilespmem:v10+s25+$0x0], $0xffff;
	v63 =	vadd.s32 $0x2080, v13  }
0x2db: {  	p2 =	sne.s32 s1, s7  }
.Ltmp10:
0x2dc: {  	_ = 	snop;
	(pc) =	sbr.rel @p2 .LBB2_12-.Ltmp10, $4  }
0x2dd: {  	_ = 	snop  }
0x2de: {  	[tilespmem:v13+s30+$0x0] =	vst.idx.msk $0xffff, v11  }
0x2df: {  	[tilespmem:v63+s30+$0x0] =	vst.idx.msk $0xffff, v10  }
0x2e0: {  	[tilespmem:v12+s23+$0x0] =	vst.idx.add.s32.msk $0xffff, v4  }
.LBB2_13:
0x2e1: {  	[tilespmem:$0x14000] =	vst v0  }
0x2e2: {  	[tilespmem:$0x14010] =	vst v0  }
0x2e3: {  	[tilespmem:$0x14020] =	vst v0  }
0x2e4: {  	[tilespmem:$0x14030] =	vst v0  }
0x2e5: {  	[tilespmem:$0x14040] =	vst v0  }
0x2e6: {  	[tilespmem:$0x14050] =	vst v0  }
0x2e7: {  	[tilespmem:$0x14060] =	vst v0  }
0x2e8: {  	[tilespmem:$0x14070] =	vst v0  }
0x2e9: {  	[tilespmem:$0x14080] =	vst v0  }
0x2ea: {  	[tilespmem:$0x14090] =	vst v0  }
0x2eb: {  	[tilespmem:$0x140A0] =	vst v0  }
.Ltmp11:
0x2ec: {  	[tilespmem:$0x140B0] =	vst v0;
	(pc) =	sbr.rel @p1 .LBB2_15-.Ltmp11, $4  }
0x2ed: {  	[tilespmem:$0x140C0] =	vst v0  }
0x2ee: {  	[tilespmem:$0x140D0] =	vst v0  }
0x2ef: {  	s6 =	sor.u32 $0x4, s6;
	[tilespmem:$0x140E0] =	vst v0  }
0x2f0: {  	[tilespmem:$0x140F0] =	vst v0;
	v9 =	vmov s6;
	s6 =	simm.s32 $0x0  }
.LBB2_14:
0x2f1: {  	v10 =	vadd.s32 s6, v8;
	_ =	sdelay $0x4  }
0x2f2: {  	v11 =	vld.idx.msk [tilespmem:v10+s30+$0x0], $0xffff;
	_ =	sdelay $0x4  }
0x2f3: {  	v12 =	vmul.u32 $0x10, v1;
	v11 =	vshrl.u32 v11, v9  }
0x2f4: {  	v11 =	vand.u32 $0xF, v11  }
0x2f5: {  	v11 =	vor.u32 v12, v11  }
0x2f6: {  	v10 =	vor.u32 $0x1, v10;
	_ =	sdelay $0x3  }
0x2f7: {  	[tilespmem:v11+s23+$0x0] =	vst.idx.add.s32.msk $0xffff, v4  }
0x2f8: {  	v10 =	vld.idx.msk [tilespmem:v10+s30+$0x0], $0xffff;
	_ =	sdelay $0x4  }
0x2f9: {  	v10 =	vshrl.u32 v10, v9  }
0x2fa: {  	s6 =	sadd.s32 $0x2, s6;
	v10 =	vand.u32 $0xF, v10  }
0x2fb: {  	p2 =	sne.s32 s1, s6;
	v10 =	vor.u32 v12, v10  }
.Ltmp12:
0x2fc: {  	_ = 	snop;
	(pc) =	sbr.rel @p2 .LBB2_14-.Ltmp12, $2  }
0x2fd: {  	_ =	sdelay $0x2  }
0x2fe: {  	[tilespmem:v10+s23+$0x0] =	vst.idx.add.s32.msk $0xffff, v4  }
.LBB2_15:
0x2ff: {  	v10 =	vld [tilespmem:$0x14000]  }
0x300: {  	v11 =	vld [tilespmem:$0x14010]  }
0x301: {  	v12 =	vld [tilespmem:$0x14020]  }
0x302: {  	v13 =	vld [tilespmem:$0x14030]  }
0x303: {  	v14 =	vld [tilespmem:$0x14040]  }
0x304: {  	v15 =	vld [tilespmem:$0x14050]  }
0x305: {  	v17 =	vld [tilespmem:$0x14060];
	v16 =	vadd.s32 v10, v11  }
0x306: {  	v18 =	vld [tilespmem:$0x14070];
	v16 =	vadd.s32 v12, v16  }
0x307: {  	v19 =	vld [tilespmem:$0x14080];
	v16 =	vadd.s32 v13, v16  }
0x308: {  	v20 =	vld [tilespmem:$0x14090];
	v16 =	vadd.s32 v14, v16  }
0x309: {  	v21 =	vld [tilespmem:$0x140A0];
	v16 =	vadd.s32 v15, v16  }
0x30a: {  	v22 =	vld [tilespmem:$0x140B0];
	v16 =	vadd.s32 v17, v16  }
0x30b: {  	v23 =	vld [tilespmem:$0x140C0];
	v16 =	vadd.s32 v18, v16  }
0x30c: {  	v24 =	vld [tilespmem:$0x140D0];
	v16 =	vadd.s32 v19, v16  }
0x30d: {  	v25 =	vld [tilespmem:$0x140E0];
	v16 =	vadd.s32 v20, v16  }
0x30e: {  	v26 =	vld [tilespmem:$0x140F0];
	v16 =	vadd.s32 v21, v16  }
0x30f: {  	v16 =	vadd.s32 v22, v16  }
0x310: {  	v16 =	vadd.s32 v23, v16  }
0x311: {  	v16 =	vadd.s32 v24, v16  }
0x312: {  	v16 =	vadd.s32 v25, v16  }
0x313: {  	v16 =	vadd.s32 v26, v16  }
0x314: {  	(xrf0) =	vadd.scan.msk.s32 $0xffff, v16;
	_ =	sdelay $0x5  }
0x315: {  	v63, _, _ =	vpop (xrf0)  }
0x316: {  	v16 =	vsub.s32 v63, v16  }
0x317: {  	[tilespmem:$0x14000] =	vst v16;
	v10 =	vadd.s32 v10, v16  }
0x318: {  	[tilespmem:$0x14010] =	vst v10;
	v10 =	vadd.s32 v11, v10  }
0x319: {  	[tilespmem:$0x14020] =	vst v10;
	v10 =	vadd.s32 v12, v10  }
0x31a: {  	[tilespmem:$0x14030] =	vst v10;
	v10 =	vadd.s32 v13, v10  }
0x31b: {  	[tilespmem:$0x14040] =	vst v10;
	v10 =	vadd.s32 v14, v10  }
0x31c: {  	[tilespmem:$0x14050] =	vst v10;
	v10 =	vadd.s32 v15, v10  }
0x31d: {  	[tilespmem:$0x14060] =	vst v10;
	v10 =	vadd.s32 v17, v10  }
0x31e: {  	[tilespmem:$0x14070] =	vst v10;
	v10 =	vadd.s32 v18, v10  }
0x31f: {  	[tilespmem:$0x14080] =	vst v10;
	v10 =	vadd.s32 v19, v10  }
0x320: {  	[tilespmem:$0x14090] =	vst v10;
	v10 =	vadd.s32 v20, v10  }
0x321: {  	[tilespmem:$0x140A0] =	vst v10;
	v10 =	vadd.s32 v21, v10  }
.Ltmp13:
0x322: {  	[tilespmem:$0x140B0] =	vst v10;
	v10 =	vadd.s32 v22, v10;
	(pc) =	sbr.rel @p1 .LBB2_17-.Ltmp13, $4  }
0x323: {  	[tilespmem:$0x140C0] =	vst v10;
	v10 =	vadd.s32 v23, v10  }
0x324: {  	[tilespmem:$0x140D0] =	vst v10;
	v10 =	vadd.s32 v24, v10  }
0x325: {  	[tilespmem:$0x140E0] =	vst v10;
	v10 =	vadd.s32 v25, v10  }
0x326: {  	s6 =	simm.s32 $0x0;
	[tilespmem:$0x140F0] =	vst v10  }
.LBB2_16:
0x327: {  	v10 =	vadd.s32 s6, v8;
	_ =	sdelay $0x4  }
0x328: {  	v11 =	vld.idx.msk [tilespmem:v10+s30+$0x0], $0xffff;
	_ =	sdelay $0x4  }
0x329: {  	v13 =	vmul.u32 $0x10, v1;
	v12 =	vshrl.u32 v11, v9  }
0x32a: {  	v12 =	vand.u32 $0xF, v12  }
0x32b: {  	v12 =	vor.u32 v13, v12;
	_ =	sdelay $0x3  }
0x32c: {  	v14 =	vand.u32 $0xFFFFFFFE, v10  }
0x32d: {  	v14 =	vadd.s32 $0x2080, v14;
	v15 =	vld.idx.msk [tilespmem:v12+s23+$0x0], $0xffff;
	_ =	sdelay $0x4  }
0x32e: {  	v14 =	vld.idx.msk [tilespmem:v14+s30+$0x0], $0xffff;
	v16 =	vadd.s32 $0x2080, v15;
	_ =	sdelay $0x1  }
0x32f: {  	v17 =	vor.u32 $0x1, v10;
	_ =	sdelay $0x1  }
0x330: {  	[tilespmem:v15+s25+$0x0] =	vst.idx.msk $0xffff, v11  }
0x331: {  	[tilespmem:v16+s25+$0x0] =	vst.idx.msk $0xffff, v14  }
0x332: {  	[tilespmem:v12+s23+$0x0] =	vst.idx.add.s32.msk $0xffff, v4  }
0x333: {  	v11 =	vld.idx.msk [tilespmem:v17+s30+$0x0], $0xffff;
	_ =	sdelay $0x4  }
0x334: {  	v62 =	vshrl.u32 v11, v9  }
0x335: {  	v12 =	vand.u32 $0xF, v62  }
0x336: {  	v12 =	vor.u32 v13, v12;
	_ =	sdelay $0x4  }
0x337: {  	v10 =	vadd.s32 $0x2081, v10;
	v13 =	vld.idx.msk [tilespmem:v12+s23+$0x0], $0xffff;
	_ =	sdelay $0x4  }
0x338: {  	s6 =	sadd.s32 $0x2, s6;
	v10 =	vld.idx.msk [tilespmem:v10+s30+$0x0], $0xffff;
	v63 =	vadd.s32 $0x2080, v13  }
0x339: {  	p2 =	sne.s32 s1, s6  }
.Ltmp14:
0x33a: {  	_ = 	snop;
	(pc) =	sbr.rel @p2 .LBB2_16-.Ltmp14, $4  }
0x33b: {  	_ = 	snop  }
0x33c: {  	[tilespmem:v13+s25+$0x0] =	vst.idx.msk $0xffff, v11  }
0x33d: {  	[tilespmem:v63+s25+$0x0] =	vst.idx.msk $0xffff, v10  }
0x33e: {  	[tilespmem:v12+s23+$0x0] =	vst.idx.add.s32.msk $0xffff, v4  }
.Ltmp15:
0x33f: {  	_ = 	snop;
	(pc) =	sbr.rel .LBB2_17-.Ltmp15, $1  }
0x340: {  	_ =	sdelay $0x3  }
.LBB2_19:
0x341: {  	_ =	strace $0x90000048  }
0x342: {  	[bflag:$0x0] =	sbarrier.arrive $0xFFFF  }
0x343: {  	s2 =	simm.s32 $0x200;
	s6 =	simm.s32 $0x15100;
	s1 =	rddreg [dreg:$0x8]  }
0x344: {  	[tilespmem:s6], [sflag:$0x5] =	stream.strided.gather [spmem:s1], $0x8000, s2, s20, $0x38;
	[tilespmem:$0x1F200] =	vst v63  }
0x345: {  	_ =	swait.ge [sflag:s22], $0x8000  }
0x346: {  	[sflag:s22] =	ssyncset.done $0x0  }
0x347: {  	s1 =	simm.s32 $0x0;
	[sflag:s22] =	ssyncadd.s32 $0xFFFF8000  }
0x348: {  	v8 =	vld [tilespmem:s1+$0x15100]  }
0x349: {  	s2 =	simm.s32 $0x40  }
.LBB2_20:
0x34a: {  	p1 =	sne.s32 s2, $0x1FFC0  }
.Ltmp16:
0x34b: {  	_ = 	snop;
	(pc) =	sbr.rel @p1 .LBB2_20-.Ltmp16, $4  }
0x34c: {  	_ = 	snop  }
0x34d: {  	s6 =	sshra.s32 s2, $0x2;
	s2 =	sadd.s32 $0x40, s2;
	v9 =	vcvt.s32.f32 v8  }
0x34e: {  	v8 =	vld [tilespmem:s6+$0x15100]  }
0x34f: {  	[tilespmem:s1+$0x4000] =	vst v9;
	s1 =	smov.u32 s6  }
0x350: {  	_ =	sdelay $0x2  }
0x351: {  	v8 =	vcvt.s32.f32 v8;
	_ =	sdelay $0x1  }
0x352: {  	s24 =	rddreg [dreg:$0x9];
	[tilespmem:s1+$0x4000] =	vst v8  }
0x353: {  	[hbm4b:s24+s20] =	stream.strided.scatter [tilespmem:s30], [sflag:$0x5], $0x8000, s21, s20, $0x38;
	[tilespmem:$0x1F200] =	vst v63  }
0x354: {  	_ =	swait.ge [sflag:s22], $0x8000  }
0x355: {  	[sflag:s22] =	ssyncset.done $0x0  }
0x356: {  	s26 =	rddreg [dreg:$0xa];
	[sflag:s22] =	ssyncadd.s32 $0xFFFF8000  }
0x357: {  	[hbm4b:s26+s20] =	stream.strided.scatter [tilespmem:s30], [sflag:$0x5], $0x8000, s21, s20, $0x38;
	[tilespmem:$0x1F200] =	vst v63  }
0x358: {  	_ =	swait.ge [sflag:s22], $0x8000  }
0x359: {  	[sflag:s22] =	ssyncset.done $0x0  }
0x35a: {  	s28 =	rddreg [dreg:$0xb];
	[sflag:s22] =	ssyncadd.s32 $0xFFFF8000  }
0x35b: {  	[hbm4b:s28+s20] =	stream.strided.scatter [tilespmem:s30], [sflag:$0x5], $0x8000, s21, s20, $0x38;
	[tilespmem:$0x1F200] =	vst v63  }
0x35c: {  	_ =	swait.ge [sflag:s22], $0x8000  }
0x35d: {  	[sflag:s22] =	ssyncset.done $0x0  }
0x35e: {  	s29 =	rddreg [dreg:$0xc];
	[sflag:s22] =	ssyncadd.s32 $0xFFFF8000  }
0x35f: {  	[hbm4b:s29+s20] =	stream.strided.scatter [tilespmem:s30], [sflag:$0x5], $0x8000, s21, s20, $0x38;
	[tilespmem:$0x1F200] =	vst v63  }
0x360: {  	_ =	swait.ge [sflag:s22], $0x8000  }
0x361: {  	s2 =	simm.s32 @!p0 $0x400;
	s6 =	simm.s32 @!p0 $0x4000;
	[sflag:s22] =	ssyncset.done $0x0  }
0x362: {  	s1 =	simm.s32 @!p0 $0x80;
	s7 =	rddreg [dreg:$0xd];
	[sflag:s22] =	ssyncadd.s32 $0xFFFF8000  }
0x363: {  	[hbm4b:s7+s1] =	stream.strided.scatter @!p0 [tilespmem:s6], [sflag:$0x5], $0x8000, s2, s1, $0x38;
	[tilespmem:$0x1F200] =	vst v63  }
0x364: {  	s1 =	simm.s32 @!p0 $0x5  }
0x365: {  	_ =	swait.ge @!p0 [sflag:s1], $0x8000  }
0x366: {  	[sflag:s1] =	ssyncset.done @!p0 $0x0  }
0x367: {  	s31 =	rddreg [dreg:$0xf];
	[sflag:s1] =	ssyncadd.s32 @!p0 $0xFFFF8000;
	s1 =	simm.s32 $0x0  }
0x368: {  	[tilespmem:s1], [sflag:$0x1] =	stream.strided.gather [hbm4b:s31+s20], $0x2000, s21, s20, $0x38;
	[tilespmem:$0x1F200] =	vst v63  }
0x369: {  	_ =	strace $0x80000049  }
0x36a: {  	s15 =	rddreg [dreg:$0x0]  }
0x36b: {  	s16 =	rddreg [dreg:$0x3]  }
.LBB2_22:
0x36c: {  	s2 =	sshll.u32 s1, $0x1;
	s6 =	rddreg [dreg:$0xe]  }
0x36d: {  	s10 =	sadd.s32 s6, s2  }
0x36e: {  	s29 =	sshll.u32 s1, $0x8;
	s7 =	sshrl.u32 s10, $0x3  }
0x36f: {  	s13 =	sand.u32 $0x300, s29;
	s31 =	sshll.u32 s7, $0x10  }
0x370: {  	s8 =	simm.s32 $0x1;
	s2 =	sor.u32 $0x80, s13;
	s6 =	sadd.s32 s12, s31  }
0x371: {  	_ =	swait.ge [sflag:s8], $0x2000;
	s6 =	sor.u32 s2, s6  }
0x372: {  	[sflag:s8] =	ssyncset.done $0x0;
	s6 =	sshrl.u32 s6, $0x3  }
0x373: {  	p1 =	seq.s32 s1, $0x0;
	[sflag:s8] =	ssyncadd.s32 $0xFFFFE000;
	s6 =	sadd.s32 s15, s6  }
0x374: {  	[tilespmem:s0], [sflag:$0x2] =	stream.strided.gather [hbm4b:s6+s20], $0x2000, s21, s20, $0x200038;
	[tilespmem:$0x1F200] =	vst v63  }
0x375: {  	s6 =	simm.s32 @!p1 $0x3  }
0x376: {  	_ =	swait.ge @!p1 [sflag:s6], $0x8000  }
0x377: {  	[sflag:s6] =	ssyncset.done @!p1 $0x0  }
0x378: {  	[sflag:s6] =	ssyncadd.s32 @!p1 $0xFFFF8000  }
0x379: {  	_ =	swait.ge @!p1 [sflag:s6], $0x80  }
0x37a: {  	s14 =	simm.s32 $0x0;
	[sflag:s6] =	ssyncset.done @!p1 $0x0  }
0x37b: {  	s8 =	simm.s32 $0x15180;
	[sflag:s6] =	ssyncadd.s32 @!p1 $0xFFFFFF80;
	s6 =	simm.s32 $0x4080  }
.LBB2_23:
0x37c: {  	v8 =	vld [tilespmem:s8+$0xFFFFFF80];
	_ =	sdelay $0x7  }
0x37d: {  	v8 =	vld.idx.msk [tilespmem:v8+s3+$0x0], $0xffff;
	_ =	sdelay $0x4  }
0x37e: {  	[tilespmem:s6+$0xFFFFFF80] =	vst v8  }
0x37f: {  	v9 =	vld [tilespmem:s8+$0xFFFFFF90];
	_ =	sdelay $0x7  }
0x380: {  	v9 =	vld.idx.msk [tilespmem:v9+s3+$0x0], $0xffff;
	_ =	sdelay $0x4  }
0x381: {  	[tilespmem:s6+$0xFFFFFF90] =	vst v9  }
0x382: {  	v10 =	vld [tilespmem:s8+$0xFFFFFFA0];
	_ =	sdelay $0x7  }
0x383: {  	v10 =	vld.idx.msk [tilespmem:v10+s3+$0x0], $0xffff;
	_ =	sdelay $0x4  }
0x384: {  	[tilespmem:s6+$0xFFFFFFA0] =	vst v10  }
0x385: {  	v11 =	vld [tilespmem:s8+$0xFFFFFFB0];
	_ =	sdelay $0x7  }
0x386: {  	v11 =	vld.idx.msk [tilespmem:v11+s3+$0x0], $0xffff;
	_ =	sdelay $0x4  }
0x387: {  	[tilespmem:s6+$0xFFFFFFB0] =	vst v11  }
0x388: {  	v12 =	vld [tilespmem:s8+$0xFFFFFFC0];
	_ =	sdelay $0x7  }
0x389: {  	v12 =	vld.idx.msk [tilespmem:v12+s3+$0x0], $0xffff;
	_ =	sdelay $0x4  }
0x38a: {  	[tilespmem:s6+$0xFFFFFFC0] =	vst v12  }
0x38b: {  	v13 =	vld [tilespmem:s8+$0xFFFFFFD0];
	_ =	sdelay $0x7  }
0x38c: {  	v13 =	vld.idx.msk [tilespmem:v13+s3+$0x0], $0xffff;
	_ =	sdelay $0x4  }
0x38d: {  	[tilespmem:s6+$0xFFFFFFD0] =	vst v13  }
0x38e: {  	v14 =	vld [tilespmem:s8+$0xFFFFFFE0];
	_ =	sdelay $0x7  }
0x38f: {  	v14 =	vld.idx.msk [tilespmem:v14+s3+$0x0], $0xffff;
	_ =	sdelay $0x4  }
0x390: {  	[tilespmem:s6+$0xFFFFFFE0] =	vst v14  }
0x391: {  	v15 =	vld [tilespmem:s8+$0xFFFFFFF0];
	_ =	sdelay $0x7  }
0x392: {  	v15 =	vld.idx.msk [tilespmem:v15+s3+$0x0], $0xffff;
	_ =	sdelay $0x4  }
0x393: {  	[tilespmem:s6+$0xFFFFFFF0] =	vst v15  }
0x394: {  	v16 =	vld [tilespmem:s8+$0x0];
	_ =	sdelay $0x7  }
0x395: {  	v16 =	vld.idx.msk [tilespmem:v16+s3+$0x0], $0xffff;
	_ =	sdelay $0x4  }
0x396: {  	[tilespmem:s6+$0x0] =	vst v16  }
0x397: {  	v17 =	vld [tilespmem:s8+$0x10];
	_ =	sdelay $0x7  }
0x398: {  	v17 =	vld.idx.msk [tilespmem:v17+s3+$0x0], $0xffff;
	_ =	sdelay $0x4  }
0x399: {  	[tilespmem:s6+$0x10] =	vst v17  }
0x39a: {  	v18 =	vld [tilespmem:s8+$0x20];
	_ =	sdelay $0x7  }
0x39b: {  	v18 =	vld.idx.msk [tilespmem:v18+s3+$0x0], $0xffff;
	_ =	sdelay $0x4  }
0x39c: {  	[tilespmem:s6+$0x20] =	vst v18  }
0x39d: {  	v19 =	vld [tilespmem:s8+$0x30];
	_ =	sdelay $0x7  }
0x39e: {  	v19 =	vld.idx.msk [tilespmem:v19+s3+$0x0], $0xffff;
	_ =	sdelay $0x4  }
0x39f: {  	[tilespmem:s6+$0x30] =	vst v19  }
0x3a0: {  	v20 =	vld [tilespmem:s8+$0x40];
	_ =	sdelay $0x7  }
0x3a1: {  	v20 =	vld.idx.msk [tilespmem:v20+s3+$0x0], $0xffff;
	_ =	sdelay $0x4  }
0x3a2: {  	[tilespmem:s6+$0x40] =	vst v20  }
0x3a3: {  	v21 =	vld [tilespmem:s8+$0x50];
	_ =	sdelay $0x7  }
0x3a4: {  	v21 =	vld.idx.msk [tilespmem:v21+s3+$0x0], $0xffff;
	_ =	sdelay $0x4  }
0x3a5: {  	[tilespmem:s6+$0x50] =	vst v21  }
0x3a6: {  	v22 =	vld [tilespmem:s8+$0x60];
	_ =	sdelay $0x7  }
0x3a7: {  	v22 =	vld.idx.msk [tilespmem:v22+s3+$0x0], $0xffff;
	_ =	sdelay $0x4  }
0x3a8: {  	v8 =	vmax.f32 v8, v9;
	[tilespmem:s6+$0x60] =	vst v22  }
0x3a9: {  	v8 =	vmax.f32 v8, v10;
	v62 =	vld [tilespmem:s8+$0x70]  }
0x3aa: {  	v8 =	vmax.f32 v8, v11  }
0x3ab: {  	v8 =	vmax.f32 v8, v12  }
0x3ac: {  	v8 =	vmax.f32 v8, v13  }
0x3ad: {  	v8 =	vmax.f32 v8, v14  }
0x3ae: {  	v8 =	vmax.f32 v8, v15  }
0x3af: {  	v8 =	vmax.f32 v8, v16  }
0x3b0: {  	v8 =	vmax.f32 v8, v17  }
0x3b1: {  	v8 =	vmax.f32 v8, v18;
	v9 =	vld.idx.msk [tilespmem:v62+s3+$0x0], $0xffff  }
0x3b2: {  	v8 =	vmax.f32 v8, v19  }
0x3b3: {  	v8 =	vmax.f32 v8, v20  }
0x3b4: {  	v8 =	vmax.f32 v8, v21  }
0x3b5: {  	v8 =	vmax.f32 v8, v22  }
0x3b6: {  	v8 =	vmax.f32 v8, v9  }
0x3b7: {  	(xrf0) =	vmax.scan.msk.f32 $0xffff, v8;
	_ =	sdelay $0x3  }
0x3b8: {  	p1 =	sne.s32 s14, $0x7F;
	v8 =	vmov s14  }
.Ltmp17:
0x3b9: {  	_ = 	snop;
	(pc) =	sbr.rel @p1 .LBB2_23-.Ltmp17, $4  }
0x3ba: {  	v63, _, _ =	vpop (xrf0)  }
0x3bb: {  	v10 =	vbroadcast v63, $0xF  }
0x3bc: {  	[tilespmem:s6+$0x70] =	vst v9  }
0x3bd: {  	s8 =	sadd.s32 $0x100, s8;
	s6 =	sadd.s32 $0x100, s6;
	s14 =	sadd.s32 $0x1, s14;
	[tilespmem:v8+s4+$0x0] =	vst.idx.msk $0x1, v10  }
0x3be: {  	s6 =	sshll.u32 s7, $0x12;
	s8 =	rddreg [dreg:$0x10]  }
0x3bf: {  	s6 =	sadd.s32 s8, s6  }
0x3c0: {  	s8 =	sor.u32 s13, s6  }
0x3c1: {  	s28 =	sshll.u32 s7, $0xA;
	s29 =	rddreg [dreg:$0x11];
	s8 =	sshrl.u32 s8, $0x3  }
0x3c2: {  	s7 =	sadd.s32 s29, s28;
	s8 =	sadd.s32 s5, s8  }
0x3c3: {  	[hbm4b:s8+s20] =	stream.strided.scatter [tilespmem:s30], [sflag:$0x3], $0x8000, s21, s20, $0x200038;
	[tilespmem:$0x1F200] =	vst v63  }
0x3c4: {  	s8 =	sor.u32 s13, s7  }
0x3c5: {  	s8 =	sshrl.u32 s8, $0x3  }
0x3c6: {  	p1 =	seq.s32 s1, $0xF;
	s8 =	sadd.s32 s16, s8  }
0x3c7: {  	[hbm4b:s8+s3] =	stream.linear.scatter [tilespmem:s4], [sflag:$0x3], $0x80, $0x200038;
	[tilespmem:$0x1F200] =	vst v63  }
0x3c8: {  	s8 =	sadd.s32 @!p1 $0x2, s10  }
0x3c9: {  	s10 =	sshll.u32 @!p1 s8, $0xD  }
0x3ca: {  	s31 =	simm.s32 $0x2;
	s8 =	sshll.u32 @!p1 s8, $0x7;
	s10 =	sand.u32 @!p1 $0x1F0000, s10  }
0x3cb: {  	p2 =	seq.s32 @!p1 s1, $0x0;
	s8 =	sand.u32 @!p1 $0x300, s8;
	s10 =	sadd.s32 @!p1 s12, s10  }
0x3cc: {  	s14 =	simm.s32 @!p1 $0x0;
	_ =	swait.ge [sflag:s31], $0x2000;
	s8 =	sor.u32 @!p1 s8, s10  }
0x3cd: {  	s13 =	simm.s32 @!p1 $0x400;
	[sflag:s31] =	ssyncset.done $0x0;
	s8 =	sshrl.u32 @!p1 s8, $0x3  }
0x3ce: {  	[sflag:s31] =	ssyncadd.s32 $0xFFFFE000;
	s10 =	simm.s32 @!p1 $0x80;
	s8 =	sadd.s32 @!p1 s15, s8  }
0x3cf: {  	[tilespmem:s14], [sflag:$0x1] =	stream.strided.gather @!p1 [hbm4b:s8+s10], $0x2000, s13, s10, $0x200038;
	[tilespmem:$0x1F200] =	vst v63  }
0x3d0: {  	p1 =	por p1, !p2  }
0x3d1: {  	_ =	swait.ge @p1 [sflag:s11], $0x8000  }
0x3d2: {  	[sflag:s11] =	ssyncset.done @p1 $0x0  }
0x3d3: {  	[sflag:s11] =	ssyncadd.s32 @p1 $0xFFFF8000  }
0x3d4: {  	_ =	swait.ge @p1 [sflag:s11], $0x80  }
0x3d5: {  	s8 =	simm.s32 $0x0;
	[sflag:s11] =	ssyncset.done @p1 $0x0  }
0x3d6: {  	s10 =	simm.s32 $0xC080;
	s13 =	simm.s32 $0x15180;
	[sflag:s11] =	ssyncadd.s32 @p1 $0xFFFFFF80  }
.LBB2_25:
0x3d7: {  	v8 =	vld [tilespmem:s13+$0xFFFFFF80];
	_ =	sdelay $0x7  }
0x3d8: {  	v8 =	vld.idx.msk [tilespmem:v8+s0+$0x0], $0xffff;
	_ =	sdelay $0x4  }
0x3d9: {  	[tilespmem:s10+$0xFFFFFF80] =	vst v8  }
0x3da: {  	v9 =	vld [tilespmem:s13+$0xFFFFFF90];
	_ =	sdelay $0x7  }
0x3db: {  	v9 =	vld.idx.msk [tilespmem:v9+s0+$0x0], $0xffff;
	_ =	sdelay $0x4  }
0x3dc: {  	[tilespmem:s10+$0xFFFFFF90] =	vst v9  }
0x3dd: {  	v10 =	vld [tilespmem:s13+$0xFFFFFFA0];
	_ =	sdelay $0x7  }
0x3de: {  	v10 =	vld.idx.msk [tilespmem:v10+s0+$0x0], $0xffff;
	_ =	sdelay $0x4  }
0x3df: {  	[tilespmem:s10+$0xFFFFFFA0] =	vst v10  }
0x3e0: {  	v11 =	vld [tilespmem:s13+$0xFFFFFFB0];
	_ =	sdelay $0x7  }
0x3e1: {  	v11 =	vld.idx.msk [tilespmem:v11+s0+$0x0], $0xffff;
	_ =	sdelay $0x4  }
0x3e2: {  	[tilespmem:s10+$0xFFFFFFB0] =	vst v11  }
0x3e3: {  	v12 =	vld [tilespmem:s13+$0xFFFFFFC0];
	_ =	sdelay $0x7  }
0x3e4: {  	v12 =	vld.idx.msk [tilespmem:v12+s0+$0x0], $0xffff;
	_ =	sdelay $0x4  }
0x3e5: {  	[tilespmem:s10+$0xFFFFFFC0] =	vst v12  }
0x3e6: {  	v13 =	vld [tilespmem:s13+$0xFFFFFFD0];
	_ =	sdelay $0x7  }
0x3e7: {  	v13 =	vld.idx.msk [tilespmem:v13+s0+$0x0], $0xffff;
	_ =	sdelay $0x4  }
0x3e8: {  	[tilespmem:s10+$0xFFFFFFD0] =	vst v13  }
0x3e9: {  	v14 =	vld [tilespmem:s13+$0xFFFFFFE0];
	_ =	sdelay $0x7  }
0x3ea: {  	v14 =	vld.idx.msk [tilespmem:v14+s0+$0x0], $0xffff;
	_ =	sdelay $0x4  }
0x3eb: {  	[tilespmem:s10+$0xFFFFFFE0] =	vst v14  }
0x3ec: {  	v15 =	vld [tilespmem:s13+$0xFFFFFFF0];
	_ =	sdelay $0x7  }
0x3ed: {  	v15 =	vld.idx.msk [tilespmem:v15+s0+$0x0], $0xffff;
	_ =	sdelay $0x4  }
0x3ee: {  	[tilespmem:s10+$0xFFFFFFF0] =	vst v15  }
0x3ef: {  	v16 =	vld [tilespmem:s13+$0x0];
	_ =	sdelay $0x7  }
0x3f0: {  	v16 =	vld.idx.msk [tilespmem:v16+s0+$0x0], $0xffff;
	_ =	sdelay $0x4  }
0x3f1: {  	[tilespmem:s10+$0x0] =	vst v16  }
0x3f2: {  	v17 =	vld [tilespmem:s13+$0x10];
	_ =	sdelay $0x7  }
0x3f3: {  	v17 =	vld.idx.msk [tilespmem:v17+s0+$0x0], $0xffff;
	_ =	sdelay $0x4  }
0x3f4: {  	[tilespmem:s10+$0x10] =	vst v17  }
0x3f5: {  	v18 =	vld [tilespmem:s13+$0x20];
	_ =	sdelay $0x7  }
0x3f6: {  	v18 =	vld.idx.msk [tilespmem:v18+s0+$0x0], $0xffff;
	_ =	sdelay $0x4  }
0x3f7: {  	[tilespmem:s10+$0x20] =	vst v18  }
0x3f8: {  	v19 =	vld [tilespmem:s13+$0x30];
	_ =	sdelay $0x7  }
0x3f9: {  	v19 =	vld.idx.msk [tilespmem:v19+s0+$0x0], $0xffff;
	_ =	sdelay $0x4  }
0x3fa: {  	[tilespmem:s10+$0x30] =	vst v19  }
0x3fb: {  	v20 =	vld [tilespmem:s13+$0x40];
	_ =	sdelay $0x7  }
0x3fc: {  	v20 =	vld.idx.msk [tilespmem:v20+s0+$0x0], $0xffff;
	_ =	sdelay $0x4  }
0x3fd: {  	[tilespmem:s10+$0x40] =	vst v20  }
0x3fe: {  	v21 =	vld [tilespmem:s13+$0x50];
	_ =	sdelay $0x7  }
0x3ff: {  	v21 =	vld.idx.msk [tilespmem:v21+s0+$0x0], $0xffff;
	_ =	sdelay $0x4  }
0x400: {  	[tilespmem:s10+$0x50] =	vst v21  }
0x401: {  	v22 =	vld [tilespmem:s13+$0x60];
	_ =	sdelay $0x7  }
0x402: {  	v22 =	vld.idx.msk [tilespmem:v22+s0+$0x0], $0xffff;
	_ =	sdelay $0x4  }
0x403: {  	v8 =	vmax.f32 v8, v9;
	[tilespmem:s10+$0x60] =	vst v22  }
0x404: {  	v8 =	vmax.f32 v8, v10;
	v62 =	vld [tilespmem:s13+$0x70]  }
0x405: {  	v8 =	vmax.f32 v8, v11  }
0x406: {  	v8 =	vmax.f32 v8, v12  }
0x407: {  	v8 =	vmax.f32 v8, v13  }
0x408: {  	v8 =	vmax.f32 v8, v14  }
0x409: {  	v8 =	vmax.f32 v8, v15  }
0x40a: {  	v8 =	vmax.f32 v8, v16  }
0x40b: {  	v8 =	vmax.f32 v8, v17  }
0x40c: {  	v8 =	vmax.f32 v8, v18;
	v9 =	vld.idx.msk [tilespmem:v62+s0+$0x0], $0xffff  }
0x40d: {  	v8 =	vmax.f32 v8, v19  }
0x40e: {  	v8 =	vmax.f32 v8, v20  }
0x40f: {  	v8 =	vmax.f32 v8, v21  }
0x410: {  	v8 =	vmax.f32 v8, v22  }
0x411: {  	v8 =	vmax.f32 v8, v9  }
0x412: {  	(xrf0) =	vmax.scan.msk.f32 $0xffff, v8;
	_ =	sdelay $0x3  }
0x413: {  	p1 =	sne.s32 s8, $0x7F;
	v8 =	vmov s8  }
.Ltmp18:
0x414: {  	_ = 	snop;
	(pc) =	sbr.rel @p1 .LBB2_25-.Ltmp18, $4  }
0x415: {  	v63, _, _ =	vpop (xrf0)  }
0x416: {  	v10 =	vbroadcast v63, $0xF  }
0x417: {  	[tilespmem:s10+$0x70] =	vst v9  }
0x418: {  	s13 =	sadd.s32 $0x100, s13;
	s10 =	sadd.s32 $0x100, s10;
	s8 =	sadd.s32 $0x1, s8;
	[tilespmem:v8+s9+$0x0] =	vst.idx.msk $0x1, v10  }
0x419: {  	s1 =	sadd.s32 $0x1, s1  }
0x41a: {  	s6 =	sor.u32 s2, s6;
	p1 =	sne.s32 s1, $0x10  }
.Ltmp19:
0x41b: {  	s31 =	sor.u32 s2, s7;
	s6 =	sshrl.u32 s6, $0x3;
	(pc) =	sbr.rel @p1 .LBB2_22-.Ltmp19, $4  }
0x41c: {  	s2 =	sshrl.u32 s31, $0x3;
	s6 =	sadd.s32 s5, s6  }
0x41d: {  	[hbm4b:s6+s20] =	stream.strided.scatter [tilespmem:s25], [sflag:$0x4], $0x8000, s21, s20, $0x200038;
	[tilespmem:$0x1F200] =	vst v63  }
0x41e: {  	s2 =	sadd.s32 s16, s2  }
0x41f: {  	[hbm4b:s2+s3] =	stream.linear.scatter [tilespmem:s9], [sflag:$0x4], $0x80, $0x200038;
	[tilespmem:$0x1F200] =	vst v63  }
0x420: {  	_ =	strace $0x90000049;
	s1 =	simm.s32 $0x3  }
0x421: {  	_ =	swait.ge [sflag:s1], $0x8000  }
0x422: {  	[sflag:s1] =	ssyncset.done $0x0  }
0x423: {  	[sflag:s1] =	ssyncadd.s32 $0xFFFF8000  }
0x424: {  	_ =	swait.ge [sflag:s1], $0x80  }
0x425: {  	[sflag:s1] =	ssyncset.done $0x0  }
0x426: {  	[sflag:s1] =	ssyncadd.s32 $0xFFFFFF80  }
0x427: {  	_ =	swait.ge [sflag:s11], $0x8000  }
0x428: {  	[sflag:s11] =	ssyncset.done $0x0  }
0x429: {  	[sflag:s11] =	ssyncadd.s32 $0xFFFF8000  }
0x42a: {  	_ =	swait.ge [sflag:s11], $0x80  }
0x42b: {  	s2 =	rddreg [dreg:$0x13]  }
0x42c: {  	s31 =	rddreg [dreg:$0x12];
	s2 =	sadd.s32 $0x1, s2  }
0x42d: {  	p1 =	sne.s32 s2, s31  }
.Ltmp20:
0x42e: {  	_ = 	snop;
	(pc) =	sbr.rel @p1 .LBB2_1-.Ltmp20, $3  }
0x42f: {  	_ =	sdelay $0x1  }
0x430: {  	[sflag:s11] =	ssyncset.done $0x0  }
0x431: {  	[sflag:s11] =	ssyncadd.s32 $0xFFFFFF80  }
0x432: {  	_ =	sfence.sel $0x180000  }
0x433: {  	[bflag:$0x0] =	sbarrier.arrive $0xFFFF  }
0x434: {  	_ =	strace $0x90000047  }
0x435: {  	s0 =	stileid.u32;
	[bflag:$0x2] =	sbarrier.arrive $0xFFFF  }
0x436: {  	p0 =	sne.s32 s0, $0x0;
	s0 =	rddreg [dreg:$0x5]  }
0x437: {  	s0 =	sadd.s32 @!p0 $0x100000, s0  }
0x438: {  	[sflag:s0] =	ssyncadd.tile.s32 @!p0 $0x1;
	_ =	shalt  }
.Lfunc_end2:
_tile_overlayer_lowered:
.L_overlay_start_2:
0x439: {  	(tag) =	ssettag $0x2  }
0x43a: {  	s0 =	rddreg [dreg:$0x0];
	s2 =	stileid.u32  }
0x43b: {  	s1 =	rddreg [dreg:$0x1];
	p0 =	sne.s32 s2, $0x0  }
0x43c: {  	s3 =	rddreg [dreg:$0x2];
	[bflag:$0x3] =	sbarrier.arrive $0xFFFF;
	s2 =	simm.s32 @!p0 $0x1C05  }
0x43d: {  	[timem:s3], [sflag:s2] =	dma.local @!p0 [hbm:s0], s1  }
0x43e: {  	s0 =	simm.s32 @!p0 $0x5  }
0x43f: {  	_ =	swait.ge @!p0 [sflag:s0], s1  }
0x440: {  	s1 =	ssub.s32 @!p0 $0x0, s1;
	[sflag:s0] =	ssyncset.done @!p0 $0x0  }
0x441: {  	[sflag:s0] =	ssyncadd.s32 @!p0 s1  }
0x442: {  	[bflag:$0x3] =	sbarrier.arrive $0xFFFF  }
0x443: {  	_ =	shalt  }

// kernel: sparse-core-data-format-call.cloned.1.call-start
scs
called_computation_lowered:
.L_overlay_start_0:
0x0: {  	s2 =	sld [smem:$0x3FD9]  }
0x1: {  	s3 =	sld [smem:$0x3FFE];
	_ =	sdelay $0x1  }
0x2: {  	s1 =	srdreg.scid  }
0x3: {  	s0 =	sand.u32 $0x1, s1  }
0x4: {  	s15 =	sshll.u32 s0, $0xA;
	s2 =	sadd.s32 s3, s2  }
0x5: {  	s2 =	sadd.s32 s2, s15  }
0x6: {  	[smem:$0x3FC5] =	sst s2  }
0x7: {  	_ = 	snop  }
0x8: {  	s2 =	sld [smem:$0x3FD0];
	_ =	sdelay $0x2  }
0x9: {  	s16 =	simm.s32 $0xA;
	s4 =	simm.s32 $0x10  }
0xa: {  	[smem:s4], [sflag:s16] =	dma.local [hbm:s2], $0x1  }
0xb: {  	_ =	swait.eq [sflag:s16], $0x1  }
0xc: {  	[sflag:s16] =	ssyncset.done $0x0  }
0xd: {  	[sflag:s16] =	ssyncadd.s32 $0xFFFFFFFF  }
0xe: {  	s17 =	sld [smem:$0x10];
	(tm) =	ssettm $0x1  }
0xf: {  	s18 =	sld [smem:$0x3FFB];
	_ =	sdelay $0x3  }
0x10: {  	_ =	strace s18  }
0x11: {  	s3 =	sld [smem:$0x3FFC];
	_ =	sdelay $0x3  }
0x12: {  	_ =	strace s3  }
0x13: {  	s3 =	sld [smem:$0x3FFD];
	_ =	sdelay $0x3  }
0x14: {  	_ =	strace s3  }
0x15: {  	_ =	strace $0x8FFFFFFF  }
0x16: {  	s19 =	sld [smem:$0x3FDB];
	_ =	sdelay $0x1  }
0x17: {  	s20 =	simm.s32 $_scs_section_size  }
0x18: {  	s5 =	simm.s32 $_size__tile_overlayer_lowered;
	s6 =	simm.s32 $_tile_overlayer_lowered  }
0x19: {  	s23 =	simm.s32 $0x1BFF;
	s22 =	sshll.u32 s6, $0x1;
	s3 =	sadd.s32 s20, s19  }
0x1a: {  	s7 =	simm.s32 $0x0;
	s21 =	sshll.u32 s5, $0x1;
	s5 =	sadd.s32 s22, s3  }
0x1b: {  	[timem:s7], [sflag:s23] =	dma.local [hbm:s5], s21  }
0x1c: {  	_ =	swait.ge [sflag:s23], s21  }
0x1d: {  	s4 =	ssub.s32 $0x0, s21;
	[sflag:s23] =	ssyncset.done $0x0  }
0x1e: {  	[sflag:s23] =	ssyncadd.s32 s4;
	_ =	sdelay $0x1  }
0x1f: {  	s24 =	simm.s32 $0x1B8B  }
0x20: {  	_ =	swait.ge [sflag:s24], $0x1  }
0x21: {  	[sflag:s24] =	ssyncset.done $0x0  }
0x22: {  	s26 =	simm.s32 $0x1B8E;
	s25 =	sld [smem:$0x3FFE];
	[sflag:s24] =	ssyncadd.s32 $0xFFFFFFFF  }
0x23: {  	s27 =	simm.s32 $execute0_lowered;
	[smem:$0x3FD2] =	sst s26  }
0x24: {  	s5 =	sshll.u32 s27, $0x1;
	_ =	strace $0x8000004B;
	[dreg:$0x1] =	wrdreg $0xFFFFFFFF  }
0x25: {  	s28 =	simm.s32 $_size_execute0_lowered;
	s3 =	sadd.s32 s3, s5;
	[dreg:$0x0] =	wrdreg $0x0  }
0x26: {  	s5 =	sshll.u32 s28, $0x1;
	[dreg:$0x2] =	wrdreg s3  }
0x27: {  	[dreg:$0x3] =	wrdreg s5  }
0x28: {  	[dreg:$0x4] =	wrdreg $0xC0  }
0x29: {  	_ =	task [dreg:s7], $0x5FFFF  }
0x2a: {  	[dreg:$0x1] =	wrdreg $0xFFFFFFFF  }
0x2b: {  	[dreg:$0x0] =	wrdreg $0x60  }
0x2c: {  	[dreg:$0x2] =	wrdreg s25  }
0x2d: {  	[dreg:$0x3] =	wrdreg s17  }
0x2e: {  	[dreg:$0x4] =	wrdreg $0x9  }
0x2f: {  	_ =	task.clear_ibuf [dreg:s7], $0x5FFFF;
	_ =	strace $0x9000004B  }
0x30: {  	s29 =	simm.s32 $0x9;
	_ =	strace $0x8000004D  }
0x31: {  	_ =	swait.ge [sflag:s29], $0x1  }
0x32: {  	[sflag:s29] =	ssyncadd.s32 $0xFFFFFFFF  }
0x33: {  	_ =	strace $0x9000004D  }
0x34: {  	_ =	sfence  }
0x35: {  	s30 =	sld [smem:$0x0];
	_ =	sdelay $0x2  }
0x36: {  	s31 =	sshll.u32 s1, $0xD;
	s1 =	sshrl.u32 s1, $0x2  }
0x37: {  	s3 =	sand.u32 $0x4000, s31;
	s1 =	sadd.s32 s1, s30  }
0x38: {  	s0 =	sor.u32 s3, s0;
	s1 =	sshll.u32 s1, $0x11  }
0x39: {  	s0 =	sor.u32 s1, s0  }
0x3a: {  	s0 =	sadd.s32 $0x8F2B, s0  }
0x3b: {  	[sflag:s0] =	ssyncadd.remote.s32 $0x1  }
0x3c: {  	_ =	sfence.sel $0xFFFF  }
0x3d: {  	[dreg:$0x0] =	wrdreg $0xFFFFFFFF;
	(pc) =	sbr.abs _section_cstart, $3  }
0x3e: {  	[dreg:$0x1] =	wrdreg $0xFFFFFFFF  }
0x3f: {  	_ =	task.clear_ibuf [dreg:s7], $0x2FFFF;
	_ =	strace $0x9FFFFFFF  }
0x40: {  	(tm) =	ssettm $0x7FFFFFFF  }
0x41: {  	_ =	shalt  }
tec
execute0_lowered:
.L_overlay_start_1:
0x0: {  	(tag) =	ssettag $0x1  }
0x1: {  	s1 =	rddreg [dreg:$0x0]  }
0x2: {  	s2 =	rddreg [dreg:$0x1]  }
0x3: {  	s0 =	rddreg [dreg:$0x2]  }
0x4: {  	_ =	strace $0x8000004C;
	s4 =	srdreg.scid;
	s6 =	simm.s32 $0x2  }
0x5: {  	s12 =	simm.s32 $0x0;
	p0 =	por $0x0, $0x0;
	s13 =	simm.s32 $0x0  }
0x6: {  	s15 =	simm.s32 $0x0;
	s14 =	simm.s32 $0x0;
	s8 =	simm.s32 $0x0  }
.Ltmp0:
0x7: {  	s9 =	simm.s32 $0x0;
	s10 =	simm.s32 $0x0;
	(pc) =	sbr.rel .LBB1_1-.Ltmp0, $4  }
0x8: {  	s7 =	simm.s32 $0x0;
	s3 =	sadd.s32 $0xC1C00, s1;
	s5 =	sshll.u32 s4, $0x4  }
0x9: {  	s1 =	stileid.u32;
	s4 =	simm.s32 $0x1;
	s5 =	sand.u32 $0x10, s5  }
0xa: {  	s21 =	simm.s32 $0x0;
	[sflag:s4] =	ssyncpa.u1 $0x0;
	s5 =	sor.u32 s1, s5  }
0xb: {  	[sflag:s6] =	ssyncpa.u1 $0x0;
	s6 =	simm.s32 $0x8000;
	s11 =	smov.u32 s5  }
.LBB1_7:
0xc: {  	s16 =	sadd.s32 $0x100, s8  }
0xd: {  	s12 =	sadd.s32 $0x8, s9;
	s17 =	smov.u32 s9;
	p2 =	sgt.s32 s16, $0x7FF  }
0xe: {  	s17 =	smov.u32 @p2 s12  }
0xf: {  	s18 =	smov.u32 s10;
	s12 =	sadd.s32 $0x8, s10;
	p3 =	sgt.s32 s17, $0x7  }
0x10: {  	s18 =	smov.u32 @p3 s12  }
0x11: {  	s19 =	smov.u32 s11;
	s12 =	sadd.s32 $0x20, s11;
	p4 =	sgt.s32 s18, $0xF  }
0x12: {  	p1 =	slt.u32 s7, $0x2;
	s19 =	smov.u32 @p4 s12  }
0x13: {  	s7 =	sadd.s32 $0x1, s7;
	s16 =	simm.s32 @p2 $0x0;
	p2 =	sgt.s32 s19, $0x7F  }
0x14: {  	s20 =	simm.s32 @!p1 $0x2;
	s19 =	smov.u32 @p2 s5;
	p2 =	sne.s32 s7, $0x42  }
.Ltmp1:
0x15: {  	s13 =	smov.u32 s9;
	_ =	swait.ge @!p1 [sflag:s20], $0x4000;
	(pc) =	sbr.rel @!p2 .LBB1_8-.Ltmp1, $4  }
0x16: {  	s15 =	smov.u32 s10;
	s14 =	smov.u32 s11;
	[sflag:s20] =	ssyncset.done @!p1 $0x0  }
0x17: {  	p0 =	por !p0, !p0;
	s17 =	simm.s32 @p3 $0x0;
	[sflag:s20] =	ssyncadd.s32 @!p1 $0xFFFFC000  }
0x18: {  	s9 =	smov.u32 s17;
	s18 =	simm.s32 @p4 $0x0;
	s12 =	smov.u32 s8  }
0x19: {  	s8 =	smov.u32 s16;
	s10 =	smov.u32 s18;
	s11 =	smov.u32 s19  }
.LBB1_1:
0x1a: {  	p1 =	sgt.u32 s7, $0x3F  }
0x1b: {  	s16 =	sxor.u32 @!p1 $0xFFFFFFFF, s7  }
0x1c: {  	s17 =	sshll.u32 @!p1 s9, $0x7;
	s18 =	sand.u32 @!p1 $0x78, s8;
	s19 =	sshll.u32 @!p1 s8, $0x3  }
0x1d: {  	s20 =	sand.u32 @!p1 $0x700, s8;
	s16 =	sshll.u32 @!p1 s16, $0xE;
	s17 =	sand.u32 @!p1 $0x380, s17  }
0x1e: {  	s19 =	sand.u32 @!p1 $0x400, s19;
	s17 =	sor.u32 @!p1 s17, s18;
	s18 =	sshll.u32 @!p1 s11, $0xF  }
0x1f: {  	s17 =	sor.u32 @!p1 s19, s17;
	s19 =	sshll.u32 @!p1 s10, $0xB;
	s18 =	sadd.s32 @!p1 s3, s18  }
0x20: {  	s16 =	sand.u32 @!p1 $0x4000, s16;
	s18 =	sadd.s32 @!p1 s19, s18;
	s19 =	sand.u32 @!p1 $0x7, s8  }
0x21: {  	s17 =	sshrl.u32 @!p1 s17, $0x3;
	s18 =	sadd.s32 @!p1 s20, s18;
	s19 =	sshll.u32 @!p1 s19, $0x12  }
0x22: {  	s17 =	sadd.s32 @!p1 s17, s18;
	s18 =	sor.u32 @!p1 $0x800, s19;
	s19 =	simm.s32 @!p1 $0x4000  }
0x23: {  	[tilespmem:s16], [sflag:$0x1] =	stream.strided.gather @!p1 [hbm4b:s17+s18], $0x4000, s19, s18, $0x38;
	[tilespmem:$0x10000] =	vst v63  }
0x24: {  	p1 =	seq.s32 s7, $0x0  }
0x25: {  	p2 =	seq.s32 @!p1 s7, $0x41  }
0x26: {  	p1 =	por p1, p2  }
.Ltmp2:
0x27: {  	_ = 	snop;
	(pc) =	sbr.rel @p1 .LBB1_7-.Ltmp2, $1  }
0x28: {  	_ =	sdelay $0x3  }
0x29: {  	s16 =	simm.s32 $0x1  }
0x2a: {  	_ =	swait.ge [sflag:s4], $0x4000;
	s31 =	sshll.u32 s7, $0xE;
	p1 =	por $0x0, $0x0  }
0x2b: {  	s22 =	simm.s32 $0x0;
	s23 =	simm.s32 $0x0;
	s16 =	simm.s32 @!p0 $0x0  }
0x2c: {  	[sflag:s4] =	ssyncset.done $0x0;
	s19 =	sand.u32 $0x4000, s31;
	s16 =	sshll.u32 s16, $0x10  }
0x2d: {  	[sflag:s4] =	ssyncadd.s32 $0xFFFFC000;
	s20 =	sshrl.u32 s16, $0x2;
	s16 =	sor.u32 $0x8000, s19  }
0x2e: {  	s17 =	sor.u32 $0x40, s20;
	s18 =	sor.u32 $0x8410, s20;
	s20 =	sadd.s32 $0x8400, s20  }
.LBB1_3:
0x2f: {  	v1 =	vld [tilespmem:s17+$0xFFFFFFD0]  }
0x30: {  	v2 =	vld [tilespmem:s17+$0x430]  }
0x31: {  	s24 =	sshll.u32 s23, $0xB;
	v4 =	vld [tilespmem:s17+$0xFFFFFFE0]  }
0x32: {  	v7 =	vld [tilespmem:s17+$0xFFFFFFF0];
	v0 =	vmov s24  }
0x33: {  	v8 =	vld [tilespmem:s17+$0x0]  }
0x34: {  	s30 =	sand.u32 $0x300, s21;
	v9 =	vld [tilespmem:s17+$0x10]  }
0x35: {  	s25 =	sand.u32 $0x80, s21;
	v10 =	vld [tilespmem:s17+$0x20];
	s24 =	sadd.s32 s30, s19  }
0x36: {  	v11 =	vld [tilespmem:s17+$0x30];
	s24 =	sadd.s32 s25, s24;
	s25 =	simm.s32 $0x1;
	[tilespmem:s18+$0x60] =	vst v2  }
0x37: {  	s31 =	sshll.u32 s22, $0x2;
	s25 =	simm.s32 @!p1 $0x0;
	[tilespmem:s18+$0xFFFFFC00] =	vst v1;
	v3 =	vld.idx.msk [tilespmem:v0+s24+$0x400 ss:$0x1], $0xffff  }
0x38: {  	v6 =	vld [tilespmem:s17+$0x3D0];
	s25 =	sshll.u32 s25, $0x9;
	[tilespmem:s18+$0xFFFFFC10] =	vst v4;
	s24 =	sand.u32 $0xFFFFFC00, s31  }
0x39: {  	v5 =	vld [tilespmem:s17+$0x3E0];
	[tilespmem:s18+$0xFFFFFC20] =	vst v7;
	s24 =	sor.u32 s25, s24  }
0x3a: {  	[tilespmem:s18+$0xFFFFFC30] =	vst v8;
	v4 =	vld [tilespmem:s17+$0x400];
	s24 =	sshrl.u32 s24, $0x2  }
0x3b: {  	[tilespmem:s18+$0xFFFFFC40] =	vst v9;
	v1 =	vld [tilespmem:s17+$0x410];
	s24 =	sadd.s32 s24, s20  }
0x3c: {  	[tilespmem:s24+$0x0] =	vst v3;
	v3 =	vld [tilespmem:s17+$0x3F0]  }
0x3d: {  	s28 =	simm.s32 $0x80;
	s27 =	simm.s32 $0x100;
	[tilespmem:s18+$0xFFFFFC50] =	vst v10;
	v2 =	vld [tilespmem:s17+$0x420]  }
0x3e: {  	s26 =	smov.u32 s18;
	s29 =	sand.u32 $0x300, s28;
	v7 =	vld [tilespmem:s17+$0xFFFFFFC0];
	[tilespmem:s18+$0xFFFFFC60] =	vst v11;
	s25 =	sadd.s32 $0x80, s17  }
.LBB1_4:
0x3f: {  	p2 =	sne.s32 s27, $0x380;
	v8 =	vld [tilespmem:s25+$0xFFFFFFD0];
	s28 =	sand.u32 $0x80, s28;
	s29 =	sadd.s32 s29, s19;
	[tilespmem:s26+$0x0] =	vst v6  }
0x40: {  	s29 =	sadd.s32 s28, s29;
	v6 =	vld [tilespmem:s25+$0x430];
	[tilespmem:s26+$0x10] =	vst v5;
	s28 =	smov.u32 s27  }
0x41: {  	v5 =	vld.idx.msk [tilespmem:v0+s29+$0x400 ss:$0x1], $0xffff;
	[tilespmem:s26+$0x20] =	vst v3  }
0x42: {  	v3 =	vld [tilespmem:s25+$0xFFFFFFE0];
	[tilespmem:s26+$0x30] =	vst v4  }
0x43: {  	v4 =	vld [tilespmem:s25+$0xFFFFFFF0];
	[tilespmem:s26+$0xFFFFFBF0] =	vst v7  }
0x44: {  	v7 =	vld [tilespmem:s25+$0x0];
	[tilespmem:s26+$0x40] =	vst v1  }
0x45: {  	v1 =	vld [tilespmem:s25+$0x10];
	[tilespmem:s26+$0x50] =	vst v2;
	s26 =	sadd.s32 $0x800, s26  }
0x46: {  	s24 =	sadd.s32 $0x800, s24;
	v2 =	vld [tilespmem:s25+$0x20];
	[tilespmem:s26+$0x60] =	vst v6  }
0x47: {  	v9 =	vld [tilespmem:s25+$0x30];
	[tilespmem:s24+$0x0] =	vst v5  }
0x48: {  	[tilespmem:s26+$0xFFFFFC00] =	vst v8;
	v6 =	vld [tilespmem:s25+$0x3D0]  }
0x49: {  	[tilespmem:s26+$0xFFFFFC10] =	vst v3;
	v5 =	vld [tilespmem:s25+$0x3E0]  }
.Ltmp3:
0x4a: {  	[tilespmem:s26+$0xFFFFFC20] =	vst v4;
	v3 =	vld [tilespmem:s25+$0x3F0];
	(pc) =	sbr.rel @p2 .LBB1_4-.Ltmp3, $4  }
0x4b: {  	[tilespmem:s26+$0xFFFFFC30] =	vst v7;
	v4 =	vld [tilespmem:s25+$0x400]  }
0x4c: {  	[tilespmem:s26+$0xFFFFFC40] =	vst v1;
	v1 =	vld [tilespmem:s25+$0x410]  }
0x4d: {  	[tilespmem:s26+$0xFFFFFC50] =	vst v2;
	v2 =	vld [tilespmem:s25+$0x420]  }
0x4e: {  	s27 =	sadd.s32 $0x80, s27;
	s29 =	sand.u32 $0x300, s28;
	v7 =	vld [tilespmem:s25+$0xFFFFFFC0];
	[tilespmem:s26+$0xFFFFFC60] =	vst v9;
	s25 =	sadd.s32 $0x80, s25  }
0x4f: {  	[tilespmem:s26+$0x0] =	vst v6  }
0x50: {  	[tilespmem:s26+$0x10] =	vst v5  }
0x51: {  	v49 =	vld [tilespmem:s25+$0x430];
	[tilespmem:s26+$0x20] =	vst v3  }
0x52: {  	v50 =	vld [tilespmem:s25+$0xFFFFFFD0];
	[tilespmem:s26+$0x30] =	vst v4  }
0x53: {  	v51 =	vld [tilespmem:s25+$0xFFFFFFE0];
	[tilespmem:s26+$0x40] =	vst v1  }
0x54: {  	v52 =	vld [tilespmem:s25+$0xFFFFFFF0];
	[tilespmem:s26+$0x50] =	vst v2  }
0x55: {  	s31 =	sadd.s32 $0x800, s26;
	v53 =	vld [tilespmem:s25+$0x0];
	[tilespmem:s26+$0xFFFFFBF0] =	vst v7  }
0x56: {  	v54 =	vld [tilespmem:s25+$0x10];
	[tilespmem:s31+$0x60] =	vst v49  }
0x57: {  	v55 =	vld [tilespmem:s25+$0x20];
	[tilespmem:s31+$0xFFFFFC00] =	vst v50  }
0x58: {  	v56 =	vld [tilespmem:s25+$0x30];
	[tilespmem:s31+$0xFFFFFC10] =	vst v51  }
0x59: {  	v57 =	vld [tilespmem:s25+$0x3D0];
	[tilespmem:s31+$0xFFFFFC20] =	vst v52  }
0x5a: {  	v58 =	vld [tilespmem:s25+$0x3E0];
	[tilespmem:s31+$0xFFFFFC30] =	vst v53  }
0x5b: {  	v59 =	vld [tilespmem:s25+$0x3F0];
	[tilespmem:s31+$0xFFFFFC40] =	vst v54  }
0x5c: {  	v60 =	vld [tilespmem:s25+$0x400];
	[tilespmem:s31+$0xFFFFFC50] =	vst v55  }
0x5d: {  	v61 =	vld [tilespmem:s25+$0xFFFFFFC0];
	[tilespmem:s31+$0xFFFFFC60] =	vst v56  }
0x5e: {  	s27 =	sand.u32 $0x80, s28;
	s30 =	sadd.s32 s29, s19;
	v62 =	vld [tilespmem:s25+$0x410];
	[tilespmem:s31+$0x0] =	vst v57  }
0x5f: {  	v63 =	vld [tilespmem:s25+$0x420];
	s23 =	sadd.s32 $0x1, s23;
	s27 =	sadd.s32 s27, s30;
	[tilespmem:s31+$0x10] =	vst v58  }
0x60: {  	p2 =	sne.s32 s23, $0x8;
	v0 =	vld.idx.msk [tilespmem:v0+s27+$0x400 ss:$0x1], $0xffff;
	[tilespmem:s31+$0x20] =	vst v59  }
.Ltmp4:
0x61: {  	[tilespmem:s31+$0x30] =	vst v60;
	(pc) =	sbr.rel @p2 .LBB1_3-.Ltmp4, $4  }
0x62: {  	[tilespmem:s31+$0xFFFFFBF0] =	vst v61  }
0x63: {  	[tilespmem:s31+$0x40] =	vst v62  }
0x64: {  	s24 =	sadd.s32 $0x800, s24;
	s17 =	sadd.s32 $0x800, s17;
	[tilespmem:s31+$0x50] =	vst v63  }
0x65: {  	s22 =	sadd.s32 $0x80, s22;
	p1 =	por !p1, !p1;
	s18 =	sadd.s32 $0x80, s18;
	[tilespmem:s24+$0x0] =	vst v0  }
0x66: {  	s17 =	sand.u32 $0x78, s12;
	s18 =	sshll.u32 s15, $0x7;
	s28 =	sshll.u32 s15, $0xB  }
0x67: {  	s19 =	sshll.u32 s12, $0x3;
	s14 =	sshll.u32 s14, $0xF;
	s13 =	sshll.u32 s13, $0xC  }
0x68: {  	s30 =	sand.u32 $0x7, s12;
	s18 =	sand.u32 $0x380, s18;
	s15 =	sand.u32 $0x4000, s28  }
0x69: {  	s29 =	sand.u32 $0x400, s19;
	s14 =	sadd.s32 s2, s14;
	s15 =	sadd.s32 s15, s19  }
.Ltmp5:
0x6a: {  	s17 =	sor.u32 s18, s17;
	s15 =	sshrl.u32 s15, $0x3;
	(pc) =	sbr.rel .LBB1_7-.Ltmp5, $4  }
0x6b: {  	s13 =	sadd.s32 s13, s14;
	s17 =	sor.u32 s29, s17;
	s15 =	sand.u32 $0xF00, s15  }
0x6c: {  	s12 =	sshll.u32 s30, $0x12;
	s31 =	sshrl.u32 s17, $0x3;
	s13 =	sadd.s32 s15, s13  }
0x6d: {  	s12 =	sor.u32 $0x800, s12;
	s13 =	sadd.s32 s31, s13  }
0x6e: {  	[hbm4b:s13+s12] =	stream.strided.scatter [tilespmem:s16], [sflag:$0x2], $0x4000, s6, s12, $0x38;
	[tilespmem:$0x10000] =	vst v63  }
.LBB1_8:
0x6f: {  	_ =	sfence.sel $0x180000  }
0x70: {  	s2 =	simm.s32 $0x1;
	[bflag:$0x0] =	sbarrier.arrive $0xFFFF  }
0x71: {  	s31 =	simm.s32 $0x2;
	[sflag:s2] =	ssyncpa.u1 $0x1  }
0x72: {  	[sflag:s31] =	ssyncpa.u1 $0x1  }
0x73: {  	p0 =	sne.s32 s1, $0x0;
	_ =	strace $0x9000004C  }
0x74: {  	s0 =	sadd.s32 @!p0 $0x100000, s0;
	[bflag:$0x2] =	sbarrier.arrive $0xFFFF  }
0x75: {  	[sflag:s0] =	ssyncadd.tile.s32 @!p0 $0x1;
	_ =	shalt  }
.Lfunc_end1:
_tile_overlayer_lowered:
.L_overlay_start_2:
0x76: {  	(tag) =	ssettag $0x2  }
0x77: {  	s0 =	rddreg [dreg:$0x0];
	s2 =	stileid.u32  }
0x78: {  	s1 =	rddreg [dreg:$0x1];
	p0 =	sne.s32 s2, $0x0  }
0x79: {  	s3 =	rddreg [dreg:$0x2];
	[bflag:$0x3] =	sbarrier.arrive $0xFFFF;
	s2 =	simm.s32 @!p0 $0x1C01  }
0x7a: {  	[timem:s3], [sflag:s2] =	dma.local @!p0 [hbm:s0], s1  }
0x7b: {  	s0 =	simm.s32 @!p0 $0x1  }
0x7c: {  	_ =	swait.ge @!p0 [sflag:s0], s1  }
0x7d: {  	s1 =	ssub.s32 @!p0 $0x0, s1;
	[sflag:s0] =	ssyncset.done @!p0 $0x0  }
0x7e: {  	[sflag:s0] =	ssyncadd.s32 @!p0 s1  }
0x7f: {  	[bflag:$0x3] =	sbarrier.arrive $0xFFFF  }
0x80: {  	_ =	shalt  }

</sc_bundles>
